<compile_context>
chip_gen: v7x
topology: tpu7x:2x2x1
jax: 0.10.2.dev20260603
libtpu: 0.0.44.dev20260713+nightly
codegen_flags: <defaults>
</compile_context>

<pallas_src>
import functools

import jax
import jax.numpy as jnp
from jax import lax
from jax.experimental import pallas as pl
from jax.experimental.pallas import tpu as pltpu
from jax.experimental.pallas import tpu_sc as plsc

N = 10000
E = 320000
D = 128
L = 16
NSUB = 16
NPAD = 10240
RNG = NPAD // NSUB
RB = RNG // L
EC = E // NSUB


def _matvec_body(x_ref, w_ref, o_ref):
    o_ref[:N] = jnp.dot(x_ref[...], w_ref[...],
                        preferred_element_type=jnp.float32)
    o_ref[N:] = jnp.zeros((NPAD - N, 1), jnp.float32)


def _rsqrt16(x):
    i = plsc.bitcast(x, jnp.int32)
    i = jnp.int32(0x5F3759DF) - lax.shift_right_arithmetic(i, 1)
    r = plsc.bitcast(i, jnp.float32)
    for _ in range(3):
        r = r * (1.5 - 0.5 * x * r * r)
    return r


def _sc_body(edges_ref, y_ref, b_ref, out_ref,
             src_v, dst_v, u_full, acc, red, yr, ur, disr, zr, b_v,
             part_sh, stage_sh):
    tid = lax.axis_index("s")
    base = tid * RNG
    ebase = tid * EC

    zeros16 = jnp.zeros((L,), jnp.float32)
    ones16 = jnp.ones((L,), jnp.float32)

    pltpu.sync_copy(edges_ref.at[pl.ds(ebase, EC)], src_v)
    pltpu.sync_copy(edges_ref.at[pl.ds(E + ebase, EC)], dst_v)
    pltpu.sync_copy(y_ref.at[pl.ds(base, RNG)], yr)
    pltpu.sync_copy(b_ref, b_v)

    def zero_acc():
        @plsc.parallel_loop(0, NPAD, L, unroll=8)
        def _zb(i):
            acc[pl.ds(i, L)] = zeros16

    def publish_and_reduce():
        pltpu.sync_copy(acc, part_sh.at[tid])
        plsc.subcore_barrier()
        for k in range(NSUB):
            pltpu.sync_copy(part_sh.at[k, pl.ds(base, RNG)],
                            red.at[pl.ds(k * RNG, RNG)])

    def sum16(j):
        tot = red[pl.ds(j * L, L)]
        for k in range(1, NSUB):
            tot = tot + red[pl.ds(k * RNG + j * L, L)]
        return tot

    zero_acc()

    @plsc.parallel_loop(0, EC, L, unroll=8)
    def _deg_body(i):
        d16 = dst_v[pl.ds(i, L)]
        plsc.addupdate_scatter(acc, [d16], ones16)

    publish_and_reduce()

    @plsc.parallel_loop(0, RB, 1, unroll=4)
    def _deg_fin(j):
        sl = pl.ds(j * L, L)
        deg = sum16(j) + 1.0
        dis = _rsqrt16(deg)
        disr[sl] = dis
        ur[sl] = dis * yr[sl]

    def run_hop_loop():
        @plsc.parallel_loop(0, EC, L, unroll=8)
        def _hop_body(i):
            s16 = src_v[pl.ds(i, L)]
            d16 = dst_v[pl.ds(i, L)]
            vals = plsc.load_gather(u_full, [s16])
            plsc.addupdate_scatter(acc, [d16], vals)

    for hop in range(2):
        pltpu.sync_copy(ur, stage_sh.at[pl.ds(base, RNG)])
        plsc.subcore_barrier()
        pltpu.sync_copy(stage_sh, u_full)

        zero_acc()
        run_hop_loop()
        publish_and_reduce()

        bias = (jnp.zeros((L,), jnp.float32) if hop == 0
                else plsc.load_gather(b_v, [jnp.zeros((L,), jnp.int32)]))

        @plsc.parallel_loop(0, RB, 1, unroll=4)
        def _hop_fin(j):
            sl = pl.ds(j * L, L)
            z = disr[sl] * (sum16(j) + ur[sl])
            zr[sl] = z + bias
            ur[sl] = disr[sl] * z

    last = NSUB - 1

    @pl.when(tid < last)
    def _():
        pltpu.sync_copy(zr, out_ref.at[pl.ds(base, RNG)])

    @pl.when(tid == last)
    def _():
        pltpu.sync_copy(zr.at[pl.ds(0, N - last * RNG)],
                        out_ref.at[pl.ds(last * RNG, N - last * RNG)])


@functools.partial(
    pl.kernel,
    mesh=plsc.VectorSubcoreMesh(core_axis_name="c", subcore_axis_name="s"),
    out_type=jax.ShapeDtypeStruct((N,), jnp.float32),
    compiler_params=pltpu.CompilerParams(needs_layout_passes=False),
    scratch_types=[
        pltpu.VMEM((EC,), jnp.int32),
        pltpu.VMEM((EC,), jnp.int32),
        pltpu.VMEM((NPAD,), jnp.float32),
        pltpu.VMEM((NPAD,), jnp.float32),
        pltpu.VMEM((NSUB * RNG,), jnp.float32),
        pltpu.VMEM((RNG,), jnp.float32),
        pltpu.VMEM((RNG,), jnp.float32),
        pltpu.VMEM((RNG,), jnp.float32),
        pltpu.VMEM((RNG,), jnp.float32),
        pltpu.VMEM((1,), jnp.float32),
        pltpu.VMEM_SHARED((NSUB, NPAD), jnp.float32),
        pltpu.VMEM_SHARED((NPAD,), jnp.float32),
    ],
)
def _sc_propagate(edges_ref, y_ref, b_ref, out_ref, *scratch):
    _sc_body(edges_ref, y_ref, b_ref, out_ref, *scratch)


def kernel(x, edge_index, W, b):
    ypad = pl.pallas_call(
        _matvec_body,
        out_shape=jax.ShapeDtypeStruct((NPAD, 1), jnp.float32),
    )(x, W).reshape(-1)
    return _sc_propagate(edge_index.reshape(-1), ypad, b)

# --- scband reference (transcript-rebuilt; emitter-appended) ---
"""Pipeline reference for scband-sgc-33346126086445 (READ-ONLY COPY).

The authoritative reference and input builder live on the scoring server;
editing this copy changes nothing except your own understanding.
"""

import jax, jax.numpy as jnp
import numpy as np

N = 10000
E = 320000
D = 128
K = 2


def setup_inputs(seed: int = 0) -> dict:
    key = jax.random.key(seed)
    k1, k2, k3, k4 = jax.random.split(key, 4)
    x = jax.random.normal(k1, (N, D), dtype=jnp.float32)
    edge_index = jax.random.randint(k2, (2, E), 0, N, dtype=jnp.int32)
    # SGConv linear layer: in_feats=128 -> out=1, with bias (PyG Linear default)
    W = jax.random.normal(k3, (D, 1), dtype=jnp.float32) * (1.0 / np.sqrt(D))
    b = jnp.zeros((1,), dtype=jnp.float32)
    return {"x": x, "edge_index": edge_index, "W": W, "b": b}


def reference(x, edge_index, W, b):
    # PyG SGConv: h = (D^-1/2 (A + I) D^-1/2)^K x, then out = h @ W + b
    n = x.shape[0]
    loop = jnp.arange(n, dtype=edge_index.dtype)
    src = jnp.concatenate([edge_index[0], loop])
    dst = jnp.concatenate([edge_index[1], loop])
    ones = jnp.ones(src.shape[0], dtype=x.dtype)
    deg = jax.ops.segment_sum(ones, dst, num_segments=n)
    deg_inv_sqrt = jnp.where(deg > 0, jax.lax.rsqrt(jnp.maximum(deg, 1e-12)), 0.0)
    norm = deg_inv_sqrt[src] * deg_inv_sqrt[dst]
    h = x
    for _ in range(K):
        h = jax.ops.segment_sum(h[src] * norm[:, None], dst, num_segments=n)
    out = h @ W + b
    return out.reshape(-1)

if __name__ == "__main__":
    import jax
    _d = setup_inputs()
    print(jax.jit(kernel)(*tuple(_d.values())))

</pallas_src>

<mosaic_0001>
#map = affine_map<(d0, d1) -> (0)>
module attributes {stable_mosaic.version = 14 : i64} {
  func.func @_sc_propagate(%arg0: i32, %arg1: i32, %arg2: memref<640000xi32, #tpu.memory_space<hbm>>, %arg3: memref<10240xf32, #tpu.memory_space<hbm>>, %arg4: memref<1xf32, #tpu.memory_space<hbm>>, %arg5: memref<10000xf32, #tpu.memory_space<hbm>>, %arg6: memref<20000xi32, #tpu.memory_space<vmem>>, %arg7: memref<20000xi32, #tpu.memory_space<vmem>>, %arg8: memref<10240xf32, #tpu.memory_space<vmem>>, %arg9: memref<10240xf32, #tpu.memory_space<vmem>>, %arg10: memref<10240xf32, #tpu.memory_space<vmem>>, %arg11: memref<640xf32, #tpu.memory_space<vmem>>, %arg12: memref<640xf32, #tpu.memory_space<vmem>>, %arg13: memref<640xf32, #tpu.memory_space<vmem>>, %arg14: memref<640xf32, #tpu.memory_space<vmem>>, %arg15: memref<1xf32, #tpu.memory_space<vmem>>, %arg16: memref<16x10240xf32, #tpu.memory_space<vmem_shared>>, %arg17: memref<10240xf32, #tpu.memory_space<vmem_shared>>) attributes {dimension_semantics = [#tpu.dimension_semantics<core_parallel>, #tpu.dimension_semantics<subcore_parallel>], iteration_bounds = array<i64: 2, 16>, scalar_prefetch = 0 : i64, scratch_operands = 12 : i64, tpu.core_type = #tpu.core_type<sc_vector_subcore>, window_params = [{transform_indices = #map}, {transform_indices = #map}, {transform_indices = #map}, {transform_indices = #map}]} {
    %mul3A = arith.constant 640 : i32
    %mul3A_0 = arith.muli %arg1, %mul3A : i32
    %mul3A_1 = arith.constant 20000 : i32
    %mul3A_2 = arith.muli %arg1, %mul3A_1 : i32
    %broadcast_in_dim3A = arith.constant 0.000000e+00 : f32
    %broadcast_in_dim3A_3 = vector.broadcast %broadcast_in_dim3A : f32 to vector<16xf32>
    %broadcast_in_dim3A_4 = arith.constant 1.000000e+00 : f32
    %broadcast_in_dim3A_5 = vector.broadcast %broadcast_in_dim3A_4 : f32 to vector<16xf32>
    "tpu.region"() ({
      %run_scoped3A_94 = tpu.sem_alloc : memref<!tpu.dma_semaphore, #tpu.memory_space<semaphore_mem>>
      %dma_start3A = tpu.memref_slice %arg2[%mul3A_2] : memref<640000xi32, #tpu.memory_space<hbm>> -> memref<20000xi32, #tpu.memory_space<hbm>>
      %dma_start3A_95 = tpu.memref_slice %arg2[%mul3A_2] : memref<640000xi32, #tpu.memory_space<hbm>> -> memref<20000xi32, #tpu.memory_space<hbm>>
      tpu.enqueue_dma source(%dma_start3A_95 : memref<20000xi32, #tpu.memory_space<hbm>>) target(%arg6 : memref<20000xi32, #tpu.memory_space<vmem>>) target_semaphore(%run_scoped3A_94 : memref<!tpu.dma_semaphore, #tpu.memory_space<semaphore_mem>>)
      %dma_wait3A = tpu.memref_slice %arg2[%mul3A_2] : memref<640000xi32, #tpu.memory_space<hbm>> -> memref<20000xi32, #tpu.memory_space<hbm>>
      %dma_wait3A_96 = tpu.memref_slice %arg2[%mul3A_2] : memref<640000xi32, #tpu.memory_space<hbm>> -> memref<20000xi32, #tpu.memory_space<hbm>>
      tpu.wait_dma2 semaphore(%run_scoped3A_94 : memref<!tpu.dma_semaphore, #tpu.memory_space<semaphore_mem>>) src(%dma_wait3A_96 : memref<20000xi32, #tpu.memory_space<hbm>>) dst(%arg6 : memref<20000xi32, #tpu.memory_space<vmem>>)
      tpu.yield
    }) : () -> ()
    %add3A = arith.constant 320000 : i32
    %add3A_6 = arith.addi %add3A, %mul3A_2 : i32
    "tpu.region"() ({
      %run_scoped3A_94 = tpu.sem_alloc : memref<!tpu.dma_semaphore, #tpu.memory_space<semaphore_mem>>
      %dma_start3A = tpu.memref_slice %arg2[%add3A_6] : memref<640000xi32, #tpu.memory_space<hbm>> -> memref<20000xi32, #tpu.memory_space<hbm>>
      %dma_start3A_95 = tpu.memref_slice %arg2[%add3A_6] : memref<640000xi32, #tpu.memory_space<hbm>> -> memref<20000xi32, #tpu.memory_space<hbm>>
      tpu.enqueue_dma source(%dma_start3A_95 : memref<20000xi32, #tpu.memory_space<hbm>>) target(%arg7 : memref<20000xi32, #tpu.memory_space<vmem>>) target_semaphore(%run_scoped3A_94 : memref<!tpu.dma_semaphore, #tpu.memory_space<semaphore_mem>>)
      %dma_wait3A = tpu.memref_slice %arg2[%add3A_6] : memref<640000xi32, #tpu.memory_space<hbm>> -> memref<20000xi32, #tpu.memory_space<hbm>>
      %dma_wait3A_96 = tpu.memref_slice %arg2[%add3A_6] : memref<640000xi32, #tpu.memory_space<hbm>> -> memref<20000xi32, #tpu.memory_space<hbm>>
      tpu.wait_dma2 semaphore(%run_scoped3A_94 : memref<!tpu.dma_semaphore, #tpu.memory_space<semaphore_mem>>) src(%dma_wait3A_96 : memref<20000xi32, #tpu.memory_space<hbm>>) dst(%arg7 : memref<20000xi32, #tpu.memory_space<vmem>>)
      tpu.yield
    }) : () -> ()
    "tpu.region"() ({
      %run_scoped3A_94 = tpu.sem_alloc : memref<!tpu.dma_semaphore, #tpu.memory_space<semaphore_mem>>
      %dma_start3A = tpu.memref_slice %arg3[%mul3A_0] : memref<10240xf32, #tpu.memory_space<hbm>> -> memref<640xf32, #tpu.memory_space<hbm>>
      %dma_start3A_95 = tpu.memref_slice %arg3[%mul3A_0] : memref<10240xf32, #tpu.memory_space<hbm>> -> memref<640xf32, #tpu.memory_space<hbm>>
      tpu.enqueue_dma source(%dma_start3A_95 : memref<640xf32, #tpu.memory_space<hbm>>) target(%arg11 : memref<640xf32, #tpu.memory_space<vmem>>) target_semaphore(%run_scoped3A_94 : memref<!tpu.dma_semaphore, #tpu.memory_space<semaphore_mem>>)
      %dma_wait3A = tpu.memref_slice %arg3[%mul3A_0] : memref<10240xf32, #tpu.memory_space<hbm>> -> memref<640xf32, #tpu.memory_space<hbm>>
      %dma_wait3A_96 = tpu.memref_slice %arg3[%mul3A_0] : memref<10240xf32, #tpu.memory_space<hbm>> -> memref<640xf32, #tpu.memory_space<hbm>>
      tpu.wait_dma2 semaphore(%run_scoped3A_94 : memref<!tpu.dma_semaphore, #tpu.memory_space<semaphore_mem>>) src(%dma_wait3A_96 : memref<640xf32, #tpu.memory_space<hbm>>) dst(%arg11 : memref<640xf32, #tpu.memory_space<vmem>>)
      tpu.yield
    }) : () -> ()
    "tpu.region"() ({
      %run_scoped3A_94 = tpu.sem_alloc : memref<!tpu.dma_semaphore, #tpu.memory_space<semaphore_mem>>
      tpu.enqueue_dma source(%arg4 : memref<1xf32, #tpu.memory_space<hbm>>) target(%arg15 : memref<1xf32, #tpu.memory_space<vmem>>) target_semaphore(%run_scoped3A_94 : memref<!tpu.dma_semaphore, #tpu.memory_space<semaphore_mem>>)
      tpu.wait_dma2 semaphore(%run_scoped3A_94 : memref<!tpu.dma_semaphore, #tpu.memory_space<semaphore_mem>>) src(%arg4 : memref<1xf32, #tpu.memory_space<hbm>>) dst(%arg15 : memref<1xf32, #tpu.memory_space<vmem>>)
      tpu.yield
    }) : () -> ()
    %parallel_loop3A = arith.constant 0 : i32
    %parallel_loop3A_7 = arith.constant 10240 : i32
    %parallel_loop3A_8 = arith.constant 16 : i32
    scf.for %parallel_loop3A_94 = %parallel_loop3A to %parallel_loop3A_7 step %parallel_loop3A_8  : i32 {
      %parallel_loop3A_95 = arith.index_cast %parallel_loop3A_94 : i32 to index
      %parallel_loop3A_96 = tpu.vector_load %arg9[%parallel_loop3A_95] {strides = array<i32>} : memref<10240xf32, #tpu.memory_space<vmem>>, vector<16xf32>,
      tpu.vector_store %arg9[%parallel_loop3A_95], %broadcast_in_dim3A_3 {strides = array<i32>} : memref<10240xf32, #tpu.memory_space<vmem>>, vector<16xf32>,
    } {sc.loop_unroll_factor = 8 : i64, sc.parallel_access}
    %parallel_loop3A_9 = arith.constant 0 : i32
    %parallel_loop3A_10 = arith.constant 20000 : i32
    %parallel_loop3A_11 = arith.constant 16 : i32
    scf.for %parallel_loop3A_94 = %parallel_loop3A_9 to %parallel_loop3A_10 step %parallel_loop3A_11  : i32 {
      %parallel_loop3A_95 = arith.index_cast %parallel_loop3A_94 : i32 to index
      %parallel_loop3A_96 = tpu.vector_load %arg7[%parallel_loop3A_95] {strides = array<i32>} : memref<20000xi32, #tpu.memory_space<vmem>>, vector<16xi32>,
      tpu.vector_store_idx %arg9[%parallel_loop3A_96], %broadcast_in_dim3A_5 {add = true} : memref<10240xf32, #tpu.memory_space<vmem>>[vector<16xi32>], vector<16xf32>,
    } {sc.loop_unroll_factor = 8 : i64, sc.parallel_access}
    "tpu.region"() ({
      %run_scoped3A_94 = tpu.sem_alloc : memref<!tpu.dma_semaphore, #tpu.memory_space<semaphore_mem>>
      %dma_start3A = arith.constant 0 : i32
      %dma_start3A_95 = tpu.memref_slice %arg16[%arg1, %dma_start3A] : memref<16x10240xf32, #tpu.memory_space<vmem_shared>> -> memref<1x10240xf32, #tpu.memory_space<vmem_shared>>
      %dma_start3A_96 = tpu.memref_squeeze %dma_start3A_95 : memref<1x10240xf32, #tpu.memory_space<vmem_shared>> -> memref<10240xf32, #tpu.memory_space<vmem_shared>>
      %dma_start3A_97 = arith.constant 0 : i32
      %dma_start3A_98 = tpu.memref_slice %arg16[%arg1, %dma_start3A_97] : memref<16x10240xf32, #tpu.memory_space<vmem_shared>> -> memref<1x10240xf32, #tpu.memory_space<vmem_shared>>
      %dma_start3A_99 = tpu.memref_squeeze %dma_start3A_98 : memref<1x10240xf32, #tpu.memory_space<vmem_shared>> -> memref<10240xf32, #tpu.memory_space<vmem_shared>>
      tpu.enqueue_dma source(%arg9 : memref<10240xf32, #tpu.memory_space<vmem>>) target(%dma_start3A_99 : memref<10240xf32, #tpu.memory_space<vmem_shared>>) target_semaphore(%run_scoped3A_94 : memref<!tpu.dma_semaphore, #tpu.memory_space<semaphore_mem>>)
      %dma_wait3A = arith.constant 0 : i32
      %dma_wait3A_100 = tpu.memref_slice %arg16[%arg1, %dma_wait3A] : memref<16x10240xf32, #tpu.memory_space<vmem_shared>> -> memref<1x10240xf32, #tpu.memory_space<vmem_shared>>
      %dma_wait3A_101 = tpu.memref_squeeze %dma_wait3A_100 : memref<1x10240xf32, #tpu.memory_space<vmem_shared>> -> memref<10240xf32, #tpu.memory_space<vmem_shared>>
      %dma_wait3A_102 = arith.constant 0 : i32
      %dma_wait3A_103 = tpu.memref_slice %arg16[%arg1, %dma_wait3A_102] : memref<16x10240xf32, #tpu.memory_space<vmem_shared>> -> memref<1x10240xf32, #tpu.memory_space<vmem_shared>>
      %dma_wait3A_104 = tpu.memref_squeeze %dma_wait3A_103 : memref<1x10240xf32, #tpu.memory_space<vmem_shared>> -> memref<10240xf32, #tpu.memory_space<vmem_shared>>
      tpu.wait_dma2 semaphore(%run_scoped3A_94 : memref<!tpu.dma_semaphore, #tpu.memory_space<semaphore_mem>>) src(%arg9 : memref<10240xf32, #tpu.memory_space<vmem>>) dst(%dma_wait3A_104 : memref<10240xf32, #tpu.memory_space<vmem_shared>>)
      tpu.yield
    }) : () -> ()
    %barrier3A = arith.constant 0 : index
    tpu.barrier barrier_id(%barrier3A)
    %run_scoped3A = arith.constant 0 : i32
    "tpu.region"() ({
      %run_scoped3A_94 = tpu.sem_alloc : memref<!tpu.dma_semaphore, #tpu.memory_space<semaphore_mem>>
      %dma_start3A = arith.constant 0 : i32
      %dma_start3A_95 = tpu.memref_slice %arg10[%dma_start3A] : memref<10240xf32, #tpu.memory_space<vmem>> -> memref<640xf32, #tpu.memory_space<vmem>>
      %dma_start3A_96 = tpu.memref_slice %arg16[%run_scoped3A, %mul3A_0] : memref<16x10240xf32, #tpu.memory_space<vmem_shared>> -> memref<1x640xf32, #tpu.memory_space<vmem_shared>>
      %dma_start3A_97 = tpu.memref_squeeze %dma_start3A_96 : memref<1x640xf32, #tpu.memory_space<vmem_shared>> -> memref<640xf32, #tpu.memory_space<vmem_shared>>
      %dma_start3A_98 = arith.constant 0 : i32
      %dma_start3A_99 = tpu.memref_slice %arg10[%dma_start3A_98] : memref<10240xf32, #tpu.memory_space<vmem>> -> memref<640xf32, #tpu.memory_space<vmem>>
      %dma_start3A_100 = tpu.memref_slice %arg16[%run_scoped3A, %mul3A_0] : memref<16x10240xf32, #tpu.memory_space<vmem_shared>> -> memref<1x640xf32, #tpu.memory_space<vmem_shared>>
      %dma_start3A_101 = tpu.memref_squeeze %dma_start3A_100 : memref<1x640xf32, #tpu.memory_space<vmem_shared>> -> memref<640xf32, #tpu.memory_space<vmem_shared>>
      tpu.enqueue_dma source(%dma_start3A_101 : memref<640xf32, #tpu.memory_space<vmem_shared>>) target(%dma_start3A_99 : memref<640xf32, #tpu.memory_space<vmem>>) target_semaphore(%run_scoped3A_94 : memref<!tpu.dma_semaphore, #tpu.memory_space<semaphore_mem>>)
      %dma_wait3A = arith.constant 0 : i32
      %dma_wait3A_102 = tpu.memref_slice %arg10[%dma_wait3A] : memref<10240xf32, #tpu.memory_space<vmem>> -> memref<640xf32, #tpu.memory_space<vmem>>
      %dma_wait3A_103 = tpu.memref_slice %arg16[%run_scoped3A, %mul3A_0] : memref<16x10240xf32, #tpu.memory_space<vmem_shared>> -> memref<1x640xf32, #tpu.memory_space<vmem_shared>>
      %dma_wait3A_104 = tpu.memref_squeeze %dma_wait3A_103 : memref<1x640xf32, #tpu.memory_space<vmem_shared>> -> memref<640xf32, #tpu.memory_space<vmem_shared>>
      %dma_wait3A_105 = arith.constant 0 : i32
      %dma_wait3A_106 = tpu.memref_slice %arg10[%dma_wait3A_105] : memref<10240xf32, #tpu.memory_space<vmem>> -> memref<640xf32, #tpu.memory_space<vmem>>
      %dma_wait3A_107 = tpu.memref_slice %arg16[%run_scoped3A, %mul3A_0] : memref<16x10240xf32, #tpu.memory_space<vmem_shared>> -> memref<1x640xf32, #tpu.memory_space<vmem_shared>>
      %dma_wait3A_108 = tpu.memref_squeeze %dma_wait3A_107 : memref<1x640xf32, #tpu.memory_space<vmem_shared>> -> memref<640xf32, #tpu.memory_space<vmem_shared>>
      tpu.wait_dma2 semaphore(%run_scoped3A_94 : memref<!tpu.dma_semaphore, #tpu.memory_space<semaphore_mem>>) src(%dma_wait3A_108 : memref<640xf32, #tpu.memory_space<vmem_shared>>) dst(%dma_wait3A_106 : memref<640xf32, #tpu.memory_space<vmem>>)
      tpu.yield
    }) : () -> ()
    %run_scoped3A_12 = arith.constant 1 : i32
    "tpu.region"() ({
      %run_scoped3A_94 = tpu.sem_alloc : memref<!tpu.dma_semaphore, #tpu.memory_space<semaphore_mem>>
      %dma_start3A = arith.constant 640 : i32
      %dma_start3A_95 = tpu.memref_slice %arg10[%dma_start3A] : memref<10240xf32, #tpu.memory_space<vmem>> -> memref<640xf32, #tpu.memory_space<vmem>>
      %dma_start3A_96 = tpu.memref_slice %arg16[%run_scoped3A_12, %mul3A_0] : memref<16x10240xf32, #tpu.memory_space<vmem_shared>> -> memref<1x640xf32, #tpu.memory_space<vmem_shared>>
      %dma_start3A_97 = tpu.memref_squeeze %dma_start3A_96 : memref<1x640xf32, #tpu.memory_space<vmem_shared>> -> memref<640xf32, #tpu.memory_space<vmem_shared>>
      %dma_start3A_98 = arith.constant 640 : i32
      %dma_start3A_99 = tpu.memref_slice %arg10[%dma_start3A_98] : memref<10240xf32, #tpu.memory_space<vmem>> -> memref<640xf32, #tpu.memory_space<vmem>>
      %dma_start3A_100 = tpu.memref_slice %arg16[%run_scoped3A_12, %mul3A_0] : memref<16x10240xf32, #tpu.memory_space<vmem_shared>> -> memref<1x640xf32, #tpu.memory_space<vmem_shared>>
      %dma_start3A_101 = tpu.memref_squeeze %dma_start3A_100 : memref<1x640xf32, #tpu.memory_space<vmem_shared>> -> memref<640xf32, #tpu.memory_space<vmem_shared>>
      tpu.enqueue_dma source(%dma_start3A_101 : memref<640xf32, #tpu.memory_space<vmem_shared>>) target(%dma_start3A_99 : memref<640xf32, #tpu.memory_space<vmem>>) target_semaphore(%run_scoped3A_94 : memref<!tpu.dma_semaphore, #tpu.memory_space<semaphore_mem>>)
      %dma_wait3A = arith.constant 640 : i32
      %dma_wait3A_102 = tpu.memref_slice %arg10[%dma_wait3A] : memref<10240xf32, #tpu.memory_space<vmem>> -> memref<640xf32, #tpu.memory_space<vmem>>
      %dma_wait3A_103 = tpu.memref_slice %arg16[%run_scoped3A_12, %mul3A_0] : memref<16x10240xf32, #tpu.memory_space<vmem_shared>> -> memref<1x640xf32, #tpu.memory_space<vmem_shared>>
      %dma_wait3A_104 = tpu.memref_squeeze %dma_wait3A_103 : memref<1x640xf32, #tpu.memory_space<vmem_shared>> -> memref<640xf32, #tpu.memory_space<vmem_shared>>
      %dma_wait3A_105 = arith.constant 640 : i32
      %dma_wait3A_106 = tpu.memref_slice %arg10[%dma_wait3A_105] : memref<10240xf32, #tpu.memory_space<vmem>> -> memref<640xf32, #tpu.memory_space<vmem>>
      %dma_wait3A_107 = tpu.memref_slice %arg16[%run_scoped3A_12, %mul3A_0] : memref<16x10240xf32, #tpu.memory_space<vmem_shared>> -> memref<1x640xf32, #tpu.memory_space<vmem_shared>>
      %dma_wait3A_108 = tpu.memref_squeeze %dma_wait3A_107 : memref<1x640xf32, #tpu.memory_space<vmem_shared>> -> memref<640xf32, #tpu.memory_space<vmem_shared>>
      tpu.wait_dma2 semaphore(%run_scoped3A_94 : memref<!tpu.dma_semaphore, #tpu.memory_space<semaphore_mem>>) src(%dma_wait3A_108 : memref<640xf32, #tpu.memory_space<vmem_shared>>) dst(%dma_wait3A_106 : memref<640xf32, #tpu.memory_space<vmem>>)
      tpu.yield
    }) : () -> ()
    %run_scoped3A_13 = arith.constant 2 : i32
    "tpu.region"() ({
      %run_scoped3A_94 = tpu.sem_alloc : memref<!tpu.dma_semaphore, #tpu.memory_space<semaphore_mem>>
      %dma_start3A = arith.constant 1280 : i32
      %dma_start3A_95 = tpu.memref_slice %arg10[%dma_start3A] : memref<10240xf32, #tpu.memory_space<vmem>> -> memref<640xf32, #tpu.memory_space<vmem>>
      %dma_start3A_96 = tpu.memref_slice %arg16[%run_scoped3A_13, %mul3A_0] : memref<16x10240xf32, #tpu.memory_space<vmem_shared>> -> memref<1x640xf32, #tpu.memory_space<vmem_shared>>
      %dma_start3A_97 = tpu.memref_squeeze %dma_start3A_96 : memref<1x640xf32, #tpu.memory_space<vmem_shared>> -> memref<640xf32, #tpu.memory_space<vmem_shared>>
      %dma_start3A_98 = arith.constant 1280 : i32
      %dma_start3A_99 = tpu.memref_slice %arg10[%dma_start3A_98] : memref<10240xf32, #tpu.memory_space<vmem>> -> memref<640xf32, #tpu.memory_space<vmem>>
      %dma_start3A_100 = tpu.memref_slice %arg16[%run_scoped3A_13, %mul3A_0] : memref<16x10240xf32, #tpu.memory_space<vmem_shared>> -> memref<1x640xf32, #tpu.memory_space<vmem_shared>>
      %dma_start3A_101 = tpu.memref_squeeze %dma_start3A_100 : memref<1x640xf32, #tpu.memory_space<vmem_shared>> -> memref<640xf32, #tpu.memory_space<vmem_shared>>
      tpu.enqueue_dma source(%dma_start3A_101 : memref<640xf32, #tpu.memory_space<vmem_shared>>) target(%dma_start3A_99 : memref<640xf32, #tpu.memory_space<vmem>>) target_semaphore(%run_scoped3A_94 : memref<!tpu.dma_semaphore, #tpu.memory_space<semaphore_mem>>)
      %dma_wait3A = arith.constant 1280 : i32
      %dma_wait3A_102 = tpu.memref_slice %arg10[%dma_wait3A] : memref<10240xf32, #tpu.memory_space<vmem>> -> memref<640xf32, #tpu.memory_space<vmem>>
      %dma_wait3A_103 = tpu.memref_slice %arg16[%run_scoped3A_13, %mul3A_0] : memref<16x10240xf32, #tpu.memory_space<vmem_shared>> -> memref<1x640xf32, #tpu.memory_space<vmem_shared>>
      %dma_wait3A_104 = tpu.memref_squeeze %dma_wait3A_103 : memref<1x640xf32, #tpu.memory_space<vmem_shared>> -> memref<640xf32, #tpu.memory_space<vmem_shared>>
      %dma_wait3A_105 = arith.constant 1280 : i32
      %dma_wait3A_106 = tpu.memref_slice %arg10[%dma_wait3A_105] : memref<10240xf32, #tpu.memory_space<vmem>> -> memref<640xf32, #tpu.memory_space<vmem>>
      %dma_wait3A_107 = tpu.memref_slice %arg16[%run_scoped3A_13, %mul3A_0] : memref<16x10240xf32, #tpu.memory_space<vmem_shared>> -> memref<1x640xf32, #tpu.memory_space<vmem_shared>>
      %dma_wait3A_108 = tpu.memref_squeeze %dma_wait3A_107 : memref<1x640xf32, #tpu.memory_space<vmem_shared>> -> memref<640xf32, #tpu.memory_space<vmem_shared>>
      tpu.wait_dma2 semaphore(%run_scoped3A_94 : memref<!tpu.dma_semaphore, #tpu.memory_space<semaphore_mem>>) src(%dma_wait3A_108 : memref<640xf32, #tpu.memory_space<vmem_shared>>) dst(%dma_wait3A_106 : memref<640xf32, #tpu.memory_space<vmem>>)
      tpu.yield
    }) : () -> ()
    %run_scoped3A_14 = arith.constant 3 : i32
    "tpu.region"() ({
      %run_scoped3A_94 = tpu.sem_alloc : memref<!tpu.dma_semaphore, #tpu.memory_space<semaphore_mem>>
      %dma_start3A = arith.constant 1920 : i32
      %dma_start3A_95 = tpu.memref_slice %arg10[%dma_start3A] : memref<10240xf32, #tpu.memory_space<vmem>> -> memref<640xf32, #tpu.memory_space<vmem>>
      %dma_start3A_96 = tpu.memref_slice %arg16[%run_scoped3A_14, %mul3A_0] : memref<16x10240xf32, #tpu.memory_space<vmem_shared>> -> memref<1x640xf32, #tpu.memory_space<vmem_shared>>
      %dma_start3A_97 = tpu.memref_squeeze %dma_start3A_96 : memref<1x640xf32, #tpu.memory_space<vmem_shared>> -> memref<640xf32, #tpu.memory_space<vmem_shared>>
      %dma_start3A_98 = arith.constant 1920 : i32
      %dma_start3A_99 = tpu.memref_slice %arg10[%dma_start3A_98] : memref<10240xf32, #tpu.memory_space<vmem>> -> memref<640xf32, #tpu.memory_space<vmem>>
      %dma_start3A_100 = tpu.memref_slice %arg16[%run_scoped3A_14, %mul3A_0] : memref<16x10240xf32, #tpu.memory_space<vmem_shared>> -> memref<1x640xf32, #tpu.memory_space<vmem_shared>>
      %dma_start3A_101 = tpu.memref_squeeze %dma_start3A_100 : memref<1x640xf32, #tpu.memory_space<vmem_shared>> -> memref<640xf32, #tpu.memory_space<vmem_shared>>
      tpu.enqueue_dma source(%dma_start3A_101 : memref<640xf32, #tpu.memory_space<vmem_shared>>) target(%dma_start3A_99 : memref<640xf32, #tpu.memory_space<vmem>>) target_semaphore(%run_scoped3A_94 : memref<!tpu.dma_semaphore, #tpu.memory_space<semaphore_mem>>)
      %dma_wait3A = arith.constant 1920 : i32
      %dma_wait3A_102 = tpu.memref_slice %arg10[%dma_wait3A] : memref<10240xf32, #tpu.memory_space<vmem>> -> memref<640xf32, #tpu.memory_space<vmem>>
      %dma_wait3A_103 = tpu.memref_slice %arg16[%run_scoped3A_14, %mul3A_0] : memref<16x10240xf32, #tpu.memory_space<vmem_shared>> -> memref<1x640xf32, #tpu.memory_space<vmem_shared>>
      %dma_wait3A_104 = tpu.memref_squeeze %dma_wait3A_103 : memref<1x640xf32, #tpu.memory_space<vmem_shared>> -> memref<640xf32, #tpu.memory_space<vmem_shared>>
      %dma_wait3A_105 = arith.constant 1920 : i32
      %dma_wait3A_106 = tpu.memref_slice %arg10[%dma_wait3A_105] : memref<10240xf32, #tpu.memory_space<vmem>> -> memref<640xf32, #tpu.memory_space<vmem>>
      %dma_wait3A_107 = tpu.memref_slice %arg16[%run_scoped3A_14, %mul3A_0] : memref<16x10240xf32, #tpu.memory_space<vmem_shared>> -> memref<1x640xf32, #tpu.memory_space<vmem_shared>>
      %dma_wait3A_108 = tpu.memref_squeeze %dma_wait3A_107 : memref<1x640xf32, #tpu.memory_space<vmem_shared>> -> memref<640xf32, #tpu.memory_space<vmem_shared>>
      tpu.wait_dma2 semaphore(%run_scoped3A_94 : memref<!tpu.dma_semaphore, #tpu.memory_space<semaphore_mem>>) src(%dma_wait3A_108 : memref<640xf32, #tpu.memory_space<vmem_shared>>) dst(%dma_wait3A_106 : memref<640xf32, #tpu.memory_space<vmem>>)
      tpu.yield
    }) : () -> ()
    %run_scoped3A_15 = arith.constant 4 : i32
    "tpu.region"() ({
      %run_scoped3A_94 = tpu.sem_alloc : memref<!tpu.dma_semaphore, #tpu.memory_space<semaphore_mem>>
      %dma_start3A = arith.constant 2560 : i32
      %dma_start3A_95 = tpu.memref_slice %arg10[%dma_start3A] : memref<10240xf32, #tpu.memory_space<vmem>> -> memref<640xf32, #tpu.memory_space<vmem>>
      %dma_start3A_96 = tpu.memref_slice %arg16[%run_scoped3A_15, %mul3A_0] : memref<16x10240xf32, #tpu.memory_space<vmem_shared>> -> memref<1x640xf32, #tpu.memory_space<vmem_shared>>
      %dma_start3A_97 = tpu.memref_squeeze %dma_start3A_96 : memref<1x640xf32, #tpu.memory_space<vmem_shared>> -> memref<640xf32, #tpu.memory_space<vmem_shared>>
      %dma_start3A_98 = arith.constant 2560 : i32
      %dma_start3A_99 = tpu.memref_slice %arg10[%dma_start3A_98] : memref<10240xf32, #tpu.memory_space<vmem>> -> memref<640xf32, #tpu.memory_space<vmem>>
      %dma_start3A_100 = tpu.memref_slice %arg16[%run_scoped3A_15, %mul3A_0] : memref<16x10240xf32, #tpu.memory_space<vmem_shared>> -> memref<1x640xf32, #tpu.memory_space<vmem_shared>>
      %dma_start3A_101 = tpu.memref_squeeze %dma_start3A_100 : memref<1x640xf32, #tpu.memory_space<vmem_shared>> -> memref<640xf32, #tpu.memory_space<vmem_shared>>
      tpu.enqueue_dma source(%dma_start3A_101 : memref<640xf32, #tpu.memory_space<vmem_shared>>) target(%dma_start3A_99 : memref<640xf32, #tpu.memory_space<vmem>>) target_semaphore(%run_scoped3A_94 : memref<!tpu.dma_semaphore, #tpu.memory_space<semaphore_mem>>)
      %dma_wait3A = arith.constant 2560 : i32
      %dma_wait3A_102 = tpu.memref_slice %arg10[%dma_wait3A] : memref<10240xf32, #tpu.memory_space<vmem>> -> memref<640xf32, #tpu.memory_space<vmem>>
      %dma_wait3A_103 = tpu.memref_slice %arg16[%run_scoped3A_15, %mul3A_0] : memref<16x10240xf32, #tpu.memory_space<vmem_shared>> -> memref<1x640xf32, #tpu.memory_space<vmem_shared>>
      %dma_wait3A_104 = tpu.memref_squeeze %dma_wait3A_103 : memref<1x640xf32, #tpu.memory_space<vmem_shared>> -> memref<640xf32, #tpu.memory_space<vmem_shared>>
      %dma_wait3A_105 = arith.constant 2560 : i32
      %dma_wait3A_106 = tpu.memref_slice %arg10[%dma_wait3A_105] : memref<10240xf32, #tpu.memory_space<vmem>> -> memref<640xf32, #tpu.memory_space<vmem>>
      %dma_wait3A_107 = tpu.memref_slice %arg16[%run_scoped3A_15, %mul3A_0] : memref<16x10240xf32, #tpu.memory_space<vmem_shared>> -> memref<1x640xf32, #tpu.memory_space<vmem_shared>>
      %dma_wait3A_108 = tpu.memref_squeeze %dma_wait3A_107 : memref<1x640xf32, #tpu.memory_space<vmem_shared>> -> memref<640xf32, #tpu.memory_space<vmem_shared>>
      tpu.wait_dma2 semaphore(%run_scoped3A_94 : memref<!tpu.dma_semaphore, #tpu.memory_space<semaphore_mem>>) src(%dma_wait3A_108 : memref<640xf32, #tpu.memory_space<vmem_shared>>) dst(%dma_wait3A_106 : memref<640xf32, #tpu.memory_space<vmem>>)
      tpu.yield
    }) : () -> ()
    %run_scoped3A_16 = arith.constant 5 : i32
    "tpu.region"() ({
      %run_scoped3A_94 = tpu.sem_alloc : memref<!tpu.dma_semaphore, #tpu.memory_space<semaphore_mem>>
      %dma_start3A = arith.constant 3200 : i32
      %dma_start3A_95 = tpu.memref_slice %arg10[%dma_start3A] : memref<10240xf32, #tpu.memory_space<vmem>> -> memref<640xf32, #tpu.memory_space<vmem>>
      %dma_start3A_96 = tpu.memref_slice %arg16[%run_scoped3A_16, %mul3A_0] : memref<16x10240xf32, #tpu.memory_space<vmem_shared>> -> memref<1x640xf32, #tpu.memory_space<vmem_shared>>
      %dma_start3A_97 = tpu.memref_squeeze %dma_start3A_96 : memref<1x640xf32, #tpu.memory_space<vmem_shared>> -> memref<640xf32, #tpu.memory_space<vmem_shared>>
      %dma_start3A_98 = arith.constant 3200 : i32
      %dma_start3A_99 = tpu.memref_slice %arg10[%dma_start3A_98] : memref<10240xf32, #tpu.memory_space<vmem>> -> memref<640xf32, #tpu.memory_space<vmem>>
      %dma_start3A_100 = tpu.memref_slice %arg16[%run_scoped3A_16, %mul3A_0] : memref<16x10240xf32, #tpu.memory_space<vmem_shared>> -> memref<1x640xf32, #tpu.memory_space<vmem_shared>>
      %dma_start3A_101 = tpu.memref_squeeze %dma_start3A_100 : memref<1x640xf32, #tpu.memory_space<vmem_shared>> -> memref<640xf32, #tpu.memory_space<vmem_shared>>
      tpu.enqueue_dma source(%dma_start3A_101 : memref<640xf32, #tpu.memory_space<vmem_shared>>) target(%dma_start3A_99 : memref<640xf32, #tpu.memory_space<vmem>>) target_semaphore(%run_scoped3A_94 : memref<!tpu.dma_semaphore, #tpu.memory_space<semaphore_mem>>)
      %dma_wait3A = arith.constant 3200 : i32
      %dma_wait3A_102 = tpu.memref_slice %arg10[%dma_wait3A] : memref<10240xf32, #tpu.memory_space<vmem>> -> memref<640xf32, #tpu.memory_space<vmem>>
      %dma_wait3A_103 = tpu.memref_slice %arg16[%run_scoped3A_16, %mul3A_0] : memref<16x10240xf32, #tpu.memory_space<vmem_shared>> -> memref<1x640xf32, #tpu.memory_space<vmem_shared>>
      %dma_wait3A_104 = tpu.memref_squeeze %dma_wait3A_103 : memref<1x640xf32, #tpu.memory_space<vmem_shared>> -> memref<640xf32, #tpu.memory_space<vmem_shared>>
      %dma_wait3A_105 = arith.constant 3200 : i32
      %dma_wait3A_106 = tpu.memref_slice %arg10[%dma_wait3A_105] : memref<10240xf32, #tpu.memory_space<vmem>> -> memref<640xf32, #tpu.memory_space<vmem>>
      %dma_wait3A_107 = tpu.memref_slice %arg16[%run_scoped3A_16, %mul3A_0] : memref<16x10240xf32, #tpu.memory_space<vmem_shared>> -> memref<1x640xf32, #tpu.memory_space<vmem_shared>>
      %dma_wait3A_108 = tpu.memref_squeeze %dma_wait3A_107 : memref<1x640xf32, #tpu.memory_space<vmem_shared>> -> memref<640xf32, #tpu.memory_space<vmem_shared>>
      tpu.wait_dma2 semaphore(%run_scoped3A_94 : memref<!tpu.dma_semaphore, #tpu.memory_space<semaphore_mem>>) src(%dma_wait3A_108 : memref<640xf32, #tpu.memory_space<vmem_shared>>) dst(%dma_wait3A_106 : memref<640xf32, #tpu.memory_space<vmem>>)
      tpu.yield
    }) : () -> ()
    %run_scoped3A_17 = arith.constant 6 : i32
    "tpu.region"() ({
      %run_scoped3A_94 = tpu.sem_alloc : memref<!tpu.dma_semaphore, #tpu.memory_space<semaphore_mem>>
      %dma_start3A = arith.constant 3840 : i32
      %dma_start3A_95 = tpu.memref_slice %arg10[%dma_start3A] : memref<10240xf32, #tpu.memory_space<vmem>> -> memref<640xf32, #tpu.memory_space<vmem>>
      %dma_start3A_96 = tpu.memref_slice %arg16[%run_scoped3A_17, %mul3A_0] : memref<16x10240xf32, #tpu.memory_space<vmem_shared>> -> memref<1x640xf32, #tpu.memory_space<vmem_shared>>
      %dma_start3A_97 = tpu.memref_squeeze %dma_start3A_96 : memref<1x640xf32, #tpu.memory_space<vmem_shared>> -> memref<640xf32, #tpu.memory_space<vmem_shared>>
      %dma_start3A_98 = arith.constant 3840 : i32
      %dma_start3A_99 = tpu.memref_slice %arg10[%dma_start3A_98] : memref<10240xf32, #tpu.memory_space<vmem>> -> memref<640xf32, #tpu.memory_space<vmem>>
      %dma_start3A_100 = tpu.memref_slice %arg16[%run_scoped3A_17, %mul3A_0] : memref<16x10240xf32, #tpu.memory_space<vmem_shared>> -> memref<1x640xf32, #tpu.memory_space<vmem_shared>>
      %dma_start3A_101 = tpu.memref_squeeze %dma_start3A_100 : memref<1x640xf32, #tpu.memory_space<vmem_shared>> -> memref<640xf32, #tpu.memory_space<vmem_shared>>
      tpu.enqueue_dma source(%dma_start3A_101 : memref<640xf32, #tpu.memory_space<vmem_shared>>) target(%dma_start3A_99 : memref<640xf32, #tpu.memory_space<vmem>>) target_semaphore(%run_scoped3A_94 : memref<!tpu.dma_semaphore, #tpu.memory_space<semaphore_mem>>)
      %dma_wait3A = arith.constant 3840 : i32
      %dma_wait3A_102 = tpu.memref_slice %arg10[%dma_wait3A] : memref<10240xf32, #tpu.memory_space<vmem>> -> memref<640xf32, #tpu.memory_space<vmem>>
      %dma_wait3A_103 = tpu.memref_slice %arg16[%run_scoped3A_17, %mul3A_0] : memref<16x10240xf32, #tpu.memory_space<vmem_shared>> -> memref<1x640xf32, #tpu.memory_space<vmem_shared>>
      %dma_wait3A_104 = tpu.memref_squeeze %dma_wait3A_103 : memref<1x640xf32, #tpu.memory_space<vmem_shared>> -> memref<640xf32, #tpu.memory_space<vmem_shared>>
      %dma_wait3A_105 = arith.constant 3840 : i32
      %dma_wait3A_106 = tpu.memref_slice %arg10[%dma_wait3A_105] : memref<10240xf32, #tpu.memory_space<vmem>> -> memref<640xf32, #tpu.memory_space<vmem>>
      %dma_wait3A_107 = tpu.memref_slice %arg16[%run_scoped3A_17, %mul3A_0] : memref<16x10240xf32, #tpu.memory_space<vmem_shared>> -> memref<1x640xf32, #tpu.memory_space<vmem_shared>>
      %dma_wait3A_108 = tpu.memref_squeeze %dma_wait3A_107 : memref<1x640xf32, #tpu.memory_space<vmem_shared>> -> memref<640xf32, #tpu.memory_space<vmem_shared>>
      tpu.wait_dma2 semaphore(%run_scoped3A_94 : memref<!tpu.dma_semaphore, #tpu.memory_space<semaphore_mem>>) src(%dma_wait3A_108 : memref<640xf32, #tpu.memory_space<vmem_shared>>) dst(%dma_wait3A_106 : memref<640xf32, #tpu.memory_space<vmem>>)
      tpu.yield
    }) : () -> ()
    %run_scoped3A_18 = arith.constant 7 : i32
    "tpu.region"() ({
      %run_scoped3A_94 = tpu.sem_alloc : memref<!tpu.dma_semaphore, #tpu.memory_space<semaphore_mem>>
      %dma_start3A = arith.constant 4480 : i32
      %dma_start3A_95 = tpu.memref_slice %arg10[%dma_start3A] : memref<10240xf32, #tpu.memory_space<vmem>> -> memref<640xf32, #tpu.memory_space<vmem>>
      %dma_start3A_96 = tpu.memref_slice %arg16[%run_scoped3A_18, %mul3A_0] : memref<16x10240xf32, #tpu.memory_space<vmem_shared>> -> memref<1x640xf32, #tpu.memory_space<vmem_shared>>
      %dma_start3A_97 = tpu.memref_squeeze %dma_start3A_96 : memref<1x640xf32, #tpu.memory_space<vmem_shared>> -> memref<640xf32, #tpu.memory_space<vmem_shared>>
      %dma_start3A_98 = arith.constant 4480 : i32
      %dma_start3A_99 = tpu.memref_slice %arg10[%dma_start3A_98] : memref<10240xf32, #tpu.memory_space<vmem>> -> memref<640xf32, #tpu.memory_space<vmem>>
      %dma_start3A_100 = tpu.memref_slice %arg16[%run_scoped3A_18, %mul3A_0] : memref<16x10240xf32, #tpu.memory_space<vmem_shared>> -> memref<1x640xf32, #tpu.memory_space<vmem_shared>>
      %dma_start3A_101 = tpu.memref_squeeze %dma_start3A_100 : memref<1x640xf32, #tpu.memory_space<vmem_shared>> -> memref<640xf32, #tpu.memory_space<vmem_shared>>
      tpu.enqueue_dma source(%dma_start3A_101 : memref<640xf32, #tpu.memory_space<vmem_shared>>) target(%dma_start3A_99 : memref<640xf32, #tpu.memory_space<vmem>>) target_semaphore(%run_scoped3A_94 : memref<!tpu.dma_semaphore, #tpu.memory_space<semaphore_mem>>)
      %dma_wait3A = arith.constant 4480 : i32
      %dma_wait3A_102 = tpu.memref_slice %arg10[%dma_wait3A] : memref<10240xf32, #tpu.memory_space<vmem>> -> memref<640xf32, #tpu.memory_space<vmem>>
      %dma_wait3A_103 = tpu.memref_slice %arg16[%run_scoped3A_18, %mul3A_0] : memref<16x10240xf32, #tpu.memory_space<vmem_shared>> -> memref<1x640xf32, #tpu.memory_space<vmem_shared>>
      %dma_wait3A_104 = tpu.memref_squeeze %dma_wait3A_103 : memref<1x640xf32, #tpu.memory_space<vmem_shared>> -> memref<640xf32, #tpu.memory_space<vmem_shared>>
      %dma_wait3A_105 = arith.constant 4480 : i32
      %dma_wait3A_106 = tpu.memref_slice %arg10[%dma_wait3A_105] : memref<10240xf32, #tpu.memory_space<vmem>> -> memref<640xf32, #tpu.memory_space<vmem>>
      %dma_wait3A_107 = tpu.memref_slice %arg16[%run_scoped3A_18, %mul3A_0] : memref<16x10240xf32, #tpu.memory_space<vmem_shared>> -> memref<1x640xf32, #tpu.memory_space<vmem_shared>>
      %dma_wait3A_108 = tpu.memref_squeeze %dma_wait3A_107 : memref<1x640xf32, #tpu.memory_space<vmem_shared>> -> memref<640xf32, #tpu.memory_space<vmem_shared>>
      tpu.wait_dma2 semaphore(%run_scoped3A_94 : memref<!tpu.dma_semaphore, #tpu.memory_space<semaphore_mem>>) src(%dma_wait3A_108 : memref<640xf32, #tpu.memory_space<vmem_shared>>) dst(%dma_wait3A_106 : memref<640xf32, #tpu.memory_space<vmem>>)
      tpu.yield
    }) : () -> ()
    %run_scoped3A_19 = arith.constant 8 : i32
    "tpu.region"() ({
      %run_scoped3A_94 = tpu.sem_alloc : memref<!tpu.dma_semaphore, #tpu.memory_space<semaphore_mem>>
      %dma_start3A = arith.constant 5120 : i32
      %dma_start3A_95 = tpu.memref_slice %arg10[%dma_start3A] : memref<10240xf32, #tpu.memory_space<vmem>> -> memref<640xf32, #tpu.memory_space<vmem>>
      %dma_start3A_96 = tpu.memref_slice %arg16[%run_scoped3A_19, %mul3A_0] : memref<16x10240xf32, #tpu.memory_space<vmem_shared>> -> memref<1x640xf32, #tpu.memory_space<vmem_shared>>
      %dma_start3A_97 = tpu.memref_squeeze %dma_start3A_96 : memref<1x640xf32, #tpu.memory_space<vmem_shared>> -> memref<640xf32, #tpu.memory_space<vmem_shared>>
      %dma_start3A_98 = arith.constant 5120 : i32
      %dma_start3A_99 = tpu.memref_slice %arg10[%dma_start3A_98] : memref<10240xf32, #tpu.memory_space<vmem>> -> memref<640xf32, #tpu.memory_space<vmem>>
      %dma_start3A_100 = tpu.memref_slice %arg16[%run_scoped3A_19, %mul3A_0] : memref<16x10240xf32, #tpu.memory_space<vmem_shared>> -> memref<1x640xf32, #tpu.memory_space<vmem_shared>>
      %dma_start3A_101 = tpu.memref_squeeze %dma_start3A_100 : memref<1x640xf32, #tpu.memory_space<vmem_shared>> -> memref<640xf32, #tpu.memory_space<vmem_shared>>
      tpu.enqueue_dma source(%dma_start3A_101 : memref<640xf32, #tpu.memory_space<vmem_shared>>) target(%dma_start3A_99 : memref<640xf32, #tpu.memory_space<vmem>>) target_semaphore(%run_scoped3A_94 : memref<!tpu.dma_semaphore, #tpu.memory_space<semaphore_mem>>)
      %dma_wait3A = arith.constant 5120 : i32
      %dma_wait3A_102 = tpu.memref_slice %arg10[%dma_wait3A] : memref<10240xf32, #tpu.memory_space<vmem>> -> memref<640xf32, #tpu.memory_space<vmem>>
      %dma_wait3A_103 = tpu.memref_slice %arg16[%run_scoped3A_19, %mul3A_0] : memref<16x10240xf32, #tpu.memory_space<vmem_shared>> -> memref<1x640xf32, #tpu.memory_space<vmem_shared>>
      %dma_wait3A_104 = tpu.memref_squeeze %dma_wait3A_103 : memref<1x640xf32, #tpu.memory_space<vmem_shared>> -> memref<640xf32, #tpu.memory_space<vmem_shared>>
      %dma_wait3A_105 = arith.constant 5120 : i32
      %dma_wait3A_106 = tpu.memref_slice %arg10[%dma_wait3A_105] : memref<10240xf32, #tpu.memory_space<vmem>> -> memref<640xf32, #tpu.memory_space<vmem>>
      %dma_wait3A_107 = tpu.memref_slice %arg16[%run_scoped3A_19, %mul3A_0] : memref<16x10240xf32, #tpu.memory_space<vmem_shared>> -> memref<1x640xf32, #tpu.memory_space<vmem_shared>>
      %dma_wait3A_108 = tpu.memref_squeeze %dma_wait3A_107 : memref<1x640xf32, #tpu.memory_space<vmem_shared>> -> memref<640xf32, #tpu.memory_space<vmem_shared>>
      tpu.wait_dma2 semaphore(%run_scoped3A_94 : memref<!tpu.dma_semaphore, #tpu.memory_space<semaphore_mem>>) src(%dma_wait3A_108 : memref<640xf32, #tpu.memory_space<vmem_shared>>) dst(%dma_wait3A_106 : memref<640xf32, #tpu.memory_space<vmem>>)
      tpu.yield
    }) : () -> ()
    %run_scoped3A_20 = arith.constant 9 : i32
    "tpu.region"() ({
      %run_scoped3A_94 = tpu.sem_alloc : memref<!tpu.dma_semaphore, #tpu.memory_space<semaphore_mem>>
      %dma_start3A = arith.constant 5760 : i32
      %dma_start3A_95 = tpu.memref_slice %arg10[%dma_start3A] : memref<10240xf32, #tpu.memory_space<vmem>> -> memref<640xf32, #tpu.memory_space<vmem>>
      %dma_start3A_96 = tpu.memref_slice %arg16[%run_scoped3A_20, %mul3A_0] : memref<16x10240xf32, #tpu.memory_space<vmem_shared>> -> memref<1x640xf32, #tpu.memory_space<vmem_shared>>
      %dma_start3A_97 = tpu.memref_squeeze %dma_start3A_96 : memref<1x640xf32, #tpu.memory_space<vmem_shared>> -> memref<640xf32, #tpu.memory_space<vmem_shared>>
      %dma_start3A_98 = arith.constant 5760 : i32
      %dma_start3A_99 = tpu.memref_slice %arg10[%dma_start3A_98] : memref<10240xf32, #tpu.memory_space<vmem>> -> memref<640xf32, #tpu.memory_space<vmem>>
      %dma_start3A_100 = tpu.memref_slice %arg16[%run_scoped3A_20, %mul3A_0] : memref<16x10240xf32, #tpu.memory_space<vmem_shared>> -> memref<1x640xf32, #tpu.memory_space<vmem_shared>>
      %dma_start3A_101 = tpu.memref_squeeze %dma_start3A_100 : memref<1x640xf32, #tpu.memory_space<vmem_shared>> -> memref<640xf32, #tpu.memory_space<vmem_shared>>
      tpu.enqueue_dma source(%dma_start3A_101 : memref<640xf32, #tpu.memory_space<vmem_shared>>) target(%dma_start3A_99 : memref<640xf32, #tpu.memory_space<vmem>>) target_semaphore(%run_scoped3A_94 : memref<!tpu.dma_semaphore, #tpu.memory_space<semaphore_mem>>)
      %dma_wait3A = arith.constant 5760 : i32
      %dma_wait3A_102 = tpu.memref_slice %arg10[%dma_wait3A] : memref<10240xf32, #tpu.memory_space<vmem>> -> memref<640xf32, #tpu.memory_space<vmem>>
      %dma_wait3A_103 = tpu.memref_slice %arg16[%run_scoped3A_20, %mul3A_0] : memref<16x10240xf32, #tpu.memory_space<vmem_shared>> -> memref<1x640xf32, #tpu.memory_space<vmem_shared>>
      %dma_wait3A_104 = tpu.memref_squeeze %dma_wait3A_103 : memref<1x640xf32, #tpu.memory_space<vmem_shared>> -> memref<640xf32, #tpu.memory_space<vmem_shared>>
      %dma_wait3A_105 = arith.constant 5760 : i32
      %dma_wait3A_106 = tpu.memref_slice %arg10[%dma_wait3A_105] : memref<10240xf32, #tpu.memory_space<vmem>> -> memref<640xf32, #tpu.memory_space<vmem>>
      %dma_wait3A_107 = tpu.memref_slice %arg16[%run_scoped3A_20, %mul3A_0] : memref<16x10240xf32, #tpu.memory_space<vmem_shared>> -> memref<1x640xf32, #tpu.memory_space<vmem_shared>>
      %dma_wait3A_108 = tpu.memref_squeeze %dma_wait3A_107 : memref<1x640xf32, #tpu.memory_space<vmem_shared>> -> memref<640xf32, #tpu.memory_space<vmem_shared>>
      tpu.wait_dma2 semaphore(%run_scoped3A_94 : memref<!tpu.dma_semaphore, #tpu.memory_space<semaphore_mem>>) src(%dma_wait3A_108 : memref<640xf32, #tpu.memory_space<vmem_shared>>) dst(%dma_wait3A_106 : memref<640xf32, #tpu.memory_space<vmem>>)
      tpu.yield
    }) : () -> ()
    %run_scoped3A_21 = arith.constant 10 : i32
    "tpu.region"() ({
      %run_scoped3A_94 = tpu.sem_alloc : memref<!tpu.dma_semaphore, #tpu.memory_space<semaphore_mem>>
      %dma_start3A = arith.constant 6400 : i32
      %dma_start3A_95 = tpu.memref_slice %arg10[%dma_start3A] : memref<10240xf32, #tpu.memory_space<vmem>> -> memref<640xf32, #tpu.memory_space<vmem>>
      %dma_start3A_96 = tpu.memref_slice %arg16[%run_scoped3A_21, %mul3A_0] : memref<16x10240xf32, #tpu.memory_space<vmem_shared>> -> memref<1x640xf32, #tpu.memory_space<vmem_shared>>
      %dma_start3A_97 = tpu.memref_squeeze %dma_start3A_96 : memref<1x640xf32, #tpu.memory_space<vmem_shared>> -> memref<640xf32, #tpu.memory_space<vmem_shared>>
      %dma_start3A_98 = arith.constant 6400 : i32
      %dma_start3A_99 = tpu.memref_slice %arg10[%dma_start3A_98] : memref<10240xf32, #tpu.memory_space<vmem>> -> memref<640xf32, #tpu.memory_space<vmem>>
      %dma_start3A_100 = tpu.memref_slice %arg16[%run_scoped3A_21, %mul3A_0] : memref<16x10240xf32, #tpu.memory_space<vmem_shared>> -> memref<1x640xf32, #tpu.memory_space<vmem_shared>>
      %dma_start3A_101 = tpu.memref_squeeze %dma_start3A_100 : memref<1x640xf32, #tpu.memory_space<vmem_shared>> -> memref<640xf32, #tpu.memory_space<vmem_shared>>
      tpu.enqueue_dma source(%dma_start3A_101 : memref<640xf32, #tpu.memory_space<vmem_shared>>) target(%dma_start3A_99 : memref<640xf32, #tpu.memory_space<vmem>>) target_semaphore(%run_scoped3A_94 : memref<!tpu.dma_semaphore, #tpu.memory_space<semaphore_mem>>)
      %dma_wait3A = arith.constant 6400 : i32
      %dma_wait3A_102 = tpu.memref_slice %arg10[%dma_wait3A] : memref<10240xf32, #tpu.memory_space<vmem>> -> memref<640xf32, #tpu.memory_space<vmem>>
      %dma_wait3A_103 = tpu.memref_slice %arg16[%run_scoped3A_21, %mul3A_0] : memref<16x10240xf32, #tpu.memory_space<vmem_shared>> -> memref<1x640xf32, #tpu.memory_space<vmem_shared>>
      %dma_wait3A_104 = tpu.memref_squeeze %dma_wait3A_103 : memref<1x640xf32, #tpu.memory_space<vmem_shared>> -> memref<640xf32, #tpu.memory_space<vmem_shared>>
      %dma_wait3A_105 = arith.constant 6400 : i32
      %dma_wait3A_106 = tpu.memref_slice %arg10[%dma_wait3A_105] : memref<10240xf32, #tpu.memory_space<vmem>> -> memref<640xf32, #tpu.memory_space<vmem>>
      %dma_wait3A_107 = tpu.memref_slice %arg16[%run_scoped3A_21, %mul3A_0] : memref<16x10240xf32, #tpu.memory_space<vmem_shared>> -> memref<1x640xf32, #tpu.memory_space<vmem_shared>>
      %dma_wait3A_108 = tpu.memref_squeeze %dma_wait3A_107 : memref<1x640xf32, #tpu.memory_space<vmem_shared>> -> memref<640xf32, #tpu.memory_space<vmem_shared>>
      tpu.wait_dma2 semaphore(%run_scoped3A_94 : memref<!tpu.dma_semaphore, #tpu.memory_space<semaphore_mem>>) src(%dma_wait3A_108 : memref<640xf32, #tpu.memory_space<vmem_shared>>) dst(%dma_wait3A_106 : memref<640xf32, #tpu.memory_space<vmem>>)
      tpu.yield
    }) : () -> ()
    %run_scoped3A_22 = arith.constant 11 : i32
    "tpu.region"() ({
      %run_scoped3A_94 = tpu.sem_alloc : memref<!tpu.dma_semaphore, #tpu.memory_space<semaphore_mem>>
      %dma_start3A = arith.constant 7040 : i32
      %dma_start3A_95 = tpu.memref_slice %arg10[%dma_start3A] : memref<10240xf32, #tpu.memory_space<vmem>> -> memref<640xf32, #tpu.memory_space<vmem>>
      %dma_start3A_96 = tpu.memref_slice %arg16[%run_scoped3A_22, %mul3A_0] : memref<16x10240xf32, #tpu.memory_space<vmem_shared>> -> memref<1x640xf32, #tpu.memory_space<vmem_shared>>
      %dma_start3A_97 = tpu.memref_squeeze %dma_start3A_96 : memref<1x640xf32, #tpu.memory_space<vmem_shared>> -> memref<640xf32, #tpu.memory_space<vmem_shared>>
      %dma_start3A_98 = arith.constant 7040 : i32
      %dma_start3A_99 = tpu.memref_slice %arg10[%dma_start3A_98] : memref<10240xf32, #tpu.memory_space<vmem>> -> memref<640xf32, #tpu.memory_space<vmem>>
      %dma_start3A_100 = tpu.memref_slice %arg16[%run_scoped3A_22, %mul3A_0] : memref<16x10240xf32, #tpu.memory_space<vmem_shared>> -> memref<1x640xf32, #tpu.memory_space<vmem_shared>>
      %dma_start3A_101 = tpu.memref_squeeze %dma_start3A_100 : memref<1x640xf32, #tpu.memory_space<vmem_shared>> -> memref<640xf32, #tpu.memory_space<vmem_shared>>
      tpu.enqueue_dma source(%dma_start3A_101 : memref<640xf32, #tpu.memory_space<vmem_shared>>) target(%dma_start3A_99 : memref<640xf32, #tpu.memory_space<vmem>>) target_semaphore(%run_scoped3A_94 : memref<!tpu.dma_semaphore, #tpu.memory_space<semaphore_mem>>)
      %dma_wait3A = arith.constant 7040 : i32
      %dma_wait3A_102 = tpu.memref_slice %arg10[%dma_wait3A] : memref<10240xf32, #tpu.memory_space<vmem>> -> memref<640xf32, #tpu.memory_space<vmem>>
      %dma_wait3A_103 = tpu.memref_slice %arg16[%run_scoped3A_22, %mul3A_0] : memref<16x10240xf32, #tpu.memory_space<vmem_shared>> -> memref<1x640xf32, #tpu.memory_space<vmem_shared>>
      %dma_wait3A_104 = tpu.memref_squeeze %dma_wait3A_103 : memref<1x640xf32, #tpu.memory_space<vmem_shared>> -> memref<640xf32, #tpu.memory_space<vmem_shared>>
      %dma_wait3A_105 = arith.constant 7040 : i32
      %dma_wait3A_106 = tpu.memref_slice %arg10[%dma_wait3A_105] : memref<10240xf32, #tpu.memory_space<vmem>> -> memref<640xf32, #tpu.memory_space<vmem>>
      %dma_wait3A_107 = tpu.memref_slice %arg16[%run_scoped3A_22, %mul3A_0] : memref<16x10240xf32, #tpu.memory_space<vmem_shared>> -> memref<1x640xf32, #tpu.memory_space<vmem_shared>>
      %dma_wait3A_108 = tpu.memref_squeeze %dma_wait3A_107 : memref<1x640xf32, #tpu.memory_space<vmem_shared>> -> memref<640xf32, #tpu.memory_space<vmem_shared>>
      tpu.wait_dma2 semaphore(%run_scoped3A_94 : memref<!tpu.dma_semaphore, #tpu.memory_space<semaphore_mem>>) src(%dma_wait3A_108 : memref<640xf32, #tpu.memory_space<vmem_shared>>) dst(%dma_wait3A_106 : memref<640xf32, #tpu.memory_space<vmem>>)
      tpu.yield
    }) : () -> ()
    %run_scoped3A_23 = arith.constant 12 : i32
    "tpu.region"() ({
      %run_scoped3A_94 = tpu.sem_alloc : memref<!tpu.dma_semaphore, #tpu.memory_space<semaphore_mem>>
      %dma_start3A = arith.constant 7680 : i32
      %dma_start3A_95 = tpu.memref_slice %arg10[%dma_start3A] : memref<10240xf32, #tpu.memory_space<vmem>> -> memref<640xf32, #tpu.memory_space<vmem>>
      %dma_start3A_96 = tpu.memref_slice %arg16[%run_scoped3A_23, %mul3A_0] : memref<16x10240xf32, #tpu.memory_space<vmem_shared>> -> memref<1x640xf32, #tpu.memory_space<vmem_shared>>
      %dma_start3A_97 = tpu.memref_squeeze %dma_start3A_96 : memref<1x640xf32, #tpu.memory_space<vmem_shared>> -> memref<640xf32, #tpu.memory_space<vmem_shared>>
      %dma_start3A_98 = arith.constant 7680 : i32
      %dma_start3A_99 = tpu.memref_slice %arg10[%dma_start3A_98] : memref<10240xf32, #tpu.memory_space<vmem>> -> memref<640xf32, #tpu.memory_space<vmem>>
      %dma_start3A_100 = tpu.memref_slice %arg16[%run_scoped3A_23, %mul3A_0] : memref<16x10240xf32, #tpu.memory_space<vmem_shared>> -> memref<1x640xf32, #tpu.memory_space<vmem_shared>>
      %dma_start3A_101 = tpu.memref_squeeze %dma_start3A_100 : memref<1x640xf32, #tpu.memory_space<vmem_shared>> -> memref<640xf32, #tpu.memory_space<vmem_shared>>
      tpu.enqueue_dma source(%dma_start3A_101 : memref<640xf32, #tpu.memory_space<vmem_shared>>) target(%dma_start3A_99 : memref<640xf32, #tpu.memory_space<vmem>>) target_semaphore(%run_scoped3A_94 : memref<!tpu.dma_semaphore, #tpu.memory_space<semaphore_mem>>)
      %dma_wait3A = arith.constant 7680 : i32
      %dma_wait3A_102 = tpu.memref_slice %arg10[%dma_wait3A] : memref<10240xf32, #tpu.memory_space<vmem>> -> memref<640xf32, #tpu.memory_space<vmem>>
      %dma_wait3A_103 = tpu.memref_slice %arg16[%run_scoped3A_23, %mul3A_0] : memref<16x10240xf32, #tpu.memory_space<vmem_shared>> -> memref<1x640xf32, #tpu.memory_space<vmem_shared>>
      %dma_wait3A_104 = tpu.memref_squeeze %dma_wait3A_103 : memref<1x640xf32, #tpu.memory_space<vmem_shared>> -> memref<640xf32, #tpu.memory_space<vmem_shared>>
      %dma_wait3A_105 = arith.constant 7680 : i32
      %dma_wait3A_106 = tpu.memref_slice %arg10[%dma_wait3A_105] : memref<10240xf32, #tpu.memory_space<vmem>> -> memref<640xf32, #tpu.memory_space<vmem>>
      %dma_wait3A_107 = tpu.memref_slice %arg16[%run_scoped3A_23, %mul3A_0] : memref<16x10240xf32, #tpu.memory_space<vmem_shared>> -> memref<1x640xf32, #tpu.memory_space<vmem_shared>>
      %dma_wait3A_108 = tpu.memref_squeeze %dma_wait3A_107 : memref<1x640xf32, #tpu.memory_space<vmem_shared>> -> memref<640xf32, #tpu.memory_space<vmem_shared>>
      tpu.wait_dma2 semaphore(%run_scoped3A_94 : memref<!tpu.dma_semaphore, #tpu.memory_space<semaphore_mem>>) src(%dma_wait3A_108 : memref<640xf32, #tpu.memory_space<vmem_shared>>) dst(%dma_wait3A_106 : memref<640xf32, #tpu.memory_space<vmem>>)
      tpu.yield
    }) : () -> ()
    %run_scoped3A_24 = arith.constant 13 : i32
    "tpu.region"() ({
      %run_scoped3A_94 = tpu.sem_alloc : memref<!tpu.dma_semaphore, #tpu.memory_space<semaphore_mem>>
      %dma_start3A = arith.constant 8320 : i32
      %dma_start3A_95 = tpu.memref_slice %arg10[%dma_start3A] : memref<10240xf32, #tpu.memory_space<vmem>> -> memref<640xf32, #tpu.memory_space<vmem>>
      %dma_start3A_96 = tpu.memref_slice %arg16[%run_scoped3A_24, %mul3A_0] : memref<16x10240xf32, #tpu.memory_space<vmem_shared>> -> memref<1x640xf32, #tpu.memory_space<vmem_shared>>
      %dma_start3A_97 = tpu.memref_squeeze %dma_start3A_96 : memref<1x640xf32, #tpu.memory_space<vmem_shared>> -> memref<640xf32, #tpu.memory_space<vmem_shared>>
      %dma_start3A_98 = arith.constant 8320 : i32
      %dma_start3A_99 = tpu.memref_slice %arg10[%dma_start3A_98] : memref<10240xf32, #tpu.memory_space<vmem>> -> memref<640xf32, #tpu.memory_space<vmem>>
      %dma_start3A_100 = tpu.memref_slice %arg16[%run_scoped3A_24, %mul3A_0] : memref<16x10240xf32, #tpu.memory_space<vmem_shared>> -> memref<1x640xf32, #tpu.memory_space<vmem_shared>>
      %dma_start3A_101 = tpu.memref_squeeze %dma_start3A_100 : memref<1x640xf32, #tpu.memory_space<vmem_shared>> -> memref<640xf32, #tpu.memory_space<vmem_shared>>
      tpu.enqueue_dma source(%dma_start3A_101 : memref<640xf32, #tpu.memory_space<vmem_shared>>) target(%dma_start3A_99 : memref<640xf32, #tpu.memory_space<vmem>>) target_semaphore(%run_scoped3A_94 : memref<!tpu.dma_semaphore, #tpu.memory_space<semaphore_mem>>)
      %dma_wait3A = arith.constant 8320 : i32
      %dma_wait3A_102 = tpu.memref_slice %arg10[%dma_wait3A] : memref<10240xf32, #tpu.memory_space<vmem>> -> memref<640xf32, #tpu.memory_space<vmem>>
      %dma_wait3A_103 = tpu.memref_slice %arg16[%run_scoped3A_24, %mul3A_0] : memref<16x10240xf32, #tpu.memory_space<vmem_shared>> -> memref<1x640xf32, #tpu.memory_space<vmem_shared>>
      %dma_wait3A_104 = tpu.memref_squeeze %dma_wait3A_103 : memref<1x640xf32, #tpu.memory_space<vmem_shared>> -> memref<640xf32, #tpu.memory_space<vmem_shared>>
      %dma_wait3A_105 = arith.constant 8320 : i32
      %dma_wait3A_106 = tpu.memref_slice %arg10[%dma_wait3A_105] : memref<10240xf32, #tpu.memory_space<vmem>> -> memref<640xf32, #tpu.memory_space<vmem>>
      %dma_wait3A_107 = tpu.memref_slice %arg16[%run_scoped3A_24, %mul3A_0] : memref<16x10240xf32, #tpu.memory_space<vmem_shared>> -> memref<1x640xf32, #tpu.memory_space<vmem_shared>>
      %dma_wait3A_108 = tpu.memref_squeeze %dma_wait3A_107 : memref<1x640xf32, #tpu.memory_space<vmem_shared>> -> memref<640xf32, #tpu.memory_space<vmem_shared>>
      tpu.wait_dma2 semaphore(%run_scoped3A_94 : memref<!tpu.dma_semaphore, #tpu.memory_space<semaphore_mem>>) src(%dma_wait3A_108 : memref<640xf32, #tpu.memory_space<vmem_shared>>) dst(%dma_wait3A_106 : memref<640xf32, #tpu.memory_space<vmem>>)
      tpu.yield
    }) : () -> ()
    %run_scoped3A_25 = arith.constant 14 : i32
    "tpu.region"() ({
      %run_scoped3A_94 = tpu.sem_alloc : memref<!tpu.dma_semaphore, #tpu.memory_space<semaphore_mem>>
      %dma_start3A = arith.constant 8960 : i32
      %dma_start3A_95 = tpu.memref_slice %arg10[%dma_start3A] : memref<10240xf32, #tpu.memory_space<vmem>> -> memref<640xf32, #tpu.memory_space<vmem>>
      %dma_start3A_96 = tpu.memref_slice %arg16[%run_scoped3A_25, %mul3A_0] : memref<16x10240xf32, #tpu.memory_space<vmem_shared>> -> memref<1x640xf32, #tpu.memory_space<vmem_shared>>
      %dma_start3A_97 = tpu.memref_squeeze %dma_start3A_96 : memref<1x640xf32, #tpu.memory_space<vmem_shared>> -> memref<640xf32, #tpu.memory_space<vmem_shared>>
      %dma_start3A_98 = arith.constant 8960 : i32
      %dma_start3A_99 = tpu.memref_slice %arg10[%dma_start3A_98] : memref<10240xf32, #tpu.memory_space<vmem>> -> memref<640xf32, #tpu.memory_space<vmem>>
      %dma_start3A_100 = tpu.memref_slice %arg16[%run_scoped3A_25, %mul3A_0] : memref<16x10240xf32, #tpu.memory_space<vmem_shared>> -> memref<1x640xf32, #tpu.memory_space<vmem_shared>>
      %dma_start3A_101 = tpu.memref_squeeze %dma_start3A_100 : memref<1x640xf32, #tpu.memory_space<vmem_shared>> -> memref<640xf32, #tpu.memory_space<vmem_shared>>
      tpu.enqueue_dma source(%dma_start3A_101 : memref<640xf32, #tpu.memory_space<vmem_shared>>) target(%dma_start3A_99 : memref<640xf32, #tpu.memory_space<vmem>>) target_semaphore(%run_scoped3A_94 : memref<!tpu.dma_semaphore, #tpu.memory_space<semaphore_mem>>)
      %dma_wait3A = arith.constant 8960 : i32
      %dma_wait3A_102 = tpu.memref_slice %arg10[%dma_wait3A] : memref<10240xf32, #tpu.memory_space<vmem>> -> memref<640xf32, #tpu.memory_space<vmem>>
      %dma_wait3A_103 = tpu.memref_slice %arg16[%run_scoped3A_25, %mul3A_0] : memref<16x10240xf32, #tpu.memory_space<vmem_shared>> -> memref<1x640xf32, #tpu.memory_space<vmem_shared>>
      %dma_wait3A_104 = tpu.memref_squeeze %dma_wait3A_103 : memref<1x640xf32, #tpu.memory_space<vmem_shared>> -> memref<640xf32, #tpu.memory_space<vmem_shared>>
      %dma_wait3A_105 = arith.constant 8960 : i32
      %dma_wait3A_106 = tpu.memref_slice %arg10[%dma_wait3A_105] : memref<10240xf32, #tpu.memory_space<vmem>> -> memref<640xf32, #tpu.memory_space<vmem>>
      %dma_wait3A_107 = tpu.memref_slice %arg16[%run_scoped3A_25, %mul3A_0] : memref<16x10240xf32, #tpu.memory_space<vmem_shared>> -> memref<1x640xf32, #tpu.memory_space<vmem_shared>>
      %dma_wait3A_108 = tpu.memref_squeeze %dma_wait3A_107 : memref<1x640xf32, #tpu.memory_space<vmem_shared>> -> memref<640xf32, #tpu.memory_space<vmem_shared>>
      tpu.wait_dma2 semaphore(%run_scoped3A_94 : memref<!tpu.dma_semaphore, #tpu.memory_space<semaphore_mem>>) src(%dma_wait3A_108 : memref<640xf32, #tpu.memory_space<vmem_shared>>) dst(%dma_wait3A_106 : memref<640xf32, #tpu.memory_space<vmem>>)
      tpu.yield
    }) : () -> ()
    %run_scoped3A_26 = arith.constant 15 : i32
    "tpu.region"() ({
      %run_scoped3A_94 = tpu.sem_alloc : memref<!tpu.dma_semaphore, #tpu.memory_space<semaphore_mem>>
      %dma_start3A = arith.constant 9600 : i32
      %dma_start3A_95 = tpu.memref_slice %arg10[%dma_start3A] : memref<10240xf32, #tpu.memory_space<vmem>> -> memref<640xf32, #tpu.memory_space<vmem>>
      %dma_start3A_96 = tpu.memref_slice %arg16[%run_scoped3A_26, %mul3A_0] : memref<16x10240xf32, #tpu.memory_space<vmem_shared>> -> memref<1x640xf32, #tpu.memory_space<vmem_shared>>
      %dma_start3A_97 = tpu.memref_squeeze %dma_start3A_96 : memref<1x640xf32, #tpu.memory_space<vmem_shared>> -> memref<640xf32, #tpu.memory_space<vmem_shared>>
      %dma_start3A_98 = arith.constant 9600 : i32
      %dma_start3A_99 = tpu.memref_slice %arg10[%dma_start3A_98] : memref<10240xf32, #tpu.memory_space<vmem>> -> memref<640xf32, #tpu.memory_space<vmem>>
      %dma_start3A_100 = tpu.memref_slice %arg16[%run_scoped3A_26, %mul3A_0] : memref<16x10240xf32, #tpu.memory_space<vmem_shared>> -> memref<1x640xf32, #tpu.memory_space<vmem_shared>>
      %dma_start3A_101 = tpu.memref_squeeze %dma_start3A_100 : memref<1x640xf32, #tpu.memory_space<vmem_shared>> -> memref<640xf32, #tpu.memory_space<vmem_shared>>
      tpu.enqueue_dma source(%dma_start3A_101 : memref<640xf32, #tpu.memory_space<vmem_shared>>) target(%dma_start3A_99 : memref<640xf32, #tpu.memory_space<vmem>>) target_semaphore(%run_scoped3A_94 : memref<!tpu.dma_semaphore, #tpu.memory_space<semaphore_mem>>)
      %dma_wait3A = arith.constant 9600 : i32
      %dma_wait3A_102 = tpu.memref_slice %arg10[%dma_wait3A] : memref<10240xf32, #tpu.memory_space<vmem>> -> memref<640xf32, #tpu.memory_space<vmem>>
      %dma_wait3A_103 = tpu.memref_slice %arg16[%run_scoped3A_26, %mul3A_0] : memref<16x10240xf32, #tpu.memory_space<vmem_shared>> -> memref<1x640xf32, #tpu.memory_space<vmem_shared>>
      %dma_wait3A_104 = tpu.memref_squeeze %dma_wait3A_103 : memref<1x640xf32, #tpu.memory_space<vmem_shared>> -> memref<640xf32, #tpu.memory_space<vmem_shared>>
      %dma_wait3A_105 = arith.constant 9600 : i32
      %dma_wait3A_106 = tpu.memref_slice %arg10[%dma_wait3A_105] : memref<10240xf32, #tpu.memory_space<vmem>> -> memref<640xf32, #tpu.memory_space<vmem>>
      %dma_wait3A_107 = tpu.memref_slice %arg16[%run_scoped3A_26, %mul3A_0] : memref<16x10240xf32, #tpu.memory_space<vmem_shared>> -> memref<1x640xf32, #tpu.memory_space<vmem_shared>>
      %dma_wait3A_108 = tpu.memref_squeeze %dma_wait3A_107 : memref<1x640xf32, #tpu.memory_space<vmem_shared>> -> memref<640xf32, #tpu.memory_space<vmem_shared>>
      tpu.wait_dma2 semaphore(%run_scoped3A_94 : memref<!tpu.dma_semaphore, #tpu.memory_space<semaphore_mem>>) src(%dma_wait3A_108 : memref<640xf32, #tpu.memory_space<vmem_shared>>) dst(%dma_wait3A_106 : memref<640xf32, #tpu.memory_space<vmem>>)
      tpu.yield
    }) : () -> ()
    %parallel_loop3A_27 = arith.constant 0 : i32
    %parallel_loop3A_28 = arith.constant 40 : i32
    %parallel_loop3A_29 = arith.constant 1 : i32
    scf.for %parallel_loop3A_94 = %parallel_loop3A_27 to %parallel_loop3A_28 step %parallel_loop3A_29  : i32 {
      %parallel_loop3A_95 = arith.constant 16 : i32
      %parallel_loop3A_96 = arith.muli %parallel_loop3A_94, %parallel_loop3A_95 : i32
      %parallel_loop3A_97 = arith.constant 16 : i32
      %parallel_loop3A_98 = arith.muli %parallel_loop3A_94, %parallel_loop3A_97 : i32
      %parallel_loop3A_99 = arith.index_cast %parallel_loop3A_98 : i32 to index
      %parallel_loop3A_100 = tpu.vector_load %arg10[%parallel_loop3A_99] {strides = array<i32>} : memref<10240xf32, #tpu.memory_space<vmem>>, vector<16xf32>,
      %parallel_loop3A_101 = arith.constant 16 : i32
      %parallel_loop3A_102 = arith.muli %parallel_loop3A_94, %parallel_loop3A_101 : i32
      %parallel_loop3A_103 = arith.constant 640 : i32
      %parallel_loop3A_104 = arith.addi %parallel_loop3A_103, %parallel_loop3A_102 : i32
      %parallel_loop3A_105 = arith.index_cast %parallel_loop3A_104 : i32 to index
      %parallel_loop3A_106 = tpu.vector_load %arg10[%parallel_loop3A_105] {strides = array<i32>} : memref<10240xf32, #tpu.memory_space<vmem>>, vector<16xf32>,
      %parallel_loop3A_107 = arith.addf %parallel_loop3A_100, %parallel_loop3A_106 : vector<16xf32>
      %parallel_loop3A_108 = arith.constant 16 : i32
      %parallel_loop3A_109 = arith.muli %parallel_loop3A_94, %parallel_loop3A_108 : i32
      %parallel_loop3A_110 = arith.constant 1280 : i32
      %parallel_loop3A_111 = arith.addi %parallel_loop3A_110, %parallel_loop3A_109 : i32
      %parallel_loop3A_112 = arith.index_cast %parallel_loop3A_111 : i32 to index
      %parallel_loop3A_113 = tpu.vector_load %arg10[%parallel_loop3A_112] {strides = array<i32>} : memref<10240xf32, #tpu.memory_space<vmem>>, vector<16xf32>,
      %parallel_loop3A_114 = arith.addf %parallel_loop3A_107, %parallel_loop3A_113 : vector<16xf32>
      %parallel_loop3A_115 = arith.constant 16 : i32
      %parallel_loop3A_116 = arith.muli %parallel_loop3A_94, %parallel_loop3A_115 : i32
      %parallel_loop3A_117 = arith.constant 1920 : i32
      %parallel_loop3A_118 = arith.addi %parallel_loop3A_117, %parallel_loop3A_116 : i32
      %parallel_loop3A_119 = arith.index_cast %parallel_loop3A_118 : i32 to index
      %parallel_loop3A_120 = tpu.vector_load %arg10[%parallel_loop3A_119] {strides = array<i32>} : memref<10240xf32, #tpu.memory_space<vmem>>, vector<16xf32>,
      %parallel_loop3A_121 = arith.addf %parallel_loop3A_114, %parallel_loop3A_120 : vector<16xf32>
      %parallel_loop3A_122 = arith.constant 16 : i32
      %parallel_loop3A_123 = arith.muli %parallel_loop3A_94, %parallel_loop3A_122 : i32
      %parallel_loop3A_124 = arith.constant 2560 : i32
      %parallel_loop3A_125 = arith.addi %parallel_loop3A_124, %parallel_loop3A_123 : i32
      %parallel_loop3A_126 = arith.index_cast %parallel_loop3A_125 : i32 to index
      %parallel_loop3A_127 = tpu.vector_load %arg10[%parallel_loop3A_126] {strides = array<i32>} : memref<10240xf32, #tpu.memory_space<vmem>>, vector<16xf32>,
      %parallel_loop3A_128 = arith.addf %parallel_loop3A_121, %parallel_loop3A_127 : vector<16xf32>
      %parallel_loop3A_129 = arith.constant 16 : i32
      %parallel_loop3A_130 = arith.muli %parallel_loop3A_94, %parallel_loop3A_129 : i32
      %parallel_loop3A_131 = arith.constant 3200 : i32
      %parallel_loop3A_132 = arith.addi %parallel_loop3A_131, %parallel_loop3A_130 : i32
      %parallel_loop3A_133 = arith.index_cast %parallel_loop3A_132 : i32 to index
      %parallel_loop3A_134 = tpu.vector_load %arg10[%parallel_loop3A_133] {strides = array<i32>} : memref<10240xf32, #tpu.memory_space<vmem>>, vector<16xf32>,
      %parallel_loop3A_135 = arith.addf %parallel_loop3A_128, %parallel_loop3A_134 : vector<16xf32>
      %parallel_loop3A_136 = arith.constant 16 : i32
      %parallel_loop3A_137 = arith.muli %parallel_loop3A_94, %parallel_loop3A_136 : i32
      %parallel_loop3A_138 = arith.constant 3840 : i32
      %parallel_loop3A_139 = arith.addi %parallel_loop3A_138, %parallel_loop3A_137 : i32
      %parallel_loop3A_140 = arith.index_cast %parallel_loop3A_139 : i32 to index
      %parallel_loop3A_141 = tpu.vector_load %arg10[%parallel_loop3A_140] {strides = array<i32>} : memref<10240xf32, #tpu.memory_space<vmem>>, vector<16xf32>,
      %parallel_loop3A_142 = arith.addf %parallel_loop3A_135, %parallel_loop3A_141 : vector<16xf32>
      %parallel_loop3A_143 = arith.constant 16 : i32
      %parallel_loop3A_144 = arith.muli %parallel_loop3A_94, %parallel_loop3A_143 : i32
      %parallel_loop3A_145 = arith.constant 4480 : i32
      %parallel_loop3A_146 = arith.addi %parallel_loop3A_145, %parallel_loop3A_144 : i32
      %parallel_loop3A_147 = arith.index_cast %parallel_loop3A_146 : i32 to index
      %parallel_loop3A_148 = tpu.vector_load %arg10[%parallel_loop3A_147] {strides = array<i32>} : memref<10240xf32, #tpu.memory_space<vmem>>, vector<16xf32>,
      %parallel_loop3A_149 = arith.addf %parallel_loop3A_142, %parallel_loop3A_148 : vector<16xf32>
      %parallel_loop3A_150 = arith.constant 16 : i32
      %parallel_loop3A_151 = arith.muli %parallel_loop3A_94, %parallel_loop3A_150 : i32
      %parallel_loop3A_152 = arith.constant 5120 : i32
      %parallel_loop3A_153 = arith.addi %parallel_loop3A_152, %parallel_loop3A_151 : i32
      %parallel_loop3A_154 = arith.index_cast %parallel_loop3A_153 : i32 to index
      %parallel_loop3A_155 = tpu.vector_load %arg10[%parallel_loop3A_154] {strides = array<i32>} : memref<10240xf32, #tpu.memory_space<vmem>>, vector<16xf32>,
      %parallel_loop3A_156 = arith.addf %parallel_loop3A_149, %parallel_loop3A_155 : vector<16xf32>
      %parallel_loop3A_157 = arith.constant 16 : i32
      %parallel_loop3A_158 = arith.muli %parallel_loop3A_94, %parallel_loop3A_157 : i32
      %parallel_loop3A_159 = arith.constant 5760 : i32
      %parallel_loop3A_160 = arith.addi %parallel_loop3A_159, %parallel_loop3A_158 : i32
      %parallel_loop3A_161 = arith.index_cast %parallel_loop3A_160 : i32 to index
      %parallel_loop3A_162 = tpu.vector_load %arg10[%parallel_loop3A_161] {strides = array<i32>} : memref<10240xf32, #tpu.memory_space<vmem>>, vector<16xf32>,
      %parallel_loop3A_163 = arith.addf %parallel_loop3A_156, %parallel_loop3A_162 : vector<16xf32>
      %parallel_loop3A_164 = arith.constant 16 : i32
      %parallel_loop3A_165 = arith.muli %parallel_loop3A_94, %parallel_loop3A_164 : i32
      %parallel_loop3A_166 = arith.constant 6400 : i32
      %parallel_loop3A_167 = arith.addi %parallel_loop3A_166, %parallel_loop3A_165 : i32
      %parallel_loop3A_168 = arith.index_cast %parallel_loop3A_167 : i32 to index
      %parallel_loop3A_169 = tpu.vector_load %arg10[%parallel_loop3A_168] {strides = array<i32>} : memref<10240xf32, #tpu.memory_space<vmem>>, vector<16xf32>,
      %parallel_loop3A_170 = arith.addf %parallel_loop3A_163, %parallel_loop3A_169 : vector<16xf32>
      %parallel_loop3A_171 = arith.constant 16 : i32
      %parallel_loop3A_172 = arith.muli %parallel_loop3A_94, %parallel_loop3A_171 : i32
      %parallel_loop3A_173 = arith.constant 7040 : i32
      %parallel_loop3A_174 = arith.addi %parallel_loop3A_173, %parallel_loop3A_172 : i32
      %parallel_loop3A_175 = arith.index_cast %parallel_loop3A_174 : i32 to index
      %parallel_loop3A_176 = tpu.vector_load %arg10[%parallel_loop3A_175] {strides = array<i32>} : memref<10240xf32, #tpu.memory_space<vmem>>, vector<16xf32>,
      %parallel_loop3A_177 = arith.addf %parallel_loop3A_170, %parallel_loop3A_176 : vector<16xf32>
      %parallel_loop3A_178 = arith.constant 16 : i32
      %parallel_loop3A_179 = arith.muli %parallel_loop3A_94, %parallel_loop3A_178 : i32
      %parallel_loop3A_180 = arith.constant 7680 : i32
      %parallel_loop3A_181 = arith.addi %parallel_loop3A_180, %parallel_loop3A_179 : i32
      %parallel_loop3A_182 = arith.index_cast %parallel_loop3A_181 : i32 to index
      %parallel_loop3A_183 = tpu.vector_load %arg10[%parallel_loop3A_182] {strides = array<i32>} : memref<10240xf32, #tpu.memory_space<vmem>>, vector<16xf32>,
      %parallel_loop3A_184 = arith.addf %parallel_loop3A_177, %parallel_loop3A_183 : vector<16xf32>
      %parallel_loop3A_185 = arith.constant 16 : i32
      %parallel_loop3A_186 = arith.muli %parallel_loop3A_94, %parallel_loop3A_185 : i32
      %parallel_loop3A_187 = arith.constant 8320 : i32
      %parallel_loop3A_188 = arith.addi %parallel_loop3A_187, %parallel_loop3A_186 : i32
      %parallel_loop3A_189 = arith.index_cast %parallel_loop3A_188 : i32 to index
      %parallel_loop3A_190 = tpu.vector_load %arg10[%parallel_loop3A_189] {strides = array<i32>} : memref<10240xf32, #tpu.memory_space<vmem>>, vector<16xf32>,
      %parallel_loop3A_191 = arith.addf %parallel_loop3A_184, %parallel_loop3A_190 : vector<16xf32>
      %parallel_loop3A_192 = arith.constant 16 : i32
      %parallel_loop3A_193 = arith.muli %parallel_loop3A_94, %parallel_loop3A_192 : i32
      %parallel_loop3A_194 = arith.constant 8960 : i32
      %parallel_loop3A_195 = arith.addi %parallel_loop3A_194, %parallel_loop3A_193 : i32
      %parallel_loop3A_196 = arith.index_cast %parallel_loop3A_195 : i32 to index
      %parallel_loop3A_197 = tpu.vector_load %arg10[%parallel_loop3A_196] {strides = array<i32>} : memref<10240xf32, #tpu.memory_space<vmem>>, vector<16xf32>,
      %parallel_loop3A_198 = arith.addf %parallel_loop3A_191, %parallel_loop3A_197 : vector<16xf32>
      %parallel_loop3A_199 = arith.constant 16 : i32
      %parallel_loop3A_200 = arith.muli %parallel_loop3A_94, %parallel_loop3A_199 : i32
      %parallel_loop3A_201 = arith.constant 9600 : i32
      %parallel_loop3A_202 = arith.addi %parallel_loop3A_201, %parallel_loop3A_200 : i32
      %parallel_loop3A_203 = arith.index_cast %parallel_loop3A_202 : i32 to index
      %parallel_loop3A_204 = tpu.vector_load %arg10[%parallel_loop3A_203] {strides = array<i32>} : memref<10240xf32, #tpu.memory_space<vmem>>, vector<16xf32>,
      %parallel_loop3A_205 = arith.addf %parallel_loop3A_198, %parallel_loop3A_204 : vector<16xf32>
      %parallel_loop3A_206 = arith.constant 1.000000e+00 : f32
      %parallel_loop3A_207 = vector.broadcast %parallel_loop3A_206 : f32 to vector<16xf32>
      %parallel_loop3A_208 = arith.addf %parallel_loop3A_205, %parallel_loop3A_207 : vector<16xf32>
      %parallel_loop3A_209 = vector.bitcast %parallel_loop3A_208 : vector<16xf32> to vector<16xi32>
      %parallel_loop3A_210 = arith.constant 1 : i32
      %parallel_loop3A_211 = vector.broadcast %parallel_loop3A_210 : i32 to vector<16xi32>
      %parallel_loop3A_212 = arith.shrsi %parallel_loop3A_209, %parallel_loop3A_211 : vector<16xi32>
      %parallel_loop3A_213 = arith.constant 1597463007 : i32
      %parallel_loop3A_214 = vector.broadcast %parallel_loop3A_213 : i32 to vector<16xi32>
      %parallel_loop3A_215 = arith.subi %parallel_loop3A_214, %parallel_loop3A_212 : vector<16xi32>
      %parallel_loop3A_216 = vector.bitcast %parallel_loop3A_215 : vector<16xi32> to vector<16xf32>
      %parallel_loop3A_217 = arith.constant 5.000000e-01 : f32
      %parallel_loop3A_218 = vector.broadcast %parallel_loop3A_217 : f32 to vector<16xf32>
      %parallel_loop3A_219 = arith.mulf %parallel_loop3A_218, %parallel_loop3A_208 : vector<16xf32>
      %parallel_loop3A_220 = arith.mulf %parallel_loop3A_219, %parallel_loop3A_216 : vector<16xf32>
      %parallel_loop3A_221 = arith.mulf %parallel_loop3A_220, %parallel_loop3A_216 : vector<16xf32>
      %parallel_loop3A_222 = arith.constant 1.500000e+00 : f32
      %parallel_loop3A_223 = vector.broadcast %parallel_loop3A_222 : f32 to vector<16xf32>
      %parallel_loop3A_224 = arith.subf %parallel_loop3A_223, %parallel_loop3A_221 : vector<16xf32>
      %parallel_loop3A_225 = arith.mulf %parallel_loop3A_216, %parallel_loop3A_224 : vector<16xf32>
      %parallel_loop3A_226 = arith.constant 5.000000e-01 : f32
      %parallel_loop3A_227 = vector.broadcast %parallel_loop3A_226 : f32 to vector<16xf32>
      %parallel_loop3A_228 = arith.mulf %parallel_loop3A_227, %parallel_loop3A_208 : vector<16xf32>
      %parallel_loop3A_229 = arith.mulf %parallel_loop3A_228, %parallel_loop3A_225 : vector<16xf32>
      %parallel_loop3A_230 = arith.mulf %parallel_loop3A_229, %parallel_loop3A_225 : vector<16xf32>
      %parallel_loop3A_231 = arith.constant 1.500000e+00 : f32
      %parallel_loop3A_232 = vector.broadcast %parallel_loop3A_231 : f32 to vector<16xf32>
      %parallel_loop3A_233 = arith.subf %parallel_loop3A_232, %parallel_loop3A_230 : vector<16xf32>
      %parallel_loop3A_234 = arith.mulf %parallel_loop3A_225, %parallel_loop3A_233 : vector<16xf32>
      %parallel_loop3A_235 = arith.constant 5.000000e-01 : f32
      %parallel_loop3A_236 = vector.broadcast %parallel_loop3A_235 : f32 to vector<16xf32>
      %parallel_loop3A_237 = arith.mulf %parallel_loop3A_236, %parallel_loop3A_208 : vector<16xf32>
      %parallel_loop3A_238 = arith.mulf %parallel_loop3A_237, %parallel_loop3A_234 : vector<16xf32>
      %parallel_loop3A_239 = arith.mulf %parallel_loop3A_238, %parallel_loop3A_234 : vector<16xf32>
      %parallel_loop3A_240 = arith.constant 1.500000e+00 : f32
      %parallel_loop3A_241 = vector.broadcast %parallel_loop3A_240 : f32 to vector<16xf32>
      %parallel_loop3A_242 = arith.subf %parallel_loop3A_241, %parallel_loop3A_239 : vector<16xf32>
      %parallel_loop3A_243 = arith.mulf %parallel_loop3A_234, %parallel_loop3A_242 : vector<16xf32>
      %parallel_loop3A_244 = arith.index_cast %parallel_loop3A_96 : i32 to index
      %parallel_loop3A_245 = tpu.vector_load %arg13[%parallel_loop3A_244] {strides = array<i32>} : memref<640xf32, #tpu.memory_space<vmem>>, vector<16xf32>,
      tpu.vector_store %arg13[%parallel_loop3A_244], %parallel_loop3A_243 {strides = array<i32>} : memref<640xf32, #tpu.memory_space<vmem>>, vector<16xf32>,
      %parallel_loop3A_246 = arith.index_cast %parallel_loop3A_96 : i32 to index
      %parallel_loop3A_247 = tpu.vector_load %arg11[%parallel_loop3A_246] {strides = array<i32>} : memref<640xf32, #tpu.memory_space<vmem>>, vector<16xf32>,
      %parallel_loop3A_248 = arith.mulf %parallel_loop3A_243, %parallel_loop3A_247 : vector<16xf32>
      %parallel_loop3A_249 = arith.index_cast %parallel_loop3A_96 : i32 to index
      %parallel_loop3A_250 = tpu.vector_load %arg12[%parallel_loop3A_249] {strides = array<i32>} : memref<640xf32, #tpu.memory_space<vmem>>, vector<16xf32>,
      tpu.vector_store %arg12[%parallel_loop3A_249], %parallel_loop3A_248 {strides = array<i32>} : memref<640xf32, #tpu.memory_space<vmem>>, vector<16xf32>,
    } {sc.loop_unroll_factor = 4 : i64, sc.parallel_access}
    "tpu.region"() ({
      %run_scoped3A_94 = tpu.sem_alloc : memref<!tpu.dma_semaphore, #tpu.memory_space<semaphore_mem>>
      %dma_start3A = tpu.memref_slice %arg17[%mul3A_0] : memref<10240xf32, #tpu.memory_space<vmem_shared>> -> memref<640xf32, #tpu.memory_space<vmem_shared>>
      %dma_start3A_95 = tpu.memref_slice %arg17[%mul3A_0] : memref<10240xf32, #tpu.memory_space<vmem_shared>> -> memref<640xf32, #tpu.memory_space<vmem_shared>>
      tpu.enqueue_dma source(%arg12 : memref<640xf32, #tpu.memory_space<vmem>>) target(%dma_start3A_95 : memref<640xf32, #tpu.memory_space<vmem_shared>>) target_semaphore(%run_scoped3A_94 : memref<!tpu.dma_semaphore, #tpu.memory_space<semaphore_mem>>)
      %dma_wait3A = tpu.memref_slice %arg17[%mul3A_0] : memref<10240xf32, #tpu.memory_space<vmem_shared>> -> memref<640xf32, #tpu.memory_space<vmem_shared>>
      %dma_wait3A_96 = tpu.memref_slice %arg17[%mul3A_0] : memref<10240xf32, #tpu.memory_space<vmem_shared>> -> memref<640xf32, #tpu.memory_space<vmem_shared>>
      tpu.wait_dma2 semaphore(%run_scoped3A_94 : memref<!tpu.dma_semaphore, #tpu.memory_space<semaphore_mem>>) src(%arg12 : memref<640xf32, #tpu.memory_space<vmem>>) dst(%dma_wait3A_96 : memref<640xf32, #tpu.memory_space<vmem_shared>>)
      tpu.yield
    }) : () -> ()
    %barrier3A_30 = arith.constant 0 : index
    tpu.barrier barrier_id(%barrier3A_30)
    "tpu.region"() ({
      %run_scoped3A_94 = tpu.sem_alloc : memref<!tpu.dma_semaphore, #tpu.memory_space<semaphore_mem>>
      tpu.enqueue_dma source(%arg17 : memref<10240xf32, #tpu.memory_space<vmem_shared>>) target(%arg8 : memref<10240xf32, #tpu.memory_space<vmem>>) target_semaphore(%run_scoped3A_94 : memref<!tpu.dma_semaphore, #tpu.memory_space<semaphore_mem>>)
      tpu.wait_dma2 semaphore(%run_scoped3A_94 : memref<!tpu.dma_semaphore, #tpu.memory_space<semaphore_mem>>) src(%arg17 : memref<10240xf32, #tpu.memory_space<vmem_shared>>) dst(%arg8 : memref<10240xf32, #tpu.memory_space<vmem>>)
      tpu.yield
    }) : () -> ()
    %parallel_loop3A_31 = arith.constant 0 : i32
    %parallel_loop3A_32 = arith.constant 10240 : i32
    %parallel_loop3A_33 = arith.constant 16 : i32
    scf.for %parallel_loop3A_94 = %parallel_loop3A_31 to %parallel_loop3A_32 step %parallel_loop3A_33  : i32 {
      %parallel_loop3A_95 = arith.index_cast %parallel_loop3A_94 : i32 to index
      %parallel_loop3A_96 = tpu.vector_load %arg9[%parallel_loop3A_95] {strides = array<i32>} : memref<10240xf32, #tpu.memory_space<vmem>>, vector<16xf32>,
      tpu.vector_store %arg9[%parallel_loop3A_95], %broadcast_in_dim3A_3 {strides = array<i32>} : memref<10240xf32, #tpu.memory_space<vmem>>, vector<16xf32>,
    } {sc.loop_unroll_factor = 8 : i64, sc.parallel_access}
    %parallel_loop3A_34 = arith.constant 0 : i32
    %parallel_loop3A_35 = arith.constant 20000 : i32
    %parallel_loop3A_36 = arith.constant 16 : i32
    scf.for %parallel_loop3A_94 = %parallel_loop3A_34 to %parallel_loop3A_35 step %parallel_loop3A_36  : i32 {
      %parallel_loop3A_95 = arith.index_cast %parallel_loop3A_94 : i32 to index
      %parallel_loop3A_96 = tpu.vector_load %arg6[%parallel_loop3A_95] {strides = array<i32>} : memref<20000xi32, #tpu.memory_space<vmem>>, vector<16xi32>,
      %parallel_loop3A_97 = arith.index_cast %parallel_loop3A_94 : i32 to index
      %parallel_loop3A_98 = tpu.vector_load %arg7[%parallel_loop3A_97] {strides = array<i32>} : memref<20000xi32, #tpu.memory_space<vmem>>, vector<16xi32>,
      %parallel_loop3A_99 = tpu.vector_load_idx %arg8[%parallel_loop3A_96] : memref<10240xf32, #tpu.memory_space<vmem>>[vector<16xi32>], vector<16xf32>,
      tpu.vector_store_idx %arg9[%parallel_loop3A_98], %parallel_loop3A_99 {add = true} : memref<10240xf32, #tpu.memory_space<vmem>>[vector<16xi32>], vector<16xf32>,
    } {sc.loop_unroll_factor = 8 : i64, sc.parallel_access}
    "tpu.region"() ({
      %run_scoped3A_94 = tpu.sem_alloc : memref<!tpu.dma_semaphore, #tpu.memory_space<semaphore_mem>>
      %dma_start3A = arith.constant 0 : i32
      %dma_start3A_95 = tpu.memref_slice %arg16[%arg1, %dma_start3A] : memref<16x10240xf32, #tpu.memory_space<vmem_shared>> -> memref<1x10240xf32, #tpu.memory_space<vmem_shared>>
      %dma_start3A_96 = tpu.memref_squeeze %dma_start3A_95 : memref<1x10240xf32, #tpu.memory_space<vmem_shared>> -> memref<10240xf32, #tpu.memory_space<vmem_shared>>
      %dma_start3A_97 = arith.constant 0 : i32
      %dma_start3A_98 = tpu.memref_slice %arg16[%arg1, %dma_start3A_97] : memref<16x10240xf32, #tpu.memory_space<vmem_shared>> -> memref<1x10240xf32, #tpu.memory_space<vmem_shared>>
      %dma_start3A_99 = tpu.memref_squeeze %dma_start3A_98 : memref<1x10240xf32, #tpu.memory_space<vmem_shared>> -> memref<10240xf32, #tpu.memory_space<vmem_shared>>
      tpu.enqueue_dma source(%arg9 : memref<10240xf32, #tpu.memory_space<vmem>>) target(%dma_start3A_99 : memref<10240xf32, #tpu.memory_space<vmem_shared>>) target_semaphore(%run_scoped3A_94 : memref<!tpu.dma_semaphore, #tpu.memory_space<semaphore_mem>>)
      %dma_wait3A = arith.constant 0 : i32
      %dma_wait3A_100 = tpu.memref_slice %arg16[%arg1, %dma_wait3A] : memref<16x10240xf32, #tpu.memory_space<vmem_shared>> -> memref<1x10240xf32, #tpu.memory_space<vmem_shared>>
      %dma_wait3A_101 = tpu.memref_squeeze %dma_wait3A_100 : memref<1x10240xf32, #tpu.memory_space<vmem_shared>> -> memref<10240xf32, #tpu.memory_space<vmem_shared>>
      %dma_wait3A_102 = arith.constant 0 : i32
      %dma_wait3A_103 = tpu.memref_slice %arg16[%arg1, %dma_wait3A_102] : memref<16x10240xf32, #tpu.memory_space<vmem_shared>> -> memref<1x10240xf32, #tpu.memory_space<vmem_shared>>
      %dma_wait3A_104 = tpu.memref_squeeze %dma_wait3A_103 : memref<1x10240xf32, #tpu.memory_space<vmem_shared>> -> memref<10240xf32, #tpu.memory_space<vmem_shared>>
      tpu.wait_dma2 semaphore(%run_scoped3A_94 : memref<!tpu.dma_semaphore, #tpu.memory_space<semaphore_mem>>) src(%arg9 : memref<10240xf32, #tpu.memory_space<vmem>>) dst(%dma_wait3A_104 : memref<10240xf32, #tpu.memory_space<vmem_shared>>)
      tpu.yield
    }) : () -> ()
    %barrier3A_37 = arith.constant 0 : index
    tpu.barrier barrier_id(%barrier3A_37)
    %run_scoped3A_38 = arith.constant 0 : i32
    "tpu.region"() ({
      %run_scoped3A_94 = tpu.sem_alloc : memref<!tpu.dma_semaphore, #tpu.memory_space<semaphore_mem>>
      %dma_start3A = arith.constant 0 : i32
      %dma_start3A_95 = tpu.memref_slice %arg10[%dma_start3A] : memref<10240xf32, #tpu.memory_space<vmem>> -> memref<640xf32, #tpu.memory_space<vmem>>
      %dma_start3A_96 = tpu.memref_slice %arg16[%run_scoped3A_38, %mul3A_0] : memref<16x10240xf32, #tpu.memory_space<vmem_shared>> -> memref<1x640xf32, #tpu.memory_space<vmem_shared>>
      %dma_start3A_97 = tpu.memref_squeeze %dma_start3A_96 : memref<1x640xf32, #tpu.memory_space<vmem_shared>> -> memref<640xf32, #tpu.memory_space<vmem_shared>>
      %dma_start3A_98 = arith.constant 0 : i32
      %dma_start3A_99 = tpu.memref_slice %arg10[%dma_start3A_98] : memref<10240xf32, #tpu.memory_space<vmem>> -> memref<640xf32, #tpu.memory_space<vmem>>
      %dma_start3A_100 = tpu.memref_slice %arg16[%run_scoped3A_38, %mul3A_0] : memref<16x10240xf32, #tpu.memory_space<vmem_shared>> -> memref<1x640xf32, #tpu.memory_space<vmem_shared>>
      %dma_start3A_101 = tpu.memref_squeeze %dma_start3A_100 : memref<1x640xf32, #tpu.memory_space<vmem_shared>> -> memref<640xf32, #tpu.memory_space<vmem_shared>>
      tpu.enqueue_dma source(%dma_start3A_101 : memref<640xf32, #tpu.memory_space<vmem_shared>>) target(%dma_start3A_99 : memref<640xf32, #tpu.memory_space<vmem>>) target_semaphore(%run_scoped3A_94 : memref<!tpu.dma_semaphore, #tpu.memory_space<semaphore_mem>>)
      %dma_wait3A = arith.constant 0 : i32
      %dma_wait3A_102 = tpu.memref_slice %arg10[%dma_wait3A] : memref<10240xf32, #tpu.memory_space<vmem>> -> memref<640xf32, #tpu.memory_space<vmem>>
      %dma_wait3A_103 = tpu.memref_slice %arg16[%run_scoped3A_38, %mul3A_0] : memref<16x10240xf32, #tpu.memory_space<vmem_shared>> -> memref<1x640xf32, #tpu.memory_space<vmem_shared>>
      %dma_wait3A_104 = tpu.memref_squeeze %dma_wait3A_103 : memref<1x640xf32, #tpu.memory_space<vmem_shared>> -> memref<640xf32, #tpu.memory_space<vmem_shared>>
      %dma_wait3A_105 = arith.constant 0 : i32
      %dma_wait3A_106 = tpu.memref_slice %arg10[%dma_wait3A_105] : memref<10240xf32, #tpu.memory_space<vmem>> -> memref<640xf32, #tpu.memory_space<vmem>>
      %dma_wait3A_107 = tpu.memref_slice %arg16[%run_scoped3A_38, %mul3A_0] : memref<16x10240xf32, #tpu.memory_space<vmem_shared>> -> memref<1x640xf32, #tpu.memory_space<vmem_shared>>
      %dma_wait3A_108 = tpu.memref_squeeze %dma_wait3A_107 : memref<1x640xf32, #tpu.memory_space<vmem_shared>> -> memref<640xf32, #tpu.memory_space<vmem_shared>>
      tpu.wait_dma2 semaphore(%run_scoped3A_94 : memref<!tpu.dma_semaphore, #tpu.memory_space<semaphore_mem>>) src(%dma_wait3A_108 : memref<640xf32, #tpu.memory_space<vmem_shared>>) dst(%dma_wait3A_106 : memref<640xf32, #tpu.memory_space<vmem>>)
      tpu.yield
    }) : () -> ()
    %run_scoped3A_39 = arith.constant 1 : i32
    "tpu.region"() ({
      %run_scoped3A_94 = tpu.sem_alloc : memref<!tpu.dma_semaphore, #tpu.memory_space<semaphore_mem>>
      %dma_start3A = arith.constant 640 : i32
      %dma_start3A_95 = tpu.memref_slice %arg10[%dma_start3A] : memref<10240xf32, #tpu.memory_space<vmem>> -> memref<640xf32, #tpu.memory_space<vmem>>
      %dma_start3A_96 = tpu.memref_slice %arg16[%run_scoped3A_39, %mul3A_0] : memref<16x10240xf32, #tpu.memory_space<vmem_shared>> -> memref<1x640xf32, #tpu.memory_space<vmem_shared>>
      %dma_start3A_97 = tpu.memref_squeeze %dma_start3A_96 : memref<1x640xf32, #tpu.memory_space<vmem_shared>> -> memref<640xf32, #tpu.memory_space<vmem_shared>>
      %dma_start3A_98 = arith.constant 640 : i32
      %dma_start3A_99 = tpu.memref_slice %arg10[%dma_start3A_98] : memref<10240xf32, #tpu.memory_space<vmem>> -> memref<640xf32, #tpu.memory_space<vmem>>
      %dma_start3A_100 = tpu.memref_slice %arg16[%run_scoped3A_39, %mul3A_0] : memref<16x10240xf32, #tpu.memory_space<vmem_shared>> -> memref<1x640xf32, #tpu.memory_space<vmem_shared>>
      %dma_start3A_101 = tpu.memref_squeeze %dma_start3A_100 : memref<1x640xf32, #tpu.memory_space<vmem_shared>> -> memref<640xf32, #tpu.memory_space<vmem_shared>>
      tpu.enqueue_dma source(%dma_start3A_101 : memref<640xf32, #tpu.memory_space<vmem_shared>>) target(%dma_start3A_99 : memref<640xf32, #tpu.memory_space<vmem>>) target_semaphore(%run_scoped3A_94 : memref<!tpu.dma_semaphore, #tpu.memory_space<semaphore_mem>>)
      %dma_wait3A = arith.constant 640 : i32
      %dma_wait3A_102 = tpu.memref_slice %arg10[%dma_wait3A] : memref<10240xf32, #tpu.memory_space<vmem>> -> memref<640xf32, #tpu.memory_space<vmem>>
      %dma_wait3A_103 = tpu.memref_slice %arg16[%run_scoped3A_39, %mul3A_0] : memref<16x10240xf32, #tpu.memory_space<vmem_shared>> -> memref<1x640xf32, #tpu.memory_space<vmem_shared>>
      %dma_wait3A_104 = tpu.memref_squeeze %dma_wait3A_103 : memref<1x640xf32, #tpu.memory_space<vmem_shared>> -> memref<640xf32, #tpu.memory_space<vmem_shared>>
      %dma_wait3A_105 = arith.constant 640 : i32
      %dma_wait3A_106 = tpu.memref_slice %arg10[%dma_wait3A_105] : memref<10240xf32, #tpu.memory_space<vmem>> -> memref<640xf32, #tpu.memory_space<vmem>>
      %dma_wait3A_107 = tpu.memref_slice %arg16[%run_scoped3A_39, %mul3A_0] : memref<16x10240xf32, #tpu.memory_space<vmem_shared>> -> memref<1x640xf32, #tpu.memory_space<vmem_shared>>
      %dma_wait3A_108 = tpu.memref_squeeze %dma_wait3A_107 : memref<1x640xf32, #tpu.memory_space<vmem_shared>> -> memref<640xf32, #tpu.memory_space<vmem_shared>>
      tpu.wait_dma2 semaphore(%run_scoped3A_94 : memref<!tpu.dma_semaphore, #tpu.memory_space<semaphore_mem>>) src(%dma_wait3A_108 : memref<640xf32, #tpu.memory_space<vmem_shared>>) dst(%dma_wait3A_106 : memref<640xf32, #tpu.memory_space<vmem>>)
      tpu.yield
    }) : () -> ()
    %run_scoped3A_40 = arith.constant 2 : i32
    "tpu.region"() ({
      %run_scoped3A_94 = tpu.sem_alloc : memref<!tpu.dma_semaphore, #tpu.memory_space<semaphore_mem>>
      %dma_start3A = arith.constant 1280 : i32
      %dma_start3A_95 = tpu.memref_slice %arg10[%dma_start3A] : memref<10240xf32, #tpu.memory_space<vmem>> -> memref<640xf32, #tpu.memory_space<vmem>>
      %dma_start3A_96 = tpu.memref_slice %arg16[%run_scoped3A_40, %mul3A_0] : memref<16x10240xf32, #tpu.memory_space<vmem_shared>> -> memref<1x640xf32, #tpu.memory_space<vmem_shared>>
      %dma_start3A_97 = tpu.memref_squeeze %dma_start3A_96 : memref<1x640xf32, #tpu.memory_space<vmem_shared>> -> memref<640xf32, #tpu.memory_space<vmem_shared>>
      %dma_start3A_98 = arith.constant 1280 : i32
      %dma_start3A_99 = tpu.memref_slice %arg10[%dma_start3A_98] : memref<10240xf32, #tpu.memory_space<vmem>> -> memref<640xf32, #tpu.memory_space<vmem>>
      %dma_start3A_100 = tpu.memref_slice %arg16[%run_scoped3A_40, %mul3A_0] : memref<16x10240xf32, #tpu.memory_space<vmem_shared>> -> memref<1x640xf32, #tpu.memory_space<vmem_shared>>
      %dma_start3A_101 = tpu.memref_squeeze %dma_start3A_100 : memref<1x640xf32, #tpu.memory_space<vmem_shared>> -> memref<640xf32, #tpu.memory_space<vmem_shared>>
      tpu.enqueue_dma source(%dma_start3A_101 : memref<640xf32, #tpu.memory_space<vmem_shared>>) target(%dma_start3A_99 : memref<640xf32, #tpu.memory_space<vmem>>) target_semaphore(%run_scoped3A_94 : memref<!tpu.dma_semaphore, #tpu.memory_space<semaphore_mem>>)
      %dma_wait3A = arith.constant 1280 : i32
      %dma_wait3A_102 = tpu.memref_slice %arg10[%dma_wait3A] : memref<10240xf32, #tpu.memory_space<vmem>> -> memref<640xf32, #tpu.memory_space<vmem>>
      %dma_wait3A_103 = tpu.memref_slice %arg16[%run_scoped3A_40, %mul3A_0] : memref<16x10240xf32, #tpu.memory_space<vmem_shared>> -> memref<1x640xf32, #tpu.memory_space<vmem_shared>>
      %dma_wait3A_104 = tpu.memref_squeeze %dma_wait3A_103 : memref<1x640xf32, #tpu.memory_space<vmem_shared>> -> memref<640xf32, #tpu.memory_space<vmem_shared>>
      %dma_wait3A_105 = arith.constant 1280 : i32
      %dma_wait3A_106 = tpu.memref_slice %arg10[%dma_wait3A_105] : memref<10240xf32, #tpu.memory_space<vmem>> -> memref<640xf32, #tpu.memory_space<vmem>>
      %dma_wait3A_107 = tpu.memref_slice %arg16[%run_scoped3A_40, %mul3A_0] : memref<16x10240xf32, #tpu.memory_space<vmem_shared>> -> memref<1x640xf32, #tpu.memory_space<vmem_shared>>
      %dma_wait3A_108 = tpu.memref_squeeze %dma_wait3A_107 : memref<1x640xf32, #tpu.memory_space<vmem_shared>> -> memref<640xf32, #tpu.memory_space<vmem_shared>>
      tpu.wait_dma2 semaphore(%run_scoped3A_94 : memref<!tpu.dma_semaphore, #tpu.memory_space<semaphore_mem>>) src(%dma_wait3A_108 : memref<640xf32, #tpu.memory_space<vmem_shared>>) dst(%dma_wait3A_106 : memref<640xf32, #tpu.memory_space<vmem>>)
      tpu.yield
    }) : () -> ()
    %run_scoped3A_41 = arith.constant 3 : i32
    "tpu.region"() ({
      %run_scoped3A_94 = tpu.sem_alloc : memref<!tpu.dma_semaphore, #tpu.memory_space<semaphore_mem>>
      %dma_start3A = arith.constant 1920 : i32
      %dma_start3A_95 = tpu.memref_slice %arg10[%dma_start3A] : memref<10240xf32, #tpu.memory_space<vmem>> -> memref<640xf32, #tpu.memory_space<vmem>>
      %dma_start3A_96 = tpu.memref_slice %arg16[%run_scoped3A_41, %mul3A_0] : memref<16x10240xf32, #tpu.memory_space<vmem_shared>> -> memref<1x640xf32, #tpu.memory_space<vmem_shared>>
      %dma_start3A_97 = tpu.memref_squeeze %dma_start3A_96 : memref<1x640xf32, #tpu.memory_space<vmem_shared>> -> memref<640xf32, #tpu.memory_space<vmem_shared>>
      %dma_start3A_98 = arith.constant 1920 : i32
      %dma_start3A_99 = tpu.memref_slice %arg10[%dma_start3A_98] : memref<10240xf32, #tpu.memory_space<vmem>> -> memref<640xf32, #tpu.memory_space<vmem>>
      %dma_start3A_100 = tpu.memref_slice %arg16[%run_scoped3A_41, %mul3A_0] : memref<16x10240xf32, #tpu.memory_space<vmem_shared>> -> memref<1x640xf32, #tpu.memory_space<vmem_shared>>
      %dma_start3A_101 = tpu.memref_squeeze %dma_start3A_100 : memref<1x640xf32, #tpu.memory_space<vmem_shared>> -> memref<640xf32, #tpu.memory_space<vmem_shared>>
      tpu.enqueue_dma source(%dma_start3A_101 : memref<640xf32, #tpu.memory_space<vmem_shared>>) target(%dma_start3A_99 : memref<640xf32, #tpu.memory_space<vmem>>) target_semaphore(%run_scoped3A_94 : memref<!tpu.dma_semaphore, #tpu.memory_space<semaphore_mem>>)
      %dma_wait3A = arith.constant 1920 : i32
      %dma_wait3A_102 = tpu.memref_slice %arg10[%dma_wait3A] : memref<10240xf32, #tpu.memory_space<vmem>> -> memref<640xf32, #tpu.memory_space<vmem>>
      %dma_wait3A_103 = tpu.memref_slice %arg16[%run_scoped3A_41, %mul3A_0] : memref<16x10240xf32, #tpu.memory_space<vmem_shared>> -> memref<1x640xf32, #tpu.memory_space<vmem_shared>>
      %dma_wait3A_104 = tpu.memref_squeeze %dma_wait3A_103 : memref<1x640xf32, #tpu.memory_space<vmem_shared>> -> memref<640xf32, #tpu.memory_space<vmem_shared>>
      %dma_wait3A_105 = arith.constant 1920 : i32
      %dma_wait3A_106 = tpu.memref_slice %arg10[%dma_wait3A_105] : memref<10240xf32, #tpu.memory_space<vmem>> -> memref<640xf32, #tpu.memory_space<vmem>>
      %dma_wait3A_107 = tpu.memref_slice %arg16[%run_scoped3A_41, %mul3A_0] : memref<16x10240xf32, #tpu.memory_space<vmem_shared>> -> memref<1x640xf32, #tpu.memory_space<vmem_shared>>
      %dma_wait3A_108 = tpu.memref_squeeze %dma_wait3A_107 : memref<1x640xf32, #tpu.memory_space<vmem_shared>> -> memref<640xf32, #tpu.memory_space<vmem_shared>>
      tpu.wait_dma2 semaphore(%run_scoped3A_94 : memref<!tpu.dma_semaphore, #tpu.memory_space<semaphore_mem>>) src(%dma_wait3A_108 : memref<640xf32, #tpu.memory_space<vmem_shared>>) dst(%dma_wait3A_106 : memref<640xf32, #tpu.memory_space<vmem>>)
      tpu.yield
    }) : () -> ()
    %run_scoped3A_42 = arith.constant 4 : i32
    "tpu.region"() ({
      %run_scoped3A_94 = tpu.sem_alloc : memref<!tpu.dma_semaphore, #tpu.memory_space<semaphore_mem>>
      %dma_start3A = arith.constant 2560 : i32
      %dma_start3A_95 = tpu.memref_slice %arg10[%dma_start3A] : memref<10240xf32, #tpu.memory_space<vmem>> -> memref<640xf32, #tpu.memory_space<vmem>>
      %dma_start3A_96 = tpu.memref_slice %arg16[%run_scoped3A_42, %mul3A_0] : memref<16x10240xf32, #tpu.memory_space<vmem_shared>> -> memref<1x640xf32, #tpu.memory_space<vmem_shared>>
      %dma_start3A_97 = tpu.memref_squeeze %dma_start3A_96 : memref<1x640xf32, #tpu.memory_space<vmem_shared>> -> memref<640xf32, #tpu.memory_space<vmem_shared>>
      %dma_start3A_98 = arith.constant 2560 : i32
      %dma_start3A_99 = tpu.memref_slice %arg10[%dma_start3A_98] : memref<10240xf32, #tpu.memory_space<vmem>> -> memref<640xf32, #tpu.memory_space<vmem>>
      %dma_start3A_100 = tpu.memref_slice %arg16[%run_scoped3A_42, %mul3A_0] : memref<16x10240xf32, #tpu.memory_space<vmem_shared>> -> memref<1x640xf32, #tpu.memory_space<vmem_shared>>
      %dma_start3A_101 = tpu.memref_squeeze %dma_start3A_100 : memref<1x640xf32, #tpu.memory_space<vmem_shared>> -> memref<640xf32, #tpu.memory_space<vmem_shared>>
      tpu.enqueue_dma source(%dma_start3A_101 : memref<640xf32, #tpu.memory_space<vmem_shared>>) target(%dma_start3A_99 : memref<640xf32, #tpu.memory_space<vmem>>) target_semaphore(%run_scoped3A_94 : memref<!tpu.dma_semaphore, #tpu.memory_space<semaphore_mem>>)
      %dma_wait3A = arith.constant 2560 : i32
      %dma_wait3A_102 = tpu.memref_slice %arg10[%dma_wait3A] : memref<10240xf32, #tpu.memory_space<vmem>> -> memref<640xf32, #tpu.memory_space<vmem>>
      %dma_wait3A_103 = tpu.memref_slice %arg16[%run_scoped3A_42, %mul3A_0] : memref<16x10240xf32, #tpu.memory_space<vmem_shared>> -> memref<1x640xf32, #tpu.memory_space<vmem_shared>>
      %dma_wait3A_104 = tpu.memref_squeeze %dma_wait3A_103 : memref<1x640xf32, #tpu.memory_space<vmem_shared>> -> memref<640xf32, #tpu.memory_space<vmem_shared>>
      %dma_wait3A_105 = arith.constant 2560 : i32
      %dma_wait3A_106 = tpu.memref_slice %arg10[%dma_wait3A_105] : memref<10240xf32, #tpu.memory_space<vmem>> -> memref<640xf32, #tpu.memory_space<vmem>>
      %dma_wait3A_107 = tpu.memref_slice %arg16[%run_scoped3A_42, %mul3A_0] : memref<16x10240xf32, #tpu.memory_space<vmem_shared>> -> memref<1x640xf32, #tpu.memory_space<vmem_shared>>
      %dma_wait3A_108 = tpu.memref_squeeze %dma_wait3A_107 : memref<1x640xf32, #tpu.memory_space<vmem_shared>> -> memref<640xf32, #tpu.memory_space<vmem_shared>>
      tpu.wait_dma2 semaphore(%run_scoped3A_94 : memref<!tpu.dma_semaphore, #tpu.memory_space<semaphore_mem>>) src(%dma_wait3A_108 : memref<640xf32, #tpu.memory_space<vmem_shared>>) dst(%dma_wait3A_106 : memref<640xf32, #tpu.memory_space<vmem>>)
      tpu.yield
    }) : () -> ()
    %run_scoped3A_43 = arith.constant 5 : i32
    "tpu.region"() ({
      %run_scoped3A_94 = tpu.sem_alloc : memref<!tpu.dma_semaphore, #tpu.memory_space<semaphore_mem>>
      %dma_start3A = arith.constant 3200 : i32
      %dma_start3A_95 = tpu.memref_slice %arg10[%dma_start3A] : memref<10240xf32, #tpu.memory_space<vmem>> -> memref<640xf32, #tpu.memory_space<vmem>>
      %dma_start3A_96 = tpu.memref_slice %arg16[%run_scoped3A_43, %mul3A_0] : memref<16x10240xf32, #tpu.memory_space<vmem_shared>> -> memref<1x640xf32, #tpu.memory_space<vmem_shared>>
      %dma_start3A_97 = tpu.memref_squeeze %dma_start3A_96 : memref<1x640xf32, #tpu.memory_space<vmem_shared>> -> memref<640xf32, #tpu.memory_space<vmem_shared>>
      %dma_start3A_98 = arith.constant 3200 : i32
      %dma_start3A_99 = tpu.memref_slice %arg10[%dma_start3A_98] : memref<10240xf32, #tpu.memory_space<vmem>> -> memref<640xf32, #tpu.memory_space<vmem>>
      %dma_start3A_100 = tpu.memref_slice %arg16[%run_scoped3A_43, %mul3A_0] : memref<16x10240xf32, #tpu.memory_space<vmem_shared>> -> memref<1x640xf32, #tpu.memory_space<vmem_shared>>
      %dma_start3A_101 = tpu.memref_squeeze %dma_start3A_100 : memref<1x640xf32, #tpu.memory_space<vmem_shared>> -> memref<640xf32, #tpu.memory_space<vmem_shared>>
      tpu.enqueue_dma source(%dma_start3A_101 : memref<640xf32, #tpu.memory_space<vmem_shared>>) target(%dma_start3A_99 : memref<640xf32, #tpu.memory_space<vmem>>) target_semaphore(%run_scoped3A_94 : memref<!tpu.dma_semaphore, #tpu.memory_space<semaphore_mem>>)
      %dma_wait3A = arith.constant 3200 : i32
      %dma_wait3A_102 = tpu.memref_slice %arg10[%dma_wait3A] : memref<10240xf32, #tpu.memory_space<vmem>> -> memref<640xf32, #tpu.memory_space<vmem>>
      %dma_wait3A_103 = tpu.memref_slice %arg16[%run_scoped3A_43, %mul3A_0] : memref<16x10240xf32, #tpu.memory_space<vmem_shared>> -> memref<1x640xf32, #tpu.memory_space<vmem_shared>>
      %dma_wait3A_104 = tpu.memref_squeeze %dma_wait3A_103 : memref<1x640xf32, #tpu.memory_space<vmem_shared>> -> memref<640xf32, #tpu.memory_space<vmem_shared>>
      %dma_wait3A_105 = arith.constant 3200 : i32
      %dma_wait3A_106 = tpu.memref_slice %arg10[%dma_wait3A_105] : memref<10240xf32, #tpu.memory_space<vmem>> -> memref<640xf32, #tpu.memory_space<vmem>>
      %dma_wait3A_107 = tpu.memref_slice %arg16[%run_scoped3A_43, %mul3A_0] : memref<16x10240xf32, #tpu.memory_space<vmem_shared>> -> memref<1x640xf32, #tpu.memory_space<vmem_shared>>
      %dma_wait3A_108 = tpu.memref_squeeze %dma_wait3A_107 : memref<1x640xf32, #tpu.memory_space<vmem_shared>> -> memref<640xf32, #tpu.memory_space<vmem_shared>>
      tpu.wait_dma2 semaphore(%run_scoped3A_94 : memref<!tpu.dma_semaphore, #tpu.memory_space<semaphore_mem>>) src(%dma_wait3A_108 : memref<640xf32, #tpu.memory_space<vmem_shared>>) dst(%dma_wait3A_106 : memref<640xf32, #tpu.memory_space<vmem>>)
      tpu.yield
    }) : () -> ()
    %run_scoped3A_44 = arith.constant 6 : i32
    "tpu.region"() ({
      %run_scoped3A_94 = tpu.sem_alloc : memref<!tpu.dma_semaphore, #tpu.memory_space<semaphore_mem>>
      %dma_start3A = arith.constant 3840 : i32
      %dma_start3A_95 = tpu.memref_slice %arg10[%dma_start3A] : memref<10240xf32, #tpu.memory_space<vmem>> -> memref<640xf32, #tpu.memory_space<vmem>>
      %dma_start3A_96 = tpu.memref_slice %arg16[%run_scoped3A_44, %mul3A_0] : memref<16x10240xf32, #tpu.memory_space<vmem_shared>> -> memref<1x640xf32, #tpu.memory_space<vmem_shared>>
      %dma_start3A_97 = tpu.memref_squeeze %dma_start3A_96 : memref<1x640xf32, #tpu.memory_space<vmem_shared>> -> memref<640xf32, #tpu.memory_space<vmem_shared>>
      %dma_start3A_98 = arith.constant 3840 : i32
      %dma_start3A_99 = tpu.memref_slice %arg10[%dma_start3A_98] : memref<10240xf32, #tpu.memory_space<vmem>> -> memref<640xf32, #tpu.memory_space<vmem>>
      %dma_start3A_100 = tpu.memref_slice %arg16[%run_scoped3A_44, %mul3A_0] : memref<16x10240xf32, #tpu.memory_space<vmem_shared>> -> memref<1x640xf32, #tpu.memory_space<vmem_shared>>
      %dma_start3A_101 = tpu.memref_squeeze %dma_start3A_100 : memref<1x640xf32, #tpu.memory_space<vmem_shared>> -> memref<640xf32, #tpu.memory_space<vmem_shared>>
      tpu.enqueue_dma source(%dma_start3A_101 : memref<640xf32, #tpu.memory_space<vmem_shared>>) target(%dma_start3A_99 : memref<640xf32, #tpu.memory_space<vmem>>) target_semaphore(%run_scoped3A_94 : memref<!tpu.dma_semaphore, #tpu.memory_space<semaphore_mem>>)
      %dma_wait3A = arith.constant 3840 : i32
      %dma_wait3A_102 = tpu.memref_slice %arg10[%dma_wait3A] : memref<10240xf32, #tpu.memory_space<vmem>> -> memref<640xf32, #tpu.memory_space<vmem>>
      %dma_wait3A_103 = tpu.memref_slice %arg16[%run_scoped3A_44, %mul3A_0] : memref<16x10240xf32, #tpu.memory_space<vmem_shared>> -> memref<1x640xf32, #tpu.memory_space<vmem_shared>>
      %dma_wait3A_104 = tpu.memref_squeeze %dma_wait3A_103 : memref<1x640xf32, #tpu.memory_space<vmem_shared>> -> memref<640xf32, #tpu.memory_space<vmem_shared>>
      %dma_wait3A_105 = arith.constant 3840 : i32
      %dma_wait3A_106 = tpu.memref_slice %arg10[%dma_wait3A_105] : memref<10240xf32, #tpu.memory_space<vmem>> -> memref<640xf32, #tpu.memory_space<vmem>>
      %dma_wait3A_107 = tpu.memref_slice %arg16[%run_scoped3A_44, %mul3A_0] : memref<16x10240xf32, #tpu.memory_space<vmem_shared>> -> memref<1x640xf32, #tpu.memory_space<vmem_shared>>
      %dma_wait3A_108 = tpu.memref_squeeze %dma_wait3A_107 : memref<1x640xf32, #tpu.memory_space<vmem_shared>> -> memref<640xf32, #tpu.memory_space<vmem_shared>>
      tpu.wait_dma2 semaphore(%run_scoped3A_94 : memref<!tpu.dma_semaphore, #tpu.memory_space<semaphore_mem>>) src(%dma_wait3A_108 : memref<640xf32, #tpu.memory_space<vmem_shared>>) dst(%dma_wait3A_106 : memref<640xf32, #tpu.memory_space<vmem>>)
      tpu.yield
    }) : () -> ()
    %run_scoped3A_45 = arith.constant 7 : i32
    "tpu.region"() ({
      %run_scoped3A_94 = tpu.sem_alloc : memref<!tpu.dma_semaphore, #tpu.memory_space<semaphore_mem>>
      %dma_start3A = arith.constant 4480 : i32
      %dma_start3A_95 = tpu.memref_slice %arg10[%dma_start3A] : memref<10240xf32, #tpu.memory_space<vmem>> -> memref<640xf32, #tpu.memory_space<vmem>>
      %dma_start3A_96 = tpu.memref_slice %arg16[%run_scoped3A_45, %mul3A_0] : memref<16x10240xf32, #tpu.memory_space<vmem_shared>> -> memref<1x640xf32, #tpu.memory_space<vmem_shared>>
      %dma_start3A_97 = tpu.memref_squeeze %dma_start3A_96 : memref<1x640xf32, #tpu.memory_space<vmem_shared>> -> memref<640xf32, #tpu.memory_space<vmem_shared>>
      %dma_start3A_98 = arith.constant 4480 : i32
      %dma_start3A_99 = tpu.memref_slice %arg10[%dma_start3A_98] : memref<10240xf32, #tpu.memory_space<vmem>> -> memref<640xf32, #tpu.memory_space<vmem>>
      %dma_start3A_100 = tpu.memref_slice %arg16[%run_scoped3A_45, %mul3A_0] : memref<16x10240xf32, #tpu.memory_space<vmem_shared>> -> memref<1x640xf32, #tpu.memory_space<vmem_shared>>
      %dma_start3A_101 = tpu.memref_squeeze %dma_start3A_100 : memref<1x640xf32, #tpu.memory_space<vmem_shared>> -> memref<640xf32, #tpu.memory_space<vmem_shared>>
      tpu.enqueue_dma source(%dma_start3A_101 : memref<640xf32, #tpu.memory_space<vmem_shared>>) target(%dma_start3A_99 : memref<640xf32, #tpu.memory_space<vmem>>) target_semaphore(%run_scoped3A_94 : memref<!tpu.dma_semaphore, #tpu.memory_space<semaphore_mem>>)
      %dma_wait3A = arith.constant 4480 : i32
      %dma_wait3A_102 = tpu.memref_slice %arg10[%dma_wait3A] : memref<10240xf32, #tpu.memory_space<vmem>> -> memref<640xf32, #tpu.memory_space<vmem>>
      %dma_wait3A_103 = tpu.memref_slice %arg16[%run_scoped3A_45, %mul3A_0] : memref<16x10240xf32, #tpu.memory_space<vmem_shared>> -> memref<1x640xf32, #tpu.memory_space<vmem_shared>>
      %dma_wait3A_104 = tpu.memref_squeeze %dma_wait3A_103 : memref<1x640xf32, #tpu.memory_space<vmem_shared>> -> memref<640xf32, #tpu.memory_space<vmem_shared>>
      %dma_wait3A_105 = arith.constant 4480 : i32
      %dma_wait3A_106 = tpu.memref_slice %arg10[%dma_wait3A_105] : memref<10240xf32, #tpu.memory_space<vmem>> -> memref<640xf32, #tpu.memory_space<vmem>>
      %dma_wait3A_107 = tpu.memref_slice %arg16[%run_scoped3A_45, %mul3A_0] : memref<16x10240xf32, #tpu.memory_space<vmem_shared>> -> memref<1x640xf32, #tpu.memory_space<vmem_shared>>
      %dma_wait3A_108 = tpu.memref_squeeze %dma_wait3A_107 : memref<1x640xf32, #tpu.memory_space<vmem_shared>> -> memref<640xf32, #tpu.memory_space<vmem_shared>>
      tpu.wait_dma2 semaphore(%run_scoped3A_94 : memref<!tpu.dma_semaphore, #tpu.memory_space<semaphore_mem>>) src(%dma_wait3A_108 : memref<640xf32, #tpu.memory_space<vmem_shared>>) dst(%dma_wait3A_106 : memref<640xf32, #tpu.memory_space<vmem>>)
      tpu.yield
    }) : () -> ()
    %run_scoped3A_46 = arith.constant 8 : i32
    "tpu.region"() ({
      %run_scoped3A_94 = tpu.sem_alloc : memref<!tpu.dma_semaphore, #tpu.memory_space<semaphore_mem>>
      %dma_start3A = arith.constant 5120 : i32
      %dma_start3A_95 = tpu.memref_slice %arg10[%dma_start3A] : memref<10240xf32, #tpu.memory_space<vmem>> -> memref<640xf32, #tpu.memory_space<vmem>>
      %dma_start3A_96 = tpu.memref_slice %arg16[%run_scoped3A_46, %mul3A_0] : memref<16x10240xf32, #tpu.memory_space<vmem_shared>> -> memref<1x640xf32, #tpu.memory_space<vmem_shared>>
      %dma_start3A_97 = tpu.memref_squeeze %dma_start3A_96 : memref<1x640xf32, #tpu.memory_space<vmem_shared>> -> memref<640xf32, #tpu.memory_space<vmem_shared>>
      %dma_start3A_98 = arith.constant 5120 : i32
      %dma_start3A_99 = tpu.memref_slice %arg10[%dma_start3A_98] : memref<10240xf32, #tpu.memory_space<vmem>> -> memref<640xf32, #tpu.memory_space<vmem>>
      %dma_start3A_100 = tpu.memref_slice %arg16[%run_scoped3A_46, %mul3A_0] : memref<16x10240xf32, #tpu.memory_space<vmem_shared>> -> memref<1x640xf32, #tpu.memory_space<vmem_shared>>
      %dma_start3A_101 = tpu.memref_squeeze %dma_start3A_100 : memref<1x640xf32, #tpu.memory_space<vmem_shared>> -> memref<640xf32, #tpu.memory_space<vmem_shared>>
      tpu.enqueue_dma source(%dma_start3A_101 : memref<640xf32, #tpu.memory_space<vmem_shared>>) target(%dma_start3A_99 : memref<640xf32, #tpu.memory_space<vmem>>) target_semaphore(%run_scoped3A_94 : memref<!tpu.dma_semaphore, #tpu.memory_space<semaphore_mem>>)
      %dma_wait3A = arith.constant 5120 : i32
      %dma_wait3A_102 = tpu.memref_slice %arg10[%dma_wait3A] : memref<10240xf32, #tpu.memory_space<vmem>> -> memref<640xf32, #tpu.memory_space<vmem>>
      %dma_wait3A_103 = tpu.memref_slice %arg16[%run_scoped3A_46, %mul3A_0] : memref<16x10240xf32, #tpu.memory_space<vmem_shared>> -> memref<1x640xf32, #tpu.memory_space<vmem_shared>>
      %dma_wait3A_104 = tpu.memref_squeeze %dma_wait3A_103 : memref<1x640xf32, #tpu.memory_space<vmem_shared>> -> memref<640xf32, #tpu.memory_space<vmem_shared>>
      %dma_wait3A_105 = arith.constant 5120 : i32
      %dma_wait3A_106 = tpu.memref_slice %arg10[%dma_wait3A_105] : memref<10240xf32, #tpu.memory_space<vmem>> -> memref<640xf32, #tpu.memory_space<vmem>>
      %dma_wait3A_107 = tpu.memref_slice %arg16[%run_scoped3A_46, %mul3A_0] : memref<16x10240xf32, #tpu.memory_space<vmem_shared>> -> memref<1x640xf32, #tpu.memory_space<vmem_shared>>
      %dma_wait3A_108 = tpu.memref_squeeze %dma_wait3A_107 : memref<1x640xf32, #tpu.memory_space<vmem_shared>> -> memref<640xf32, #tpu.memory_space<vmem_shared>>
      tpu.wait_dma2 semaphore(%run_scoped3A_94 : memref<!tpu.dma_semaphore, #tpu.memory_space<semaphore_mem>>) src(%dma_wait3A_108 : memref<640xf32, #tpu.memory_space<vmem_shared>>) dst(%dma_wait3A_106 : memref<640xf32, #tpu.memory_space<vmem>>)
      tpu.yield
    }) : () -> ()
    %run_scoped3A_47 = arith.constant 9 : i32
    "tpu.region"() ({
      %run_scoped3A_94 = tpu.sem_alloc : memref<!tpu.dma_semaphore, #tpu.memory_space<semaphore_mem>>
      %dma_start3A = arith.constant 5760 : i32
      %dma_start3A_95 = tpu.memref_slice %arg10[%dma_start3A] : memref<10240xf32, #tpu.memory_space<vmem>> -> memref<640xf32, #tpu.memory_space<vmem>>
      %dma_start3A_96 = tpu.memref_slice %arg16[%run_scoped3A_47, %mul3A_0] : memref<16x10240xf32, #tpu.memory_space<vmem_shared>> -> memref<1x640xf32, #tpu.memory_space<vmem_shared>>
      %dma_start3A_97 = tpu.memref_squeeze %dma_start3A_96 : memref<1x640xf32, #tpu.memory_space<vmem_shared>> -> memref<640xf32, #tpu.memory_space<vmem_shared>>
      %dma_start3A_98 = arith.constant 5760 : i32
      %dma_start3A_99 = tpu.memref_slice %arg10[%dma_start3A_98] : memref<10240xf32, #tpu.memory_space<vmem>> -> memref<640xf32, #tpu.memory_space<vmem>>
      %dma_start3A_100 = tpu.memref_slice %arg16[%run_scoped3A_47, %mul3A_0] : memref<16x10240xf32, #tpu.memory_space<vmem_shared>> -> memref<1x640xf32, #tpu.memory_space<vmem_shared>>
      %dma_start3A_101 = tpu.memref_squeeze %dma_start3A_100 : memref<1x640xf32, #tpu.memory_space<vmem_shared>> -> memref<640xf32, #tpu.memory_space<vmem_shared>>
      tpu.enqueue_dma source(%dma_start3A_101 : memref<640xf32, #tpu.memory_space<vmem_shared>>) target(%dma_start3A_99 : memref<640xf32, #tpu.memory_space<vmem>>) target_semaphore(%run_scoped3A_94 : memref<!tpu.dma_semaphore, #tpu.memory_space<semaphore_mem>>)
      %dma_wait3A = arith.constant 5760 : i32
      %dma_wait3A_102 = tpu.memref_slice %arg10[%dma_wait3A] : memref<10240xf32, #tpu.memory_space<vmem>> -> memref<640xf32, #tpu.memory_space<vmem>>
      %dma_wait3A_103 = tpu.memref_slice %arg16[%run_scoped3A_47, %mul3A_0] : memref<16x10240xf32, #tpu.memory_space<vmem_shared>> -> memref<1x640xf32, #tpu.memory_space<vmem_shared>>
      %dma_wait3A_104 = tpu.memref_squeeze %dma_wait3A_103 : memref<1x640xf32, #tpu.memory_space<vmem_shared>> -> memref<640xf32, #tpu.memory_space<vmem_shared>>
      %dma_wait3A_105 = arith.constant 5760 : i32
      %dma_wait3A_106 = tpu.memref_slice %arg10[%dma_wait3A_105] : memref<10240xf32, #tpu.memory_space<vmem>> -> memref<640xf32, #tpu.memory_space<vmem>>
      %dma_wait3A_107 = tpu.memref_slice %arg16[%run_scoped3A_47, %mul3A_0] : memref<16x10240xf32, #tpu.memory_space<vmem_shared>> -> memref<1x640xf32, #tpu.memory_space<vmem_shared>>
      %dma_wait3A_108 = tpu.memref_squeeze %dma_wait3A_107 : memref<1x640xf32, #tpu.memory_space<vmem_shared>> -> memref<640xf32, #tpu.memory_space<vmem_shared>>
      tpu.wait_dma2 semaphore(%run_scoped3A_94 : memref<!tpu.dma_semaphore, #tpu.memory_space<semaphore_mem>>) src(%dma_wait3A_108 : memref<640xf32, #tpu.memory_space<vmem_shared>>) dst(%dma_wait3A_106 : memref<640xf32, #tpu.memory_space<vmem>>)
      tpu.yield
    }) : () -> ()
    %run_scoped3A_48 = arith.constant 10 : i32
    "tpu.region"() ({
      %run_scoped3A_94 = tpu.sem_alloc : memref<!tpu.dma_semaphore, #tpu.memory_space<semaphore_mem>>
      %dma_start3A = arith.constant 6400 : i32
      %dma_start3A_95 = tpu.memref_slice %arg10[%dma_start3A] : memref<10240xf32, #tpu.memory_space<vmem>> -> memref<640xf32, #tpu.memory_space<vmem>>
      %dma_start3A_96 = tpu.memref_slice %arg16[%run_scoped3A_48, %mul3A_0] : memref<16x10240xf32, #tpu.memory_space<vmem_shared>> -> memref<1x640xf32, #tpu.memory_space<vmem_shared>>
      %dma_start3A_97 = tpu.memref_squeeze %dma_start3A_96 : memref<1x640xf32, #tpu.memory_space<vmem_shared>> -> memref<640xf32, #tpu.memory_space<vmem_shared>>
      %dma_start3A_98 = arith.constant 6400 : i32
      %dma_start3A_99 = tpu.memref_slice %arg10[%dma_start3A_98] : memref<10240xf32, #tpu.memory_space<vmem>> -> memref<640xf32, #tpu.memory_space<vmem>>
      %dma_start3A_100 = tpu.memref_slice %arg16[%run_scoped3A_48, %mul3A_0] : memref<16x10240xf32, #tpu.memory_space<vmem_shared>> -> memref<1x640xf32, #tpu.memory_space<vmem_shared>>
      %dma_start3A_101 = tpu.memref_squeeze %dma_start3A_100 : memref<1x640xf32, #tpu.memory_space<vmem_shared>> -> memref<640xf32, #tpu.memory_space<vmem_shared>>
      tpu.enqueue_dma source(%dma_start3A_101 : memref<640xf32, #tpu.memory_space<vmem_shared>>) target(%dma_start3A_99 : memref<640xf32, #tpu.memory_space<vmem>>) target_semaphore(%run_scoped3A_94 : memref<!tpu.dma_semaphore, #tpu.memory_space<semaphore_mem>>)
      %dma_wait3A = arith.constant 6400 : i32
      %dma_wait3A_102 = tpu.memref_slice %arg10[%dma_wait3A] : memref<10240xf32, #tpu.memory_space<vmem>> -> memref<640xf32, #tpu.memory_space<vmem>>
      %dma_wait3A_103 = tpu.memref_slice %arg16[%run_scoped3A_48, %mul3A_0] : memref<16x10240xf32, #tpu.memory_space<vmem_shared>> -> memref<1x640xf32, #tpu.memory_space<vmem_shared>>
      %dma_wait3A_104 = tpu.memref_squeeze %dma_wait3A_103 : memref<1x640xf32, #tpu.memory_space<vmem_shared>> -> memref<640xf32, #tpu.memory_space<vmem_shared>>
      %dma_wait3A_105 = arith.constant 6400 : i32
      %dma_wait3A_106 = tpu.memref_slice %arg10[%dma_wait3A_105] : memref<10240xf32, #tpu.memory_space<vmem>> -> memref<640xf32, #tpu.memory_space<vmem>>
      %dma_wait3A_107 = tpu.memref_slice %arg16[%run_scoped3A_48, %mul3A_0] : memref<16x10240xf32, #tpu.memory_space<vmem_shared>> -> memref<1x640xf32, #tpu.memory_space<vmem_shared>>
      %dma_wait3A_108 = tpu.memref_squeeze %dma_wait3A_107 : memref<1x640xf32, #tpu.memory_space<vmem_shared>> -> memref<640xf32, #tpu.memory_space<vmem_shared>>
      tpu.wait_dma2 semaphore(%run_scoped3A_94 : memref<!tpu.dma_semaphore, #tpu.memory_space<semaphore_mem>>) src(%dma_wait3A_108 : memref<640xf32, #tpu.memory_space<vmem_shared>>) dst(%dma_wait3A_106 : memref<640xf32, #tpu.memory_space<vmem>>)
      tpu.yield
    }) : () -> ()
    %run_scoped3A_49 = arith.constant 11 : i32
    "tpu.region"() ({
      %run_scoped3A_94 = tpu.sem_alloc : memref<!tpu.dma_semaphore, #tpu.memory_space<semaphore_mem>>
      %dma_start3A = arith.constant 7040 : i32
      %dma_start3A_95 = tpu.memref_slice %arg10[%dma_start3A] : memref<10240xf32, #tpu.memory_space<vmem>> -> memref<640xf32, #tpu.memory_space<vmem>>
      %dma_start3A_96 = tpu.memref_slice %arg16[%run_scoped3A_49, %mul3A_0] : memref<16x10240xf32, #tpu.memory_space<vmem_shared>> -> memref<1x640xf32, #tpu.memory_space<vmem_shared>>
      %dma_start3A_97 = tpu.memref_squeeze %dma_start3A_96 : memref<1x640xf32, #tpu.memory_space<vmem_shared>> -> memref<640xf32, #tpu.memory_space<vmem_shared>>
      %dma_start3A_98 = arith.constant 7040 : i32
      %dma_start3A_99 = tpu.memref_slice %arg10[%dma_start3A_98] : memref<10240xf32, #tpu.memory_space<vmem>> -> memref<640xf32, #tpu.memory_space<vmem>>
      %dma_start3A_100 = tpu.memref_slice %arg16[%run_scoped3A_49, %mul3A_0] : memref<16x10240xf32, #tpu.memory_space<vmem_shared>> -> memref<1x640xf32, #tpu.memory_space<vmem_shared>>
      %dma_start3A_101 = tpu.memref_squeeze %dma_start3A_100 : memref<1x640xf32, #tpu.memory_space<vmem_shared>> -> memref<640xf32, #tpu.memory_space<vmem_shared>>
      tpu.enqueue_dma source(%dma_start3A_101 : memref<640xf32, #tpu.memory_space<vmem_shared>>) target(%dma_start3A_99 : memref<640xf32, #tpu.memory_space<vmem>>) target_semaphore(%run_scoped3A_94 : memref<!tpu.dma_semaphore, #tpu.memory_space<semaphore_mem>>)
      %dma_wait3A = arith.constant 7040 : i32
      %dma_wait3A_102 = tpu.memref_slice %arg10[%dma_wait3A] : memref<10240xf32, #tpu.memory_space<vmem>> -> memref<640xf32, #tpu.memory_space<vmem>>
      %dma_wait3A_103 = tpu.memref_slice %arg16[%run_scoped3A_49, %mul3A_0] : memref<16x10240xf32, #tpu.memory_space<vmem_shared>> -> memref<1x640xf32, #tpu.memory_space<vmem_shared>>
      %dma_wait3A_104 = tpu.memref_squeeze %dma_wait3A_103 : memref<1x640xf32, #tpu.memory_space<vmem_shared>> -> memref<640xf32, #tpu.memory_space<vmem_shared>>
      %dma_wait3A_105 = arith.constant 7040 : i32
      %dma_wait3A_106 = tpu.memref_slice %arg10[%dma_wait3A_105] : memref<10240xf32, #tpu.memory_space<vmem>> -> memref<640xf32, #tpu.memory_space<vmem>>
      %dma_wait3A_107 = tpu.memref_slice %arg16[%run_scoped3A_49, %mul3A_0] : memref<16x10240xf32, #tpu.memory_space<vmem_shared>> -> memref<1x640xf32, #tpu.memory_space<vmem_shared>>
      %dma_wait3A_108 = tpu.memref_squeeze %dma_wait3A_107 : memref<1x640xf32, #tpu.memory_space<vmem_shared>> -> memref<640xf32, #tpu.memory_space<vmem_shared>>
      tpu.wait_dma2 semaphore(%run_scoped3A_94 : memref<!tpu.dma_semaphore, #tpu.memory_space<semaphore_mem>>) src(%dma_wait3A_108 : memref<640xf32, #tpu.memory_space<vmem_shared>>) dst(%dma_wait3A_106 : memref<640xf32, #tpu.memory_space<vmem>>)
      tpu.yield
    }) : () -> ()
    %run_scoped3A_50 = arith.constant 12 : i32
    "tpu.region"() ({
      %run_scoped3A_94 = tpu.sem_alloc : memref<!tpu.dma_semaphore, #tpu.memory_space<semaphore_mem>>
      %dma_start3A = arith.constant 7680 : i32
      %dma_start3A_95 = tpu.memref_slice %arg10[%dma_start3A] : memref<10240xf32, #tpu.memory_space<vmem>> -> memref<640xf32, #tpu.memory_space<vmem>>
      %dma_start3A_96 = tpu.memref_slice %arg16[%run_scoped3A_50, %mul3A_0] : memref<16x10240xf32, #tpu.memory_space<vmem_shared>> -> memref<1x640xf32, #tpu.memory_space<vmem_shared>>
      %dma_start3A_97 = tpu.memref_squeeze %dma_start3A_96 : memref<1x640xf32, #tpu.memory_space<vmem_shared>> -> memref<640xf32, #tpu.memory_space<vmem_shared>>
      %dma_start3A_98 = arith.constant 7680 : i32
      %dma_start3A_99 = tpu.memref_slice %arg10[%dma_start3A_98] : memref<10240xf32, #tpu.memory_space<vmem>> -> memref<640xf32, #tpu.memory_space<vmem>>
      %dma_start3A_100 = tpu.memref_slice %arg16[%run_scoped3A_50, %mul3A_0] : memref<16x10240xf32, #tpu.memory_space<vmem_shared>> -> memref<1x640xf32, #tpu.memory_space<vmem_shared>>
      %dma_start3A_101 = tpu.memref_squeeze %dma_start3A_100 : memref<1x640xf32, #tpu.memory_space<vmem_shared>> -> memref<640xf32, #tpu.memory_space<vmem_shared>>
      tpu.enqueue_dma source(%dma_start3A_101 : memref<640xf32, #tpu.memory_space<vmem_shared>>) target(%dma_start3A_99 : memref<640xf32, #tpu.memory_space<vmem>>) target_semaphore(%run_scoped3A_94 : memref<!tpu.dma_semaphore, #tpu.memory_space<semaphore_mem>>)
      %dma_wait3A = arith.constant 7680 : i32
      %dma_wait3A_102 = tpu.memref_slice %arg10[%dma_wait3A] : memref<10240xf32, #tpu.memory_space<vmem>> -> memref<640xf32, #tpu.memory_space<vmem>>
      %dma_wait3A_103 = tpu.memref_slice %arg16[%run_scoped3A_50, %mul3A_0] : memref<16x10240xf32, #tpu.memory_space<vmem_shared>> -> memref<1x640xf32, #tpu.memory_space<vmem_shared>>
      %dma_wait3A_104 = tpu.memref_squeeze %dma_wait3A_103 : memref<1x640xf32, #tpu.memory_space<vmem_shared>> -> memref<640xf32, #tpu.memory_space<vmem_shared>>
      %dma_wait3A_105 = arith.constant 7680 : i32
      %dma_wait3A_106 = tpu.memref_slice %arg10[%dma_wait3A_105] : memref<10240xf32, #tpu.memory_space<vmem>> -> memref<640xf32, #tpu.memory_space<vmem>>
      %dma_wait3A_107 = tpu.memref_slice %arg16[%run_scoped3A_50, %mul3A_0] : memref<16x10240xf32, #tpu.memory_space<vmem_shared>> -> memref<1x640xf32, #tpu.memory_space<vmem_shared>>
      %dma_wait3A_108 = tpu.memref_squeeze %dma_wait3A_107 : memref<1x640xf32, #tpu.memory_space<vmem_shared>> -> memref<640xf32, #tpu.memory_space<vmem_shared>>
      tpu.wait_dma2 semaphore(%run_scoped3A_94 : memref<!tpu.dma_semaphore, #tpu.memory_space<semaphore_mem>>) src(%dma_wait3A_108 : memref<640xf32, #tpu.memory_space<vmem_shared>>) dst(%dma_wait3A_106 : memref<640xf32, #tpu.memory_space<vmem>>)
      tpu.yield
    }) : () -> ()
    %run_scoped3A_51 = arith.constant 13 : i32
    "tpu.region"() ({
      %run_scoped3A_94 = tpu.sem_alloc : memref<!tpu.dma_semaphore, #tpu.memory_space<semaphore_mem>>
      %dma_start3A = arith.constant 8320 : i32
      %dma_start3A_95 = tpu.memref_slice %arg10[%dma_start3A] : memref<10240xf32, #tpu.memory_space<vmem>> -> memref<640xf32, #tpu.memory_space<vmem>>
      %dma_start3A_96 = tpu.memref_slice %arg16[%run_scoped3A_51, %mul3A_0] : memref<16x10240xf32, #tpu.memory_space<vmem_shared>> -> memref<1x640xf32, #tpu.memory_space<vmem_shared>>
      %dma_start3A_97 = tpu.memref_squeeze %dma_start3A_96 : memref<1x640xf32, #tpu.memory_space<vmem_shared>> -> memref<640xf32, #tpu.memory_space<vmem_shared>>
      %dma_start3A_98 = arith.constant 8320 : i32
      %dma_start3A_99 = tpu.memref_slice %arg10[%dma_start3A_98] : memref<10240xf32, #tpu.memory_space<vmem>> -> memref<640xf32, #tpu.memory_space<vmem>>
      %dma_start3A_100 = tpu.memref_slice %arg16[%run_scoped3A_51, %mul3A_0] : memref<16x10240xf32, #tpu.memory_space<vmem_shared>> -> memref<1x640xf32, #tpu.memory_space<vmem_shared>>
      %dma_start3A_101 = tpu.memref_squeeze %dma_start3A_100 : memref<1x640xf32, #tpu.memory_space<vmem_shared>> -> memref<640xf32, #tpu.memory_space<vmem_shared>>
      tpu.enqueue_dma source(%dma_start3A_101 : memref<640xf32, #tpu.memory_space<vmem_shared>>) target(%dma_start3A_99 : memref<640xf32, #tpu.memory_space<vmem>>) target_semaphore(%run_scoped3A_94 : memref<!tpu.dma_semaphore, #tpu.memory_space<semaphore_mem>>)
      %dma_wait3A = arith.constant 8320 : i32
      %dma_wait3A_102 = tpu.memref_slice %arg10[%dma_wait3A] : memref<10240xf32, #tpu.memory_space<vmem>> -> memref<640xf32, #tpu.memory_space<vmem>>
      %dma_wait3A_103 = tpu.memref_slice %arg16[%run_scoped3A_51, %mul3A_0] : memref<16x10240xf32, #tpu.memory_space<vmem_shared>> -> memref<1x640xf32, #tpu.memory_space<vmem_shared>>
      %dma_wait3A_104 = tpu.memref_squeeze %dma_wait3A_103 : memref<1x640xf32, #tpu.memory_space<vmem_shared>> -> memref<640xf32, #tpu.memory_space<vmem_shared>>
      %dma_wait3A_105 = arith.constant 8320 : i32
      %dma_wait3A_106 = tpu.memref_slice %arg10[%dma_wait3A_105] : memref<10240xf32, #tpu.memory_space<vmem>> -> memref<640xf32, #tpu.memory_space<vmem>>
      %dma_wait3A_107 = tpu.memref_slice %arg16[%run_scoped3A_51, %mul3A_0] : memref<16x10240xf32, #tpu.memory_space<vmem_shared>> -> memref<1x640xf32, #tpu.memory_space<vmem_shared>>
      %dma_wait3A_108 = tpu.memref_squeeze %dma_wait3A_107 : memref<1x640xf32, #tpu.memory_space<vmem_shared>> -> memref<640xf32, #tpu.memory_space<vmem_shared>>
      tpu.wait_dma2 semaphore(%run_scoped3A_94 : memref<!tpu.dma_semaphore, #tpu.memory_space<semaphore_mem>>) src(%dma_wait3A_108 : memref<640xf32, #tpu.memory_space<vmem_shared>>) dst(%dma_wait3A_106 : memref<640xf32, #tpu.memory_space<vmem>>)
      tpu.yield
    }) : () -> ()
    %run_scoped3A_52 = arith.constant 14 : i32
    "tpu.region"() ({
      %run_scoped3A_94 = tpu.sem_alloc : memref<!tpu.dma_semaphore, #tpu.memory_space<semaphore_mem>>
      %dma_start3A = arith.constant 8960 : i32
      %dma_start3A_95 = tpu.memref_slice %arg10[%dma_start3A] : memref<10240xf32, #tpu.memory_space<vmem>> -> memref<640xf32, #tpu.memory_space<vmem>>
      %dma_start3A_96 = tpu.memref_slice %arg16[%run_scoped3A_52, %mul3A_0] : memref<16x10240xf32, #tpu.memory_space<vmem_shared>> -> memref<1x640xf32, #tpu.memory_space<vmem_shared>>
      %dma_start3A_97 = tpu.memref_squeeze %dma_start3A_96 : memref<1x640xf32, #tpu.memory_space<vmem_shared>> -> memref<640xf32, #tpu.memory_space<vmem_shared>>
      %dma_start3A_98 = arith.constant 8960 : i32
      %dma_start3A_99 = tpu.memref_slice %arg10[%dma_start3A_98] : memref<10240xf32, #tpu.memory_space<vmem>> -> memref<640xf32, #tpu.memory_space<vmem>>
      %dma_start3A_100 = tpu.memref_slice %arg16[%run_scoped3A_52, %mul3A_0] : memref<16x10240xf32, #tpu.memory_space<vmem_shared>> -> memref<1x640xf32, #tpu.memory_space<vmem_shared>>
      %dma_start3A_101 = tpu.memref_squeeze %dma_start3A_100 : memref<1x640xf32, #tpu.memory_space<vmem_shared>> -> memref<640xf32, #tpu.memory_space<vmem_shared>>
      tpu.enqueue_dma source(%dma_start3A_101 : memref<640xf32, #tpu.memory_space<vmem_shared>>) target(%dma_start3A_99 : memref<640xf32, #tpu.memory_space<vmem>>) target_semaphore(%run_scoped3A_94 : memref<!tpu.dma_semaphore, #tpu.memory_space<semaphore_mem>>)
      %dma_wait3A = arith.constant 8960 : i32
      %dma_wait3A_102 = tpu.memref_slice %arg10[%dma_wait3A] : memref<10240xf32, #tpu.memory_space<vmem>> -> memref<640xf32, #tpu.memory_space<vmem>>
      %dma_wait3A_103 = tpu.memref_slice %arg16[%run_scoped3A_52, %mul3A_0] : memref<16x10240xf32, #tpu.memory_space<vmem_shared>> -> memref<1x640xf32, #tpu.memory_space<vmem_shared>>
      %dma_wait3A_104 = tpu.memref_squeeze %dma_wait3A_103 : memref<1x640xf32, #tpu.memory_space<vmem_shared>> -> memref<640xf32, #tpu.memory_space<vmem_shared>>
      %dma_wait3A_105 = arith.constant 8960 : i32
      %dma_wait3A_106 = tpu.memref_slice %arg10[%dma_wait3A_105] : memref<10240xf32, #tpu.memory_space<vmem>> -> memref<640xf32, #tpu.memory_space<vmem>>
      %dma_wait3A_107 = tpu.memref_slice %arg16[%run_scoped3A_52, %mul3A_0] : memref<16x10240xf32, #tpu.memory_space<vmem_shared>> -> memref<1x640xf32, #tpu.memory_space<vmem_shared>>
      %dma_wait3A_108 = tpu.memref_squeeze %dma_wait3A_107 : memref<1x640xf32, #tpu.memory_space<vmem_shared>> -> memref<640xf32, #tpu.memory_space<vmem_shared>>
      tpu.wait_dma2 semaphore(%run_scoped3A_94 : memref<!tpu.dma_semaphore, #tpu.memory_space<semaphore_mem>>) src(%dma_wait3A_108 : memref<640xf32, #tpu.memory_space<vmem_shared>>) dst(%dma_wait3A_106 : memref<640xf32, #tpu.memory_space<vmem>>)
      tpu.yield
    }) : () -> ()
    %run_scoped3A_53 = arith.constant 15 : i32
    "tpu.region"() ({
      %run_scoped3A_94 = tpu.sem_alloc : memref<!tpu.dma_semaphore, #tpu.memory_space<semaphore_mem>>
      %dma_start3A = arith.constant 9600 : i32
      %dma_start3A_95 = tpu.memref_slice %arg10[%dma_start3A] : memref<10240xf32, #tpu.memory_space<vmem>> -> memref<640xf32, #tpu.memory_space<vmem>>
      %dma_start3A_96 = tpu.memref_slice %arg16[%run_scoped3A_53, %mul3A_0] : memref<16x10240xf32, #tpu.memory_space<vmem_shared>> -> memref<1x640xf32, #tpu.memory_space<vmem_shared>>
      %dma_start3A_97 = tpu.memref_squeeze %dma_start3A_96 : memref<1x640xf32, #tpu.memory_space<vmem_shared>> -> memref<640xf32, #tpu.memory_space<vmem_shared>>
      %dma_start3A_98 = arith.constant 9600 : i32
      %dma_start3A_99 = tpu.memref_slice %arg10[%dma_start3A_98] : memref<10240xf32, #tpu.memory_space<vmem>> -> memref<640xf32, #tpu.memory_space<vmem>>
      %dma_start3A_100 = tpu.memref_slice %arg16[%run_scoped3A_53, %mul3A_0] : memref<16x10240xf32, #tpu.memory_space<vmem_shared>> -> memref<1x640xf32, #tpu.memory_space<vmem_shared>>
      %dma_start3A_101 = tpu.memref_squeeze %dma_start3A_100 : memref<1x640xf32, #tpu.memory_space<vmem_shared>> -> memref<640xf32, #tpu.memory_space<vmem_shared>>
      tpu.enqueue_dma source(%dma_start3A_101 : memref<640xf32, #tpu.memory_space<vmem_shared>>) target(%dma_start3A_99 : memref<640xf32, #tpu.memory_space<vmem>>) target_semaphore(%run_scoped3A_94 : memref<!tpu.dma_semaphore, #tpu.memory_space<semaphore_mem>>)
      %dma_wait3A = arith.constant 9600 : i32
      %dma_wait3A_102 = tpu.memref_slice %arg10[%dma_wait3A] : memref<10240xf32, #tpu.memory_space<vmem>> -> memref<640xf32, #tpu.memory_space<vmem>>
      %dma_wait3A_103 = tpu.memref_slice %arg16[%run_scoped3A_53, %mul3A_0] : memref<16x10240xf32, #tpu.memory_space<vmem_shared>> -> memref<1x640xf32, #tpu.memory_space<vmem_shared>>
      %dma_wait3A_104 = tpu.memref_squeeze %dma_wait3A_103 : memref<1x640xf32, #tpu.memory_space<vmem_shared>> -> memref<640xf32, #tpu.memory_space<vmem_shared>>
      %dma_wait3A_105 = arith.constant 9600 : i32
      %dma_wait3A_106 = tpu.memref_slice %arg10[%dma_wait3A_105] : memref<10240xf32, #tpu.memory_space<vmem>> -> memref<640xf32, #tpu.memory_space<vmem>>
      %dma_wait3A_107 = tpu.memref_slice %arg16[%run_scoped3A_53, %mul3A_0] : memref<16x10240xf32, #tpu.memory_space<vmem_shared>> -> memref<1x640xf32, #tpu.memory_space<vmem_shared>>
      %dma_wait3A_108 = tpu.memref_squeeze %dma_wait3A_107 : memref<1x640xf32, #tpu.memory_space<vmem_shared>> -> memref<640xf32, #tpu.memory_space<vmem_shared>>
      tpu.wait_dma2 semaphore(%run_scoped3A_94 : memref<!tpu.dma_semaphore, #tpu.memory_space<semaphore_mem>>) src(%dma_wait3A_108 : memref<640xf32, #tpu.memory_space<vmem_shared>>) dst(%dma_wait3A_106 : memref<640xf32, #tpu.memory_space<vmem>>)
      tpu.yield
    }) : () -> ()
    %broadcast_in_dim3A_54 = arith.constant 0.000000e+00 : f32
    %broadcast_in_dim3A_55 = vector.broadcast %broadcast_in_dim3A_54 : f32 to vector<16xf32>
    %parallel_loop3A_56 = arith.constant 0 : i32
    %parallel_loop3A_57 = arith.constant 40 : i32
    %parallel_loop3A_58 = arith.constant 1 : i32
    scf.for %parallel_loop3A_94 = %parallel_loop3A_56 to %parallel_loop3A_57 step %parallel_loop3A_58  : i32 {
      %parallel_loop3A_95 = arith.constant 16 : i32
      %parallel_loop3A_96 = arith.muli %parallel_loop3A_94, %parallel_loop3A_95 : i32
      %parallel_loop3A_97 = arith.index_cast %parallel_loop3A_96 : i32 to index
      %parallel_loop3A_98 = tpu.vector_load %arg13[%parallel_loop3A_97] {strides = array<i32>} : memref<640xf32, #tpu.memory_space<vmem>>, vector<16xf32>,
      %parallel_loop3A_99 = arith.constant 16 : i32
      %parallel_loop3A_100 = arith.muli %parallel_loop3A_94, %parallel_loop3A_99 : i32
      %parallel_loop3A_101 = arith.index_cast %parallel_loop3A_100 : i32 to index
      %parallel_loop3A_102 = tpu.vector_load %arg10[%parallel_loop3A_101] {strides = array<i32>} : memref<10240xf32, #tpu.memory_space<vmem>>, vector<16xf32>,
      %parallel_loop3A_103 = arith.constant 16 : i32
      %parallel_loop3A_104 = arith.muli %parallel_loop3A_94, %parallel_loop3A_103 : i32
      %parallel_loop3A_105 = arith.constant 640 : i32
      %parallel_loop3A_106 = arith.addi %parallel_loop3A_105, %parallel_loop3A_104 : i32
      %parallel_loop3A_107 = arith.index_cast %parallel_loop3A_106 : i32 to index
      %parallel_loop3A_108 = tpu.vector_load %arg10[%parallel_loop3A_107] {strides = array<i32>} : memref<10240xf32, #tpu.memory_space<vmem>>, vector<16xf32>,
      %parallel_loop3A_109 = arith.addf %parallel_loop3A_102, %parallel_loop3A_108 : vector<16xf32>
      %parallel_loop3A_110 = arith.constant 16 : i32
      %parallel_loop3A_111 = arith.muli %parallel_loop3A_94, %parallel_loop3A_110 : i32
      %parallel_loop3A_112 = arith.constant 1280 : i32
      %parallel_loop3A_113 = arith.addi %parallel_loop3A_112, %parallel_loop3A_111 : i32
      %parallel_loop3A_114 = arith.index_cast %parallel_loop3A_113 : i32 to index
      %parallel_loop3A_115 = tpu.vector_load %arg10[%parallel_loop3A_114] {strides = array<i32>} : memref<10240xf32, #tpu.memory_space<vmem>>, vector<16xf32>,
      %parallel_loop3A_116 = arith.addf %parallel_loop3A_109, %parallel_loop3A_115 : vector<16xf32>
      %parallel_loop3A_117 = arith.constant 16 : i32
      %parallel_loop3A_118 = arith.muli %parallel_loop3A_94, %parallel_loop3A_117 : i32
      %parallel_loop3A_119 = arith.constant 1920 : i32
      %parallel_loop3A_120 = arith.addi %parallel_loop3A_119, %parallel_loop3A_118 : i32
      %parallel_loop3A_121 = arith.index_cast %parallel_loop3A_120 : i32 to index
      %parallel_loop3A_122 = tpu.vector_load %arg10[%parallel_loop3A_121] {strides = array<i32>} : memref<10240xf32, #tpu.memory_space<vmem>>, vector<16xf32>,
      %parallel_loop3A_123 = arith.addf %parallel_loop3A_116, %parallel_loop3A_122 : vector<16xf32>
      %parallel_loop3A_124 = arith.constant 16 : i32
      %parallel_loop3A_125 = arith.muli %parallel_loop3A_94, %parallel_loop3A_124 : i32
      %parallel_loop3A_126 = arith.constant 2560 : i32
      %parallel_loop3A_127 = arith.addi %parallel_loop3A_126, %parallel_loop3A_125 : i32
      %parallel_loop3A_128 = arith.index_cast %parallel_loop3A_127 : i32 to index
      %parallel_loop3A_129 = tpu.vector_load %arg10[%parallel_loop3A_128] {strides = array<i32>} : memref<10240xf32, #tpu.memory_space<vmem>>, vector<16xf32>,
      %parallel_loop3A_130 = arith.addf %parallel_loop3A_123, %parallel_loop3A_129 : vector<16xf32>
      %parallel_loop3A_131 = arith.constant 16 : i32
      %parallel_loop3A_132 = arith.muli %parallel_loop3A_94, %parallel_loop3A_131 : i32
      %parallel_loop3A_133 = arith.constant 3200 : i32
      %parallel_loop3A_134 = arith.addi %parallel_loop3A_133, %parallel_loop3A_132 : i32
      %parallel_loop3A_135 = arith.index_cast %parallel_loop3A_134 : i32 to index
      %parallel_loop3A_136 = tpu.vector_load %arg10[%parallel_loop3A_135] {strides = array<i32>} : memref<10240xf32, #tpu.memory_space<vmem>>, vector<16xf32>,
      %parallel_loop3A_137 = arith.addf %parallel_loop3A_130, %parallel_loop3A_136 : vector<16xf32>
      %parallel_loop3A_138 = arith.constant 16 : i32
      %parallel_loop3A_139 = arith.muli %parallel_loop3A_94, %parallel_loop3A_138 : i32
      %parallel_loop3A_140 = arith.constant 3840 : i32
      %parallel_loop3A_141 = arith.addi %parallel_loop3A_140, %parallel_loop3A_139 : i32
      %parallel_loop3A_142 = arith.index_cast %parallel_loop3A_141 : i32 to index
      %parallel_loop3A_143 = tpu.vector_load %arg10[%parallel_loop3A_142] {strides = array<i32>} : memref<10240xf32, #tpu.memory_space<vmem>>, vector<16xf32>,
      %parallel_loop3A_144 = arith.addf %parallel_loop3A_137, %parallel_loop3A_143 : vector<16xf32>
      %parallel_loop3A_145 = arith.constant 16 : i32
      %parallel_loop3A_146 = arith.muli %parallel_loop3A_94, %parallel_loop3A_145 : i32
      %parallel_loop3A_147 = arith.constant 4480 : i32
      %parallel_loop3A_148 = arith.addi %parallel_loop3A_147, %parallel_loop3A_146 : i32
      %parallel_loop3A_149 = arith.index_cast %parallel_loop3A_148 : i32 to index
      %parallel_loop3A_150 = tpu.vector_load %arg10[%parallel_loop3A_149] {strides = array<i32>} : memref<10240xf32, #tpu.memory_space<vmem>>, vector<16xf32>,
      %parallel_loop3A_151 = arith.addf %parallel_loop3A_144, %parallel_loop3A_150 : vector<16xf32>
      %parallel_loop3A_152 = arith.constant 16 : i32
      %parallel_loop3A_153 = arith.muli %parallel_loop3A_94, %parallel_loop3A_152 : i32
      %parallel_loop3A_154 = arith.constant 5120 : i32
      %parallel_loop3A_155 = arith.addi %parallel_loop3A_154, %parallel_loop3A_153 : i32
      %parallel_loop3A_156 = arith.index_cast %parallel_loop3A_155 : i32 to index
      %parallel_loop3A_157 = tpu.vector_load %arg10[%parallel_loop3A_156] {strides = array<i32>} : memref<10240xf32, #tpu.memory_space<vmem>>, vector<16xf32>,
      %parallel_loop3A_158 = arith.addf %parallel_loop3A_151, %parallel_loop3A_157 : vector<16xf32>
      %parallel_loop3A_159 = arith.constant 16 : i32
      %parallel_loop3A_160 = arith.muli %parallel_loop3A_94, %parallel_loop3A_159 : i32
      %parallel_loop3A_161 = arith.constant 5760 : i32
      %parallel_loop3A_162 = arith.addi %parallel_loop3A_161, %parallel_loop3A_160 : i32
      %parallel_loop3A_163 = arith.index_cast %parallel_loop3A_162 : i32 to index
      %parallel_loop3A_164 = tpu.vector_load %arg10[%parallel_loop3A_163] {strides = array<i32>} : memref<10240xf32, #tpu.memory_space<vmem>>, vector<16xf32>,
      %parallel_loop3A_165 = arith.addf %parallel_loop3A_158, %parallel_loop3A_164 : vector<16xf32>
      %parallel_loop3A_166 = arith.constant 16 : i32
      %parallel_loop3A_167 = arith.muli %parallel_loop3A_94, %parallel_loop3A_166 : i32
      %parallel_loop3A_168 = arith.constant 6400 : i32
      %parallel_loop3A_169 = arith.addi %parallel_loop3A_168, %parallel_loop3A_167 : i32
      %parallel_loop3A_170 = arith.index_cast %parallel_loop3A_169 : i32 to index
      %parallel_loop3A_171 = tpu.vector_load %arg10[%parallel_loop3A_170] {strides = array<i32>} : memref<10240xf32, #tpu.memory_space<vmem>>, vector<16xf32>,
      %parallel_loop3A_172 = arith.addf %parallel_loop3A_165, %parallel_loop3A_171 : vector<16xf32>
      %parallel_loop3A_173 = arith.constant 16 : i32
      %parallel_loop3A_174 = arith.muli %parallel_loop3A_94, %parallel_loop3A_173 : i32
      %parallel_loop3A_175 = arith.constant 7040 : i32
      %parallel_loop3A_176 = arith.addi %parallel_loop3A_175, %parallel_loop3A_174 : i32
      %parallel_loop3A_177 = arith.index_cast %parallel_loop3A_176 : i32 to index
      %parallel_loop3A_178 = tpu.vector_load %arg10[%parallel_loop3A_177] {strides = array<i32>} : memref<10240xf32, #tpu.memory_space<vmem>>, vector<16xf32>,
      %parallel_loop3A_179 = arith.addf %parallel_loop3A_172, %parallel_loop3A_178 : vector<16xf32>
      %parallel_loop3A_180 = arith.constant 16 : i32
      %parallel_loop3A_181 = arith.muli %parallel_loop3A_94, %parallel_loop3A_180 : i32
      %parallel_loop3A_182 = arith.constant 7680 : i32
      %parallel_loop3A_183 = arith.addi %parallel_loop3A_182, %parallel_loop3A_181 : i32
      %parallel_loop3A_184 = arith.index_cast %parallel_loop3A_183 : i32 to index
      %parallel_loop3A_185 = tpu.vector_load %arg10[%parallel_loop3A_184] {strides = array<i32>} : memref<10240xf32, #tpu.memory_space<vmem>>, vector<16xf32>,
      %parallel_loop3A_186 = arith.addf %parallel_loop3A_179, %parallel_loop3A_185 : vector<16xf32>
      %parallel_loop3A_187 = arith.constant 16 : i32
      %parallel_loop3A_188 = arith.muli %parallel_loop3A_94, %parallel_loop3A_187 : i32
      %parallel_loop3A_189 = arith.constant 8320 : i32
      %parallel_loop3A_190 = arith.addi %parallel_loop3A_189, %parallel_loop3A_188 : i32
      %parallel_loop3A_191 = arith.index_cast %parallel_loop3A_190 : i32 to index
      %parallel_loop3A_192 = tpu.vector_load %arg10[%parallel_loop3A_191] {strides = array<i32>} : memref<10240xf32, #tpu.memory_space<vmem>>, vector<16xf32>,
      %parallel_loop3A_193 = arith.addf %parallel_loop3A_186, %parallel_loop3A_192 : vector<16xf32>
      %parallel_loop3A_194 = arith.constant 16 : i32
      %parallel_loop3A_195 = arith.muli %parallel_loop3A_94, %parallel_loop3A_194 : i32
      %parallel_loop3A_196 = arith.constant 8960 : i32
      %parallel_loop3A_197 = arith.addi %parallel_loop3A_196, %parallel_loop3A_195 : i32
      %parallel_loop3A_198 = arith.index_cast %parallel_loop3A_197 : i32 to index
      %parallel_loop3A_199 = tpu.vector_load %arg10[%parallel_loop3A_198] {strides = array<i32>} : memref<10240xf32, #tpu.memory_space<vmem>>, vector<16xf32>,
      %parallel_loop3A_200 = arith.addf %parallel_loop3A_193, %parallel_loop3A_199 : vector<16xf32>
      %parallel_loop3A_201 = arith.constant 16 : i32
      %parallel_loop3A_202 = arith.muli %parallel_loop3A_94, %parallel_loop3A_201 : i32
      %parallel_loop3A_203 = arith.constant 9600 : i32
      %parallel_loop3A_204 = arith.addi %parallel_loop3A_203, %parallel_loop3A_202 : i32
      %parallel_loop3A_205 = arith.index_cast %parallel_loop3A_204 : i32 to index
      %parallel_loop3A_206 = tpu.vector_load %arg10[%parallel_loop3A_205] {strides = array<i32>} : memref<10240xf32, #tpu.memory_space<vmem>>, vector<16xf32>,
      %parallel_loop3A_207 = arith.addf %parallel_loop3A_200, %parallel_loop3A_206 : vector<16xf32>
      %parallel_loop3A_208 = arith.index_cast %parallel_loop3A_96 : i32 to index
      %parallel_loop3A_209 = tpu.vector_load %arg12[%parallel_loop3A_208] {strides = array<i32>} : memref<640xf32, #tpu.memory_space<vmem>>, vector<16xf32>,
      %parallel_loop3A_210 = arith.addf %parallel_loop3A_207, %parallel_loop3A_209 : vector<16xf32>
      %parallel_loop3A_211 = arith.mulf %parallel_loop3A_98, %parallel_loop3A_210 : vector<16xf32>
      %parallel_loop3A_212 = arith.addf %parallel_loop3A_211, %broadcast_in_dim3A_55 : vector<16xf32>
      %parallel_loop3A_213 = arith.index_cast %parallel_loop3A_96 : i32 to index
      %parallel_loop3A_214 = tpu.vector_load %arg14[%parallel_loop3A_213] {strides = array<i32>} : memref<640xf32, #tpu.memory_space<vmem>>, vector<16xf32>,
      tpu.vector_store %arg14[%parallel_loop3A_213], %parallel_loop3A_212 {strides = array<i32>} : memref<640xf32, #tpu.memory_space<vmem>>, vector<16xf32>,
      %parallel_loop3A_215 = arith.index_cast %parallel_loop3A_96 : i32 to index
      %parallel_loop3A_216 = tpu.vector_load %arg13[%parallel_loop3A_215] {strides = array<i32>} : memref<640xf32, #tpu.memory_space<vmem>>, vector<16xf32>,
      %parallel_loop3A_217 = arith.mulf %parallel_loop3A_216, %parallel_loop3A_211 : vector<16xf32>
      %parallel_loop3A_218 = arith.index_cast %parallel_loop3A_96 : i32 to index
      %parallel_loop3A_219 = tpu.vector_load %arg12[%parallel_loop3A_218] {strides = array<i32>} : memref<640xf32, #tpu.memory_space<vmem>>, vector<16xf32>,
      tpu.vector_store %arg12[%parallel_loop3A_218], %parallel_loop3A_217 {strides = array<i32>} : memref<640xf32, #tpu.memory_space<vmem>>, vector<16xf32>,
    } {sc.loop_unroll_factor = 4 : i64, sc.parallel_access}
    "tpu.region"() ({
      %run_scoped3A_94 = tpu.sem_alloc : memref<!tpu.dma_semaphore, #tpu.memory_space<semaphore_mem>>
      %dma_start3A = tpu.memref_slice %arg17[%mul3A_0] : memref<10240xf32, #tpu.memory_space<vmem_shared>> -> memref<640xf32, #tpu.memory_space<vmem_shared>>
      %dma_start3A_95 = tpu.memref_slice %arg17[%mul3A_0] : memref<10240xf32, #tpu.memory_space<vmem_shared>> -> memref<640xf32, #tpu.memory_space<vmem_shared>>
      tpu.enqueue_dma source(%arg12 : memref<640xf32, #tpu.memory_space<vmem>>) target(%dma_start3A_95 : memref<640xf32, #tpu.memory_space<vmem_shared>>) target_semaphore(%run_scoped3A_94 : memref<!tpu.dma_semaphore, #tpu.memory_space<semaphore_mem>>)
      %dma_wait3A = tpu.memref_slice %arg17[%mul3A_0] : memref<10240xf32, #tpu.memory_space<vmem_shared>> -> memref<640xf32, #tpu.memory_space<vmem_shared>>
      %dma_wait3A_96 = tpu.memref_slice %arg17[%mul3A_0] : memref<10240xf32, #tpu.memory_space<vmem_shared>> -> memref<640xf32, #tpu.memory_space<vmem_shared>>
      tpu.wait_dma2 semaphore(%run_scoped3A_94 : memref<!tpu.dma_semaphore, #tpu.memory_space<semaphore_mem>>) src(%arg12 : memref<640xf32, #tpu.memory_space<vmem>>) dst(%dma_wait3A_96 : memref<640xf32, #tpu.memory_space<vmem_shared>>)
      tpu.yield
    }) : () -> ()
    %barrier3A_59 = arith.constant 0 : index
    tpu.barrier barrier_id(%barrier3A_59)
    "tpu.region"() ({
      %run_scoped3A_94 = tpu.sem_alloc : memref<!tpu.dma_semaphore, #tpu.memory_space<semaphore_mem>>
      tpu.enqueue_dma source(%arg17 : memref<10240xf32, #tpu.memory_space<vmem_shared>>) target(%arg8 : memref<10240xf32, #tpu.memory_space<vmem>>) target_semaphore(%run_scoped3A_94 : memref<!tpu.dma_semaphore, #tpu.memory_space<semaphore_mem>>)
      tpu.wait_dma2 semaphore(%run_scoped3A_94 : memref<!tpu.dma_semaphore, #tpu.memory_space<semaphore_mem>>) src(%arg17 : memref<10240xf32, #tpu.memory_space<vmem_shared>>) dst(%arg8 : memref<10240xf32, #tpu.memory_space<vmem>>)
      tpu.yield
    }) : () -> ()
    %parallel_loop3A_60 = arith.constant 0 : i32
    %parallel_loop3A_61 = arith.constant 10240 : i32
    %parallel_loop3A_62 = arith.constant 16 : i32
    scf.for %parallel_loop3A_94 = %parallel_loop3A_60 to %parallel_loop3A_61 step %parallel_loop3A_62  : i32 {
      %parallel_loop3A_95 = arith.index_cast %parallel_loop3A_94 : i32 to index
      %parallel_loop3A_96 = tpu.vector_load %arg9[%parallel_loop3A_95] {strides = array<i32>} : memref<10240xf32, #tpu.memory_space<vmem>>, vector<16xf32>,
      tpu.vector_store %arg9[%parallel_loop3A_95], %broadcast_in_dim3A_3 {strides = array<i32>} : memref<10240xf32, #tpu.memory_space<vmem>>, vector<16xf32>,
    } {sc.loop_unroll_factor = 8 : i64, sc.parallel_access}
    %parallel_loop3A_63 = arith.constant 0 : i32
    %parallel_loop3A_64 = arith.constant 20000 : i32
    %parallel_loop3A_65 = arith.constant 16 : i32
    scf.for %parallel_loop3A_94 = %parallel_loop3A_63 to %parallel_loop3A_64 step %parallel_loop3A_65  : i32 {
      %parallel_loop3A_95 = arith.index_cast %parallel_loop3A_94 : i32 to index
      %parallel_loop3A_96 = tpu.vector_load %arg6[%parallel_loop3A_95] {strides = array<i32>} : memref<20000xi32, #tpu.memory_space<vmem>>, vector<16xi32>,
      %parallel_loop3A_97 = arith.index_cast %parallel_loop3A_94 : i32 to index
      %parallel_loop3A_98 = tpu.vector_load %arg7[%parallel_loop3A_97] {strides = array<i32>} : memref<20000xi32, #tpu.memory_space<vmem>>, vector<16xi32>,
      %parallel_loop3A_99 = tpu.vector_load_idx %arg8[%parallel_loop3A_96] : memref<10240xf32, #tpu.memory_space<vmem>>[vector<16xi32>], vector<16xf32>,
      tpu.vector_store_idx %arg9[%parallel_loop3A_98], %parallel_loop3A_99 {add = true} : memref<10240xf32, #tpu.memory_space<vmem>>[vector<16xi32>], vector<16xf32>,
    } {sc.loop_unroll_factor = 8 : i64, sc.parallel_access}
    "tpu.region"() ({
      %run_scoped3A_94 = tpu.sem_alloc : memref<!tpu.dma_semaphore, #tpu.memory_space<semaphore_mem>>
      %dma_start3A = arith.constant 0 : i32
      %dma_start3A_95 = tpu.memref_slice %arg16[%arg1, %dma_start3A] : memref<16x10240xf32, #tpu.memory_space<vmem_shared>> -> memref<1x10240xf32, #tpu.memory_space<vmem_shared>>
      %dma_start3A_96 = tpu.memref_squeeze %dma_start3A_95 : memref<1x10240xf32, #tpu.memory_space<vmem_shared>> -> memref<10240xf32, #tpu.memory_space<vmem_shared>>
      %dma_start3A_97 = arith.constant 0 : i32
      %dma_start3A_98 = tpu.memref_slice %arg16[%arg1, %dma_start3A_97] : memref<16x10240xf32, #tpu.memory_space<vmem_shared>> -> memref<1x10240xf32, #tpu.memory_space<vmem_shared>>
      %dma_start3A_99 = tpu.memref_squeeze %dma_start3A_98 : memref<1x10240xf32, #tpu.memory_space<vmem_shared>> -> memref<10240xf32, #tpu.memory_space<vmem_shared>>
      tpu.enqueue_dma source(%arg9 : memref<10240xf32, #tpu.memory_space<vmem>>) target(%dma_start3A_99 : memref<10240xf32, #tpu.memory_space<vmem_shared>>) target_semaphore(%run_scoped3A_94 : memref<!tpu.dma_semaphore, #tpu.memory_space<semaphore_mem>>)
      %dma_wait3A = arith.constant 0 : i32
      %dma_wait3A_100 = tpu.memref_slice %arg16[%arg1, %dma_wait3A] : memref<16x10240xf32, #tpu.memory_space<vmem_shared>> -> memref<1x10240xf32, #tpu.memory_space<vmem_shared>>
      %dma_wait3A_101 = tpu.memref_squeeze %dma_wait3A_100 : memref<1x10240xf32, #tpu.memory_space<vmem_shared>> -> memref<10240xf32, #tpu.memory_space<vmem_shared>>
      %dma_wait3A_102 = arith.constant 0 : i32
      %dma_wait3A_103 = tpu.memref_slice %arg16[%arg1, %dma_wait3A_102] : memref<16x10240xf32, #tpu.memory_space<vmem_shared>> -> memref<1x10240xf32, #tpu.memory_space<vmem_shared>>
      %dma_wait3A_104 = tpu.memref_squeeze %dma_wait3A_103 : memref<1x10240xf32, #tpu.memory_space<vmem_shared>> -> memref<10240xf32, #tpu.memory_space<vmem_shared>>
      tpu.wait_dma2 semaphore(%run_scoped3A_94 : memref<!tpu.dma_semaphore, #tpu.memory_space<semaphore_mem>>) src(%arg9 : memref<10240xf32, #tpu.memory_space<vmem>>) dst(%dma_wait3A_104 : memref<10240xf32, #tpu.memory_space<vmem_shared>>)
      tpu.yield
    }) : () -> ()
    %barrier3A_66 = arith.constant 0 : index
    tpu.barrier barrier_id(%barrier3A_66)
    %run_scoped3A_67 = arith.constant 0 : i32
    "tpu.region"() ({
      %run_scoped3A_94 = tpu.sem_alloc : memref<!tpu.dma_semaphore, #tpu.memory_space<semaphore_mem>>
      %dma_start3A = arith.constant 0 : i32
      %dma_start3A_95 = tpu.memref_slice %arg10[%dma_start3A] : memref<10240xf32, #tpu.memory_space<vmem>> -> memref<640xf32, #tpu.memory_space<vmem>>
      %dma_start3A_96 = tpu.memref_slice %arg16[%run_scoped3A_67, %mul3A_0] : memref<16x10240xf32, #tpu.memory_space<vmem_shared>> -> memref<1x640xf32, #tpu.memory_space<vmem_shared>>
      %dma_start3A_97 = tpu.memref_squeeze %dma_start3A_96 : memref<1x640xf32, #tpu.memory_space<vmem_shared>> -> memref<640xf32, #tpu.memory_space<vmem_shared>>
      %dma_start3A_98 = arith.constant 0 : i32
      %dma_start3A_99 = tpu.memref_slice %arg10[%dma_start3A_98] : memref<10240xf32, #tpu.memory_space<vmem>> -> memref<640xf32, #tpu.memory_space<vmem>>
      %dma_start3A_100 = tpu.memref_slice %arg16[%run_scoped3A_67, %mul3A_0] : memref<16x10240xf32, #tpu.memory_space<vmem_shared>> -> memref<1x640xf32, #tpu.memory_space<vmem_shared>>
      %dma_start3A_101 = tpu.memref_squeeze %dma_start3A_100 : memref<1x640xf32, #tpu.memory_space<vmem_shared>> -> memref<640xf32, #tpu.memory_space<vmem_shared>>
      tpu.enqueue_dma source(%dma_start3A_101 : memref<640xf32, #tpu.memory_space<vmem_shared>>) target(%dma_start3A_99 : memref<640xf32, #tpu.memory_space<vmem>>) target_semaphore(%run_scoped3A_94 : memref<!tpu.dma_semaphore, #tpu.memory_space<semaphore_mem>>)
      %dma_wait3A = arith.constant 0 : i32
      %dma_wait3A_102 = tpu.memref_slice %arg10[%dma_wait3A] : memref<10240xf32, #tpu.memory_space<vmem>> -> memref<640xf32, #tpu.memory_space<vmem>>
      %dma_wait3A_103 = tpu.memref_slice %arg16[%run_scoped3A_67, %mul3A_0] : memref<16x10240xf32, #tpu.memory_space<vmem_shared>> -> memref<1x640xf32, #tpu.memory_space<vmem_shared>>
      %dma_wait3A_104 = tpu.memref_squeeze %dma_wait3A_103 : memref<1x640xf32, #tpu.memory_space<vmem_shared>> -> memref<640xf32, #tpu.memory_space<vmem_shared>>
      %dma_wait3A_105 = arith.constant 0 : i32
      %dma_wait3A_106 = tpu.memref_slice %arg10[%dma_wait3A_105] : memref<10240xf32, #tpu.memory_space<vmem>> -> memref<640xf32, #tpu.memory_space<vmem>>
      %dma_wait3A_107 = tpu.memref_slice %arg16[%run_scoped3A_67, %mul3A_0] : memref<16x10240xf32, #tpu.memory_space<vmem_shared>> -> memref<1x640xf32, #tpu.memory_space<vmem_shared>>
      %dma_wait3A_108 = tpu.memref_squeeze %dma_wait3A_107 : memref<1x640xf32, #tpu.memory_space<vmem_shared>> -> memref<640xf32, #tpu.memory_space<vmem_shared>>
      tpu.wait_dma2 semaphore(%run_scoped3A_94 : memref<!tpu.dma_semaphore, #tpu.memory_space<semaphore_mem>>) src(%dma_wait3A_108 : memref<640xf32, #tpu.memory_space<vmem_shared>>) dst(%dma_wait3A_106 : memref<640xf32, #tpu.memory_space<vmem>>)
      tpu.yield
    }) : () -> ()
    %run_scoped3A_68 = arith.constant 1 : i32
    "tpu.region"() ({
      %run_scoped3A_94 = tpu.sem_alloc : memref<!tpu.dma_semaphore, #tpu.memory_space<semaphore_mem>>
      %dma_start3A = arith.constant 640 : i32
      %dma_start3A_95 = tpu.memref_slice %arg10[%dma_start3A] : memref<10240xf32, #tpu.memory_space<vmem>> -> memref<640xf32, #tpu.memory_space<vmem>>
      %dma_start3A_96 = tpu.memref_slice %arg16[%run_scoped3A_68, %mul3A_0] : memref<16x10240xf32, #tpu.memory_space<vmem_shared>> -> memref<1x640xf32, #tpu.memory_space<vmem_shared>>
      %dma_start3A_97 = tpu.memref_squeeze %dma_start3A_96 : memref<1x640xf32, #tpu.memory_space<vmem_shared>> -> memref<640xf32, #tpu.memory_space<vmem_shared>>
      %dma_start3A_98 = arith.constant 640 : i32
      %dma_start3A_99 = tpu.memref_slice %arg10[%dma_start3A_98] : memref<10240xf32, #tpu.memory_space<vmem>> -> memref<640xf32, #tpu.memory_space<vmem>>
      %dma_start3A_100 = tpu.memref_slice %arg16[%run_scoped3A_68, %mul3A_0] : memref<16x10240xf32, #tpu.memory_space<vmem_shared>> -> memref<1x640xf32, #tpu.memory_space<vmem_shared>>
      %dma_start3A_101 = tpu.memref_squeeze %dma_start3A_100 : memref<1x640xf32, #tpu.memory_space<vmem_shared>> -> memref<640xf32, #tpu.memory_space<vmem_shared>>
      tpu.enqueue_dma source(%dma_start3A_101 : memref<640xf32, #tpu.memory_space<vmem_shared>>) target(%dma_start3A_99 : memref<640xf32, #tpu.memory_space<vmem>>) target_semaphore(%run_scoped3A_94 : memref<!tpu.dma_semaphore, #tpu.memory_space<semaphore_mem>>)
      %dma_wait3A = arith.constant 640 : i32
      %dma_wait3A_102 = tpu.memref_slice %arg10[%dma_wait3A] : memref<10240xf32, #tpu.memory_space<vmem>> -> memref<640xf32, #tpu.memory_space<vmem>>
      %dma_wait3A_103 = tpu.memref_slice %arg16[%run_scoped3A_68, %mul3A_0] : memref<16x10240xf32, #tpu.memory_space<vmem_shared>> -> memref<1x640xf32, #tpu.memory_space<vmem_shared>>
      %dma_wait3A_104 = tpu.memref_squeeze %dma_wait3A_103 : memref<1x640xf32, #tpu.memory_space<vmem_shared>> -> memref<640xf32, #tpu.memory_space<vmem_shared>>
      %dma_wait3A_105 = arith.constant 640 : i32
      %dma_wait3A_106 = tpu.memref_slice %arg10[%dma_wait3A_105] : memref<10240xf32, #tpu.memory_space<vmem>> -> memref<640xf32, #tpu.memory_space<vmem>>
      %dma_wait3A_107 = tpu.memref_slice %arg16[%run_scoped3A_68, %mul3A_0] : memref<16x10240xf32, #tpu.memory_space<vmem_shared>> -> memref<1x640xf32, #tpu.memory_space<vmem_shared>>
      %dma_wait3A_108 = tpu.memref_squeeze %dma_wait3A_107 : memref<1x640xf32, #tpu.memory_space<vmem_shared>> -> memref<640xf32, #tpu.memory_space<vmem_shared>>
      tpu.wait_dma2 semaphore(%run_scoped3A_94 : memref<!tpu.dma_semaphore, #tpu.memory_space<semaphore_mem>>) src(%dma_wait3A_108 : memref<640xf32, #tpu.memory_space<vmem_shared>>) dst(%dma_wait3A_106 : memref<640xf32, #tpu.memory_space<vmem>>)
      tpu.yield
    }) : () -> ()
    %run_scoped3A_69 = arith.constant 2 : i32
    "tpu.region"() ({
      %run_scoped3A_94 = tpu.sem_alloc : memref<!tpu.dma_semaphore, #tpu.memory_space<semaphore_mem>>
      %dma_start3A = arith.constant 1280 : i32
      %dma_start3A_95 = tpu.memref_slice %arg10[%dma_start3A] : memref<10240xf32, #tpu.memory_space<vmem>> -> memref<640xf32, #tpu.memory_space<vmem>>
      %dma_start3A_96 = tpu.memref_slice %arg16[%run_scoped3A_69, %mul3A_0] : memref<16x10240xf32, #tpu.memory_space<vmem_shared>> -> memref<1x640xf32, #tpu.memory_space<vmem_shared>>
      %dma_start3A_97 = tpu.memref_squeeze %dma_start3A_96 : memref<1x640xf32, #tpu.memory_space<vmem_shared>> -> memref<640xf32, #tpu.memory_space<vmem_shared>>
      %dma_start3A_98 = arith.constant 1280 : i32
      %dma_start3A_99 = tpu.memref_slice %arg10[%dma_start3A_98] : memref<10240xf32, #tpu.memory_space<vmem>> -> memref<640xf32, #tpu.memory_space<vmem>>
      %dma_start3A_100 = tpu.memref_slice %arg16[%run_scoped3A_69, %mul3A_0] : memref<16x10240xf32, #tpu.memory_space<vmem_shared>> -> memref<1x640xf32, #tpu.memory_space<vmem_shared>>
      %dma_start3A_101 = tpu.memref_squeeze %dma_start3A_100 : memref<1x640xf32, #tpu.memory_space<vmem_shared>> -> memref<640xf32, #tpu.memory_space<vmem_shared>>
      tpu.enqueue_dma source(%dma_start3A_101 : memref<640xf32, #tpu.memory_space<vmem_shared>>) target(%dma_start3A_99 : memref<640xf32, #tpu.memory_space<vmem>>) target_semaphore(%run_scoped3A_94 : memref<!tpu.dma_semaphore, #tpu.memory_space<semaphore_mem>>)
      %dma_wait3A = arith.constant 1280 : i32
      %dma_wait3A_102 = tpu.memref_slice %arg10[%dma_wait3A] : memref<10240xf32, #tpu.memory_space<vmem>> -> memref<640xf32, #tpu.memory_space<vmem>>
      %dma_wait3A_103 = tpu.memref_slice %arg16[%run_scoped3A_69, %mul3A_0] : memref<16x10240xf32, #tpu.memory_space<vmem_shared>> -> memref<1x640xf32, #tpu.memory_space<vmem_shared>>
      %dma_wait3A_104 = tpu.memref_squeeze %dma_wait3A_103 : memref<1x640xf32, #tpu.memory_space<vmem_shared>> -> memref<640xf32, #tpu.memory_space<vmem_shared>>
      %dma_wait3A_105 = arith.constant 1280 : i32
      %dma_wait3A_106 = tpu.memref_slice %arg10[%dma_wait3A_105] : memref<10240xf32, #tpu.memory_space<vmem>> -> memref<640xf32, #tpu.memory_space<vmem>>
      %dma_wait3A_107 = tpu.memref_slice %arg16[%run_scoped3A_69, %mul3A_0] : memref<16x10240xf32, #tpu.memory_space<vmem_shared>> -> memref<1x640xf32, #tpu.memory_space<vmem_shared>>
      %dma_wait3A_108 = tpu.memref_squeeze %dma_wait3A_107 : memref<1x640xf32, #tpu.memory_space<vmem_shared>> -> memref<640xf32, #tpu.memory_space<vmem_shared>>
      tpu.wait_dma2 semaphore(%run_scoped3A_94 : memref<!tpu.dma_semaphore, #tpu.memory_space<semaphore_mem>>) src(%dma_wait3A_108 : memref<640xf32, #tpu.memory_space<vmem_shared>>) dst(%dma_wait3A_106 : memref<640xf32, #tpu.memory_space<vmem>>)
      tpu.yield
    }) : () -> ()
    %run_scoped3A_70 = arith.constant 3 : i32
    "tpu.region"() ({
      %run_scoped3A_94 = tpu.sem_alloc : memref<!tpu.dma_semaphore, #tpu.memory_space<semaphore_mem>>
      %dma_start3A = arith.constant 1920 : i32
      %dma_start3A_95 = tpu.memref_slice %arg10[%dma_start3A] : memref<10240xf32, #tpu.memory_space<vmem>> -> memref<640xf32, #tpu.memory_space<vmem>>
      %dma_start3A_96 = tpu.memref_slice %arg16[%run_scoped3A_70, %mul3A_0] : memref<16x10240xf32, #tpu.memory_space<vmem_shared>> -> memref<1x640xf32, #tpu.memory_space<vmem_shared>>
      %dma_start3A_97 = tpu.memref_squeeze %dma_start3A_96 : memref<1x640xf32, #tpu.memory_space<vmem_shared>> -> memref<640xf32, #tpu.memory_space<vmem_shared>>
      %dma_start3A_98 = arith.constant 1920 : i32
      %dma_start3A_99 = tpu.memref_slice %arg10[%dma_start3A_98] : memref<10240xf32, #tpu.memory_space<vmem>> -> memref<640xf32, #tpu.memory_space<vmem>>
      %dma_start3A_100 = tpu.memref_slice %arg16[%run_scoped3A_70, %mul3A_0] : memref<16x10240xf32, #tpu.memory_space<vmem_shared>> -> memref<1x640xf32, #tpu.memory_space<vmem_shared>>
      %dma_start3A_101 = tpu.memref_squeeze %dma_start3A_100 : memref<1x640xf32, #tpu.memory_space<vmem_shared>> -> memref<640xf32, #tpu.memory_space<vmem_shared>>
      tpu.enqueue_dma source(%dma_start3A_101 : memref<640xf32, #tpu.memory_space<vmem_shared>>) target(%dma_start3A_99 : memref<640xf32, #tpu.memory_space<vmem>>) target_semaphore(%run_scoped3A_94 : memref<!tpu.dma_semaphore, #tpu.memory_space<semaphore_mem>>)
      %dma_wait3A = arith.constant 1920 : i32
      %dma_wait3A_102 = tpu.memref_slice %arg10[%dma_wait3A] : memref<10240xf32, #tpu.memory_space<vmem>> -> memref<640xf32, #tpu.memory_space<vmem>>
      %dma_wait3A_103 = tpu.memref_slice %arg16[%run_scoped3A_70, %mul3A_0] : memref<16x10240xf32, #tpu.memory_space<vmem_shared>> -> memref<1x640xf32, #tpu.memory_space<vmem_shared>>
      %dma_wait3A_104 = tpu.memref_squeeze %dma_wait3A_103 : memref<1x640xf32, #tpu.memory_space<vmem_shared>> -> memref<640xf32, #tpu.memory_space<vmem_shared>>
      %dma_wait3A_105 = arith.constant 1920 : i32
      %dma_wait3A_106 = tpu.memref_slice %arg10[%dma_wait3A_105] : memref<10240xf32, #tpu.memory_space<vmem>> -> memref<640xf32, #tpu.memory_space<vmem>>
      %dma_wait3A_107 = tpu.memref_slice %arg16[%run_scoped3A_70, %mul3A_0] : memref<16x10240xf32, #tpu.memory_space<vmem_shared>> -> memref<1x640xf32, #tpu.memory_space<vmem_shared>>
      %dma_wait3A_108 = tpu.memref_squeeze %dma_wait3A_107 : memref<1x640xf32, #tpu.memory_space<vmem_shared>> -> memref<640xf32, #tpu.memory_space<vmem_shared>>
      tpu.wait_dma2 semaphore(%run_scoped3A_94 : memref<!tpu.dma_semaphore, #tpu.memory_space<semaphore_mem>>) src(%dma_wait3A_108 : memref<640xf32, #tpu.memory_space<vmem_shared>>) dst(%dma_wait3A_106 : memref<640xf32, #tpu.memory_space<vmem>>)
      tpu.yield
    }) : () -> ()
    %run_scoped3A_71 = arith.constant 4 : i32
    "tpu.region"() ({
      %run_scoped3A_94 = tpu.sem_alloc : memref<!tpu.dma_semaphore, #tpu.memory_space<semaphore_mem>>
      %dma_start3A = arith.constant 2560 : i32
      %dma_start3A_95 = tpu.memref_slice %arg10[%dma_start3A] : memref<10240xf32, #tpu.memory_space<vmem>> -> memref<640xf32, #tpu.memory_space<vmem>>
      %dma_start3A_96 = tpu.memref_slice %arg16[%run_scoped3A_71, %mul3A_0] : memref<16x10240xf32, #tpu.memory_space<vmem_shared>> -> memref<1x640xf32, #tpu.memory_space<vmem_shared>>
      %dma_start3A_97 = tpu.memref_squeeze %dma_start3A_96 : memref<1x640xf32, #tpu.memory_space<vmem_shared>> -> memref<640xf32, #tpu.memory_space<vmem_shared>>
      %dma_start3A_98 = arith.constant 2560 : i32
      %dma_start3A_99 = tpu.memref_slice %arg10[%dma_start3A_98] : memref<10240xf32, #tpu.memory_space<vmem>> -> memref<640xf32, #tpu.memory_space<vmem>>
      %dma_start3A_100 = tpu.memref_slice %arg16[%run_scoped3A_71, %mul3A_0] : memref<16x10240xf32, #tpu.memory_space<vmem_shared>> -> memref<1x640xf32, #tpu.memory_space<vmem_shared>>
      %dma_start3A_101 = tpu.memref_squeeze %dma_start3A_100 : memref<1x640xf32, #tpu.memory_space<vmem_shared>> -> memref<640xf32, #tpu.memory_space<vmem_shared>>
      tpu.enqueue_dma source(%dma_start3A_101 : memref<640xf32, #tpu.memory_space<vmem_shared>>) target(%dma_start3A_99 : memref<640xf32, #tpu.memory_space<vmem>>) target_semaphore(%run_scoped3A_94 : memref<!tpu.dma_semaphore, #tpu.memory_space<semaphore_mem>>)
      %dma_wait3A = arith.constant 2560 : i32
      %dma_wait3A_102 = tpu.memref_slice %arg10[%dma_wait3A] : memref<10240xf32, #tpu.memory_space<vmem>> -> memref<640xf32, #tpu.memory_space<vmem>>
      %dma_wait3A_103 = tpu.memref_slice %arg16[%run_scoped3A_71, %mul3A_0] : memref<16x10240xf32, #tpu.memory_space<vmem_shared>> -> memref<1x640xf32, #tpu.memory_space<vmem_shared>>
      %dma_wait3A_104 = tpu.memref_squeeze %dma_wait3A_103 : memref<1x640xf32, #tpu.memory_space<vmem_shared>> -> memref<640xf32, #tpu.memory_space<vmem_shared>>
      %dma_wait3A_105 = arith.constant 2560 : i32
      %dma_wait3A_106 = tpu.memref_slice %arg10[%dma_wait3A_105] : memref<10240xf32, #tpu.memory_space<vmem>> -> memref<640xf32, #tpu.memory_space<vmem>>
      %dma_wait3A_107 = tpu.memref_slice %arg16[%run_scoped3A_71, %mul3A_0] : memref<16x10240xf32, #tpu.memory_space<vmem_shared>> -> memref<1x640xf32, #tpu.memory_space<vmem_shared>>
      %dma_wait3A_108 = tpu.memref_squeeze %dma_wait3A_107 : memref<1x640xf32, #tpu.memory_space<vmem_shared>> -> memref<640xf32, #tpu.memory_space<vmem_shared>>
      tpu.wait_dma2 semaphore(%run_scoped3A_94 : memref<!tpu.dma_semaphore, #tpu.memory_space<semaphore_mem>>) src(%dma_wait3A_108 : memref<640xf32, #tpu.memory_space<vmem_shared>>) dst(%dma_wait3A_106 : memref<640xf32, #tpu.memory_space<vmem>>)
      tpu.yield
    }) : () -> ()
    %run_scoped3A_72 = arith.constant 5 : i32
    "tpu.region"() ({
      %run_scoped3A_94 = tpu.sem_alloc : memref<!tpu.dma_semaphore, #tpu.memory_space<semaphore_mem>>
      %dma_start3A = arith.constant 3200 : i32
      %dma_start3A_95 = tpu.memref_slice %arg10[%dma_start3A] : memref<10240xf32, #tpu.memory_space<vmem>> -> memref<640xf32, #tpu.memory_space<vmem>>
      %dma_start3A_96 = tpu.memref_slice %arg16[%run_scoped3A_72, %mul3A_0] : memref<16x10240xf32, #tpu.memory_space<vmem_shared>> -> memref<1x640xf32, #tpu.memory_space<vmem_shared>>
      %dma_start3A_97 = tpu.memref_squeeze %dma_start3A_96 : memref<1x640xf32, #tpu.memory_space<vmem_shared>> -> memref<640xf32, #tpu.memory_space<vmem_shared>>
      %dma_start3A_98 = arith.constant 3200 : i32
      %dma_start3A_99 = tpu.memref_slice %arg10[%dma_start3A_98] : memref<10240xf32, #tpu.memory_space<vmem>> -> memref<640xf32, #tpu.memory_space<vmem>>
      %dma_start3A_100 = tpu.memref_slice %arg16[%run_scoped3A_72, %mul3A_0] : memref<16x10240xf32, #tpu.memory_space<vmem_shared>> -> memref<1x640xf32, #tpu.memory_space<vmem_shared>>
      %dma_start3A_101 = tpu.memref_squeeze %dma_start3A_100 : memref<1x640xf32, #tpu.memory_space<vmem_shared>> -> memref<640xf32, #tpu.memory_space<vmem_shared>>
      tpu.enqueue_dma source(%dma_start3A_101 : memref<640xf32, #tpu.memory_space<vmem_shared>>) target(%dma_start3A_99 : memref<640xf32, #tpu.memory_space<vmem>>) target_semaphore(%run_scoped3A_94 : memref<!tpu.dma_semaphore, #tpu.memory_space<semaphore_mem>>)
      %dma_wait3A = arith.constant 3200 : i32
      %dma_wait3A_102 = tpu.memref_slice %arg10[%dma_wait3A] : memref<10240xf32, #tpu.memory_space<vmem>> -> memref<640xf32, #tpu.memory_space<vmem>>
      %dma_wait3A_103 = tpu.memref_slice %arg16[%run_scoped3A_72, %mul3A_0] : memref<16x10240xf32, #tpu.memory_space<vmem_shared>> -> memref<1x640xf32, #tpu.memory_space<vmem_shared>>
      %dma_wait3A_104 = tpu.memref_squeeze %dma_wait3A_103 : memref<1x640xf32, #tpu.memory_space<vmem_shared>> -> memref<640xf32, #tpu.memory_space<vmem_shared>>
      %dma_wait3A_105 = arith.constant 3200 : i32
      %dma_wait3A_106 = tpu.memref_slice %arg10[%dma_wait3A_105] : memref<10240xf32, #tpu.memory_space<vmem>> -> memref<640xf32, #tpu.memory_space<vmem>>
      %dma_wait3A_107 = tpu.memref_slice %arg16[%run_scoped3A_72, %mul3A_0] : memref<16x10240xf32, #tpu.memory_space<vmem_shared>> -> memref<1x640xf32, #tpu.memory_space<vmem_shared>>
      %dma_wait3A_108 = tpu.memref_squeeze %dma_wait3A_107 : memref<1x640xf32, #tpu.memory_space<vmem_shared>> -> memref<640xf32, #tpu.memory_space<vmem_shared>>
      tpu.wait_dma2 semaphore(%run_scoped3A_94 : memref<!tpu.dma_semaphore, #tpu.memory_space<semaphore_mem>>) src(%dma_wait3A_108 : memref<640xf32, #tpu.memory_space<vmem_shared>>) dst(%dma_wait3A_106 : memref<640xf32, #tpu.memory_space<vmem>>)
      tpu.yield
    }) : () -> ()
    %run_scoped3A_73 = arith.constant 6 : i32
    "tpu.region"() ({
      %run_scoped3A_94 = tpu.sem_alloc : memref<!tpu.dma_semaphore, #tpu.memory_space<semaphore_mem>>
      %dma_start3A = arith.constant 3840 : i32
      %dma_start3A_95 = tpu.memref_slice %arg10[%dma_start3A] : memref<10240xf32, #tpu.memory_space<vmem>> -> memref<640xf32, #tpu.memory_space<vmem>>
      %dma_start3A_96 = tpu.memref_slice %arg16[%run_scoped3A_73, %mul3A_0] : memref<16x10240xf32, #tpu.memory_space<vmem_shared>> -> memref<1x640xf32, #tpu.memory_space<vmem_shared>>
      %dma_start3A_97 = tpu.memref_squeeze %dma_start3A_96 : memref<1x640xf32, #tpu.memory_space<vmem_shared>> -> memref<640xf32, #tpu.memory_space<vmem_shared>>
      %dma_start3A_98 = arith.constant 3840 : i32
      %dma_start3A_99 = tpu.memref_slice %arg10[%dma_start3A_98] : memref<10240xf32, #tpu.memory_space<vmem>> -> memref<640xf32, #tpu.memory_space<vmem>>
      %dma_start3A_100 = tpu.memref_slice %arg16[%run_scoped3A_73, %mul3A_0] : memref<16x10240xf32, #tpu.memory_space<vmem_shared>> -> memref<1x640xf32, #tpu.memory_space<vmem_shared>>
      %dma_start3A_101 = tpu.memref_squeeze %dma_start3A_100 : memref<1x640xf32, #tpu.memory_space<vmem_shared>> -> memref<640xf32, #tpu.memory_space<vmem_shared>>
      tpu.enqueue_dma source(%dma_start3A_101 : memref<640xf32, #tpu.memory_space<vmem_shared>>) target(%dma_start3A_99 : memref<640xf32, #tpu.memory_space<vmem>>) target_semaphore(%run_scoped3A_94 : memref<!tpu.dma_semaphore, #tpu.memory_space<semaphore_mem>>)
      %dma_wait3A = arith.constant 3840 : i32
      %dma_wait3A_102 = tpu.memref_slice %arg10[%dma_wait3A] : memref<10240xf32, #tpu.memory_space<vmem>> -> memref<640xf32, #tpu.memory_space<vmem>>
      %dma_wait3A_103 = tpu.memref_slice %arg16[%run_scoped3A_73, %mul3A_0] : memref<16x10240xf32, #tpu.memory_space<vmem_shared>> -> memref<1x640xf32, #tpu.memory_space<vmem_shared>>
      %dma_wait3A_104 = tpu.memref_squeeze %dma_wait3A_103 : memref<1x640xf32, #tpu.memory_space<vmem_shared>> -> memref<640xf32, #tpu.memory_space<vmem_shared>>
      %dma_wait3A_105 = arith.constant 3840 : i32
      %dma_wait3A_106 = tpu.memref_slice %arg10[%dma_wait3A_105] : memref<10240xf32, #tpu.memory_space<vmem>> -> memref<640xf32, #tpu.memory_space<vmem>>
      %dma_wait3A_107 = tpu.memref_slice %arg16[%run_scoped3A_73, %mul3A_0] : memref<16x10240xf32, #tpu.memory_space<vmem_shared>> -> memref<1x640xf32, #tpu.memory_space<vmem_shared>>
      %dma_wait3A_108 = tpu.memref_squeeze %dma_wait3A_107 : memref<1x640xf32, #tpu.memory_space<vmem_shared>> -> memref<640xf32, #tpu.memory_space<vmem_shared>>
      tpu.wait_dma2 semaphore(%run_scoped3A_94 : memref<!tpu.dma_semaphore, #tpu.memory_space<semaphore_mem>>) src(%dma_wait3A_108 : memref<640xf32, #tpu.memory_space<vmem_shared>>) dst(%dma_wait3A_106 : memref<640xf32, #tpu.memory_space<vmem>>)
      tpu.yield
    }) : () -> ()
    %run_scoped3A_74 = arith.constant 7 : i32
    "tpu.region"() ({
      %run_scoped3A_94 = tpu.sem_alloc : memref<!tpu.dma_semaphore, #tpu.memory_space<semaphore_mem>>
      %dma_start3A = arith.constant 4480 : i32
      %dma_start3A_95 = tpu.memref_slice %arg10[%dma_start3A] : memref<10240xf32, #tpu.memory_space<vmem>> -> memref<640xf32, #tpu.memory_space<vmem>>
      %dma_start3A_96 = tpu.memref_slice %arg16[%run_scoped3A_74, %mul3A_0] : memref<16x10240xf32, #tpu.memory_space<vmem_shared>> -> memref<1x640xf32, #tpu.memory_space<vmem_shared>>
      %dma_start3A_97 = tpu.memref_squeeze %dma_start3A_96 : memref<1x640xf32, #tpu.memory_space<vmem_shared>> -> memref<640xf32, #tpu.memory_space<vmem_shared>>
      %dma_start3A_98 = arith.constant 4480 : i32
      %dma_start3A_99 = tpu.memref_slice %arg10[%dma_start3A_98] : memref<10240xf32, #tpu.memory_space<vmem>> -> memref<640xf32, #tpu.memory_space<vmem>>
      %dma_start3A_100 = tpu.memref_slice %arg16[%run_scoped3A_74, %mul3A_0] : memref<16x10240xf32, #tpu.memory_space<vmem_shared>> -> memref<1x640xf32, #tpu.memory_space<vmem_shared>>
      %dma_start3A_101 = tpu.memref_squeeze %dma_start3A_100 : memref<1x640xf32, #tpu.memory_space<vmem_shared>> -> memref<640xf32, #tpu.memory_space<vmem_shared>>
      tpu.enqueue_dma source(%dma_start3A_101 : memref<640xf32, #tpu.memory_space<vmem_shared>>) target(%dma_start3A_99 : memref<640xf32, #tpu.memory_space<vmem>>) target_semaphore(%run_scoped3A_94 : memref<!tpu.dma_semaphore, #tpu.memory_space<semaphore_mem>>)
      %dma_wait3A = arith.constant 4480 : i32
      %dma_wait3A_102 = tpu.memref_slice %arg10[%dma_wait3A] : memref<10240xf32, #tpu.memory_space<vmem>> -> memref<640xf32, #tpu.memory_space<vmem>>
      %dma_wait3A_103 = tpu.memref_slice %arg16[%run_scoped3A_74, %mul3A_0] : memref<16x10240xf32, #tpu.memory_space<vmem_shared>> -> memref<1x640xf32, #tpu.memory_space<vmem_shared>>
      %dma_wait3A_104 = tpu.memref_squeeze %dma_wait3A_103 : memref<1x640xf32, #tpu.memory_space<vmem_shared>> -> memref<640xf32, #tpu.memory_space<vmem_shared>>
      %dma_wait3A_105 = arith.constant 4480 : i32
      %dma_wait3A_106 = tpu.memref_slice %arg10[%dma_wait3A_105] : memref<10240xf32, #tpu.memory_space<vmem>> -> memref<640xf32, #tpu.memory_space<vmem>>
      %dma_wait3A_107 = tpu.memref_slice %arg16[%run_scoped3A_74, %mul3A_0] : memref<16x10240xf32, #tpu.memory_space<vmem_shared>> -> memref<1x640xf32, #tpu.memory_space<vmem_shared>>
      %dma_wait3A_108 = tpu.memref_squeeze %dma_wait3A_107 : memref<1x640xf32, #tpu.memory_space<vmem_shared>> -> memref<640xf32, #tpu.memory_space<vmem_shared>>
      tpu.wait_dma2 semaphore(%run_scoped3A_94 : memref<!tpu.dma_semaphore, #tpu.memory_space<semaphore_mem>>) src(%dma_wait3A_108 : memref<640xf32, #tpu.memory_space<vmem_shared>>) dst(%dma_wait3A_106 : memref<640xf32, #tpu.memory_space<vmem>>)
      tpu.yield
    }) : () -> ()
    %run_scoped3A_75 = arith.constant 8 : i32
    "tpu.region"() ({
      %run_scoped3A_94 = tpu.sem_alloc : memref<!tpu.dma_semaphore, #tpu.memory_space<semaphore_mem>>
      %dma_start3A = arith.constant 5120 : i32
      %dma_start3A_95 = tpu.memref_slice %arg10[%dma_start3A] : memref<10240xf32, #tpu.memory_space<vmem>> -> memref<640xf32, #tpu.memory_space<vmem>>
      %dma_start3A_96 = tpu.memref_slice %arg16[%run_scoped3A_75, %mul3A_0] : memref<16x10240xf32, #tpu.memory_space<vmem_shared>> -> memref<1x640xf32, #tpu.memory_space<vmem_shared>>
      %dma_start3A_97 = tpu.memref_squeeze %dma_start3A_96 : memref<1x640xf32, #tpu.memory_space<vmem_shared>> -> memref<640xf32, #tpu.memory_space<vmem_shared>>
      %dma_start3A_98 = arith.constant 5120 : i32
      %dma_start3A_99 = tpu.memref_slice %arg10[%dma_start3A_98] : memref<10240xf32, #tpu.memory_space<vmem>> -> memref<640xf32, #tpu.memory_space<vmem>>
      %dma_start3A_100 = tpu.memref_slice %arg16[%run_scoped3A_75, %mul3A_0] : memref<16x10240xf32, #tpu.memory_space<vmem_shared>> -> memref<1x640xf32, #tpu.memory_space<vmem_shared>>
      %dma_start3A_101 = tpu.memref_squeeze %dma_start3A_100 : memref<1x640xf32, #tpu.memory_space<vmem_shared>> -> memref<640xf32, #tpu.memory_space<vmem_shared>>
      tpu.enqueue_dma source(%dma_start3A_101 : memref<640xf32, #tpu.memory_space<vmem_shared>>) target(%dma_start3A_99 : memref<640xf32, #tpu.memory_space<vmem>>) target_semaphore(%run_scoped3A_94 : memref<!tpu.dma_semaphore, #tpu.memory_space<semaphore_mem>>)
      %dma_wait3A = arith.constant 5120 : i32
      %dma_wait3A_102 = tpu.memref_slice %arg10[%dma_wait3A] : memref<10240xf32, #tpu.memory_space<vmem>> -> memref<640xf32, #tpu.memory_space<vmem>>
      %dma_wait3A_103 = tpu.memref_slice %arg16[%run_scoped3A_75, %mul3A_0] : memref<16x10240xf32, #tpu.memory_space<vmem_shared>> -> memref<1x640xf32, #tpu.memory_space<vmem_shared>>
      %dma_wait3A_104 = tpu.memref_squeeze %dma_wait3A_103 : memref<1x640xf32, #tpu.memory_space<vmem_shared>> -> memref<640xf32, #tpu.memory_space<vmem_shared>>
      %dma_wait3A_105 = arith.constant 5120 : i32
      %dma_wait3A_106 = tpu.memref_slice %arg10[%dma_wait3A_105] : memref<10240xf32, #tpu.memory_space<vmem>> -> memref<640xf32, #tpu.memory_space<vmem>>
      %dma_wait3A_107 = tpu.memref_slice %arg16[%run_scoped3A_75, %mul3A_0] : memref<16x10240xf32, #tpu.memory_space<vmem_shared>> -> memref<1x640xf32, #tpu.memory_space<vmem_shared>>
      %dma_wait3A_108 = tpu.memref_squeeze %dma_wait3A_107 : memref<1x640xf32, #tpu.memory_space<vmem_shared>> -> memref<640xf32, #tpu.memory_space<vmem_shared>>
      tpu.wait_dma2 semaphore(%run_scoped3A_94 : memref<!tpu.dma_semaphore, #tpu.memory_space<semaphore_mem>>) src(%dma_wait3A_108 : memref<640xf32, #tpu.memory_space<vmem_shared>>) dst(%dma_wait3A_106 : memref<640xf32, #tpu.memory_space<vmem>>)
      tpu.yield
    }) : () -> ()
    %run_scoped3A_76 = arith.constant 9 : i32
    "tpu.region"() ({
      %run_scoped3A_94 = tpu.sem_alloc : memref<!tpu.dma_semaphore, #tpu.memory_space<semaphore_mem>>
      %dma_start3A = arith.constant 5760 : i32
      %dma_start3A_95 = tpu.memref_slice %arg10[%dma_start3A] : memref<10240xf32, #tpu.memory_space<vmem>> -> memref<640xf32, #tpu.memory_space<vmem>>
      %dma_start3A_96 = tpu.memref_slice %arg16[%run_scoped3A_76, %mul3A_0] : memref<16x10240xf32, #tpu.memory_space<vmem_shared>> -> memref<1x640xf32, #tpu.memory_space<vmem_shared>>
      %dma_start3A_97 = tpu.memref_squeeze %dma_start3A_96 : memref<1x640xf32, #tpu.memory_space<vmem_shared>> -> memref<640xf32, #tpu.memory_space<vmem_shared>>
      %dma_start3A_98 = arith.constant 5760 : i32
      %dma_start3A_99 = tpu.memref_slice %arg10[%dma_start3A_98] : memref<10240xf32, #tpu.memory_space<vmem>> -> memref<640xf32, #tpu.memory_space<vmem>>
      %dma_start3A_100 = tpu.memref_slice %arg16[%run_scoped3A_76, %mul3A_0] : memref<16x10240xf32, #tpu.memory_space<vmem_shared>> -> memref<1x640xf32, #tpu.memory_space<vmem_shared>>
      %dma_start3A_101 = tpu.memref_squeeze %dma_start3A_100 : memref<1x640xf32, #tpu.memory_space<vmem_shared>> -> memref<640xf32, #tpu.memory_space<vmem_shared>>
      tpu.enqueue_dma source(%dma_start3A_101 : memref<640xf32, #tpu.memory_space<vmem_shared>>) target(%dma_start3A_99 : memref<640xf32, #tpu.memory_space<vmem>>) target_semaphore(%run_scoped3A_94 : memref<!tpu.dma_semaphore, #tpu.memory_space<semaphore_mem>>)
      %dma_wait3A = arith.constant 5760 : i32
      %dma_wait3A_102 = tpu.memref_slice %arg10[%dma_wait3A] : memref<10240xf32, #tpu.memory_space<vmem>> -> memref<640xf32, #tpu.memory_space<vmem>>
      %dma_wait3A_103 = tpu.memref_slice %arg16[%run_scoped3A_76, %mul3A_0] : memref<16x10240xf32, #tpu.memory_space<vmem_shared>> -> memref<1x640xf32, #tpu.memory_space<vmem_shared>>
      %dma_wait3A_104 = tpu.memref_squeeze %dma_wait3A_103 : memref<1x640xf32, #tpu.memory_space<vmem_shared>> -> memref<640xf32, #tpu.memory_space<vmem_shared>>
      %dma_wait3A_105 = arith.constant 5760 : i32
      %dma_wait3A_106 = tpu.memref_slice %arg10[%dma_wait3A_105] : memref<10240xf32, #tpu.memory_space<vmem>> -> memref<640xf32, #tpu.memory_space<vmem>>
      %dma_wait3A_107 = tpu.memref_slice %arg16[%run_scoped3A_76, %mul3A_0] : memref<16x10240xf32, #tpu.memory_space<vmem_shared>> -> memref<1x640xf32, #tpu.memory_space<vmem_shared>>
      %dma_wait3A_108 = tpu.memref_squeeze %dma_wait3A_107 : memref<1x640xf32, #tpu.memory_space<vmem_shared>> -> memref<640xf32, #tpu.memory_space<vmem_shared>>
      tpu.wait_dma2 semaphore(%run_scoped3A_94 : memref<!tpu.dma_semaphore, #tpu.memory_space<semaphore_mem>>) src(%dma_wait3A_108 : memref<640xf32, #tpu.memory_space<vmem_shared>>) dst(%dma_wait3A_106 : memref<640xf32, #tpu.memory_space<vmem>>)
      tpu.yield
    }) : () -> ()
    %run_scoped3A_77 = arith.constant 10 : i32
    "tpu.region"() ({
      %run_scoped3A_94 = tpu.sem_alloc : memref<!tpu.dma_semaphore, #tpu.memory_space<semaphore_mem>>
      %dma_start3A = arith.constant 6400 : i32
      %dma_start3A_95 = tpu.memref_slice %arg10[%dma_start3A] : memref<10240xf32, #tpu.memory_space<vmem>> -> memref<640xf32, #tpu.memory_space<vmem>>
      %dma_start3A_96 = tpu.memref_slice %arg16[%run_scoped3A_77, %mul3A_0] : memref<16x10240xf32, #tpu.memory_space<vmem_shared>> -> memref<1x640xf32, #tpu.memory_space<vmem_shared>>
      %dma_start3A_97 = tpu.memref_squeeze %dma_start3A_96 : memref<1x640xf32, #tpu.memory_space<vmem_shared>> -> memref<640xf32, #tpu.memory_space<vmem_shared>>
      %dma_start3A_98 = arith.constant 6400 : i32
      %dma_start3A_99 = tpu.memref_slice %arg10[%dma_start3A_98] : memref<10240xf32, #tpu.memory_space<vmem>> -> memref<640xf32, #tpu.memory_space<vmem>>
      %dma_start3A_100 = tpu.memref_slice %arg16[%run_scoped3A_77, %mul3A_0] : memref<16x10240xf32, #tpu.memory_space<vmem_shared>> -> memref<1x640xf32, #tpu.memory_space<vmem_shared>>
      %dma_start3A_101 = tpu.memref_squeeze %dma_start3A_100 : memref<1x640xf32, #tpu.memory_space<vmem_shared>> -> memref<640xf32, #tpu.memory_space<vmem_shared>>
      tpu.enqueue_dma source(%dma_start3A_101 : memref<640xf32, #tpu.memory_space<vmem_shared>>) target(%dma_start3A_99 : memref<640xf32, #tpu.memory_space<vmem>>) target_semaphore(%run_scoped3A_94 : memref<!tpu.dma_semaphore, #tpu.memory_space<semaphore_mem>>)
      %dma_wait3A = arith.constant 6400 : i32
      %dma_wait3A_102 = tpu.memref_slice %arg10[%dma_wait3A] : memref<10240xf32, #tpu.memory_space<vmem>> -> memref<640xf32, #tpu.memory_space<vmem>>
      %dma_wait3A_103 = tpu.memref_slice %arg16[%run_scoped3A_77, %mul3A_0] : memref<16x10240xf32, #tpu.memory_space<vmem_shared>> -> memref<1x640xf32, #tpu.memory_space<vmem_shared>>
      %dma_wait3A_104 = tpu.memref_squeeze %dma_wait3A_103 : memref<1x640xf32, #tpu.memory_space<vmem_shared>> -> memref<640xf32, #tpu.memory_space<vmem_shared>>
      %dma_wait3A_105 = arith.constant 6400 : i32
      %dma_wait3A_106 = tpu.memref_slice %arg10[%dma_wait3A_105] : memref<10240xf32, #tpu.memory_space<vmem>> -> memref<640xf32, #tpu.memory_space<vmem>>
      %dma_wait3A_107 = tpu.memref_slice %arg16[%run_scoped3A_77, %mul3A_0] : memref<16x10240xf32, #tpu.memory_space<vmem_shared>> -> memref<1x640xf32, #tpu.memory_space<vmem_shared>>
      %dma_wait3A_108 = tpu.memref_squeeze %dma_wait3A_107 : memref<1x640xf32, #tpu.memory_space<vmem_shared>> -> memref<640xf32, #tpu.memory_space<vmem_shared>>
      tpu.wait_dma2 semaphore(%run_scoped3A_94 : memref<!tpu.dma_semaphore, #tpu.memory_space<semaphore_mem>>) src(%dma_wait3A_108 : memref<640xf32, #tpu.memory_space<vmem_shared>>) dst(%dma_wait3A_106 : memref<640xf32, #tpu.memory_space<vmem>>)
      tpu.yield
    }) : () -> ()
    %run_scoped3A_78 = arith.constant 11 : i32
    "tpu.region"() ({
      %run_scoped3A_94 = tpu.sem_alloc : memref<!tpu.dma_semaphore, #tpu.memory_space<semaphore_mem>>
      %dma_start3A = arith.constant 7040 : i32
      %dma_start3A_95 = tpu.memref_slice %arg10[%dma_start3A] : memref<10240xf32, #tpu.memory_space<vmem>> -> memref<640xf32, #tpu.memory_space<vmem>>
      %dma_start3A_96 = tpu.memref_slice %arg16[%run_scoped3A_78, %mul3A_0] : memref<16x10240xf32, #tpu.memory_space<vmem_shared>> -> memref<1x640xf32, #tpu.memory_space<vmem_shared>>
      %dma_start3A_97 = tpu.memref_squeeze %dma_start3A_96 : memref<1x640xf32, #tpu.memory_space<vmem_shared>> -> memref<640xf32, #tpu.memory_space<vmem_shared>>
      %dma_start3A_98 = arith.constant 7040 : i32
      %dma_start3A_99 = tpu.memref_slice %arg10[%dma_start3A_98] : memref<10240xf32, #tpu.memory_space<vmem>> -> memref<640xf32, #tpu.memory_space<vmem>>
      %dma_start3A_100 = tpu.memref_slice %arg16[%run_scoped3A_78, %mul3A_0] : memref<16x10240xf32, #tpu.memory_space<vmem_shared>> -> memref<1x640xf32, #tpu.memory_space<vmem_shared>>
      %dma_start3A_101 = tpu.memref_squeeze %dma_start3A_100 : memref<1x640xf32, #tpu.memory_space<vmem_shared>> -> memref<640xf32, #tpu.memory_space<vmem_shared>>
      tpu.enqueue_dma source(%dma_start3A_101 : memref<640xf32, #tpu.memory_space<vmem_shared>>) target(%dma_start3A_99 : memref<640xf32, #tpu.memory_space<vmem>>) target_semaphore(%run_scoped3A_94 : memref<!tpu.dma_semaphore, #tpu.memory_space<semaphore_mem>>)
      %dma_wait3A = arith.constant 7040 : i32
      %dma_wait3A_102 = tpu.memref_slice %arg10[%dma_wait3A] : memref<10240xf32, #tpu.memory_space<vmem>> -> memref<640xf32, #tpu.memory_space<vmem>>
      %dma_wait3A_103 = tpu.memref_slice %arg16[%run_scoped3A_78, %mul3A_0] : memref<16x10240xf32, #tpu.memory_space<vmem_shared>> -> memref<1x640xf32, #tpu.memory_space<vmem_shared>>
      %dma_wait3A_104 = tpu.memref_squeeze %dma_wait3A_103 : memref<1x640xf32, #tpu.memory_space<vmem_shared>> -> memref<640xf32, #tpu.memory_space<vmem_shared>>
      %dma_wait3A_105 = arith.constant 7040 : i32
      %dma_wait3A_106 = tpu.memref_slice %arg10[%dma_wait3A_105] : memref<10240xf32, #tpu.memory_space<vmem>> -> memref<640xf32, #tpu.memory_space<vmem>>
      %dma_wait3A_107 = tpu.memref_slice %arg16[%run_scoped3A_78, %mul3A_0] : memref<16x10240xf32, #tpu.memory_space<vmem_shared>> -> memref<1x640xf32, #tpu.memory_space<vmem_shared>>
      %dma_wait3A_108 = tpu.memref_squeeze %dma_wait3A_107 : memref<1x640xf32, #tpu.memory_space<vmem_shared>> -> memref<640xf32, #tpu.memory_space<vmem_shared>>
      tpu.wait_dma2 semaphore(%run_scoped3A_94 : memref<!tpu.dma_semaphore, #tpu.memory_space<semaphore_mem>>) src(%dma_wait3A_108 : memref<640xf32, #tpu.memory_space<vmem_shared>>) dst(%dma_wait3A_106 : memref<640xf32, #tpu.memory_space<vmem>>)
      tpu.yield
    }) : () -> ()
    %run_scoped3A_79 = arith.constant 12 : i32
    "tpu.region"() ({
      %run_scoped3A_94 = tpu.sem_alloc : memref<!tpu.dma_semaphore, #tpu.memory_space<semaphore_mem>>
      %dma_start3A = arith.constant 7680 : i32
      %dma_start3A_95 = tpu.memref_slice %arg10[%dma_start3A] : memref<10240xf32, #tpu.memory_space<vmem>> -> memref<640xf32, #tpu.memory_space<vmem>>
      %dma_start3A_96 = tpu.memref_slice %arg16[%run_scoped3A_79, %mul3A_0] : memref<16x10240xf32, #tpu.memory_space<vmem_shared>> -> memref<1x640xf32, #tpu.memory_space<vmem_shared>>
      %dma_start3A_97 = tpu.memref_squeeze %dma_start3A_96 : memref<1x640xf32, #tpu.memory_space<vmem_shared>> -> memref<640xf32, #tpu.memory_space<vmem_shared>>
      %dma_start3A_98 = arith.constant 7680 : i32
      %dma_start3A_99 = tpu.memref_slice %arg10[%dma_start3A_98] : memref<10240xf32, #tpu.memory_space<vmem>> -> memref<640xf32, #tpu.memory_space<vmem>>
      %dma_start3A_100 = tpu.memref_slice %arg16[%run_scoped3A_79, %mul3A_0] : memref<16x10240xf32, #tpu.memory_space<vmem_shared>> -> memref<1x640xf32, #tpu.memory_space<vmem_shared>>
      %dma_start3A_101 = tpu.memref_squeeze %dma_start3A_100 : memref<1x640xf32, #tpu.memory_space<vmem_shared>> -> memref<640xf32, #tpu.memory_space<vmem_shared>>
      tpu.enqueue_dma source(%dma_start3A_101 : memref<640xf32, #tpu.memory_space<vmem_shared>>) target(%dma_start3A_99 : memref<640xf32, #tpu.memory_space<vmem>>) target_semaphore(%run_scoped3A_94 : memref<!tpu.dma_semaphore, #tpu.memory_space<semaphore_mem>>)
      %dma_wait3A = arith.constant 7680 : i32
      %dma_wait3A_102 = tpu.memref_slice %arg10[%dma_wait3A] : memref<10240xf32, #tpu.memory_space<vmem>> -> memref<640xf32, #tpu.memory_space<vmem>>
      %dma_wait3A_103 = tpu.memref_slice %arg16[%run_scoped3A_79, %mul3A_0] : memref<16x10240xf32, #tpu.memory_space<vmem_shared>> -> memref<1x640xf32, #tpu.memory_space<vmem_shared>>
      %dma_wait3A_104 = tpu.memref_squeeze %dma_wait3A_103 : memref<1x640xf32, #tpu.memory_space<vmem_shared>> -> memref<640xf32, #tpu.memory_space<vmem_shared>>
      %dma_wait3A_105 = arith.constant 7680 : i32
      %dma_wait3A_106 = tpu.memref_slice %arg10[%dma_wait3A_105] : memref<10240xf32, #tpu.memory_space<vmem>> -> memref<640xf32, #tpu.memory_space<vmem>>
      %dma_wait3A_107 = tpu.memref_slice %arg16[%run_scoped3A_79, %mul3A_0] : memref<16x10240xf32, #tpu.memory_space<vmem_shared>> -> memref<1x640xf32, #tpu.memory_space<vmem_shared>>
      %dma_wait3A_108 = tpu.memref_squeeze %dma_wait3A_107 : memref<1x640xf32, #tpu.memory_space<vmem_shared>> -> memref<640xf32, #tpu.memory_space<vmem_shared>>
      tpu.wait_dma2 semaphore(%run_scoped3A_94 : memref<!tpu.dma_semaphore, #tpu.memory_space<semaphore_mem>>) src(%dma_wait3A_108 : memref<640xf32, #tpu.memory_space<vmem_shared>>) dst(%dma_wait3A_106 : memref<640xf32, #tpu.memory_space<vmem>>)
      tpu.yield
    }) : () -> ()
    %run_scoped3A_80 = arith.constant 13 : i32
    "tpu.region"() ({
      %run_scoped3A_94 = tpu.sem_alloc : memref<!tpu.dma_semaphore, #tpu.memory_space<semaphore_mem>>
      %dma_start3A = arith.constant 8320 : i32
      %dma_start3A_95 = tpu.memref_slice %arg10[%dma_start3A] : memref<10240xf32, #tpu.memory_space<vmem>> -> memref<640xf32, #tpu.memory_space<vmem>>
      %dma_start3A_96 = tpu.memref_slice %arg16[%run_scoped3A_80, %mul3A_0] : memref<16x10240xf32, #tpu.memory_space<vmem_shared>> -> memref<1x640xf32, #tpu.memory_space<vmem_shared>>
      %dma_start3A_97 = tpu.memref_squeeze %dma_start3A_96 : memref<1x640xf32, #tpu.memory_space<vmem_shared>> -> memref<640xf32, #tpu.memory_space<vmem_shared>>
      %dma_start3A_98 = arith.constant 8320 : i32
      %dma_start3A_99 = tpu.memref_slice %arg10[%dma_start3A_98] : memref<10240xf32, #tpu.memory_space<vmem>> -> memref<640xf32, #tpu.memory_space<vmem>>
      %dma_start3A_100 = tpu.memref_slice %arg16[%run_scoped3A_80, %mul3A_0] : memref<16x10240xf32, #tpu.memory_space<vmem_shared>> -> memref<1x640xf32, #tpu.memory_space<vmem_shared>>
      %dma_start3A_101 = tpu.memref_squeeze %dma_start3A_100 : memref<1x640xf32, #tpu.memory_space<vmem_shared>> -> memref<640xf32, #tpu.memory_space<vmem_shared>>
      tpu.enqueue_dma source(%dma_start3A_101 : memref<640xf32, #tpu.memory_space<vmem_shared>>) target(%dma_start3A_99 : memref<640xf32, #tpu.memory_space<vmem>>) target_semaphore(%run_scoped3A_94 : memref<!tpu.dma_semaphore, #tpu.memory_space<semaphore_mem>>)
      %dma_wait3A = arith.constant 8320 : i32
      %dma_wait3A_102 = tpu.memref_slice %arg10[%dma_wait3A] : memref<10240xf32, #tpu.memory_space<vmem>> -> memref<640xf32, #tpu.memory_space<vmem>>
      %dma_wait3A_103 = tpu.memref_slice %arg16[%run_scoped3A_80, %mul3A_0] : memref<16x10240xf32, #tpu.memory_space<vmem_shared>> -> memref<1x640xf32, #tpu.memory_space<vmem_shared>>
      %dma_wait3A_104 = tpu.memref_squeeze %dma_wait3A_103 : memref<1x640xf32, #tpu.memory_space<vmem_shared>> -> memref<640xf32, #tpu.memory_space<vmem_shared>>
      %dma_wait3A_105 = arith.constant 8320 : i32
      %dma_wait3A_106 = tpu.memref_slice %arg10[%dma_wait3A_105] : memref<10240xf32, #tpu.memory_space<vmem>> -> memref<640xf32, #tpu.memory_space<vmem>>
      %dma_wait3A_107 = tpu.memref_slice %arg16[%run_scoped3A_80, %mul3A_0] : memref<16x10240xf32, #tpu.memory_space<vmem_shared>> -> memref<1x640xf32, #tpu.memory_space<vmem_shared>>
      %dma_wait3A_108 = tpu.memref_squeeze %dma_wait3A_107 : memref<1x640xf32, #tpu.memory_space<vmem_shared>> -> memref<640xf32, #tpu.memory_space<vmem_shared>>
      tpu.wait_dma2 semaphore(%run_scoped3A_94 : memref<!tpu.dma_semaphore, #tpu.memory_space<semaphore_mem>>) src(%dma_wait3A_108 : memref<640xf32, #tpu.memory_space<vmem_shared>>) dst(%dma_wait3A_106 : memref<640xf32, #tpu.memory_space<vmem>>)
      tpu.yield
    }) : () -> ()
    %run_scoped3A_81 = arith.constant 14 : i32
    "tpu.region"() ({
      %run_scoped3A_94 = tpu.sem_alloc : memref<!tpu.dma_semaphore, #tpu.memory_space<semaphore_mem>>
      %dma_start3A = arith.constant 8960 : i32
      %dma_start3A_95 = tpu.memref_slice %arg10[%dma_start3A] : memref<10240xf32, #tpu.memory_space<vmem>> -> memref<640xf32, #tpu.memory_space<vmem>>
      %dma_start3A_96 = tpu.memref_slice %arg16[%run_scoped3A_81, %mul3A_0] : memref<16x10240xf32, #tpu.memory_space<vmem_shared>> -> memref<1x640xf32, #tpu.memory_space<vmem_shared>>
      %dma_start3A_97 = tpu.memref_squeeze %dma_start3A_96 : memref<1x640xf32, #tpu.memory_space<vmem_shared>> -> memref<640xf32, #tpu.memory_space<vmem_shared>>
      %dma_start3A_98 = arith.constant 8960 : i32
      %dma_start3A_99 = tpu.memref_slice %arg10[%dma_start3A_98] : memref<10240xf32, #tpu.memory_space<vmem>> -> memref<640xf32, #tpu.memory_space<vmem>>
      %dma_start3A_100 = tpu.memref_slice %arg16[%run_scoped3A_81, %mul3A_0] : memref<16x10240xf32, #tpu.memory_space<vmem_shared>> -> memref<1x640xf32, #tpu.memory_space<vmem_shared>>
      %dma_start3A_101 = tpu.memref_squeeze %dma_start3A_100 : memref<1x640xf32, #tpu.memory_space<vmem_shared>> -> memref<640xf32, #tpu.memory_space<vmem_shared>>
      tpu.enqueue_dma source(%dma_start3A_101 : memref<640xf32, #tpu.memory_space<vmem_shared>>) target(%dma_start3A_99 : memref<640xf32, #tpu.memory_space<vmem>>) target_semaphore(%run_scoped3A_94 : memref<!tpu.dma_semaphore, #tpu.memory_space<semaphore_mem>>)
      %dma_wait3A = arith.constant 8960 : i32
      %dma_wait3A_102 = tpu.memref_slice %arg10[%dma_wait3A] : memref<10240xf32, #tpu.memory_space<vmem>> -> memref<640xf32, #tpu.memory_space<vmem>>
      %dma_wait3A_103 = tpu.memref_slice %arg16[%run_scoped3A_81, %mul3A_0] : memref<16x10240xf32, #tpu.memory_space<vmem_shared>> -> memref<1x640xf32, #tpu.memory_space<vmem_shared>>
      %dma_wait3A_104 = tpu.memref_squeeze %dma_wait3A_103 : memref<1x640xf32, #tpu.memory_space<vmem_shared>> -> memref<640xf32, #tpu.memory_space<vmem_shared>>
      %dma_wait3A_105 = arith.constant 8960 : i32
      %dma_wait3A_106 = tpu.memref_slice %arg10[%dma_wait3A_105] : memref<10240xf32, #tpu.memory_space<vmem>> -> memref<640xf32, #tpu.memory_space<vmem>>
      %dma_wait3A_107 = tpu.memref_slice %arg16[%run_scoped3A_81, %mul3A_0] : memref<16x10240xf32, #tpu.memory_space<vmem_shared>> -> memref<1x640xf32, #tpu.memory_space<vmem_shared>>
      %dma_wait3A_108 = tpu.memref_squeeze %dma_wait3A_107 : memref<1x640xf32, #tpu.memory_space<vmem_shared>> -> memref<640xf32, #tpu.memory_space<vmem_shared>>
      tpu.wait_dma2 semaphore(%run_scoped3A_94 : memref<!tpu.dma_semaphore, #tpu.memory_space<semaphore_mem>>) src(%dma_wait3A_108 : memref<640xf32, #tpu.memory_space<vmem_shared>>) dst(%dma_wait3A_106 : memref<640xf32, #tpu.memory_space<vmem>>)
      tpu.yield
    }) : () -> ()
    %run_scoped3A_82 = arith.constant 15 : i32
    "tpu.region"() ({
      %run_scoped3A_94 = tpu.sem_alloc : memref<!tpu.dma_semaphore, #tpu.memory_space<semaphore_mem>>
      %dma_start3A = arith.constant 9600 : i32
      %dma_start3A_95 = tpu.memref_slice %arg10[%dma_start3A] : memref<10240xf32, #tpu.memory_space<vmem>> -> memref<640xf32, #tpu.memory_space<vmem>>
      %dma_start3A_96 = tpu.memref_slice %arg16[%run_scoped3A_82, %mul3A_0] : memref<16x10240xf32, #tpu.memory_space<vmem_shared>> -> memref<1x640xf32, #tpu.memory_space<vmem_shared>>
      %dma_start3A_97 = tpu.memref_squeeze %dma_start3A_96 : memref<1x640xf32, #tpu.memory_space<vmem_shared>> -> memref<640xf32, #tpu.memory_space<vmem_shared>>
      %dma_start3A_98 = arith.constant 9600 : i32
      %dma_start3A_99 = tpu.memref_slice %arg10[%dma_start3A_98] : memref<10240xf32, #tpu.memory_space<vmem>> -> memref<640xf32, #tpu.memory_space<vmem>>
      %dma_start3A_100 = tpu.memref_slice %arg16[%run_scoped3A_82, %mul3A_0] : memref<16x10240xf32, #tpu.memory_space<vmem_shared>> -> memref<1x640xf32, #tpu.memory_space<vmem_shared>>
      %dma_start3A_101 = tpu.memref_squeeze %dma_start3A_100 : memref<1x640xf32, #tpu.memory_space<vmem_shared>> -> memref<640xf32, #tpu.memory_space<vmem_shared>>
      tpu.enqueue_dma source(%dma_start3A_101 : memref<640xf32, #tpu.memory_space<vmem_shared>>) target(%dma_start3A_99 : memref<640xf32, #tpu.memory_space<vmem>>) target_semaphore(%run_scoped3A_94 : memref<!tpu.dma_semaphore, #tpu.memory_space<semaphore_mem>>)
      %dma_wait3A = arith.constant 9600 : i32
      %dma_wait3A_102 = tpu.memref_slice %arg10[%dma_wait3A] : memref<10240xf32, #tpu.memory_space<vmem>> -> memref<640xf32, #tpu.memory_space<vmem>>
      %dma_wait3A_103 = tpu.memref_slice %arg16[%run_scoped3A_82, %mul3A_0] : memref<16x10240xf32, #tpu.memory_space<vmem_shared>> -> memref<1x640xf32, #tpu.memory_space<vmem_shared>>
      %dma_wait3A_104 = tpu.memref_squeeze %dma_wait3A_103 : memref<1x640xf32, #tpu.memory_space<vmem_shared>> -> memref<640xf32, #tpu.memory_space<vmem_shared>>
      %dma_wait3A_105 = arith.constant 9600 : i32
      %dma_wait3A_106 = tpu.memref_slice %arg10[%dma_wait3A_105] : memref<10240xf32, #tpu.memory_space<vmem>> -> memref<640xf32, #tpu.memory_space<vmem>>
      %dma_wait3A_107 = tpu.memref_slice %arg16[%run_scoped3A_82, %mul3A_0] : memref<16x10240xf32, #tpu.memory_space<vmem_shared>> -> memref<1x640xf32, #tpu.memory_space<vmem_shared>>
      %dma_wait3A_108 = tpu.memref_squeeze %dma_wait3A_107 : memref<1x640xf32, #tpu.memory_space<vmem_shared>> -> memref<640xf32, #tpu.memory_space<vmem_shared>>
      tpu.wait_dma2 semaphore(%run_scoped3A_94 : memref<!tpu.dma_semaphore, #tpu.memory_space<semaphore_mem>>) src(%dma_wait3A_108 : memref<640xf32, #tpu.memory_space<vmem_shared>>) dst(%dma_wait3A_106 : memref<640xf32, #tpu.memory_space<vmem>>)
      tpu.yield
    }) : () -> ()
    %broadcast_in_dim3A_83 = arith.constant 0 : i32
    %broadcast_in_dim3A_84 = vector.broadcast %broadcast_in_dim3A_83 : i32 to vector<16xi32>
    %gather3A = tpu.vector_load_idx %arg15[%broadcast_in_dim3A_84] : memref<1xf32, #tpu.memory_space<vmem>>[vector<16xi32>], vector<16xf32>,
    %parallel_loop3A_85 = arith.constant 0 : i32
    %parallel_loop3A_86 = arith.constant 40 : i32
    %parallel_loop3A_87 = arith.constant 1 : i32
    scf.for %parallel_loop3A_94 = %parallel_loop3A_85 to %parallel_loop3A_86 step %parallel_loop3A_87  : i32 {
      %parallel_loop3A_95 = arith.constant 16 : i32
      %parallel_loop3A_96 = arith.muli %parallel_loop3A_94, %parallel_loop3A_95 : i32
      %parallel_loop3A_97 = arith.index_cast %parallel_loop3A_96 : i32 to index
      %parallel_loop3A_98 = tpu.vector_load %arg13[%parallel_loop3A_97] {strides = array<i32>} : memref<640xf32, #tpu.memory_space<vmem>>, vector<16xf32>,
      %parallel_loop3A_99 = arith.constant 16 : i32
      %parallel_loop3A_100 = arith.muli %parallel_loop3A_94, %parallel_loop3A_99 : i32
      %parallel_loop3A_101 = arith.index_cast %parallel_loop3A_100 : i32 to index
      %parallel_loop3A_102 = tpu.vector_load %arg10[%parallel_loop3A_101] {strides = array<i32>} : memref<10240xf32, #tpu.memory_space<vmem>>, vector<16xf32>,
      %parallel_loop3A_103 = arith.constant 16 : i32
      %parallel_loop3A_104 = arith.muli %parallel_loop3A_94, %parallel_loop3A_103 : i32
      %parallel_loop3A_105 = arith.constant 640 : i32
      %parallel_loop3A_106 = arith.addi %parallel_loop3A_105, %parallel_loop3A_104 : i32
      %parallel_loop3A_107 = arith.index_cast %parallel_loop3A_106 : i32 to index
      %parallel_loop3A_108 = tpu.vector_load %arg10[%parallel_loop3A_107] {strides = array<i32>} : memref<10240xf32, #tpu.memory_space<vmem>>, vector<16xf32>,
      %parallel_loop3A_109 = arith.addf %parallel_loop3A_102, %parallel_loop3A_108 : vector<16xf32>
      %parallel_loop3A_110 = arith.constant 16 : i32
      %parallel_loop3A_111 = arith.muli %parallel_loop3A_94, %parallel_loop3A_110 : i32
      %parallel_loop3A_112 = arith.constant 1280 : i32
      %parallel_loop3A_113 = arith.addi %parallel_loop3A_112, %parallel_loop3A_111 : i32
      %parallel_loop3A_114 = arith.index_cast %parallel_loop3A_113 : i32 to index
      %parallel_loop3A_115 = tpu.vector_load %arg10[%parallel_loop3A_114] {strides = array<i32>} : memref<10240xf32, #tpu.memory_space<vmem>>, vector<16xf32>,
      %parallel_loop3A_116 = arith.addf %parallel_loop3A_109, %parallel_loop3A_115 : vector<16xf32>
      %parallel_loop3A_117 = arith.constant 16 : i32
      %parallel_loop3A_118 = arith.muli %parallel_loop3A_94, %parallel_loop3A_117 : i32
      %parallel_loop3A_119 = arith.constant 1920 : i32
      %parallel_loop3A_120 = arith.addi %parallel_loop3A_119, %parallel_loop3A_118 : i32
      %parallel_loop3A_121 = arith.index_cast %parallel_loop3A_120 : i32 to index
      %parallel_loop3A_122 = tpu.vector_load %arg10[%parallel_loop3A_121] {strides = array<i32>} : memref<10240xf32, #tpu.memory_space<vmem>>, vector<16xf32>,
      %parallel_loop3A_123 = arith.addf %parallel_loop3A_116, %parallel_loop3A_122 : vector<16xf32>
      %parallel_loop3A_124 = arith.constant 16 : i32
      %parallel_loop3A_125 = arith.muli %parallel_loop3A_94, %parallel_loop3A_124 : i32
      %parallel_loop3A_126 = arith.constant 2560 : i32
      %parallel_loop3A_127 = arith.addi %parallel_loop3A_126, %parallel_loop3A_125 : i32
      %parallel_loop3A_128 = arith.index_cast %parallel_loop3A_127 : i32 to index
      %parallel_loop3A_129 = tpu.vector_load %arg10[%parallel_loop3A_128] {strides = array<i32>} : memref<10240xf32, #tpu.memory_space<vmem>>, vector<16xf32>,
      %parallel_loop3A_130 = arith.addf %parallel_loop3A_123, %parallel_loop3A_129 : vector<16xf32>
      %parallel_loop3A_131 = arith.constant 16 : i32
      %parallel_loop3A_132 = arith.muli %parallel_loop3A_94, %parallel_loop3A_131 : i32
      %parallel_loop3A_133 = arith.constant 3200 : i32
      %parallel_loop3A_134 = arith.addi %parallel_loop3A_133, %parallel_loop3A_132 : i32
      %parallel_loop3A_135 = arith.index_cast %parallel_loop3A_134 : i32 to index
      %parallel_loop3A_136 = tpu.vector_load %arg10[%parallel_loop3A_135] {strides = array<i32>} : memref<10240xf32, #tpu.memory_space<vmem>>, vector<16xf32>,
      %parallel_loop3A_137 = arith.addf %parallel_loop3A_130, %parallel_loop3A_136 : vector<16xf32>
      %parallel_loop3A_138 = arith.constant 16 : i32
      %parallel_loop3A_139 = arith.muli %parallel_loop3A_94, %parallel_loop3A_138 : i32
      %parallel_loop3A_140 = arith.constant 3840 : i32
      %parallel_loop3A_141 = arith.addi %parallel_loop3A_140, %parallel_loop3A_139 : i32
      %parallel_loop3A_142 = arith.index_cast %parallel_loop3A_141 : i32 to index
      %parallel_loop3A_143 = tpu.vector_load %arg10[%parallel_loop3A_142] {strides = array<i32>} : memref<10240xf32, #tpu.memory_space<vmem>>, vector<16xf32>,
      %parallel_loop3A_144 = arith.addf %parallel_loop3A_137, %parallel_loop3A_143 : vector<16xf32>
      %parallel_loop3A_145 = arith.constant 16 : i32
      %parallel_loop3A_146 = arith.muli %parallel_loop3A_94, %parallel_loop3A_145 : i32
      %parallel_loop3A_147 = arith.constant 4480 : i32
      %parallel_loop3A_148 = arith.addi %parallel_loop3A_147, %parallel_loop3A_146 : i32
      %parallel_loop3A_149 = arith.index_cast %parallel_loop3A_148 : i32 to index
      %parallel_loop3A_150 = tpu.vector_load %arg10[%parallel_loop3A_149] {strides = array<i32>} : memref<10240xf32, #tpu.memory_space<vmem>>, vector<16xf32>,
      %parallel_loop3A_151 = arith.addf %parallel_loop3A_144, %parallel_loop3A_150 : vector<16xf32>
      %parallel_loop3A_152 = arith.constant 16 : i32
      %parallel_loop3A_153 = arith.muli %parallel_loop3A_94, %parallel_loop3A_152 : i32
      %parallel_loop3A_154 = arith.constant 5120 : i32
      %parallel_loop3A_155 = arith.addi %parallel_loop3A_154, %parallel_loop3A_153 : i32
      %parallel_loop3A_156 = arith.index_cast %parallel_loop3A_155 : i32 to index
      %parallel_loop3A_157 = tpu.vector_load %arg10[%parallel_loop3A_156] {strides = array<i32>} : memref<10240xf32, #tpu.memory_space<vmem>>, vector<16xf32>,
      %parallel_loop3A_158 = arith.addf %parallel_loop3A_151, %parallel_loop3A_157 : vector<16xf32>
      %parallel_loop3A_159 = arith.constant 16 : i32
      %parallel_loop3A_160 = arith.muli %parallel_loop3A_94, %parallel_loop3A_159 : i32
      %parallel_loop3A_161 = arith.constant 5760 : i32
      %parallel_loop3A_162 = arith.addi %parallel_loop3A_161, %parallel_loop3A_160 : i32
      %parallel_loop3A_163 = arith.index_cast %parallel_loop3A_162 : i32 to index
      %parallel_loop3A_164 = tpu.vector_load %arg10[%parallel_loop3A_163] {strides = array<i32>} : memref<10240xf32, #tpu.memory_space<vmem>>, vector<16xf32>,
      %parallel_loop3A_165 = arith.addf %parallel_loop3A_158, %parallel_loop3A_164 : vector<16xf32>
      %parallel_loop3A_166 = arith.constant 16 : i32
      %parallel_loop3A_167 = arith.muli %parallel_loop3A_94, %parallel_loop3A_166 : i32
      %parallel_loop3A_168 = arith.constant 6400 : i32
      %parallel_loop3A_169 = arith.addi %parallel_loop3A_168, %parallel_loop3A_167 : i32
      %parallel_loop3A_170 = arith.index_cast %parallel_loop3A_169 : i32 to index
      %parallel_loop3A_171 = tpu.vector_load %arg10[%parallel_loop3A_170] {strides = array<i32>} : memref<10240xf32, #tpu.memory_space<vmem>>, vector<16xf32>,
      %parallel_loop3A_172 = arith.addf %parallel_loop3A_165, %parallel_loop3A_171 : vector<16xf32>
      %parallel_loop3A_173 = arith.constant 16 : i32
      %parallel_loop3A_174 = arith.muli %parallel_loop3A_94, %parallel_loop3A_173 : i32
      %parallel_loop3A_175 = arith.constant 7040 : i32
      %parallel_loop3A_176 = arith.addi %parallel_loop3A_175, %parallel_loop3A_174 : i32
      %parallel_loop3A_177 = arith.index_cast %parallel_loop3A_176 : i32 to index
      %parallel_loop3A_178 = tpu.vector_load %arg10[%parallel_loop3A_177] {strides = array<i32>} : memref<10240xf32, #tpu.memory_space<vmem>>, vector<16xf32>,
      %parallel_loop3A_179 = arith.addf %parallel_loop3A_172, %parallel_loop3A_178 : vector<16xf32>
      %parallel_loop3A_180 = arith.constant 16 : i32
      %parallel_loop3A_181 = arith.muli %parallel_loop3A_94, %parallel_loop3A_180 : i32
      %parallel_loop3A_182 = arith.constant 7680 : i32
      %parallel_loop3A_183 = arith.addi %parallel_loop3A_182, %parallel_loop3A_181 : i32
      %parallel_loop3A_184 = arith.index_cast %parallel_loop3A_183 : i32 to index
      %parallel_loop3A_185 = tpu.vector_load %arg10[%parallel_loop3A_184] {strides = array<i32>} : memref<10240xf32, #tpu.memory_space<vmem>>, vector<16xf32>,
      %parallel_loop3A_186 = arith.addf %parallel_loop3A_179, %parallel_loop3A_185 : vector<16xf32>
      %parallel_loop3A_187 = arith.constant 16 : i32
      %parallel_loop3A_188 = arith.muli %parallel_loop3A_94, %parallel_loop3A_187 : i32
      %parallel_loop3A_189 = arith.constant 8320 : i32
      %parallel_loop3A_190 = arith.addi %parallel_loop3A_189, %parallel_loop3A_188 : i32
      %parallel_loop3A_191 = arith.index_cast %parallel_loop3A_190 : i32 to index
      %parallel_loop3A_192 = tpu.vector_load %arg10[%parallel_loop3A_191] {strides = array<i32>} : memref<10240xf32, #tpu.memory_space<vmem>>, vector<16xf32>,
      %parallel_loop3A_193 = arith.addf %parallel_loop3A_186, %parallel_loop3A_192 : vector<16xf32>
      %parallel_loop3A_194 = arith.constant 16 : i32
      %parallel_loop3A_195 = arith.muli %parallel_loop3A_94, %parallel_loop3A_194 : i32
      %parallel_loop3A_196 = arith.constant 8960 : i32
      %parallel_loop3A_197 = arith.addi %parallel_loop3A_196, %parallel_loop3A_195 : i32
      %parallel_loop3A_198 = arith.index_cast %parallel_loop3A_197 : i32 to index
      %parallel_loop3A_199 = tpu.vector_load %arg10[%parallel_loop3A_198] {strides = array<i32>} : memref<10240xf32, #tpu.memory_space<vmem>>, vector<16xf32>,
      %parallel_loop3A_200 = arith.addf %parallel_loop3A_193, %parallel_loop3A_199 : vector<16xf32>
      %parallel_loop3A_201 = arith.constant 16 : i32
      %parallel_loop3A_202 = arith.muli %parallel_loop3A_94, %parallel_loop3A_201 : i32
      %parallel_loop3A_203 = arith.constant 9600 : i32
      %parallel_loop3A_204 = arith.addi %parallel_loop3A_203, %parallel_loop3A_202 : i32
      %parallel_loop3A_205 = arith.index_cast %parallel_loop3A_204 : i32 to index
      %parallel_loop3A_206 = tpu.vector_load %arg10[%parallel_loop3A_205] {strides = array<i32>} : memref<10240xf32, #tpu.memory_space<vmem>>, vector<16xf32>,
      %parallel_loop3A_207 = arith.addf %parallel_loop3A_200, %parallel_loop3A_206 : vector<16xf32>
      %parallel_loop3A_208 = arith.index_cast %parallel_loop3A_96 : i32 to index
      %parallel_loop3A_209 = tpu.vector_load %arg12[%parallel_loop3A_208] {strides = array<i32>} : memref<640xf32, #tpu.memory_space<vmem>>, vector<16xf32>,
      %parallel_loop3A_210 = arith.addf %parallel_loop3A_207, %parallel_loop3A_209 : vector<16xf32>
      %parallel_loop3A_211 = arith.mulf %parallel_loop3A_98, %parallel_loop3A_210 : vector<16xf32>
      %parallel_loop3A_212 = arith.addf %parallel_loop3A_211, %gather3A : vector<16xf32>
      %parallel_loop3A_213 = arith.index_cast %parallel_loop3A_96 : i32 to index
      %parallel_loop3A_214 = tpu.vector_load %arg14[%parallel_loop3A_213] {strides = array<i32>} : memref<640xf32, #tpu.memory_space<vmem>>, vector<16xf32>,
      tpu.vector_store %arg14[%parallel_loop3A_213], %parallel_loop3A_212 {strides = array<i32>} : memref<640xf32, #tpu.memory_space<vmem>>, vector<16xf32>,
      %parallel_loop3A_215 = arith.index_cast %parallel_loop3A_96 : i32 to index
      %parallel_loop3A_216 = tpu.vector_load %arg13[%parallel_loop3A_215] {strides = array<i32>} : memref<640xf32, #tpu.memory_space<vmem>>, vector<16xf32>,
      %parallel_loop3A_217 = arith.mulf %parallel_loop3A_216, %parallel_loop3A_211 : vector<16xf32>
      %parallel_loop3A_218 = arith.index_cast %parallel_loop3A_96 : i32 to index
      %parallel_loop3A_219 = tpu.vector_load %arg12[%parallel_loop3A_218] {strides = array<i32>} : memref<640xf32, #tpu.memory_space<vmem>>, vector<16xf32>,
      tpu.vector_store %arg12[%parallel_loop3A_218], %parallel_loop3A_217 {strides = array<i32>} : memref<640xf32, #tpu.memory_space<vmem>>, vector<16xf32>,
    } {sc.loop_unroll_factor = 4 : i64, sc.parallel_access}
    %lt3A = arith.constant 15 : i32
    %lt3A_88 = arith.cmpi slt, %arg1, %lt3A : i32
    %convert_element_type3A = arith.extui %lt3A_88 : i1 to i32
    %cond3A = arith.constant 0 : i32
    %cond3A_89 = arith.cmpi ne, %convert_element_type3A, %cond3A : i32
    scf.if %cond3A_89 {
      "tpu.region"() ({
        %run_scoped3A_94 = tpu.sem_alloc : memref<!tpu.dma_semaphore, #tpu.memory_space<semaphore_mem>>
        %dma_start3A = tpu.memref_slice %arg5[%mul3A_0] : memref<10000xf32, #tpu.memory_space<hbm>> -> memref<640xf32, #tpu.memory_space<hbm>>
        %dma_start3A_95 = tpu.memref_slice %arg5[%mul3A_0] : memref<10000xf32, #tpu.memory_space<hbm>> -> memref<640xf32, #tpu.memory_space<hbm>>
        tpu.enqueue_dma source(%arg14 : memref<640xf32, #tpu.memory_space<vmem>>) target(%dma_start3A_95 : memref<640xf32, #tpu.memory_space<hbm>>) target_semaphore(%run_scoped3A_94 : memref<!tpu.dma_semaphore, #tpu.memory_space<semaphore_mem>>)
        %dma_wait3A = tpu.memref_slice %arg5[%mul3A_0] : memref<10000xf32, #tpu.memory_space<hbm>> -> memref<640xf32, #tpu.memory_space<hbm>>
        %dma_wait3A_96 = tpu.memref_slice %arg5[%mul3A_0] : memref<10000xf32, #tpu.memory_space<hbm>> -> memref<640xf32, #tpu.memory_space<hbm>>
        tpu.wait_dma2 semaphore(%run_scoped3A_94 : memref<!tpu.dma_semaphore, #tpu.memory_space<semaphore_mem>>) src(%arg14 : memref<640xf32, #tpu.memory_space<vmem>>) dst(%dma_wait3A_96 : memref<640xf32, #tpu.memory_space<hbm>>)
        tpu.yield
      }) : () -> ()
    } else {
    }
    %eq3A = arith.constant 15 : i32
    %eq3A_90 = arith.cmpi eq, %arg1, %eq3A : i32
    %convert_element_type3A_91 = arith.extui %eq3A_90 : i1 to i32
    %cond3A_92 = arith.constant 0 : i32
    %cond3A_93 = arith.cmpi ne, %convert_element_type3A_91, %cond3A_92 : i32
    scf.if %cond3A_93 {
      "tpu.region"() ({
        %run_scoped3A_94 = tpu.sem_alloc : memref<!tpu.dma_semaphore, #tpu.memory_space<semaphore_mem>>
        %dma_start3A = arith.constant 0 : i32
        %dma_start3A_95 = tpu.memref_slice %arg14[%dma_start3A] : memref<640xf32, #tpu.memory_space<vmem>> -> memref<400xf32, #tpu.memory_space<vmem>>
        %dma_start3A_96 = arith.constant 9600 : i32
        %dma_start3A_97 = tpu.memref_slice %arg5[%dma_start3A_96] : memref<10000xf32, #tpu.memory_space<hbm>> -> memref<400xf32, #tpu.memory_space<hbm>>
        %dma_start3A_98 = arith.constant 9600 : i32
        %dma_start3A_99 = tpu.memref_slice %arg5[%dma_start3A_98] : memref<10000xf32, #tpu.memory_space<hbm>> -> memref<400xf32, #tpu.memory_space<hbm>>
        %dma_start3A_100 = arith.constant 0 : i32
        %dma_start3A_101 = tpu.memref_slice %arg14[%dma_start3A_100] : memref<640xf32, #tpu.memory_space<vmem>> -> memref<400xf32, #tpu.memory_space<vmem>>
        tpu.enqueue_dma source(%dma_start3A_101 : memref<400xf32, #tpu.memory_space<vmem>>) target(%dma_start3A_99 : memref<400xf32, #tpu.memory_space<hbm>>) target_semaphore(%run_scoped3A_94 : memref<!tpu.dma_semaphore, #tpu.memory_space<semaphore_mem>>)
        %dma_wait3A = arith.constant 0 : i32
        %dma_wait3A_102 = tpu.memref_slice %arg14[%dma_wait3A] : memref<640xf32, #tpu.memory_space<vmem>> -> memref<400xf32, #tpu.memory_space<vmem>>
        %dma_wait3A_103 = arith.constant 9600 : i32
        %dma_wait3A_104 = tpu.memref_slice %arg5[%dma_wait3A_103] : memref<10000xf32, #tpu.memory_space<hbm>> -> memref<400xf32, #tpu.memory_space<hbm>>
        %dma_wait3A_105 = arith.constant 9600 : i32
        %dma_wait3A_106 = tpu.memref_slice %arg5[%dma_wait3A_105] : memref<10000xf32, #tpu.memory_space<hbm>> -> memref<400xf32, #tpu.memory_space<hbm>>
        %dma_wait3A_107 = arith.constant 0 : i32
        %dma_wait3A_108 = tpu.memref_slice %arg14[%dma_wait3A_107] : memref<640xf32, #tpu.memory_space<vmem>> -> memref<400xf32, #tpu.memory_space<vmem>>
        tpu.wait_dma2 semaphore(%run_scoped3A_94 : memref<!tpu.dma_semaphore, #tpu.memory_space<semaphore_mem>>) src(%dma_wait3A_108 : memref<400xf32, #tpu.memory_space<vmem>>) dst(%dma_wait3A_106 : memref<400xf32, #tpu.memory_space<hbm>>)
        tpu.yield
      }) : () -> ()
    } else {
    }
    return
  }
}

module attributes {stable_mosaic.version = 14 : i64} {
  func.func @_matvec_body(%arg0: memref<10000x128xf32, #tpu.memory_space<vmem>>, %arg1: memref<128x1xf32, #tpu.memory_space<vmem>>, %arg2: memref<10240x1xf32, #tpu.memory_space<vmem>>) attributes {dimension_semantics = [], scalar_prefetch = 0 : i64, scratch_operands = 0 : i64, tpu.core_type = #tpu.core_type<tc>} {
    %get3A = arith.constant 0 : index
    %get3A_0 = arith.constant 0 : index
    %get3A_1 = vector.load %arg0[%get3A, %get3A_0] : memref<10000x128xf32, #tpu.memory_space<vmem>>, vector<10000x128xf32>
    %get3A_2 = arith.constant 0 : index
    %get3A_3 = arith.constant 0 : index
    %get3A_4 = vector.load %arg1[%get3A_2, %get3A_3] : memref<128x1xf32, #tpu.memory_space<vmem>>, vector<128x1xf32>
    %dot_general3A = arith.constant dense<0.000000e+00> : vector<10000x1xf32>
    %dot_general3A_5 = tpu.matmul %get3A_1, %get3A_4, %dot_general3A {dimension_numbers = #tpu.dot_dimension_numbers<[1], [0], [0], [1], [0, 0, 1, 1], [], []>, transpose_lhs_hint = false} : vector<10000x128xf32>, vector<128x1xf32>, vector<10000x1xf32> -> vector<10000x1xf32>
    %swap3A = arith.constant 0 : index
    %swap3A_6 = arith.constant 0 : index
    %swap3A_7 = vector.load %arg2[%swap3A, %swap3A_6] : memref<10240x1xf32, #tpu.memory_space<vmem>>, vector<10000x1xf32>
    tpu.vector_store %arg2[%swap3A, %swap3A_6], %dot_general3A_5 {strides = array<i32>} : memref<10240x1xf32, #tpu.memory_space<vmem>>, vector<10000x1xf32>,
    %broadcast_in_dim3A = arith.constant 0.000000e+00 : f32
    %broadcast_in_dim3A_8 = vector.broadcast %broadcast_in_dim3A : f32 to vector<240x1xf32>
    %swap3A_9 = arith.constant 10000 : index
    %swap3A_10 = arith.constant 0 : index
    %swap3A_11 = vector.load %arg2[%swap3A_9, %swap3A_10] : memref<10240x1xf32, #tpu.memory_space<vmem>>, vector<240x1xf32>
    tpu.vector_store %arg2[%swap3A_9, %swap3A_10], %broadcast_in_dim3A_8 {strides = array<i32>} : memref<10240x1xf32, #tpu.memory_space<vmem>>, vector<240x1xf32>,
    return
  }
}

</mosaic_0001>

<sc_bundles>
// kernel: kernel.4.cloned.1.call-start
scs
__scs_entry_jumppad:
0x0: {  	(pc) =	sbr.rel $0x88, $3  }
0x1: {  	(tag) =	ssettag $0x0;
	lr =	simm.s32 $0x1  }
0x2: {  	[smem:$0x3F9D] =	sst lr;
	_ =	strace $0xD0000000  }
0x3: {  	_ = 	snop  }
0x4: {  	_ = 	snop  }
0x5: {  	_ = 	snop  }
0x6: {  	_ = 	snop  }
0x7: {  	_ = 	snop  }
__scs_overlays_trampoline_lowered:
0x8: {  	[smem:$0x3FAC] =	sst s0  }
0x9: {  	[smem:$0x3FAD] =	sst s1  }
0xa: {  	[smem:$0x3FAE] =	sst s2  }
0xb: {  	[smem:$0x3FAF] =	sst s3  }
0xc: {  	[smem:$0x3FB0] =	sst s4  }
0xd: {  	[smem:$0x3FB1] =	sst s5  }
0xe: {  	[smem:$0x3FB2] =	sst s6  }
0xf: {  	[smem:$0x3FB3] =	sst s7  }
0x10: {  	[smem:$0x3FB4] =	sst s8  }
0x11: {  	[smem:$0x3FB5] =	sst s9;
	s0 =	simm.s32 @!p0 $0x0  }
0x12: {  	s1 =	sld [smem:$0x3F9B];
	s0 =	simm.s32 @p0 $0x1  }
0x13: {  	[smem:$0x3FB6] =	sst s0;
	s0 =	simm.s32 @!p1 $0x0  }
0x14: {  	s2 =	sld [smem:$0x3F9A];
	s0 =	simm.s32 @p1 $0x1  }
0x15: {  	[smem:$0x3FB7] =	sst s0;
	s0 =	simm.s32 @!p2 $0x0  }
0x16: {  	s3 =	sld [smem:$0x3FDB];
	s0 =	simm.s32 @p2 $0x1  }
0x17: {  	s4 =	simm.s32 $0x1BF5;
	[smem:$0x3FB9] =	sst s0  }
0x18: {  	s0 =	sld [smem:$0x3F9C];
	_ =	swait.ge [sflag:s4], $0x0  }
0x19: {  	s7 =	sld [smem:$0x3F9D]  }
0x1a: {  	s8 =	sadd.s32 $0xFFFFE003, lr  }
0x1b: {  	s9 =	sadd.s32 $0xFFFFFEF7, lr;
	s5 =	simm.s32 $0xFFFFFFFF;
	p2 =	slt.u32 s8, $0xFFFFF086  }
0x1c: {  	p1 =	slt.u32 s9, $0xF7A;
	s5 =	simm.s32 @!p2 $0x0  }
0x1d: {  	s5 =	simm.s32 @p1 $0x1;
	p0 =	seq.s32 s7, s2  }
0x1e: {  	s7 =	smul.u32 @!p0 $0xF7A, s2;
	p2 =	seq.s32 @!p0 s5, $0x0  }
0x1f: {  	s9 =	smul.u32 $0xF7A, s1;
	s8 =	simm.s32 @!p0 $0x1BF5;
	p2 =	por !p2, p0  }
0x20: {  	[sflag:s8] =	ssyncset.s32 @!p0 $0xFFFFF086;
	s6 =	sadd.s32 @!p0 s3, s7;
	s7 =	simm.s32 @!p0 $0x108  }
0x21: {  	s3 =	sadd.s32 s3, s9;
	s6 =	sadd.s32 @!p0 $0x88, s6;
	s7 =	simm.s32 @p2 $0x1082  }
0x22: {  	[simem:s7], [sflag:s8] =	dma.local @!p0 [hbm:s6], $0xF7A  }
0x23: {  	s9 =	sor.u32 $0xD0000000, s2;
	s6 =	simm.s32 $0x108;
	_ =	swait.ge @!p0 [sflag:s8], $0x0  }
0x24: {  	s3 =	sadd.s32 $0x88, s3;
	s6 =	simm.s32 @!p1 $0x1082;
	[sflag:s4] =	ssyncset.s32 $0xFFFFF086  }
0x25: {  	[simem:s6], [sflag:s4] =	dma.local [hbm:s3], $0xF7A  }
0x26: {  	[smem:$0x3F9D] =	sst s1;
	(tag) =	ssettag s2;
	_ =	strace s9  }
0x27: {  	s1 =	sld [smem:$0x3FAD]  }
0x28: {  	s2 =	sld [smem:$0x3FAE]  }
0x29: {  	s4 =	sld [smem:$0x3FB0]  }
0x2a: {  	p0 =	seq.s32 s5, $0x0;
	s5 =	sld [smem:$0x3FB1]  }
0x2b: {  	s6 =	sld [smem:$0x3FB2]  }
0x2c: {  	s7 =	sld [smem:$0x3FB3]  }
0x2d: {  	s3 =	simm.s32 $0x108;
	s8 =	sld [smem:$0x3FB4]  }
0x2e: {  	s3 =	simm.s32 @!p0 $0x1082;
	s9 =	sld [smem:$0x3FB5]  }
0x2f: {  	lr =	sadd.s32 s0, s3;
	s0 =	sld [smem:$0x3FAC]  }
0x30: {  	s3 =	sld [smem:$0x3FAF]  }
0x31: {  	[smem:$0x3FB8] =	sst s10  }
0x32: {  	s10 =	sld [smem:$0x3FB6];
	_ =	sdelay $0x3  }
0x33: {  	p0 =	seq.s32 s10, $0x1;
	s10 =	sld [smem:$0x3FB8];
	_ =	sdelay $0x3  }
0x34: {  	[smem:$0x3FB8] =	sst s10  }
0x35: {  	s10 =	sld [smem:$0x3FB7];
	_ =	sdelay $0x3  }
0x36: {  	p1 =	seq.s32 s10, $0x1;
	s10 =	sld [smem:$0x3FB8];
	_ =	sdelay $0x3  }
0x37: {  	[smem:$0x3FB8] =	sst s10  }
0x38: {  	s10 =	sld [smem:$0x3FB9]  }
0x39: {  	_ = 	snop;
	(pc) =	sbr.ind lr, $3  }
0x3a: {  	_ = 	snop  }
0x3b: {  	_ = 	snop  }
0x3c: {  	p2 =	seq.s32 s10, $0x1;
	s10 =	sld [smem:$0x3FB8]  }
0x3d: {  	_ =	shalt  }
0x3e: {  	_ =	shalt  }
0x3f: {  	_ =	shalt  }
0x40: {  	_ =	shalt  }
0x41: {  	_ =	shalt  }
0x42: {  	_ =	shalt  }
0x43: {  	_ =	shalt  }
0x44: {  	_ =	shalt  }
0x45: {  	_ =	shalt  }
0x46: {  	_ =	shalt  }
0x47: {  	_ =	shalt  }
0x48: {  	_ =	shalt  }
0x49: {  	_ =	shalt  }
0x4a: {  	_ =	shalt  }
0x4b: {  	_ =	shalt  }
0x4c: {  	_ =	shalt  }
0x4d: {  	_ =	shalt  }
0x4e: {  	_ =	shalt  }
0x4f: {  	_ =	shalt  }
0x50: {  	_ =	shalt  }
0x51: {  	_ =	shalt  }
0x52: {  	_ =	shalt  }
0x53: {  	_ =	shalt  }
0x54: {  	_ =	shalt  }
0x55: {  	_ =	shalt  }
0x56: {  	_ =	shalt  }
0x57: {  	_ =	shalt  }
0x58: {  	_ =	shalt  }
0x59: {  	_ =	shalt  }
0x5a: {  	_ =	shalt  }
0x5b: {  	_ =	shalt  }
0x5c: {  	_ =	shalt  }
0x5d: {  	_ =	shalt  }
0x5e: {  	_ =	shalt  }
0x5f: {  	_ =	shalt  }
0x60: {  	_ =	shalt  }
0x61: {  	_ =	shalt  }
0x62: {  	_ =	shalt  }
0x63: {  	_ =	shalt  }
0x64: {  	_ =	shalt  }
0x65: {  	_ =	shalt  }
0x66: {  	_ =	shalt  }
0x67: {  	_ =	shalt  }
0x68: {  	_ =	shalt  }
0x69: {  	_ =	shalt  }
0x6a: {  	_ =	shalt  }
0x6b: {  	_ =	shalt  }
0x6c: {  	_ =	shalt  }
0x6d: {  	_ =	shalt  }
0x6e: {  	_ =	shalt  }
0x6f: {  	_ =	shalt  }
0x70: {  	_ =	shalt  }
0x71: {  	_ =	shalt  }
0x72: {  	_ =	shalt  }
0x73: {  	_ =	shalt  }
0x74: {  	_ =	shalt  }
0x75: {  	_ =	shalt  }
0x76: {  	_ =	shalt  }
0x77: {  	_ =	shalt  }
0x78: {  	_ =	shalt  }
0x79: {  	_ =	shalt  }
0x7a: {  	_ =	shalt  }
0x7b: {  	_ =	shalt  }
0x7c: {  	_ =	shalt  }
0x7d: {  	_ =	shalt  }
0x7e: {  	_ =	shalt  }
0x7f: {  	_ =	shalt  }
0x80: {  	_ =	shalt  }
0x81: {  	_ =	shalt  }
0x82: {  	_ =	shalt  }
0x83: {  	_ =	shalt  }
0x84: {  	_ =	shalt  }
0x85: {  	_ =	shalt  }
0x86: {  	_ =	shalt  }
0x87: {  	_ =	shalt  }
.Lfunc_end0:
.L_simem_size_0:
called_computation_lowered:
.L_overlay_start_0:
0x88: {  	s2 =	sld [smem:$0x3FD9]  }
0x89: {  	s3 =	sld [smem:$0x3FFE];
	_ =	sdelay $0x1  }
0x8a: {  	s1 =	srdreg.scid  }
0x8b: {  	s0 =	sand.u32 $0x1, s1  }
0x8c: {  	s17 =	sshll.u32 s0, $0xA;
	s2 =	sadd.s32 s3, s2  }
0x8d: {  	s2 =	sadd.s32 s2, s17  }
0x8e: {  	[smem:$0x3FC4] =	sst s2  }
0x8f: {  	_ = 	snop  }
0x90: {  	s2 =	sld [smem:$0x3FC6]  }
0x91: {  	s18 =	sld [smem:$0x3FD0];
	(tm) =	ssettm $0x1  }
0x92: {  	s4 =	sld [smem:$0x3FFB];
	_ =	sdelay $0x3  }
0x93: {  	_ =	strace s4  }
0x94: {  	s4 =	sld [smem:$0x3FFC];
	_ =	sdelay $0x3  }
0x95: {  	_ =	strace s4  }
0x96: {  	s4 =	sld [smem:$0x3FFD];
	_ =	sdelay $0x3  }
0x97: {  	_ =	strace s4  }
0x98: {  	_ =	strace $0x8FFFFFFF  }
0x99: {  	s19 =	sld [smem:$0x3FDB];
	_ =	sdelay $0x1  }
0x9a: {  	s5 =	simm.s32 $_scs_section_size  }
0x9b: {  	s6 =	simm.s32 $_size__tile_overlayer_lowered;
	s7 =	simm.s32 $_tile_overlayer_lowered  }
0x9c: {  	s22 =	simm.s32 $0x1BFF;
	s21 =	sshll.u32 s7, $0x1;
	s4 =	sadd.s32 s5, s19  }
0x9d: {  	s8 =	simm.s32 $0x0;
	s20 =	sshll.u32 s6, $0x1;
	s6 =	sadd.s32 s21, s4  }
0x9e: {  	[timem:s8], [sflag:s22] =	dma.local [hbm:s6], s20  }
0x9f: {  	_ =	swait.ge [sflag:s22], s20  }
0xa0: {  	s5 =	ssub.s32 $0x0, s20;
	[sflag:s22] =	ssyncset.done $0x0  }
0xa1: {  	[sflag:s22] =	ssyncadd.s32 s5;
	_ =	sdelay $0x1  }
0xa2: {  	s23 =	simm.s32 $0x1B8B  }
0xa3: {  	_ =	swait.ge [sflag:s23], $0x1  }
0xa4: {  	[sflag:s23] =	ssyncset.done $0x0  }
0xa5: {  	s25 =	simm.s32 $0x1B8E;
	s24 =	sld [smem:$0x3FFE];
	[sflag:s23] =	ssyncadd.s32 $0xFFFFFFFF  }
0xa6: {  	s26 =	simm.s32 $execute0_lowered;
	[smem:$0x3FD2] =	sst s25  }
0xa7: {  	s6 =	sshll.u32 s26, $0x1;
	_ =	strace $0x80000046;
	[dreg:$0x1] =	wrdreg $0xFFFFFFFF  }
0xa8: {  	s28 =	simm.s32 $_size_execute0_lowered;
	s4 =	sadd.s32 s4, s6;
	[dreg:$0x0] =	wrdreg $0x0  }
0xa9: {  	s6 =	sshll.u32 s28, $0x1;
	[dreg:$0x2] =	wrdreg s4  }
0xaa: {  	[dreg:$0x3] =	wrdreg s6  }
0xab: {  	[dreg:$0x4] =	wrdreg $0xC0  }
0xac: {  	_ =	task [dreg:s8], $0x5FFFF  }
0xad: {  	[dreg:$0x1] =	wrdreg $0xFFFFFFFF  }
0xae: {  	[dreg:$0x0] =	wrdreg $0x60  }
0xaf: {  	[dreg:$0x2] =	wrdreg s24  }
0xb0: {  	[dreg:$0x3] =	wrdreg s2  }
0xb1: {  	[dreg:$0x4] =	wrdreg s18  }
0xb2: {  	[dreg:$0x5] =	wrdreg $0x11F800  }
0xb3: {  	[dreg:$0x6] =	wrdreg $0x147800  }
0xb4: {  	[dreg:$0x7] =	wrdreg $0x9  }
0xb5: {  	_ =	task.clear_ibuf [dreg:s8], $0x8FFFF;
	_ =	strace $0x90000046  }
0xb6: {  	s29 =	simm.s32 $0x9;
	_ =	strace $0x80000048  }
0xb7: {  	_ =	swait.ge [sflag:s29], $0x1  }
0xb8: {  	[sflag:s29] =	ssyncadd.s32 $0xFFFFFFFF  }
0xb9: {  	_ =	strace $0x90000048  }
0xba: {  	_ =	sfence  }
0xbb: {  	s30 =	sld [smem:$0x0];
	_ =	sdelay $0x2  }
0xbc: {  	s31 =	sshll.u32 s1, $0xD;
	s1 =	sshrl.u32 s1, $0x2  }
0xbd: {  	s3 =	sand.u32 $0x4000, s31;
	s1 =	sadd.s32 s1, s30  }
0xbe: {  	s0 =	sor.u32 s3, s0;
	s1 =	sshll.u32 s1, $0x11  }
0xbf: {  	s0 =	sor.u32 s1, s0  }
0xc0: {  	s0 =	sadd.s32 $0x8F2B, s0  }
0xc1: {  	[sflag:s0] =	ssyncadd.remote.s32 $0x1  }
0xc2: {  	_ =	sfence.sel $0xFFFF  }
0xc3: {  	[dreg:$0x0] =	wrdreg $0xFFFFFFFF;
	(pc) =	sbr.abs _section_cstart, $3  }
0xc4: {  	[dreg:$0x1] =	wrdreg $0xFFFFFFFF  }
0xc5: {  	_ =	task.clear_ibuf [dreg:s8], $0x2FFFF;
	_ =	strace $0x9FFFFFFF  }
0xc6: {  	(tm) =	ssettm $0x7FFFFFFF  }
0xc7: {  	_ =	shalt  }
tec
execute0_lowered:
.L_overlay_start_1:
0x0: {  	(tag) =	ssettag $0x1  }
0x1: {  	s0 =	rddreg [dreg:$0x0]  }
0x2: {  	s1 =	rddreg [dreg:$0x2]  }
0x3: {  	s2 =	rddreg [dreg:$0x3]  }
0x4: {  	s23 =	rddreg [dreg:$0x4];
	s3 =	simm.s32 $0x0;
	s22 =	stileid.u32  }
0x5: {  	s5 =	srdreg.scid;
	s30 =	simm.s32 $0x1;
	s17 =	smul.u32 $0x4E20, s22  }
0x6: {  	s31 =	simm.s32 $0x80;
	[smem:$0x7FF] =	sst s3;
	s4 =	smul.u32 $0x280, s22  }
0x7: {  	s5 =	sand.u32 $0x1, s5;
	s6 =	sshrl.u32 s22, $0x3;
	s9 =	smul.u32 $0x5000, s22  }
0x8: {  	s19 =	sshll.u32 s22, $0x7;
	s25 =	sadd.s32 $0x4B0, s1;
	p0 =	seq.s32 s22, $0xF  }
0x9: {  	_ =	strace $0x80000047;
	s5 =	ssub.s32 $0x2, s5;
	s6 =	smul.u32 $0x50000, s6  }
0xa: {  	[dreg:$0xc] =	wrdreg s25;
	s3 =	sshrl.u32 s17, $0x3;
	s8 =	sshrl.u32 s4, $0x3  }
0xb: {  	s7 =	sshrl.u32 s5, $0x1;
	s20 =	sshrl.u32 s9, $0x2;
	s23 =	sadd.s32 s4, s23  }
0xc: {  	s3 =	sadd.s32 s3, s0;
	s0 =	sadd.s32 s8, s0;
	s5 =	ssub.s32 s5, s7  }
0xd: {  	s6 =	sshrl.u32 s6, $0x2;
	s7 =	sadd.s32 s20, s2;
	[dreg:$0xa] =	wrdreg s23  }
0xe: {  	s24 =	sadd.s32 s1, s8;
	s1 =	simm.s32 $0xC500;
	s18 =	sadd.s32 $0x200, s3  }
0xf: {  	s3 =	sadd.s32 $0x9E40, s3;
	s6 =	sadd.s32 s6, s2;
	s0 =	sadd.s32 $0x13C00, s0  }
0x10: {  	s10 =	sadd.s32 $0x80, s7;
	s11 =	sadd.s32 $0x100, s7;
	s12 =	sadd.s32 $0x180, s7  }
0x11: {  	s13 =	sadd.s32 $0x200, s7;
	s14 =	sadd.s32 $0x280, s7;
	s15 =	sadd.s32 $0x300, s7  }
0x12: {  	s16 =	sadd.s32 $0x380, s7;
	s17 =	sadd.s32 $0x14000, s7;
	[dreg:$0xb] =	wrdreg s24  }
0x13: {  	s20 =	sadd.s32 $0x14180, s7;
	s26 =	smax.u32 s5, $0x1;
	[dreg:$0x6] =	wrdreg s18  }
0x14: {  	s28 =	sadd.s32 $0x14300, s7;
	s29 =	sadd.s32 $0x14380, s7;
	[dreg:$0x7] =	wrdreg s3  }
0x15: {  	s2 =	simm.s32 $0x0;
	s3 =	sand.u32 $0x380, s19;
	[dreg:$0x8] =	wrdreg s0  }
0x16: {  	s18 =	sadd.s32 $0x14080, s7;
	s19 =	sadd.s32 $0x14100, s7;
	[dreg:$0xd] =	wrdreg s26  }
0x17: {  	s26 =	sadd.s32 $0x14280, s7;
	s0 =	simm.s32 $0x400;
	s21 =	sadd.s32 s3, s6  }
0x18: {  	v0 =	vimm.f32 $0.0e+00;
	v1 =	vimm.f32 $1.000000000e+00;
	s3 =	simm.s32 $0x9D00;
	[dreg:$0x9] =	wrdreg s21;
	s21 =	sadd.s32 $0x14200, s7  }
.LBB2_1:
0x19: {  	s5 =	simm.s32 $0x0;
	s4 =	rddreg [dreg:$0x6]  }
0x1a: {  	[tilespmem:s5], [sflag:$0x1] =	stream.linear.gather [hbm4b:s4+s5], $0x4E20, $0x38;
	[tilespmem:$0x14A00] =	vst v63  }
0x1b: {  	_ =	swait.ge [sflag:s30], $0x4E20  }
0x1c: {  	[sflag:s30] =	ssyncset.done $0x0  }
0x1d: {  	s6 =	simm.s32 $0x4E80;
	s9 =	rddreg [dreg:$0x7];
	[sflag:s30] =	ssyncadd.s32 $0xFFFFB1E0  }
0x1e: {  	[tilespmem:s6], [sflag:$0x1] =	stream.linear.gather [hbm4b:s9+s5], $0x4E20, $0x38;
	[tilespmem:$0x14A00] =	vst v63  }
0x1f: {  	_ =	swait.ge [sflag:s30], $0x4E20  }
0x20: {  	[sflag:s30] =	ssyncset.done $0x0  }
0x21: {  	s23 =	simm.s32 $0x11500;
	s22 =	rddreg [dreg:$0x8];
	[sflag:s30] =	ssyncadd.s32 $0xFFFFB1E0  }
0x22: {  	[tilespmem:s23], [sflag:$0x1] =	stream.linear.gather [hbm4b:s22+s5], $0x280, $0x38;
	[tilespmem:$0x14A00] =	vst v63  }
0x23: {  	_ =	swait.ge [sflag:s30], $0x280  }
0x24: {  	[sflag:s30] =	ssyncset.done $0x0  }
0x25: {  	[sflag:s30] =	ssyncadd.s32 $0xFFFFFD80  }
0x26: {  	s25 =	simm.s32 $0x11F00;
	s24 =	rddreg [dreg:$0x1]  }
0x27: {  	[tilespmem:s25], [sflag:$0x1] =	stream.linear.gather [hbm4b:s24+s5], $0x80, $0x38;
	[tilespmem:$0x14A00] =	vst v63  }
0x28: {  	_ =	swait.ge [sflag:s30], $0x80  }
0x29: {  	[sflag:s30] =	ssyncset.done $0x0  }
0x2a: {  	s5 =	simm.s32 $0xC540;
	[sflag:s30] =	ssyncadd.s32 $0xFFFFFF80  }
0x2b: {  	[tilespmem:s5+$0xFFFFFFC0] =	vst v0  }
0x2c: {  	[tilespmem:s5+$0x30] =	vst v0  }
0x2d: {  	[tilespmem:s5+$0x20] =	vst v0  }
0x2e: {  	[tilespmem:s5+$0x10] =	vst v0  }
0x2f: {  	[tilespmem:s5+$0x0] =	vst v0  }
0x30: {  	[tilespmem:s5+$0xFFFFFFF0] =	vst v0  }
0x31: {  	s6 =	simm.s32 $0x0;
	[tilespmem:s5+$0xFFFFFFE0] =	vst v0  }
.LBB2_2:
0x32: {  	s6 =	sadd.s32 $0x80, s6;
	[tilespmem:s5+$0xFFFFFFD0] =	vst v0;
	s5 =	sadd.s32 $0x80, s5;
	s4 =	simm.s32 $0x4EC0  }
0x33: {  	[tilespmem:s5+$0xFFFFFFC0] =	vst v0;
	p1 =	slt.u32 s6, $0x2780  }
0x34: {  	[tilespmem:s5+$0x30] =	vst v0  }
.Ltmp0:
0x35: {  	[tilespmem:s5+$0x20] =	vst v0;
	(pc) =	sbr.rel @p1 .LBB2_2-.Ltmp0, $4  }
0x36: {  	[tilespmem:s5+$0x10] =	vst v0  }
0x37: {  	[tilespmem:s5+$0x0] =	vst v0  }
0x38: {  	[tilespmem:s5+$0xFFFFFFF0] =	vst v0  }
0x39: {  	[tilespmem:s5+$0xFFFFFFE0] =	vst v0  }
0x3a: {  	[tilespmem:s5+$0xFFFFFFD0] =	vst v0  }
0x3b: {  	v3 =	vld [tilespmem:s4+$0xFFFFFFC0]  }
0x3c: {  	v4 =	vld [tilespmem:s4+$0x30]  }
0x3d: {  	v5 =	vld [tilespmem:s4+$0x20]  }
0x3e: {  	v6 =	vld [tilespmem:s4+$0x10]  }
0x3f: {  	v7 =	vld [tilespmem:s4+$0x0]  }
0x40: {  	v8 =	vld [tilespmem:s4+$0xFFFFFFF0]  }
0x41: {  	v9 =	vld [tilespmem:s4+$0xFFFFFFE0]  }
0x42: {  	v2 =	vld [tilespmem:s4+$0xFFFFFFD0]  }
0x43: {  	[tilespmem:v3+s1+$0x0] =	vst.idx.add.f32.msk $0xffff, v1  }
0x44: {  	[tilespmem:v4+s1+$0x0] =	vst.idx.add.f32.msk $0xffff, v1  }
0x45: {  	[tilespmem:v5+s1+$0x0] =	vst.idx.add.f32.msk $0xffff, v1  }
0x46: {  	[tilespmem:v6+s1+$0x0] =	vst.idx.add.f32.msk $0xffff, v1  }
0x47: {  	[tilespmem:v7+s1+$0x0] =	vst.idx.add.f32.msk $0xffff, v1  }
0x48: {  	[tilespmem:v8+s1+$0x0] =	vst.idx.add.f32.msk $0xffff, v1  }
0x49: {  	s8 =	simm.s32 $0x0;
	s5 =	simm.s32 $0x9C80;
	[tilespmem:v9+s1+$0x0] =	vst.idx.add.f32.msk $0xffff, v1  }
.LBB2_4:
0x4a: {  	s8 =	sadd.s32 $0x80, s8;
	[tilespmem:v2+s1+$0x0] =	vst.idx.add.f32.msk $0xffff, v1;
	s4 =	sadd.s32 $0x80, s4;
	s6 =	simm.s32 $0x4DF0  }
0x4b: {  	v3 =	vld [tilespmem:s4+$0xFFFFFFC0];
	p1 =	slt.u32 s8, $0x4D80  }
0x4c: {  	v4 =	vld [tilespmem:s4+$0x30]  }
0x4d: {  	v5 =	vld [tilespmem:s4+$0x20]  }
0x4e: {  	v6 =	vld [tilespmem:s4+$0x10]  }
0x4f: {  	v7 =	vld [tilespmem:s4+$0x0]  }
0x50: {  	v8 =	vld [tilespmem:s4+$0xFFFFFFF0]  }
0x51: {  	v9 =	vld [tilespmem:s4+$0xFFFFFFE0]  }
0x52: {  	v2 =	vld [tilespmem:s4+$0xFFFFFFD0]  }
0x53: {  	[tilespmem:v3+s1+$0x0] =	vst.idx.add.f32.msk $0xffff, v1  }
0x54: {  	[tilespmem:v4+s1+$0x0] =	vst.idx.add.f32.msk $0xffff, v1  }
.Ltmp1:
0x55: {  	[tilespmem:v5+s1+$0x0] =	vst.idx.add.f32.msk $0xffff, v1;
	(pc) =	sbr.rel @p1 .LBB2_4-.Ltmp1, $4  }
0x56: {  	[tilespmem:v6+s1+$0x0] =	vst.idx.add.f32.msk $0xffff, v1  }
0x57: {  	[tilespmem:v7+s1+$0x0] =	vst.idx.add.f32.msk $0xffff, v1  }
0x58: {  	[tilespmem:v8+s1+$0x0] =	vst.idx.add.f32.msk $0xffff, v1  }
0x59: {  	[tilespmem:v9+s1+$0x0] =	vst.idx.add.f32.msk $0xffff, v1  }
0x5a: {  	_ =	sdelay $0x3  }
0x5b: {  	[tilespmem:v2+s1+$0x0] =	vst.idx.add.f32.msk $0xffff, v1  }
.LBB2_6:
0x5c: {  	v2 =	vld [tilespmem:s5+$0x0];
	_ =	sdelay $0x1  }
0x5d: {  	s6 =	sadd.s32 $0x10, s6  }
0x5e: {  	p1 =	slt.u32 s6, $0x4E10  }
.Ltmp2:
0x5f: {  	_ = 	snop;
	(pc) =	sbr.rel @p1 .LBB2_6-.Ltmp2, $2  }
0x60: {  	_ =	sdelay $0x2  }
0x61: {  	s5 =	sadd.s32 $0x10, s5;
	[tilespmem:v2+s1+$0x0] =	vst.idx.add.f32.msk $0xffff, v1  }
0x62: {  	s4 =	rddreg [dreg:$0x9]  }
0x63: {  	[spmem:s4] =	stream.strided.scatter [tilespmem:s1], [sflag:$0x1], $0x2800, s0, s31, $0x38;
	[tilespmem:$0x14A00] =	vst v63  }
0x64: {  	_ =	swait.ge [sflag:s30], $0x2800  }
0x65: {  	[sflag:s30] =	ssyncset.done $0x0  }
0x66: {  	[sflag:s30] =	ssyncadd.s32 $0xFFFFD800  }
0x67: {  	s22 =	simm.s32 $0xED00;
	[bflag:$0x0] =	sbarrier.arrive $0xFFFF  }
0x68: {  	[tilespmem:s22], [sflag:$0x1] =	stream.strided.gather [spmem:s7], $0x280, s0, s31, $0x38;
	[tilespmem:$0x14A00] =	vst v63  }
0x69: {  	_ =	swait.ge [sflag:s30], $0x280  }
0x6a: {  	[sflag:s30] =	ssyncset.done $0x0  }
0x6b: {  	s23 =	simm.s32 $0xEF80;
	[sflag:s30] =	ssyncadd.s32 $0xFFFFFD80  }
0x6c: {  	[tilespmem:s23], [sflag:$0x1] =	stream.strided.gather [spmem:s10], $0x280, s0, s31, $0x38;
	[tilespmem:$0x14A00] =	vst v63  }
0x6d: {  	_ =	swait.ge [sflag:s30], $0x280  }
0x6e: {  	[sflag:s30] =	ssyncset.done $0x0  }
0x6f: {  	s24 =	simm.s32 $0xF200;
	[sflag:s30] =	ssyncadd.s32 $0xFFFFFD80  }
0x70: {  	[tilespmem:s24], [sflag:$0x1] =	stream.strided.gather [spmem:s11], $0x280, s0, s31, $0x38;
	[tilespmem:$0x14A00] =	vst v63  }
0x71: {  	_ =	swait.ge [sflag:s30], $0x280  }
0x72: {  	[sflag:s30] =	ssyncset.done $0x0  }
0x73: {  	s25 =	simm.s32 $0xF480;
	[sflag:s30] =	ssyncadd.s32 $0xFFFFFD80  }
0x74: {  	[tilespmem:s25], [sflag:$0x1] =	stream.strided.gather [spmem:s12], $0x280, s0, s31, $0x38;
	[tilespmem:$0x14A00] =	vst v63  }
0x75: {  	_ =	swait.ge [sflag:s30], $0x280  }
0x76: {  	[sflag:s30] =	ssyncset.done $0x0  }
0x77: {  	s5 =	simm.s32 $0xF700;
	[sflag:s30] =	ssyncadd.s32 $0xFFFFFD80  }
0x78: {  	[tilespmem:s5], [sflag:$0x1] =	stream.strided.gather [spmem:s13], $0x280, s0, s31, $0x38;
	[tilespmem:$0x14A00] =	vst v63  }
0x79: {  	_ =	swait.ge [sflag:s30], $0x280  }
0x7a: {  	[sflag:s30] =	ssyncset.done $0x0  }
0x7b: {  	s6 =	simm.s32 $0xF980;
	[sflag:s30] =	ssyncadd.s32 $0xFFFFFD80  }
0x7c: {  	[tilespmem:s6], [sflag:$0x1] =	stream.strided.gather [spmem:s14], $0x280, s0, s31, $0x38;
	[tilespmem:$0x14A00] =	vst v63  }
0x7d: {  	_ =	swait.ge [sflag:s30], $0x280  }
0x7e: {  	[sflag:s30] =	ssyncset.done $0x0  }
0x7f: {  	s8 =	simm.s32 $0xFC00;
	[sflag:s30] =	ssyncadd.s32 $0xFFFFFD80  }
0x80: {  	[tilespmem:s8], [sflag:$0x1] =	stream.strided.gather [spmem:s15], $0x280, s0, s31, $0x38;
	[tilespmem:$0x14A00] =	vst v63  }
0x81: {  	_ =	swait.ge [sflag:s30], $0x280  }
0x82: {  	[sflag:s30] =	ssyncset.done $0x0  }
0x83: {  	s9 =	simm.s32 $0xFE80;
	[sflag:s30] =	ssyncadd.s32 $0xFFFFFD80  }
0x84: {  	[tilespmem:s9], [sflag:$0x1] =	stream.strided.gather [spmem:s16], $0x280, s0, s31, $0x38;
	[tilespmem:$0x14A00] =	vst v63  }
0x85: {  	_ =	swait.ge [sflag:s30], $0x280  }
0x86: {  	[sflag:s30] =	ssyncset.done $0x0  }
0x87: {  	s22 =	simm.s32 $0x10100;
	[sflag:s30] =	ssyncadd.s32 $0xFFFFFD80  }
0x88: {  	[tilespmem:s22], [sflag:$0x1] =	stream.strided.gather [spmem:s17], $0x280, s0, s31, $0x38;
	[tilespmem:$0x14A00] =	vst v63  }
0x89: {  	_ =	swait.ge [sflag:s30], $0x280  }
0x8a: {  	[sflag:s30] =	ssyncset.done $0x0  }
0x8b: {  	s23 =	simm.s32 $0x10380;
	[sflag:s30] =	ssyncadd.s32 $0xFFFFFD80  }
0x8c: {  	[tilespmem:s23], [sflag:$0x1] =	stream.strided.gather [spmem:s18], $0x280, s0, s31, $0x38;
	[tilespmem:$0x14A00] =	vst v63  }
0x8d: {  	_ =	swait.ge [sflag:s30], $0x280  }
0x8e: {  	[sflag:s30] =	ssyncset.done $0x0  }
0x8f: {  	s24 =	simm.s32 $0x10600;
	[sflag:s30] =	ssyncadd.s32 $0xFFFFFD80  }
0x90: {  	[tilespmem:s24], [sflag:$0x1] =	stream.strided.gather [spmem:s19], $0x280, s0, s31, $0x38;
	[tilespmem:$0x14A00] =	vst v63  }
0x91: {  	_ =	swait.ge [sflag:s30], $0x280  }
0x92: {  	[sflag:s30] =	ssyncset.done $0x0  }
0x93: {  	s25 =	simm.s32 $0x10880;
	[sflag:s30] =	ssyncadd.s32 $0xFFFFFD80  }
0x94: {  	[tilespmem:s25], [sflag:$0x1] =	stream.strided.gather [spmem:s20], $0x280, s0, s31, $0x38;
	[tilespmem:$0x14A00] =	vst v63  }
0x95: {  	_ =	swait.ge [sflag:s30], $0x280  }
0x96: {  	[sflag:s30] =	ssyncset.done $0x0  }
0x97: {  	s5 =	simm.s32 $0x10B00;
	[sflag:s30] =	ssyncadd.s32 $0xFFFFFD80  }
0x98: {  	[tilespmem:s5], [sflag:$0x1] =	stream.strided.gather [spmem:s21], $0x280, s0, s31, $0x38;
	[tilespmem:$0x14A00] =	vst v63  }
0x99: {  	_ =	swait.ge [sflag:s30], $0x280  }
0x9a: {  	[sflag:s30] =	ssyncset.done $0x0  }
0x9b: {  	s6 =	simm.s32 $0x10D80;
	[sflag:s30] =	ssyncadd.s32 $0xFFFFFD80  }
0x9c: {  	[tilespmem:s6], [sflag:$0x1] =	stream.strided.gather [spmem:s26], $0x280, s0, s31, $0x38;
	[tilespmem:$0x14A00] =	vst v63  }
0x9d: {  	_ =	swait.ge [sflag:s30], $0x280  }
0x9e: {  	[sflag:s30] =	ssyncset.done $0x0  }
0x9f: {  	s8 =	simm.s32 $0x11000;
	[sflag:s30] =	ssyncadd.s32 $0xFFFFFD80  }
0xa0: {  	[tilespmem:s8], [sflag:$0x1] =	stream.strided.gather [spmem:s28], $0x280, s0, s31, $0x38;
	[tilespmem:$0x14A00] =	vst v63  }
0xa1: {  	_ =	swait.ge [sflag:s30], $0x280  }
0xa2: {  	[sflag:s30] =	ssyncset.done $0x0  }
0xa3: {  	s9 =	simm.s32 $0x11280;
	[sflag:s30] =	ssyncadd.s32 $0xFFFFFD80  }
0xa4: {  	[tilespmem:s9], [sflag:$0x1] =	stream.strided.gather [spmem:s29], $0x280, s0, s31, $0x38;
	[tilespmem:$0x14A00] =	vst v63  }
0xa5: {  	_ =	swait.ge [sflag:s30], $0x280  }
0xa6: {  	[sflag:s30] =	ssyncset.done $0x0  }
0xa7: {  	s22 =	simm.s32 $0x0;
	s5 =	simm.s32 $0x10110;
	[sflag:s30] =	ssyncadd.s32 $0xFFFFFD80  }
0xa8: {  	s4 =	sand.u32 $0x3C0, s22;
	v2 =	vld [tilespmem:s5+$0xFFFFEBF0]  }
0xa9: {  	v3 =	vld [tilespmem:s4+$0xEF80]  }
0xaa: {  	v4 =	vld [tilespmem:s4+$0xF200]  }
0xab: {  	v6 =	vld [tilespmem:s5+$0xFFFFEC00]  }
0xac: {  	v5 =	vld [tilespmem:s4+$0xF480]  }
0xad: {  	v7 =	vld [tilespmem:s5+$0xFFFFEE80]  }
0xae: {  	v8 =	vld [tilespmem:s5+$0xFFFFEC10];
	v2 =	vadd.f32 v3, v2  }
0xaf: {  	v3 =	vld [tilespmem:s4+$0xF700]  }
0xb0: {  	v9 =	vld [tilespmem:s5+$0xFFFFEE90];
	v2 =	vadd.f32 v4, v2  }
0xb1: {  	v4 =	vld [tilespmem:s4+$0xF980]  }
0xb2: {  	v10 =	vld [tilespmem:s5+$0xFFFFEC20];
	v2 =	vadd.f32 v5, v2  }
0xb3: {  	v5 =	vld [tilespmem:s4+$0xFC00]  }
0xb4: {  	v11 =	vld [tilespmem:s5+$0xFFFFEEA0];
	v2 =	vadd.f32 v3, v2  }
0xb5: {  	v3 =	vld [tilespmem:s4+$0xFE80]  }
0xb6: {  	v12 =	vld [tilespmem:s5+$0xFFFFF100];
	v2 =	vadd.f32 v4, v2  }
0xb7: {  	v4 =	vld [tilespmem:s4+$0x10100]  }
0xb8: {  	v13 =	vld [tilespmem:s5+$0xFFFFF110];
	v2 =	vadd.f32 v5, v2  }
0xb9: {  	v5 =	vld [tilespmem:s4+$0x10380]  }
0xba: {  	v14 =	vld [tilespmem:s5+$0xFFFFF120];
	v2 =	vadd.f32 v3, v2  }
0xbb: {  	v3 =	vld [tilespmem:s4+$0x10600]  }
0xbc: {  	v15 =	vld [tilespmem:s5+$0xFFFFF380];
	v2 =	vadd.f32 v4, v2  }
0xbd: {  	v4 =	vld [tilespmem:s4+$0x10880]  }
0xbe: {  	v16 =	vld [tilespmem:s5+$0xFFFFF390];
	v2 =	vadd.f32 v5, v2  }
0xbf: {  	v5 =	vld [tilespmem:s4+$0x10B00]  }
0xc0: {  	v17 =	vld [tilespmem:s5+$0xFFFFF3A0];
	v2 =	vadd.f32 v3, v2  }
0xc1: {  	v3 =	vld [tilespmem:s4+$0x10D80]  }
0xc2: {  	v18 =	vld [tilespmem:s5+$0xFFFFF600];
	v2 =	vadd.f32 v4, v2  }
0xc3: {  	v4 =	vld [tilespmem:s4+$0x11000]  }
0xc4: {  	v19 =	vld [tilespmem:s5+$0xFFFFF610];
	v2 =	vadd.f32 v5, v2  }
0xc5: {  	v5 =	vld [tilespmem:s4+$0x11280]  }
0xc6: {  	v20 =	vld [tilespmem:s5+$0xFFFFF880];
	v2 =	vadd.f32 v3, v2  }
0xc7: {  	v21 =	vld [tilespmem:s5+$0xFFFFF8A0]  }
0xc8: {  	v22 =	vld [tilespmem:s5+$0xFFFFFB00];
	v2 =	vadd.f32 v4, v2  }
0xc9: {  	v23 =	vld [tilespmem:s5+$0xFFFFFB10]  }
0xca: {  	v24 =	vld [tilespmem:s5+$0xFFFFFB20];
	v2 =	vadd.f32 v5, v2  }
0xcb: {  	v25 =	vld [tilespmem:s5+$0xFFFFFD80]  }
0xcc: {  	v26 =	vld [tilespmem:s5+$0xFFFFFD90];
	v2 =	vadd.f32 $1.000000000e+00, v2  }
0xcd: {  	v27 =	vld [tilespmem:s5+$0xFFFFFDA0]  }
0xce: {  	v29 =	vld [tilespmem:s5+$0x0];
	v5 =	vshra.s32 v2, $0x1;
	v2 =	vmul.f32 $5.000000000e-01, v2  }
0xcf: {  	v30 =	vld [tilespmem:s5+$0x10];
	v5 =	vsub.s32 $0x5F3759DF, v5  }
0xd0: {  	v31 =	vld [tilespmem:s5+$0x20];
	v28 =	vmul.f32 v5, v2  }
0xd1: {  	v32 =	vld [tilespmem:s5+$0x280]  }
0xd2: {  	v33 =	vld [tilespmem:s5+$0x290];
	v28 =	vmul.f32 v5, v28  }
0xd3: {  	v34 =	vld [tilespmem:s5+$0x2A0]  }
0xd4: {  	v62 =	vld [tilespmem:s5+$0x500];
	v28 =	vsub.f32 $1.500000000e+00, v28  }
0xd5: {  	v35 =	vld [tilespmem:s5+$0x510]  }
0xd6: {  	v37 =	vld [tilespmem:s5+$0x520];
	v5 =	vmul.f32 v5, v28  }
0xd7: {  	v38 =	vld [tilespmem:s5+$0x780]  }
0xd8: {  	v39 =	vld [tilespmem:s5+$0x790];
	v36 =	vmul.f32 v5, v2  }
0xd9: {  	v40 =	vld [tilespmem:s5+$0x7A0]  }
0xda: {  	v41 =	vld [tilespmem:s5+$0xA00];
	v36 =	vmul.f32 v36, v5  }
0xdb: {  	v42 =	vld [tilespmem:s5+$0xA10]  }
0xdc: {  	v63 =	vld [tilespmem:s5+$0xA20];
	v36 =	vsub.f32 $1.500000000e+00, v36  }
0xdd: {  	v43 =	vld [tilespmem:s5+$0xC80]  }
0xde: {  	v44 =	vld [tilespmem:s5+$0xC90];
	v5 =	vmul.f32 v36, v5  }
0xdf: {  	v45 =	vld [tilespmem:s5+$0xCA0]  }
0xe0: {  	v46 =	vld [tilespmem:s5+$0xF00];
	v2 =	vmul.f32 v5, v2  }
0xe1: {  	v47 =	vld [tilespmem:s5+$0xF10]  }
0xe2: {  	v48 =	vld [tilespmem:s5+$0xF20];
	v2 =	vmul.f32 v2, v5  }
0xe3: {  	v49 =	vld [tilespmem:s5+$0x1180];
	v8 =	vadd.f32 v9, v8;
	v9 =	vadd.f32 v11, v10  }
0xe4: {  	s6 =	simm.s32 $0x40;
	v3 =	vld [tilespmem:s5+$0xFFFFF620];
	v2 =	vsub.f32 $1.500000000e+00, v2  }
0xe5: {  	s6 =	sand.u32 $0x3C0, s6;
	v50 =	vld [tilespmem:s5+$0x11A0];
	v9 =	vadd.f32 v14, v9  }
0xe6: {  	s25 =	simm.s32 $0x10150;
	v51 =	vld [tilespmem:s6+$0x10B00];
	v5 =	vmul.f32 v2, v5;
	v2 =	vadd.f32 v7, v6  }
0xe7: {  	v52 =	vld [tilespmem:s25+$0xFFFFF3A0];
	v9 =	vadd.f32 v17, v9  }
0xe8: {  	v10 =	vld [tilespmem:s25+$0xFFFFEBF0];
	v8 =	vadd.f32 v13, v8;
	v2 =	vadd.f32 v12, v2  }
0xe9: {  	v4 =	vld [tilespmem:s5+$0xFFFFF890];
	v3 =	vadd.f32 v3, v9  }
0xea: {  	v11 =	vld [tilespmem:s6+$0xEF80];
	v8 =	vadd.f32 v16, v8;
	v2 =	vadd.f32 v15, v2  }
0xeb: {  	v53 =	vld [tilespmem:s6+$0x10D80];
	v3 =	vadd.f32 v21, v3  }
0xec: {  	v13 =	vld [tilespmem:s6+$0xF200];
	v8 =	vadd.f32 v19, v8;
	v2 =	vadd.f32 v18, v2  }
0xed: {  	v54 =	vld [tilespmem:s25+$0xFFFFF600];
	v3 =	vadd.f32 v24, v3  }
0xee: {  	v4 =	vadd.f32 v4, v8;
	v15 =	vld [tilespmem:s6+$0xF480];
	v2 =	vadd.f32 v20, v2  }
0xef: {  	v55 =	vld [tilespmem:s25+$0xFFFFF610];
	v9 =	vadd.f32 v11, v10;
	v3 =	vadd.f32 v27, v3  }
0xf0: {  	v8 =	vld [tilespmem:s6+$0xF700];
	v4 =	vadd.f32 v23, v4;
	v2 =	vadd.f32 v22, v2  }
0xf1: {  	v56 =	vld [tilespmem:s6+$0x11280];
	v9 =	vadd.f32 v13, v9;
	v3 =	vadd.f32 v31, v3  }
0xf2: {  	v13 =	vld [tilespmem:s6+$0xF980];
	v4 =	vadd.f32 v26, v4;
	v2 =	vadd.f32 v25, v2  }
0xf3: {  	v58 =	vld [tilespmem:s25+$0xFFFFF620];
	v3 =	vadd.f32 v34, v3;
	v9 =	vadd.f32 v15, v9  }
0xf4: {  	v4 =	vadd.f32 v30, v4;
	v2 =	vadd.f32 v29, v2;
	v29 =	vld [tilespmem:s6+$0xFC00]  }
0xf5: {  	v60 =	vld [tilespmem:s25+$0xFFFFF880];
	v3 =	vadd.f32 v37, v3;
	v8 =	vadd.f32 v8, v9  }
0xf6: {  	v4 =	vadd.f32 v33, v4;
	v2 =	vadd.f32 v32, v2;
	v32 =	vld [tilespmem:s6+$0xFE80]  }
0xf7: {  	v10 =	vld [tilespmem:s25+$0xFFFFEC10];
	v3 =	vadd.f32 v40, v3;
	v8 =	vadd.f32 v13, v8  }
0xf8: {  	v33 =	vld [tilespmem:s6+$0x10100];
	v4 =	vadd.f32 v35, v4  }
0xf9: {  	v11 =	vld [tilespmem:s25+$0xFFFFEE90];
	v3 =	vadd.f32 v63, v3;
	v8 =	vadd.f32 v29, v8  }
0xfa: {  	v35 =	vld [tilespmem:s6+$0x10380];
	v4 =	vadd.f32 v39, v4  }
0xfb: {  	v14 =	vld [tilespmem:s25+$0xFFFFEE80];
	v3 =	vadd.f32 v45, v3;
	v8 =	vadd.f32 v32, v8  }
0xfc: {  	v39 =	vld [tilespmem:s6+$0x10600];
	v4 =	vadd.f32 v42, v4  }
0xfd: {  	v42 =	vld [tilespmem:s6+$0x10880];
	v3 =	vadd.f32 v48, v3;
	v8 =	vadd.f32 v33, v8  }
0xfe: {  	v10 =	vadd.f32 v11, v10;
	v7 =	vld [tilespmem:s5+$0x1190]  }
0xff: {  	v3 =	vadd.f32 v50, v3;
	v15 =	vld [tilespmem:s25+$0xFFFFEC20];
	v8 =	vadd.f32 v35, v8  }
0x100: {  	v4 =	vadd.f32 v44, v4;
	v9 =	vld [tilespmem:s25+$0xFFFFEEA0];
	v2 =	vadd.f32 v62, v2  }
0x101: {  	v11 =	vld [tilespmem:s25+$0xFFFFFB10];
	v3 =	vadd.f32 $1.000000000e+00, v3;
	v8 =	vadd.f32 v39, v8  }
0x102: {  	v34 =	vld [tilespmem:s25+$0xFFFFF110];
	v4 =	vadd.f32 v47, v4;
	v2 =	vadd.f32 v38, v2  }
0x103: {  	v40 =	vld [tilespmem:s25+$0x20];
	v61 =	vshra.s32 v3, $0x1;
	v3 =	vmul.f32 $5.000000000e-01, v3;
	v8 =	vadd.f32 v42, v8  }
0x104: {  	v28 =	vsub.s32 $0x5F3759DF, v61;
	v4 =	vadd.f32 v7, v4;
	v7 =	vld [tilespmem:s6+$0x11000];
	v2 =	vadd.f32 v41, v2  }
0x105: {  	v12 =	vld [tilespmem:s25+$0xFFFFEC00];
	v9 =	vadd.f32 v9, v15;
	v15 =	vmul.f32 v28, v3;
	v8 =	vadd.f32 v51, v8  }
0x106: {  	v63 =	vld [tilespmem:s25+$0xFFFFF8A0];
	v4 =	vadd.f32 $1.000000000e+00, v4;
	v2 =	vadd.f32 v43, v2  }
0x107: {  	v13 =	vld [tilespmem:s25+$0xFFFFF100];
	v15 =	vmul.f32 v28, v15;
	v8 =	vadd.f32 v53, v8  }
0x108: {  	v59 =	vshra.s32 v4, $0x1;
	v4 =	vmul.f32 $5.000000000e-01, v4;
	v38 =	vld [tilespmem:s25+$0xFFFFF120];
	v2 =	vadd.f32 v46, v2  }
0x109: {  	v26 =	vsub.s32 $0x5F3759DF, v59;
	v15 =	vsub.f32 $1.500000000e+00, v15;
	v41 =	vld [tilespmem:s25+$0xFFFFF380];
	v7 =	vadd.f32 v7, v8  }
0x10a: {  	v44 =	vld [tilespmem:s25+$0x2A0];
	v12 =	vadd.f32 v14, v12;
	v32 =	vmul.f32 v26, v4;
	v2 =	vadd.f32 v49, v2  }
0x10b: {  	v10 =	vadd.f32 v34, v10;
	v36 =	vld [tilespmem:s25+$0xFFFFFDA0];
	v15 =	vmul.f32 v28, v15;
	v7 =	vadd.f32 v56, v7  }
0x10c: {  	v12 =	vadd.f32 v13, v12;
	v24 =	vmul.f32 v26, v32;
	v43 =	vld [tilespmem:s25+$0xFFFFF390];
	v2 =	vadd.f32 $1.000000000e+00, v2  }
0x10d: {  	v47 =	vld [tilespmem:s25+$0x520];
	v48 =	vmul.f32 v15, v3;
	v9 =	vadd.f32 v38, v9;
	v7 =	vadd.f32 $1.000000000e+00, v7  }
0x10e: {  	v50 =	vld [tilespmem:s25+$0x790];
	v12 =	vadd.f32 v41, v12;
	v57 =	vshra.s32 v2, $0x1;
	v2 =	vmul.f32 $5.000000000e-01, v2  }
0x10f: {  	v61 =	vld [tilespmem:s25+$0x1180];
	v25 =	vsub.s32 $0x5F3759DF, v57;
	v34 =	vshra.s32 v7, $0x1;
	v7 =	vmul.f32 $5.000000000e-01, v7  }
0x110: {  	v9 =	vadd.f32 v52, v9;
	v62 =	vmul.f32 v25, v2;
	v8 =	vld [tilespmem:s25+$0xFFFFF890];
	v17 =	vsub.s32 $0x5F3759DF, v34  }
0x111: {  	v14 =	vld [tilespmem:s25+$0xFFFFFB00];
	v10 =	vadd.f32 v43, v10;
	v12 =	vadd.f32 v54, v12;
	v37 =	vmul.f32 v17, v7  }
0x112: {  	s23 =	simm.s32 $0x11A20;
	v13 =	vld [tilespmem:s25+$0xFFFFFB20];
	v24 =	vsub.f32 $1.500000000e+00, v24;
	v9 =	vadd.f32 v58, v9;
	v29 =	vmul.f32 v25, v62  }
0x113: {  	s22 =	simm.s32 $0x11520;
	[tilespmem:s23+$0xFFFFFFE0] =	vst v5;
	v33 =	vld [tilespmem:s25+$0xFFFFFD80];
	v10 =	vadd.f32 v55, v10;
	v12 =	vadd.f32 v60, v12;
	v20 =	vmul.f32 v17, v37  }
0x114: {  	v6 =	vld [tilespmem:s22+$0xFFFFFFE0];
	v24 =	vmul.f32 v26, v24;
	v9 =	vadd.f32 v63, v9;
	v29 =	vsub.f32 $1.500000000e+00, v29  }
0x115: {  	v38 =	vld [tilespmem:s25+$0x0];
	v26 =	vmul.f32 v48, v15;
	v8 =	vadd.f32 v8, v10;
	v10 =	vsub.f32 $1.500000000e+00, v20  }
0x116: {  	v35 =	vld [tilespmem:s25+$0xFFFFFD90];
	v12 =	vadd.f32 v14, v12;
	v14 =	vmul.f32 v24, v4;
	v25 =	vmul.f32 v25, v29  }
0x117: {  	v39 =	vld [tilespmem:s25+$0x10];
	v9 =	vadd.f32 v13, v9;
	v53 =	vsub.f32 $1.500000000e+00, v26;
	v10 =	vmul.f32 v17, v10  }
0x118: {  	v41 =	vld [tilespmem:s25+$0x280];
	v12 =	vadd.f32 v33, v12;
	v14 =	vmul.f32 v14, v24;
	v43 =	vmul.f32 v25, v2  }
0x119: {  	v52 =	vld [tilespmem:s25+$0xA00];
	v9 =	vadd.f32 v36, v9;
	v15 =	vmul.f32 v53, v15;
	v46 =	vmul.f32 v10, v7  }
0x11a: {  	v49 =	vld [tilespmem:s25+$0x780];
	v12 =	vadd.f32 v38, v12;
	v8 =	vadd.f32 v11, v8;
	v45 =	vmul.f32 v43, v25  }
0x11b: {  	v42 =	vld [tilespmem:s25+$0x290];
	v14 =	vsub.f32 $1.500000000e+00, v14;
	v9 =	vadd.f32 v40, v9;
	v16 =	vmul.f32 v46, v10  }
0x11c: {  	v11 =	vld [tilespmem:s25+$0x500];
	v8 =	vadd.f32 v35, v8;
	v17 =	vsub.f32 $1.500000000e+00, v45  }
0x11d: {  	v13 =	vld [tilespmem:s25+$0x510];
	v3 =	vmul.f32 v15, v3;
	v14 =	vmul.f32 v14, v24;
	v16 =	vsub.f32 $1.500000000e+00, v16  }
0x11e: {  	v51 =	vld [tilespmem:s25+$0x7A0];
	v9 =	vadd.f32 v44, v9;
	v8 =	vadd.f32 v39, v8;
	v17 =	vmul.f32 v17, v25  }
0x11f: {  	v54 =	vld [tilespmem:s25+$0xA10];
	v12 =	vadd.f32 v41, v12;
	v3 =	vmul.f32 v3, v15;
	v10 =	vmul.f32 v16, v10  }
0x120: {  	v55 =	vld [tilespmem:s25+$0xA20];
	v9 =	vadd.f32 v47, v9;
	v8 =	vadd.f32 v42, v8;
	v2 =	vmul.f32 v17, v2  }
0x121: {  	v57 =	vld [tilespmem:s25+$0xF00];
	v4 =	vmul.f32 v14, v4;
	v11 =	vadd.f32 v11, v12;
	v7 =	vmul.f32 v10, v7  }
0x122: {  	v62 =	vsub.f32 $1.500000000e+00, v3;
	v12 =	vld [tilespmem:s25+$0xC80];
	v8 =	vadd.f32 v13, v8;
	v2 =	vmul.f32 v2, v17  }
0x123: {  	v9 =	vadd.f32 v51, v9;
	v11 =	vadd.f32 v49, v11;
	v13 =	vld [tilespmem:s25+$0xC90];
	v7 =	vmul.f32 v7, v10  }
0x124: {  	v56 =	vld [tilespmem:s25+$0xCA0];
	v58 =	vmul.f32 v4, v14;
	v8 =	vadd.f32 v50, v8;
	v2 =	vsub.f32 $1.500000000e+00, v2  }
0x125: {  	v59 =	vld [tilespmem:s25+$0xF10];
	v11 =	vadd.f32 v52, v11;
	v7 =	vsub.f32 $1.500000000e+00, v7  }
0x126: {  	v60 =	vld [tilespmem:s25+$0xF20];
	v8 =	vadd.f32 v54, v8;
	v4 =	vmul.f32 v2, v17;
	v2 =	vsub.f32 $1.500000000e+00, v58  }
0x127: {  	v63 =	vld [tilespmem:s25+$0x1190];
	v9 =	vadd.f32 v55, v9;
	v11 =	vadd.f32 v12, v11;
	v7 =	vmul.f32 v7, v10  }
0x128: {  	s5 =	simm.s32 $0x11A60;
	v12 =	vadd.f32 v13, v8;
	v3 =	vmul.f32 v2, v14;
	[tilespmem:s23+$0xFFFFFFF0] =	vst v4;
	v10 =	vld [tilespmem:s25+$0x11A0]  }
0x129: {  	s8 =	simm.s32 $0x11560;
	v13 =	vadd.f32 v56, v9;
	v2 =	vmul.f32 v62, v15;
	v14 =	vadd.f32 v57, v11;
	v8 =	vld [tilespmem:s22+$0xFFFFFFF0];
	[tilespmem:s5+$0xFFFFFFE0] =	vst v7  }
0x12a: {  	v5 =	vmul.f32 v5, v6;
	v12 =	vadd.f32 v59, v12;
	[tilespmem:s23+$0x0] =	vst v3;
	v9 =	vld [tilespmem:s8+$0xFFFFFFE0]  }
0x12b: {  	s24 =	simm.s32 $0x4;
	s4 =	simm.s32 $0x80;
	s6 =	simm.s32 $0x117A0;
	v11 =	vadd.f32 v60, v13;
	[tilespmem:s23+$0x10] =	vst v2;
	v13 =	vadd.f32 v61, v14;
	v6 =	vld [tilespmem:s22+$0x0]  }
0x12c: {  	[tilespmem:s6+$0xFFFFFFE0] =	vst v5;
	v12 =	vadd.f32 v63, v12;
	s23 =	simm.s32 $0x117A0;
	v5 =	vld [tilespmem:s22+$0x10];
	s22 =	simm.s32 $0x11560;
	s25 =	simm.s32 $0x10190  }
.LBB2_8:
0x12d: {  	v14 =	vld [tilespmem:s25+$0xFFFFEBF0];
	s9 =	sand.u32 $0x3C0, s4;
	s24 =	sadd.s32 $0x4, s24;
	v13 =	vadd.f32 $1.000000000e+00, v13;
	v10 =	vadd.f32 v10, v11  }
0x12e: {  	v11 =	vld [tilespmem:s9+$0xEF80];
	p1 =	slt.u32 s24, $0x24;
	v12 =	vadd.f32 $1.000000000e+00, v12;
	v4 =	vmul.f32 v4, v8  }
0x12f: {  	v8 =	vld [tilespmem:s25+$0xFFFFEC00];
	v7 =	vmul.f32 v7, v9;
	v9 =	vshra.s32 v13, $0x1;
	v10 =	vadd.f32 $1.000000000e+00, v10  }
0x130: {  	s23 =	sadd.s32 $0x40, s23;
	v13 =	vmul.f32 $5.000000000e-01, v13;
	v15 =	vld [tilespmem:s9+$0xF200];
	v16 =	vshra.s32 v12, $0x1;
	v12 =	vmul.f32 $5.000000000e-01, v12;
	[tilespmem:s6+$0xFFFFFFF0] =	vst v4  }
0x131: {  	v4 =	vld [tilespmem:s25+$0xFFFFEE80];
	[tilespmem:s23+$0xFFFFFFE0] =	vst v7;
	v7 =	vsub.s32 $0x5F3759DF, v9;
	v9 =	vshra.s32 v10, $0x1;
	v10 =	vmul.f32 $5.000000000e-01, v10  }
0x132: {  	v16 =	vsub.s32 $0x5F3759DF, v16;
	v17 =	vld [tilespmem:s9+$0xF480];
	v18 =	vmul.f32 v7, v13;
	v9 =	vsub.s32 $0x5F3759DF, v9  }
0x133: {  	v19 =	vmul.f32 v16, v12;
	v11 =	vadd.f32 v11, v14;
	v14 =	vld [tilespmem:s25+$0xFFFFEC10];
	v20 =	vmul.f32 v9, v10  }
0x134: {  	v3 =	vmul.f32 v3, v6;
	v21 =	vld [tilespmem:s9+$0xF700];
	v18 =	vmul.f32 v7, v18  }
0x135: {  	v6 =	vadd.f32 v15, v11;
	v11 =	vld [tilespmem:s25+$0xFFFFEE90];
	v15 =	vmul.f32 v16, v19;
	v19 =	vmul.f32 v9, v20  }
0x136: {  	v2 =	vmul.f32 v2, v5;
	v20 =	vld [tilespmem:s9+$0xF980];
	v4 =	vadd.f32 v4, v8;
	v8 =	vsub.f32 $1.500000000e+00, v18;
	[tilespmem:s6+$0x0] =	vst v3  }
0x137: {  	v3 =	vadd.f32 v17, v6;
	v5 =	vld [tilespmem:s25+$0xFFFFEC20];
	v6 =	vsub.f32 $1.500000000e+00, v15  }
0x138: {  	v15 =	vld [tilespmem:s9+$0xFC00];
	v7 =	vmul.f32 v7, v8;
	v8 =	vsub.f32 $1.500000000e+00, v19;
	[tilespmem:s6+$0x10] =	vst v2;
	s6 =	smov.u32 s23  }
0x139: {  	v2 =	vadd.f32 v21, v3;
	v3 =	vld [tilespmem:s25+$0xFFFFEEA0];
	v6 =	vmul.f32 v16, v6  }
0x13a: {  	v16 =	vld [tilespmem:s9+$0xFE80];
	v11 =	vadd.f32 v11, v14;
	v14 =	vmul.f32 v7, v13;
	v8 =	vmul.f32 v9, v8  }
0x13b: {  	v2 =	vadd.f32 v20, v2;
	v9 =	vld [tilespmem:s25+$0xFFFFF100];
	v17 =	vmul.f32 v6, v12  }
0x13c: {  	v18 =	vld [tilespmem:s9+$0x10100];
	v14 =	vmul.f32 v14, v7;
	v19 =	vmul.f32 v8, v10  }
0x13d: {  	v2 =	vadd.f32 v15, v2;
	v15 =	vld [tilespmem:s25+$0xFFFFF110];
	v17 =	vmul.f32 v17, v6  }
0x13e: {  	v20 =	vld [tilespmem:s9+$0x10380];
	v3 =	vadd.f32 v3, v5;
	v5 =	vsub.f32 $1.500000000e+00, v14;
	v14 =	vmul.f32 v19, v8  }
0x13f: {  	v2 =	vadd.f32 v16, v2;
	v16 =	vld [tilespmem:s25+$0xFFFFF120];
	v17 =	vsub.f32 $1.500000000e+00, v17  }
0x140: {  	v19 =	vld [tilespmem:s9+$0x10600];
	v4 =	vadd.f32 v9, v4;
	v5 =	vmul.f32 v5, v7;
	v7 =	vsub.f32 $1.500000000e+00, v14  }
0x141: {  	v2 =	vadd.f32 v18, v2;
	v9 =	vld [tilespmem:s25+$0xFFFFF380];
	v6 =	vmul.f32 v17, v6  }
0x142: {  	v14 =	vld [tilespmem:s9+$0x10880];
	v11 =	vadd.f32 v15, v11;
	v13 =	vmul.f32 v5, v13;
	v7 =	vmul.f32 v7, v8  }
0x143: {  	v2 =	vadd.f32 v20, v2;
	v8 =	vld [tilespmem:s25+$0xFFFFF390];
	v12 =	vmul.f32 v6, v12  }
0x144: {  	v15 =	vld [tilespmem:s9+$0x10B00];
	v16 =	vadd.f32 v16, v3;
	v3 =	vmul.f32 v13, v5;
	v10 =	vmul.f32 v7, v10  }
0x145: {  	v2 =	vadd.f32 v19, v2;
	v13 =	vld [tilespmem:s25+$0xFFFFF3A0];
	v12 =	vmul.f32 v12, v6  }
0x146: {  	v17 =	vld [tilespmem:s9+$0x10D80];
	v9 =	vadd.f32 v9, v4;
	v3 =	vsub.f32 $1.500000000e+00, v3;
	v10 =	vmul.f32 v10, v7  }
0x147: {  	v2 =	vadd.f32 v14, v2;
	v14 =	vld [tilespmem:s25+$0xFFFFF600];
	v12 =	vsub.f32 $1.500000000e+00, v12  }
0x148: {  	v18 =	vld [tilespmem:s9+$0x11000];
	v8 =	vadd.f32 v8, v11;
	v4 =	vmul.f32 v3, v5;
	v5 =	vsub.f32 $1.500000000e+00, v10  }
0x149: {  	v10 =	vadd.f32 v15, v2;
	v11 =	vld [tilespmem:s25+$0xFFFFF610];
	v3 =	vmul.f32 v12, v6  }
0x14a: {  	v6 =	vld [tilespmem:s9+$0x11280];
	v12 =	vadd.f32 v13, v16;
	[tilespmem:s5+$0xFFFFFFF0] =	vst v4;
	v2 =	vmul.f32 v5, v7  }
0x14b: {  	v5 =	vadd.f32 v17, v10;
	v7 =	vld [tilespmem:s25+$0xFFFFF620];
	[tilespmem:s5+$0x0] =	vst v3  }
0x14c: {  	v9 =	vadd.f32 v14, v9;
	v10 =	vld [tilespmem:s25+$0xFFFFF880];
	[tilespmem:s5+$0x10] =	vst v2  }
0x14d: {  	v5 =	vadd.f32 v18, v5;
	v13 =	vld [tilespmem:s25+$0xFFFFF890]  }
0x14e: {  	v8 =	vadd.f32 v11, v8;
	v11 =	vld [tilespmem:s25+$0xFFFFF8A0]  }
0x14f: {  	v5 =	vadd.f32 v6, v5;
	v6 =	vld [tilespmem:s25+$0xFFFFFB00]  }
0x150: {  	v14 =	vld [tilespmem:s25+$0xFFFFFB10];
	v7 =	vadd.f32 v7, v12  }
0x151: {  	v5 =	vadd.f32 $1.000000000e+00, v5;
	v9 =	vadd.f32 v10, v9;
	v10 =	vld [tilespmem:s25+$0xFFFFFB20]  }
0x152: {  	v12 =	vld [tilespmem:s25+$0xFFFFFD80];
	v8 =	vadd.f32 v13, v8  }
0x153: {  	v13 =	vshra.s32 v5, $0x1;
	v5 =	vmul.f32 $5.000000000e-01, v5;
	v15 =	vld [tilespmem:s25+$0xFFFFFD90];
	v7 =	vadd.f32 v11, v7  }
0x154: {  	v11 =	vsub.s32 $0x5F3759DF, v13;
	v6 =	vadd.f32 v6, v9;
	v9 =	vld [tilespmem:s25+$0xFFFFFDA0]  }
0x155: {  	v13 =	vmul.f32 v11, v5;
	v16 =	vld [tilespmem:s25+$0x0];
	v8 =	vadd.f32 v14, v8  }
0x156: {  	v14 =	vld [tilespmem:s25+$0x10];
	v7 =	vadd.f32 v10, v7  }
0x157: {  	v10 =	vmul.f32 v11, v13;
	v6 =	vadd.f32 v12, v6;
	v12 =	vld [tilespmem:s25+$0x20]  }
0x158: {  	v13 =	vld [tilespmem:s25+$0x280];
	v8 =	vadd.f32 v15, v8  }
0x159: {  	v10 =	vsub.f32 $1.500000000e+00, v10;
	v15 =	vld [tilespmem:s25+$0x290];
	v7 =	vadd.f32 v9, v7  }
0x15a: {  	v6 =	vadd.f32 v16, v6;
	v9 =	vld [tilespmem:s25+$0x2A0]  }
0x15b: {  	v10 =	vmul.f32 v11, v10;
	v11 =	vld [tilespmem:s25+$0x500];
	v8 =	vadd.f32 v14, v8  }
0x15c: {  	v14 =	vld [tilespmem:s25+$0x510];
	v7 =	vadd.f32 v12, v7  }
0x15d: {  	v12 =	vmul.f32 v10, v5;
	v6 =	vadd.f32 v13, v6;
	v13 =	vld [tilespmem:s25+$0x520]  }
0x15e: {  	v16 =	vld [tilespmem:s25+$0x780];
	v8 =	vadd.f32 v15, v8  }
0x15f: {  	v12 =	vmul.f32 v12, v10;
	v15 =	vld [tilespmem:s25+$0x790];
	v7 =	vadd.f32 v9, v7  }
0x160: {  	v6 =	vadd.f32 v11, v6;
	v9 =	vld [tilespmem:s25+$0x7A0]  }
0x161: {  	v11 =	vsub.f32 $1.500000000e+00, v12;
	v12 =	vld [tilespmem:s25+$0xA00];
	v8 =	vadd.f32 v14, v8  }
0x162: {  	v14 =	vld [tilespmem:s25+$0xA10];
	v7 =	vadd.f32 v13, v7  }
0x163: {  	v10 =	vmul.f32 v11, v10;
	v6 =	vadd.f32 v16, v6;
	v11 =	vld [tilespmem:s25+$0xA20]  }
0x164: {  	v13 =	vld [tilespmem:s25+$0xC80];
	v8 =	vadd.f32 v15, v8  }
0x165: {  	v5 =	vmul.f32 v10, v5;
	v15 =	vld [tilespmem:s25+$0xC90];
	v7 =	vadd.f32 v9, v7  }
0x166: {  	v6 =	vadd.f32 v12, v6;
	v9 =	vld [tilespmem:s25+$0xCA0]  }
0x167: {  	v5 =	vmul.f32 v5, v10;
	v12 =	vld [tilespmem:s25+$0xF00];
	v8 =	vadd.f32 v14, v8  }
0x168: {  	v14 =	vld [tilespmem:s25+$0xF10];
	v11 =	vadd.f32 v11, v7  }
0x169: {  	v5 =	vsub.f32 $1.500000000e+00, v5;
	v6 =	vadd.f32 v13, v6;
	v13 =	vld [tilespmem:s25+$0xF20]  }
0x16a: {  	v16 =	vld [tilespmem:s25+$0x1180];
	v8 =	vadd.f32 v15, v8  }
0x16b: {  	v7 =	vmul.f32 v5, v10;
	v5 =	vld [tilespmem:s25+$0x1190];
	v11 =	vadd.f32 v9, v11  }
.Ltmp3:
0x16c: {  	s5 =	sadd.s32 $0x40, s5;
	v6 =	vadd.f32 v12, v6;
	v10 =	vld [tilespmem:s25+$0x11A0];
	(pc) =	sbr.rel @p1 .LBB2_8-.Ltmp3, $4  }
0x16d: {  	s22 =	sadd.s32 $0x40, s22;
	[tilespmem:s5+$0xFFFFFFE0] =	vst v7;
	v12 =	vadd.f32 v14, v8;
	v8 =	vld [tilespmem:s8+$0xFFFFFFF0]  }
0x16e: {  	v9 =	vld [tilespmem:s22+$0xFFFFFFE0];
	v11 =	vadd.f32 v13, v11  }
0x16f: {  	v13 =	vadd.f32 v16, v6;
	v6 =	vld [tilespmem:s8+$0x0]  }
0x170: {  	s4 =	sadd.s32 $0x40, s4;
	s25 =	sadd.s32 $0x40, s25;
	v12 =	vadd.f32 v5, v12;
	v5 =	vld [tilespmem:s8+$0x10];
	s8 =	smov.u32 s22  }
0x171: {  	v10 =	vadd.f32 v10, v11  }
0x172: {  	v55 =	vadd.f32 $1.000000000e+00, v13;
	v12 =	vadd.f32 $1.000000000e+00, v12  }
0x173: {  	v10 =	vadd.f32 $1.000000000e+00, v10  }
0x174: {  	v13 =	vshra.s32 v55, $0x1;
	v11 =	vmul.f32 $5.000000000e-01, v55;
	v14 =	vshra.s32 v12, $0x1  }
0x175: {  	v12 =	vmul.f32 $5.000000000e-01, v12;
	v13 =	vsub.s32 $0x5F3759DF, v13;
	v15 =	vshra.s32 v10, $0x1  }
0x176: {  	v10 =	vmul.f32 $5.000000000e-01, v10;
	v16 =	vmul.f32 v13, v11;
	v14 =	vsub.s32 $0x5F3759DF, v14  }
0x177: {  	v15 =	vsub.s32 $0x5F3759DF, v15;
	v17 =	vmul.f32 v14, v12  }
0x178: {  	v18 =	vmul.f32 v15, v10;
	v16 =	vmul.f32 v13, v16  }
0x179: {  	v17 =	vmul.f32 v14, v17  }
0x17a: {  	v18 =	vmul.f32 v15, v18;
	v16 =	vsub.f32 $1.500000000e+00, v16  }
0x17b: {  	v17 =	vsub.f32 $1.500000000e+00, v17  }
0x17c: {  	v13 =	vmul.f32 v13, v16;
	v56 =	vsub.f32 $1.500000000e+00, v18  }
0x17d: {  	v14 =	vmul.f32 v14, v17  }
0x17e: {  	v57 =	vmul.f32 v13, v11;
	v15 =	vmul.f32 v15, v56  }
0x17f: {  	v58 =	vmul.f32 v14, v12  }
0x180: {  	v17 =	vmul.f32 v57, v13;
	v59 =	vmul.f32 v15, v10  }
0x181: {  	v16 =	vmul.f32 v58, v14  }
0x182: {  	v17 =	vsub.f32 $1.500000000e+00, v17;
	v18 =	vmul.f32 v59, v15  }
0x183: {  	v16 =	vsub.f32 $1.500000000e+00, v16  }
0x184: {  	v13 =	vmul.f32 v17, v13;
	v60 =	vsub.f32 $1.500000000e+00, v18  }
0x185: {  	v14 =	vmul.f32 v16, v14  }
0x186: {  	v15 =	vmul.f32 v60, v15;
	v11 =	vmul.f32 v13, v11  }
0x187: {  	v12 =	vmul.f32 v14, v12  }
0x188: {  	v11 =	vmul.f32 v11, v13;
	v10 =	vmul.f32 v15, v10  }
0x189: {  	v12 =	vmul.f32 v12, v14  }
0x18a: {  	v11 =	vsub.f32 $1.500000000e+00, v11;
	v10 =	vmul.f32 v10, v15  }
0x18b: {  	v12 =	vsub.f32 $1.500000000e+00, v12  }
0x18c: {  	v11 =	vmul.f32 v11, v13;
	v10 =	vsub.f32 $1.500000000e+00, v10  }
0x18d: {  	v12 =	vmul.f32 v12, v14  }
0x18e: {  	[tilespmem:s5+$0xFFFFFFF0] =	vst v11;
	v10 =	vmul.f32 v10, v15  }
0x18f: {  	[tilespmem:s5+$0x0] =	vst v12;
	v61 =	vld [tilespmem:s8+$0xFFFFFFF0]  }
0x190: {  	v4 =	vmul.f32 v4, v8;
	[tilespmem:s5+$0x10] =	vst v10;
	v62 =	vld [tilespmem:s8+$0x0]  }
0x191: {  	v7 =	vmul.f32 v7, v9;
	v63 =	vld [tilespmem:s8+$0x10]  }
0x192: {  	s4 =	sadd.s32 $0x40, s23;
	[tilespmem:s6+$0xFFFFFFF0] =	vst v4;
	v3 =	vmul.f32 v3, v6  }
0x193: {  	[tilespmem:s4+$0xFFFFFFE0] =	vst v7;
	v2 =	vmul.f32 v2, v5  }
0x194: {  	[tilespmem:s6+$0x0] =	vst v3;
	v3 =	vmul.f32 v11, v61  }
0x195: {  	[tilespmem:s6+$0x10] =	vst v2;
	v2 =	vmul.f32 v12, v62  }
0x196: {  	[tilespmem:s4+$0xFFFFFFF0] =	vst v3;
	v3 =	vmul.f32 v10, v63  }
0x197: {  	[tilespmem:s4+$0x0] =	vst v2  }
0x198: {  	[tilespmem:s4+$0x10] =	vst v3  }
0x199: {  	s24 =	simm.s32 $0x11780;
	s4 =	rddreg [dreg:$0xa]  }
0x19a: {  	[spmem:s4] =	stream.linear.scatter [tilespmem:s24], [sflag:$0x1], $0x280, $0x38;
	[tilespmem:$0x14A00] =	vst v63  }
0x19b: {  	_ =	swait.ge [sflag:s30], $0x280  }
0x19c: {  	[sflag:s30] =	ssyncset.done $0x0  }
0x19d: {  	[sflag:s30] =	ssyncadd.s32 $0xFFFFFD80  }
0x19e: {  	[bflag:$0x0] =	sbarrier.arrive $0xFFFF  }
0x19f: {  	s25 =	rddreg [dreg:$0x4]  }
0x1a0: {  	[tilespmem:s3], [sflag:$0x1] =	stream.linear.gather [spmem:s25], $0x2800, $0x38;
	[tilespmem:$0x14A00] =	vst v63  }
0x1a1: {  	_ =	swait.ge [sflag:s30], $0x2800  }
0x1a2: {  	[sflag:s30] =	ssyncset.done $0x0  }
0x1a3: {  	s5 =	simm.s32 $0xC540;
	[sflag:s30] =	ssyncadd.s32 $0xFFFFD800  }
0x1a4: {  	[tilespmem:s5+$0xFFFFFFC0] =	vst v0  }
0x1a5: {  	[tilespmem:s5+$0x30] =	vst v0  }
0x1a6: {  	[tilespmem:s5+$0x20] =	vst v0  }
0x1a7: {  	[tilespmem:s5+$0x10] =	vst v0  }
0x1a8: {  	[tilespmem:s5+$0x0] =	vst v0  }
0x1a9: {  	[tilespmem:s5+$0xFFFFFFF0] =	vst v0  }
0x1aa: {  	s8 =	simm.s32 $0x0;
	[tilespmem:s5+$0xFFFFFFE0] =	vst v0  }
.LBB2_10:
0x1ab: {  	s8 =	sadd.s32 $0x80, s8;
	[tilespmem:s5+$0xFFFFFFD0] =	vst v0;
	s5 =	sadd.s32 $0x80, s5;
	s6 =	simm.s32 $0x40  }
0x1ac: {  	[tilespmem:s5+$0xFFFFFFC0] =	vst v0;
	p1 =	slt.u32 s8, $0x2780  }
0x1ad: {  	[tilespmem:s5+$0x30] =	vst v0  }
.Ltmp4:
0x1ae: {  	[tilespmem:s5+$0x20] =	vst v0;
	(pc) =	sbr.rel @p1 .LBB2_10-.Ltmp4, $4  }
0x1af: {  	[tilespmem:s5+$0x10] =	vst v0  }
0x1b0: {  	[tilespmem:s5+$0x0] =	vst v0  }
0x1b1: {  	[tilespmem:s5+$0xFFFFFFF0] =	vst v0  }
0x1b2: {  	s4 =	simm.s32 $0x4EC0;
	[tilespmem:s5+$0xFFFFFFE0] =	vst v0  }
0x1b3: {  	[tilespmem:s5+$0xFFFFFFD0] =	vst v0  }
0x1b4: {  	v2 =	vld [tilespmem:s6+$0x30]  }
0x1b5: {  	v3 =	vld [tilespmem:s6+$0xFFFFFFD0]  }
0x1b6: {  	v4 =	vld [tilespmem:s6+$0xFFFFFFE0]  }
0x1b7: {  	v5 =	vld [tilespmem:s6+$0xFFFFFFF0]  }
0x1b8: {  	v6 =	vld [tilespmem:s6+$0x0]  }
0x1b9: {  	v7 =	vld [tilespmem:s6+$0x10]  }
0x1ba: {  	v8 =	vld [tilespmem:s4+$0x30]  }
0x1bb: {  	v9 =	vld [tilespmem:s6+$0x20]  }
0x1bc: {  	v10 =	vld [tilespmem:s6+$0xFFFFFFC0]  }
0x1bd: {  	v63 =	vld [tilespmem:s4+$0xFFFFFFC0]  }
0x1be: {  	v12 =	vld [tilespmem:s4+$0xFFFFFFD0]  }
0x1bf: {  	v13 =	vld [tilespmem:s4+$0xFFFFFFE0]  }
0x1c0: {  	v14 =	vld [tilespmem:s4+$0xFFFFFFF0]  }
0x1c1: {  	v15 =	vld [tilespmem:s4+$0x0]  }
0x1c2: {  	v16 =	vld [tilespmem:s4+$0x10]  }
0x1c3: {  	v2 =	vld.idx.msk [tilespmem:v2+s3+$0x0], $0xffff  }
0x1c4: {  	v11 =	vld.idx.msk [tilespmem:v3+s3+$0x0], $0xffff  }
0x1c5: {  	v4 =	vld.idx.msk [tilespmem:v4+s3+$0x0], $0xffff  }
0x1c6: {  	v5 =	vld.idx.msk [tilespmem:v5+s3+$0x0], $0xffff  }
0x1c7: {  	v6 =	vld.idx.msk [tilespmem:v6+s3+$0x0], $0xffff  }
0x1c8: {  	v62 =	vld.idx.msk [tilespmem:v10+s3+$0x0], $0xffff  }
0x1c9: {  	v7 =	vld.idx.msk [tilespmem:v7+s3+$0x0], $0xffff  }
0x1ca: {  	v3 =	vld [tilespmem:s4+$0x20]  }
0x1cb: {  	[tilespmem:v8+s1+$0x0] =	vst.idx.add.f32.msk $0xffff, v2  }
0x1cc: {  	v2 =	vld.idx.msk [tilespmem:v9+s3+$0x0], $0xffff  }
0x1cd: {  	[tilespmem:v63+s1+$0x0] =	vst.idx.add.f32.msk $0xffff, v62  }
0x1ce: {  	[tilespmem:v12+s1+$0x0] =	vst.idx.add.f32.msk $0xffff, v11  }
0x1cf: {  	[tilespmem:v13+s1+$0x0] =	vst.idx.add.f32.msk $0xffff, v4  }
0x1d0: {  	[tilespmem:v14+s1+$0x0] =	vst.idx.add.f32.msk $0xffff, v5  }
0x1d1: {  	[tilespmem:v15+s1+$0x0] =	vst.idx.add.f32.msk $0xffff, v6  }
0x1d2: {  	s5 =	simm.s32 $0x4E00;
	s8 =	simm.s32 $0xC0;
	s6 =	simm.s32 $0x0;
	[tilespmem:v16+s1+$0x0] =	vst.idx.add.f32.msk $0xffff, v7  }
.LBB2_12:
0x1d3: {  	v4 =	vld [tilespmem:s8+$0x30];
	s6 =	sadd.s32 $0x80, s6  }
0x1d4: {  	v5 =	vld [tilespmem:s8+$0xFFFFFFD0];
	p1 =	slt.u32 s6, $0x4D80  }
0x1d5: {  	v6 =	vld [tilespmem:s8+$0xFFFFFFE0]  }
0x1d6: {  	v7 =	vld [tilespmem:s8+$0xFFFFFFF0]  }
0x1d7: {  	v8 =	vld [tilespmem:s8+$0x0]  }
0x1d8: {  	s4 =	sadd.s32 $0x80, s4;
	v9 =	vld [tilespmem:s8+$0x10]  }
0x1d9: {  	v10 =	vld [tilespmem:s4+$0x30]  }
0x1da: {  	v11 =	vld [tilespmem:s8+$0x20]  }
0x1db: {  	v4 =	vld.idx.msk [tilespmem:v4+s3+$0x0], $0xffff  }
0x1dc: {  	v12 =	vld [tilespmem:s8+$0xFFFFFFC0]  }
0x1dd: {  	v5 =	vld.idx.msk [tilespmem:v5+s3+$0x0], $0xffff  }
0x1de: {  	v6 =	vld.idx.msk [tilespmem:v6+s3+$0x0], $0xffff  }
0x1df: {  	v7 =	vld.idx.msk [tilespmem:v7+s3+$0x0], $0xffff  }
0x1e0: {  	v8 =	vld.idx.msk [tilespmem:v8+s3+$0x0], $0xffff  }
0x1e1: {  	s9 =	simm.s32 $0x4DF0;
	s22 =	simm.s32 $0x9C80;
	[tilespmem:v10+s1+$0x0] =	vst.idx.add.f32.msk $0xffff, v4  }
0x1e2: {  	v4 =	vld.idx.msk [tilespmem:v9+s3+$0x0], $0xffff  }
0x1e3: {  	v9 =	vld.idx.msk [tilespmem:v11+s3+$0x0], $0xffff  }
0x1e4: {  	v10 =	vld.idx.msk [tilespmem:v12+s3+$0x0], $0xffff  }
0x1e5: {  	v11 =	vld [tilespmem:s4+$0xFFFFFFC0]  }
0x1e6: {  	v12 =	vld [tilespmem:s4+$0xFFFFFFD0]  }
0x1e7: {  	v13 =	vld [tilespmem:s4+$0xFFFFFFE0]  }
0x1e8: {  	v14 =	vld [tilespmem:s4+$0xFFFFFFF0]  }
0x1e9: {  	v15 =	vld [tilespmem:s4+$0x0]  }
0x1ea: {  	v16 =	vld [tilespmem:s4+$0x10]  }
0x1eb: {  	v17 =	vld [tilespmem:s4+$0x20]  }
0x1ec: {  	[tilespmem:v3+s1+$0x0] =	vst.idx.add.f32.msk $0xffff, v2;
	v2 =	vmov v9  }
0x1ed: {  	[tilespmem:v11+s1+$0x0] =	vst.idx.add.f32.msk $0xffff, v10  }
.Ltmp5:
0x1ee: {  	[tilespmem:v12+s1+$0x0] =	vst.idx.add.f32.msk $0xffff, v5;
	(pc) =	sbr.rel @p1 .LBB2_12-.Ltmp5, $4  }
0x1ef: {  	[tilespmem:v13+s1+$0x0] =	vst.idx.add.f32.msk $0xffff, v6  }
0x1f0: {  	[tilespmem:v14+s1+$0x0] =	vst.idx.add.f32.msk $0xffff, v7;
	v3 =	vmov v17  }
0x1f1: {  	[tilespmem:v15+s1+$0x0] =	vst.idx.add.f32.msk $0xffff, v8  }
0x1f2: {  	s8 =	sadd.s32 $0x80, s8;
	[tilespmem:v16+s1+$0x0] =	vst.idx.add.f32.msk $0xffff, v4  }
0x1f3: {  	_ =	sdelay $0x3  }
0x1f4: {  	[tilespmem:v3+s1+$0x0] =	vst.idx.add.f32.msk $0xffff, v2  }
.LBB2_14:
0x1f5: {  	v2 =	vld [tilespmem:s5+$0x0];
	_ =	sdelay $0x4  }
0x1f6: {  	v3 =	vld [tilespmem:s22+$0x0];
	_ =	sdelay $0x1  }
0x1f7: {  	s9 =	sadd.s32 $0x10, s9  }
0x1f8: {  	p1 =	slt.u32 s9, $0x4E10;
	v2 =	vld.idx.msk [tilespmem:v2+s3+$0x0], $0xffff  }
.Ltmp6:
0x1f9: {  	_ = 	snop;
	(pc) =	sbr.rel @p1 .LBB2_14-.Ltmp6, $2  }
0x1fa: {  	_ =	sdelay $0x2  }
0x1fb: {  	s22 =	sadd.s32 $0x10, s22;
	s5 =	sadd.s32 $0x10, s5;
	[tilespmem:v3+s1+$0x0] =	vst.idx.add.f32.msk $0xffff, v2  }
0x1fc: {  	s4 =	rddreg [dreg:$0x9]  }
0x1fd: {  	[spmem:s4] =	stream.strided.scatter [tilespmem:s1], [sflag:$0x1], $0x2800, s0, s31, $0x38;
	[tilespmem:$0x14A00] =	vst v63  }
0x1fe: {  	_ =	swait.ge [sflag:s30], $0x2800  }
0x1ff: {  	[sflag:s30] =	ssyncset.done $0x0  }
0x200: {  	[sflag:s30] =	ssyncadd.s32 $0xFFFFD800  }
0x201: {  	s8 =	simm.s32 $0xED00;
	[bflag:$0x0] =	sbarrier.arrive $0xFFFF  }
0x202: {  	[tilespmem:s8], [sflag:$0x1] =	stream.strided.gather [spmem:s7], $0x280, s0, s31, $0x38;
	[tilespmem:$0x14A00] =	vst v63  }
0x203: {  	_ =	swait.ge [sflag:s30], $0x280  }
0x204: {  	[sflag:s30] =	ssyncset.done $0x0  }
0x205: {  	s9 =	simm.s32 $0xEF80;
	[sflag:s30] =	ssyncadd.s32 $0xFFFFFD80  }
0x206: {  	[tilespmem:s9], [sflag:$0x1] =	stream.strided.gather [spmem:s10], $0x280, s0, s31, $0x38;
	[tilespmem:$0x14A00] =	vst v63  }
0x207: {  	_ =	swait.ge [sflag:s30], $0x280  }
0x208: {  	[sflag:s30] =	ssyncset.done $0x0  }
0x209: {  	s22 =	simm.s32 $0xF200;
	[sflag:s30] =	ssyncadd.s32 $0xFFFFFD80  }
0x20a: {  	[tilespmem:s22], [sflag:$0x1] =	stream.strided.gather [spmem:s11], $0x280, s0, s31, $0x38;
	[tilespmem:$0x14A00] =	vst v63  }
0x20b: {  	_ =	swait.ge [sflag:s30], $0x280  }
0x20c: {  	[sflag:s30] =	ssyncset.done $0x0  }
0x20d: {  	s23 =	simm.s32 $0xF480;
	[sflag:s30] =	ssyncadd.s32 $0xFFFFFD80  }
0x20e: {  	[tilespmem:s23], [sflag:$0x1] =	stream.strided.gather [spmem:s12], $0x280, s0, s31, $0x38;
	[tilespmem:$0x14A00] =	vst v63  }
0x20f: {  	_ =	swait.ge [sflag:s30], $0x280  }
0x210: {  	[sflag:s30] =	ssyncset.done $0x0  }
0x211: {  	s24 =	simm.s32 $0xF700;
	[sflag:s30] =	ssyncadd.s32 $0xFFFFFD80  }
0x212: {  	[tilespmem:s24], [sflag:$0x1] =	stream.strided.gather [spmem:s13], $0x280, s0, s31, $0x38;
	[tilespmem:$0x14A00] =	vst v63  }
0x213: {  	_ =	swait.ge [sflag:s30], $0x280  }
0x214: {  	[sflag:s30] =	ssyncset.done $0x0  }
0x215: {  	s25 =	simm.s32 $0xF980;
	[sflag:s30] =	ssyncadd.s32 $0xFFFFFD80  }
0x216: {  	[tilespmem:s25], [sflag:$0x1] =	stream.strided.gather [spmem:s14], $0x280, s0, s31, $0x38;
	[tilespmem:$0x14A00] =	vst v63  }
0x217: {  	_ =	swait.ge [sflag:s30], $0x280  }
0x218: {  	[sflag:s30] =	ssyncset.done $0x0  }
0x219: {  	s5 =	simm.s32 $0xFC00;
	[sflag:s30] =	ssyncadd.s32 $0xFFFFFD80  }
0x21a: {  	[tilespmem:s5], [sflag:$0x1] =	stream.strided.gather [spmem:s15], $0x280, s0, s31, $0x38;
	[tilespmem:$0x14A00] =	vst v63  }
0x21b: {  	_ =	swait.ge [sflag:s30], $0x280  }
0x21c: {  	[sflag:s30] =	ssyncset.done $0x0  }
0x21d: {  	s6 =	simm.s32 $0xFE80;
	[sflag:s30] =	ssyncadd.s32 $0xFFFFFD80  }
0x21e: {  	[tilespmem:s6], [sflag:$0x1] =	stream.strided.gather [spmem:s16], $0x280, s0, s31, $0x38;
	[tilespmem:$0x14A00] =	vst v63  }
0x21f: {  	_ =	swait.ge [sflag:s30], $0x280  }
0x220: {  	[sflag:s30] =	ssyncset.done $0x0  }
0x221: {  	s8 =	simm.s32 $0x10100;
	[sflag:s30] =	ssyncadd.s32 $0xFFFFFD80  }
0x222: {  	[tilespmem:s8], [sflag:$0x1] =	stream.strided.gather [spmem:s17], $0x280, s0, s31, $0x38;
	[tilespmem:$0x14A00] =	vst v63  }
0x223: {  	_ =	swait.ge [sflag:s30], $0x280  }
0x224: {  	[sflag:s30] =	ssyncset.done $0x0  }
0x225: {  	s9 =	simm.s32 $0x10380;
	[sflag:s30] =	ssyncadd.s32 $0xFFFFFD80  }
0x226: {  	[tilespmem:s9], [sflag:$0x1] =	stream.strided.gather [spmem:s18], $0x280, s0, s31, $0x38;
	[tilespmem:$0x14A00] =	vst v63  }
0x227: {  	_ =	swait.ge [sflag:s30], $0x280  }
0x228: {  	[sflag:s30] =	ssyncset.done $0x0  }
0x229: {  	s22 =	simm.s32 $0x10600;
	[sflag:s30] =	ssyncadd.s32 $0xFFFFFD80  }
0x22a: {  	[tilespmem:s22], [sflag:$0x1] =	stream.strided.gather [spmem:s19], $0x280, s0, s31, $0x38;
	[tilespmem:$0x14A00] =	vst v63  }
0x22b: {  	_ =	swait.ge [sflag:s30], $0x280  }
0x22c: {  	[sflag:s30] =	ssyncset.done $0x0  }
0x22d: {  	s23 =	simm.s32 $0x10880;
	[sflag:s30] =	ssyncadd.s32 $0xFFFFFD80  }
0x22e: {  	[tilespmem:s23], [sflag:$0x1] =	stream.strided.gather [spmem:s20], $0x280, s0, s31, $0x38;
	[tilespmem:$0x14A00] =	vst v63  }
0x22f: {  	_ =	swait.ge [sflag:s30], $0x280  }
0x230: {  	[sflag:s30] =	ssyncset.done $0x0  }
0x231: {  	s24 =	simm.s32 $0x10B00;
	[sflag:s30] =	ssyncadd.s32 $0xFFFFFD80  }
0x232: {  	[tilespmem:s24], [sflag:$0x1] =	stream.strided.gather [spmem:s21], $0x280, s0, s31, $0x38;
	[tilespmem:$0x14A00] =	vst v63  }
0x233: {  	_ =	swait.ge [sflag:s30], $0x280  }
0x234: {  	[sflag:s30] =	ssyncset.done $0x0  }
0x235: {  	s25 =	simm.s32 $0x10D80;
	[sflag:s30] =	ssyncadd.s32 $0xFFFFFD80  }
0x236: {  	[tilespmem:s25], [sflag:$0x1] =	stream.strided.gather [spmem:s26], $0x280, s0, s31, $0x38;
	[tilespmem:$0x14A00] =	vst v63  }
0x237: {  	_ =	swait.ge [sflag:s30], $0x280  }
0x238: {  	[sflag:s30] =	ssyncset.done $0x0  }
0x239: {  	s5 =	simm.s32 $0x11000;
	[sflag:s30] =	ssyncadd.s32 $0xFFFFFD80  }
0x23a: {  	[tilespmem:s5], [sflag:$0x1] =	stream.strided.gather [spmem:s28], $0x280, s0, s31, $0x38;
	[tilespmem:$0x14A00] =	vst v63  }
0x23b: {  	_ =	swait.ge [sflag:s30], $0x280  }
0x23c: {  	[sflag:s30] =	ssyncset.done $0x0  }
0x23d: {  	s6 =	simm.s32 $0x11280;
	[sflag:s30] =	ssyncadd.s32 $0xFFFFFD80  }
0x23e: {  	[tilespmem:s6], [sflag:$0x1] =	stream.strided.gather [spmem:s29], $0x280, s0, s31, $0x38;
	[tilespmem:$0x14A00] =	vst v63  }
0x23f: {  	_ =	swait.ge [sflag:s30], $0x280  }
0x240: {  	[sflag:s30] =	ssyncset.done $0x0  }
0x241: {  	s8 =	simm.s32 $0x0;
	s6 =	simm.s32 $0x10110;
	[sflag:s30] =	ssyncadd.s32 $0xFFFFFD80  }
0x242: {  	s4 =	sand.u32 $0x3C0, s8;
	v2 =	vld [tilespmem:s6+$0xFFFFEBF0]  }
0x243: {  	v3 =	vld [tilespmem:s4+$0xEF80];
	_ =	sdelay $0x1  }
0x244: {  	v4 =	vld [tilespmem:s4+$0xF200];
	_ =	sdelay $0x1  }
0x245: {  	v5 =	vld [tilespmem:s4+$0xF480]  }
0x246: {  	v2 =	vadd.f32 v3, v2  }
0x247: {  	v3 =	vld [tilespmem:s4+$0xF700]  }
0x248: {  	v2 =	vadd.f32 v4, v2  }
0x249: {  	v4 =	vld [tilespmem:s4+$0xF980]  }
0x24a: {  	v2 =	vadd.f32 v5, v2  }
0x24b: {  	v5 =	vld [tilespmem:s4+$0xFC00]  }
0x24c: {  	v18 =	vld [tilespmem:s6+$0xFFFFEC00];
	v2 =	vadd.f32 v3, v2  }
0x24d: {  	v3 =	vld [tilespmem:s4+$0xFE80]  }
0x24e: {  	v19 =	vld [tilespmem:s6+$0xFFFFEE80];
	v2 =	vadd.f32 v4, v2  }
0x24f: {  	v4 =	vld [tilespmem:s4+$0x10100]  }
0x250: {  	v20 =	vld [tilespmem:s6+$0xFFFFEC10];
	v2 =	vadd.f32 v5, v2  }
0x251: {  	v5 =	vld [tilespmem:s4+$0x10380]  }
0x252: {  	v21 =	vld [tilespmem:s6+$0xFFFFEE90];
	v2 =	vadd.f32 v3, v2  }
0x253: {  	v3 =	vld [tilespmem:s4+$0x10600]  }
0x254: {  	v22 =	vld [tilespmem:s6+$0xFFFFEC20];
	v2 =	vadd.f32 v4, v2  }
0x255: {  	v4 =	vld [tilespmem:s4+$0x10880]  }
0x256: {  	v23 =	vld [tilespmem:s6+$0xFFFFEEA0];
	v2 =	vadd.f32 v5, v2  }
0x257: {  	v5 =	vld [tilespmem:s4+$0x10B00]  }
0x258: {  	v24 =	vld [tilespmem:s6+$0xFFFFF100];
	v2 =	vadd.f32 v3, v2  }
0x259: {  	v3 =	vld [tilespmem:s4+$0x10D80]  }
0x25a: {  	v25 =	vld [tilespmem:s6+$0xFFFFF110];
	v2 =	vadd.f32 v4, v2  }
0x25b: {  	v4 =	vld [tilespmem:s4+$0x11000]  }
0x25c: {  	v26 =	vld [tilespmem:s6+$0xFFFFF120];
	v2 =	vadd.f32 v5, v2  }
0x25d: {  	v5 =	vld [tilespmem:s4+$0x11280]  }
0x25e: {  	s5 =	simm.s32 $0x117A0;
	v27 =	vld [tilespmem:s6+$0xFFFFF380];
	v2 =	vadd.f32 v3, v2  }
0x25f: {  	v3 =	vld [tilespmem:s5+$0xFFFFFFE0]  }
0x260: {  	s9 =	simm.s32 $0x11A20;
	v28 =	vld [tilespmem:s6+$0xFFFFF390];
	v2 =	vadd.f32 v4, v2  }
0x261: {  	v4 =	vld [tilespmem:s9+$0xFFFFFFE0]  }
0x262: {  	v29 =	vld [tilespmem:s6+$0xFFFFF3A0];
	v2 =	vadd.f32 v5, v2  }
0x263: {  	v30 =	vld [tilespmem:s6+$0xFFFFF600]  }
0x264: {  	v31 =	vld [tilespmem:s6+$0xFFFFF610];
	v2 =	vadd.f32 v3, v2  }
0x265: {  	v32 =	vld [tilespmem:s6+$0xFFFFF620]  }
0x266: {  	v33 =	vld [tilespmem:s6+$0xFFFFF880];
	v8 =	vmul.f32 v2, v4  }
0x267: {  	v34 =	vld [tilespmem:s6+$0xFFFFF890]  }
0x268: {  	v35 =	vld [tilespmem:s6+$0xFFFFF8A0];
	v3 =	vadd.f32 $0.0e+00, v8  }
0x269: {  	s24 =	simm.s32 $0x11CA0;
	v36 =	vld [tilespmem:s6+$0xFFFFFB00]  }
0x26a: {  	v37 =	vld [tilespmem:s6+$0xFFFFFB10];
	[tilespmem:s24+$0xFFFFFFE0] =	vst v3  }
0x26b: {  	v2 =	vld [tilespmem:s9+$0xFFFFFFE0]  }
0x26c: {  	v38 =	vld [tilespmem:s6+$0xFFFFFB20]  }
0x26d: {  	v39 =	vld [tilespmem:s6+$0xFFFFFD80]  }
0x26e: {  	v40 =	vld [tilespmem:s6+$0xFFFFFD90]  }
0x26f: {  	v41 =	vld [tilespmem:s6+$0xFFFFFDA0]  }
0x270: {  	v42 =	vld [tilespmem:s6+$0x0];
	[tilespmem:$0x1FFB0] =	vst v2  }
0x271: {  	v43 =	vld [tilespmem:s6+$0x10]  }
0x272: {  	v44 =	vld [tilespmem:s6+$0x20]  }
0x273: {  	v45 =	vld [tilespmem:s6+$0x280]  }
0x274: {  	v46 =	vld [tilespmem:s6+$0x290]  }
0x275: {  	v47 =	vld [tilespmem:s6+$0x2A0]  }
0x276: {  	v48 =	vld [tilespmem:s6+$0x500]  }
0x277: {  	v49 =	vld [tilespmem:s6+$0x510]  }
0x278: {  	v50 =	vld [tilespmem:s6+$0x520]  }
0x279: {  	v51 =	vld [tilespmem:s6+$0x780]  }
0x27a: {  	v52 =	vld [tilespmem:s6+$0x790]  }
0x27b: {  	v53 =	vld [tilespmem:s6+$0x7A0]  }
0x27c: {  	v54 =	vld [tilespmem:s6+$0xA00]  }
0x27d: {  	v55 =	vld [tilespmem:s6+$0xA10]  }
0x27e: {  	v56 =	vld [tilespmem:s6+$0xA20]  }
0x27f: {  	v57 =	vld [tilespmem:s6+$0xC80]  }
0x280: {  	v17 =	vld [tilespmem:s6+$0xC90]  }
0x281: {  	v16 =	vld [tilespmem:s6+$0xCA0]  }
0x282: {  	v15 =	vld [tilespmem:s6+$0xF00]  }
0x283: {  	v14 =	vld [tilespmem:s6+$0xF10]  }
0x284: {  	v2 =	vld [tilespmem:s5+$0x0]  }
0x285: {  	v13 =	vld [tilespmem:s6+$0xF20]  }
0x286: {  	v12 =	vld [tilespmem:s6+$0x1180]  }
0x287: {  	v11 =	vld [tilespmem:s6+$0x1190]  }
0x288: {  	v10 =	vld [tilespmem:s6+$0x11A0]  }
0x289: {  	v9 =	vld [tilespmem:s5+$0xFFFFFFF0];
	[tilespmem:$0x1FFA0] =	vst v2  }
0x28a: {  	v2 =	vld [tilespmem:s5+$0x10];
	_ =	sdelay $0x4  }
0x28b: {  	[tilespmem:$0x1FFC0] =	vst v2  }
0x28c: {  	v2 =	vld [tilespmem:s9+$0xFFFFFFF0];
	_ =	sdelay $0x4  }
0x28d: {  	[tilespmem:$0x1FFD0] =	vst v2  }
0x28e: {  	v2 =	vld [tilespmem:s9+$0x0];
	_ =	sdelay $0x4  }
0x28f: {  	[tilespmem:$0x1FFE0] =	vst v2  }
0x290: {  	v2 =	vld [tilespmem:s9+$0x10];
	_ =	sdelay $0x4  }
0x291: {  	s22 =	simm.s32 $0x10150;
	s25 =	simm.s32 $0x40;
	[tilespmem:$0x1FFF0] =	vst v2  }
0x292: {  	s6 =	sand.u32 $0x3C0, s25;
	v58 =	vld [tilespmem:s22+$0xFFFFEBF0]  }
0x293: {  	v59 =	vld [tilespmem:s6+$0xEF80]  }
0x294: {  	v60 =	vld [tilespmem:s22+$0xFFFFEC00]  }
0x295: {  	v61 =	vld [tilespmem:s6+$0xF200]  }
0x296: {  	v62 =	vld [tilespmem:s22+$0xFFFFEE80]  }
0x297: {  	v63 =	vld [tilespmem:s6+$0xF480]  }
0x298: {  	v2 =	vld [tilespmem:s6+$0xF700]  }
0x299: {  	v18 =	vadd.f32 v19, v18;
	v3 =	vld [tilespmem:s6+$0xF980]  }
0x29a: {  	v4 =	vld [tilespmem:s6+$0xFC00]  }
0x29b: {  	v18 =	vadd.f32 v24, v18;
	v5 =	vld [tilespmem:s6+$0xFE80]  }
0x29c: {  	v20 =	vadd.f32 v21, v20;
	v7 =	vld [tilespmem:s22+$0xFFFFF100];
	v58 =	vadd.f32 v59, v58  }
0x29d: {  	v18 =	vadd.f32 v27, v18;
	v6 =	vld [tilespmem:s22+$0xFFFFF110]  }
0x29e: {  	v20 =	vadd.f32 v25, v20;
	v19 =	vld [tilespmem:s6+$0x10600];
	v58 =	vadd.f32 v61, v58  }
0x29f: {  	v21 =	vadd.f32 v23, v22;
	v18 =	vadd.f32 v30, v18;
	v22 =	vld [tilespmem:s6+$0x10880]  }
0x2a0: {  	v20 =	vadd.f32 v28, v20;
	v23 =	vld [tilespmem:s6+$0x10B00];
	v58 =	vadd.f32 v63, v58  }
0x2a1: {  	v18 =	vadd.f32 v33, v18;
	v30 =	vld [tilespmem:s6+$0x10D80]  }
0x2a2: {  	v20 =	vadd.f32 v31, v20;
	v33 =	vld [tilespmem:s6+$0x11000];
	v2 =	vadd.f32 v2, v58  }
0x2a3: {  	v18 =	vadd.f32 v36, v18;
	v36 =	vld [tilespmem:s6+$0x11280]  }
0x2a4: {  	v20 =	vadd.f32 v34, v20;
	v24 =	vld [tilespmem:s22+$0xFFFFF620];
	v2 =	vadd.f32 v3, v2  }
0x2a5: {  	v21 =	vadd.f32 v26, v21;
	v3 =	vld [tilespmem:s6+$0x10100]  }
0x2a6: {  	v20 =	vadd.f32 v37, v20;
	v25 =	vld [tilespmem:s22+$0xFFFFF880];
	v2 =	vadd.f32 v4, v2  }
0x2a7: {  	s8 =	simm.s32 $0x11A60;
	v21 =	vadd.f32 v29, v21;
	v4 =	vld [tilespmem:s6+$0x10380]  }
0x2a8: {  	v20 =	vadd.f32 v40, v20;
	v40 =	vld [tilespmem:s8+$0xFFFFFFE0];
	v2 =	vadd.f32 v5, v2  }
0x2a9: {  	v21 =	vadd.f32 v32, v21;
	v18 =	vadd.f32 v39, v18;
	v26 =	vld [tilespmem:s22+$0xFFFFF890]  }
0x2aa: {  	v29 =	vld [tilespmem:s22+$0xFFFFF8A0];
	v2 =	vadd.f32 v3, v2  }
0x2ab: {  	v21 =	vadd.f32 v35, v21;
	v18 =	vadd.f32 v42, v18;
	v27 =	vld [tilespmem:s22+$0xFFFFFB00]  }
0x2ac: {  	v31 =	vld [tilespmem:s22+$0xFFFFFD80];
	v2 =	vadd.f32 v4, v2  }
0x2ad: {  	v21 =	vadd.f32 v38, v21;
	v18 =	vadd.f32 v45, v18;
	v42 =	vld [tilespmem:s22+$0xFFFFFDA0]  }
0x2ae: {  	v20 =	vadd.f32 v43, v20;
	v43 =	vld [tilespmem:s22+$0x0];
	v2 =	vadd.f32 v19, v2  }
0x2af: {  	v21 =	vadd.f32 v41, v21;
	v18 =	vadd.f32 v48, v18;
	v48 =	vld [tilespmem:s22+$0x10]  }
0x2b0: {  	v63 =	vld [tilespmem:s22+$0xFFFFEC20];
	v2 =	vadd.f32 v22, v2  }
0x2b1: {  	v21 =	vadd.f32 v44, v21;
	v20 =	vadd.f32 v46, v20;
	v3 =	vld [tilespmem:s22+$0xFFFFF380]  }
0x2b2: {  	v44 =	vadd.f32 v62, v60;
	v58 =	vld [tilespmem:s22+$0xFFFFEEA0];
	v2 =	vadd.f32 v23, v2  }
0x2b3: {  	v21 =	vadd.f32 v47, v21;
	v20 =	vadd.f32 v49, v20;
	v22 =	vld [tilespmem:s22+$0xFFFFF600]  }
0x2b4: {  	v7 =	vadd.f32 v7, v44;
	s6 =	simm.s32 $0x117E0;
	v5 =	vld [tilespmem:s22+$0xFFFFF120];
	v2 =	vadd.f32 v30, v2  }
0x2b5: {  	v21 =	vadd.f32 v50, v21;
	v18 =	vadd.f32 v51, v18;
	v39 =	vld [tilespmem:s6+$0xFFFFFFE0]  }
0x2b6: {  	v19 =	vld [tilespmem:s22+$0xFFFFF3A0];
	v3 =	vadd.f32 v3, v7;
	v2 =	vadd.f32 v33, v2  }
0x2b7: {  	v20 =	vadd.f32 v52, v20;
	v59 =	vld [tilespmem:s22+$0xFFFFEC10];
	v47 =	vadd.f32 v58, v63  }
0x2b8: {  	v61 =	vld [tilespmem:s22+$0xFFFFEE90];
	v3 =	vadd.f32 v22, v3;
	v2 =	vadd.f32 v36, v2  }
0x2b9: {  	v21 =	vadd.f32 v53, v21;
	v49 =	vld [tilespmem:s22+$0x20];
	v5 =	vadd.f32 v5, v47  }
0x2ba: {  	v50 =	vld [tilespmem:s22+$0x280];
	v3 =	vadd.f32 v25, v3;
	v2 =	vadd.f32 v39, v2  }
0x2bb: {  	v18 =	vadd.f32 v54, v18;
	v4 =	vld [tilespmem:s22+$0xFFFFF390];
	v5 =	vadd.f32 v19, v5  }
0x2bc: {  	v20 =	vadd.f32 v55, v20;
	v3 =	vadd.f32 v27, v3;
	v28 =	vmul.f32 v2, v40;
	v2 =	vld [tilespmem:s22+$0xFFFFFB20]  }
0x2bd: {  	v51 =	vld [tilespmem:s22+$0x2A0];
	v45 =	vadd.f32 v61, v59;
	v5 =	vadd.f32 v24, v5  }
0x2be: {  	v21 =	vadd.f32 v56, v21;
	v52 =	vld [tilespmem:s22+$0x500];
	v3 =	vadd.f32 v31, v3  }
0x2bf: {  	v6 =	vadd.f32 v6, v45;
	v23 =	vld [tilespmem:s22+$0xFFFFF610];
	v5 =	vadd.f32 v29, v5  }
0x2c0: {  	v53 =	vld [tilespmem:s22+$0x510];
	v7 =	vadd.f32 v17, v20;
	v3 =	vadd.f32 v43, v3  }
0x2c1: {  	v55 =	vld [tilespmem:s22+$0x780];
	v4 =	vadd.f32 v4, v6;
	v2 =	vadd.f32 v2, v5  }
0x2c2: {  	v7 =	vadd.f32 v14, v7;
	v14 =	vld [tilespmem:s22+$0xA00];
	v3 =	vadd.f32 v50, v3  }
0x2c3: {  	v18 =	vadd.f32 v57, v18;
	v30 =	vld [tilespmem:s22+$0xFFFFFB10];
	v2 =	vadd.f32 v42, v2  }
0x2c4: {  	v54 =	vld [tilespmem:s22+$0x520];
	v4 =	vadd.f32 v23, v4;
	v3 =	vadd.f32 v52, v3  }
0x2c5: {  	v33 =	vld [tilespmem:s22+$0xFFFFFD90];
	v41 =	vadd.f32 $0.0e+00, v28;
	v2 =	vadd.f32 v49, v2  }
0x2c6: {  	s23 =	simm.s32 $0x11CE0;
	v4 =	vadd.f32 v26, v4;
	v5 =	vld [tilespmem:s22+$0x7A0];
	v3 =	vadd.f32 v55, v3  }
0x2c7: {  	v16 =	vadd.f32 v16, v21;
	v58 =	vld [tilespmem:s22+$0xA20];
	[tilespmem:s23+$0xFFFFFFE0] =	vst v41;
	v2 =	vadd.f32 v51, v2  }
0x2c8: {  	v4 =	vadd.f32 v30, v4;
	v3 =	vadd.f32 v14, v3;
	v14 =	vld [tilespmem:$0x1FFA0]  }
0x2c9: {  	v15 =	vadd.f32 v15, v18;
	v56 =	vld [tilespmem:s22+$0x790];
	v2 =	vadd.f32 v54, v2  }
0x2ca: {  	v13 =	vadd.f32 v13, v16;
	v6 =	vld [tilespmem:s22+$0x290];
	v4 =	vadd.f32 v33, v4  }
0x2cb: {  	v57 =	vld [tilespmem:s22+$0xA10];
	v7 =	vadd.f32 v11, v7;
	v2 =	vadd.f32 v5, v2  }
0x2cc: {  	v12 =	vadd.f32 v12, v15;
	v15 =	vld [tilespmem:s22+$0xC80];
	v4 =	vadd.f32 v48, v4  }
0x2cd: {  	v7 =	vadd.f32 v14, v7;
	v14 =	vadd.f32 v58, v2;
	v2 =	vld [tilespmem:$0x1FFB0]  }
0x2ce: {  	v10 =	vadd.f32 v10, v13;
	v13 =	vld [tilespmem:s22+$0xF10]  }
0x2cf: {  	v9 =	vadd.f32 v9, v12;
	v12 =	vld [tilespmem:s22+$0x1190];
	v4 =	vadd.f32 v6, v4  }
0x2d0: {  	v60 =	vld [tilespmem:s22+$0xF20]  }
0x2d1: {  	v6 =	vld [tilespmem:s22+$0xC90];
	v4 =	vadd.f32 v53, v4  }
0x2d2: {  	v8 =	vmul.f32 v8, v2;
	v2 =	vld [tilespmem:$0x1FFC0]  }
0x2d3: {  	v59 =	vld [tilespmem:s22+$0xF00];
	v4 =	vadd.f32 v56, v4  }
0x2d4: {  	v61 =	vld [tilespmem:s22+$0x11A0]  }
0x2d5: {  	v11 =	vld [tilespmem:s22+$0xCA0];
	v4 =	vadd.f32 v57, v4  }
0x2d6: {  	v15 =	vadd.f32 v15, v3;
	v3 =	vld [tilespmem:$0x1FFE0]  }
0x2d7: {  	v4 =	vadd.f32 v6, v4;
	v10 =	vadd.f32 v2, v10;
	v2 =	vld [tilespmem:$0x1FFD0]  }
0x2d8: {  	v46 =	vld [tilespmem:s8+$0xFFFFFFE0]  }
0x2d9: {  	v13 =	vadd.f32 v13, v4;
	v4 =	vld [tilespmem:$0x1FFF0]  }
0x2da: {  	v5 =	vld [tilespmem:s22+$0x1180]  }
0x2db: {  	v6 =	vld [tilespmem:s6+$0xFFFFFFF0]  }
0x2dc: {  	v3 =	vmul.f32 v7, v3;
	v7 =	vadd.f32 v59, v15;
	v15 =	vld [tilespmem:s8+$0xFFFFFFF0];
	v2 =	vmul.f32 v9, v2  }
0x2dd: {  	v9 =	vadd.f32 v11, v14;
	v11 =	vld [tilespmem:s6+$0x0]  }
0x2de: {  	v62 =	vadd.f32 $0.0e+00, v3;
	v4 =	vmul.f32 v10, v4;
	v14 =	vld [tilespmem:s6+$0x10];
	v10 =	vadd.f32 $0.0e+00, v2  }
0x2df: {  	v5 =	vadd.f32 v5, v7;
	v7 =	vld [tilespmem:s8+$0x0];
	[tilespmem:s5+$0xFFFFFFE0] =	vst v8;
	v9 =	vadd.f32 v60, v9  }
0x2e0: {  	v12 =	vadd.f32 v12, v13;
	v8 =	vld [tilespmem:s8+$0x10];
	[tilespmem:s24+$0xFFFFFFF0] =	vst v10;
	v10 =	vadd.f32 $0.0e+00, v4  }
0x2e1: {  	v13 =	vmul.f32 v28, v46;
	v63 =	vadd.f32 v6, v5;
	[tilespmem:s24+$0x0] =	vst v62;
	v9 =	vadd.f32 v61, v9;
	v6 =	vld [tilespmem:s9+$0xFFFFFFF0]  }
0x2e2: {  	s4 =	simm.s32 $0x11A60;
	v5 =	vld [tilespmem:s9+$0x0];
	v12 =	vadd.f32 v11, v12;
	[tilespmem:s24+$0x10] =	vst v10  }
0x2e3: {  	s25 =	simm.s32 $0x80;
	s22 =	simm.s32 $0x4;
	[tilespmem:s6+$0xFFFFFFE0] =	vst v13;
	v11 =	vadd.f32 v14, v9;
	v10 =	vmul.f32 v63, v15;
	s24 =	simm.s32 $0x10190;
	v9 =	vld [tilespmem:s9+$0x10]  }
.LBB2_16:
0x2e4: {  	v13 =	vld [tilespmem:s24+$0xFFFFEBF0];
	s9 =	sand.u32 $0x3C0, s25;
	s22 =	sadd.s32 $0x4, s22;
	v7 =	vmul.f32 v12, v7  }
0x2e5: {  	v12 =	vld [tilespmem:s9+$0xEF80];
	p1 =	slt.u32 s22, $0x24;
	v14 =	vadd.f32 $0.0e+00, v10;
	v8 =	vmul.f32 v11, v8  }
0x2e6: {  	v11 =	vld [tilespmem:s24+$0xFFFFEC00];
	v15 =	vadd.f32 $0.0e+00, v7;
	v6 =	vmul.f32 v2, v6;
	v2 =	vmov v10  }
0x2e7: {  	v10 =	vld [tilespmem:s9+$0xF200];
	[tilespmem:s23+$0xFFFFFFF0] =	vst v14;
	v14 =	vadd.f32 $0.0e+00, v8;
	v5 =	vmul.f32 v3, v5;
	v3 =	vmov v7  }
0x2e8: {  	v7 =	vld [tilespmem:s24+$0xFFFFEE80];
	[tilespmem:s23+$0x0] =	vst v15;
	v9 =	vmul.f32 v4, v9;
	v4 =	vmov v8  }
0x2e9: {  	v8 =	vld [tilespmem:s9+$0xF480];
	[tilespmem:s23+$0x10] =	vst v14  }
0x2ea: {  	v12 =	vadd.f32 v12, v13;
	v13 =	vld [tilespmem:s24+$0xFFFFEC10];
	[tilespmem:s5+$0xFFFFFFF0] =	vst v6  }
0x2eb: {  	v6 =	vld [tilespmem:s9+$0xF700];
	[tilespmem:s5+$0x0] =	vst v5  }
0x2ec: {  	v5 =	vadd.f32 v10, v12;
	v10 =	vld [tilespmem:s24+$0xFFFFEE90];
	[tilespmem:s5+$0x10] =	vst v9;
	s5 =	smov.u32 s6  }
0x2ed: {  	v9 =	vld [tilespmem:s9+$0xF980];
	v7 =	vadd.f32 v7, v11  }
0x2ee: {  	v5 =	vadd.f32 v8, v5;
	v8 =	vld [tilespmem:s24+$0xFFFFEC20]  }
0x2ef: {  	v11 =	vld [tilespmem:s9+$0xFC00]  }
0x2f0: {  	v5 =	vadd.f32 v6, v5;
	v6 =	vld [tilespmem:s24+$0xFFFFEEA0]  }
0x2f1: {  	v12 =	vld [tilespmem:s9+$0xFE80];
	v10 =	vadd.f32 v10, v13  }
0x2f2: {  	v5 =	vadd.f32 v9, v5;
	v9 =	vld [tilespmem:s24+$0xFFFFF100]  }
0x2f3: {  	v13 =	vld [tilespmem:s9+$0x10100]  }
0x2f4: {  	v5 =	vadd.f32 v11, v5;
	v11 =	vld [tilespmem:s24+$0xFFFFF110]  }
0x2f5: {  	v14 =	vld [tilespmem:s9+$0x10380];
	v6 =	vadd.f32 v6, v8  }
0x2f6: {  	v5 =	vadd.f32 v12, v5;
	v8 =	vld [tilespmem:s24+$0xFFFFF120]  }
0x2f7: {  	v12 =	vld [tilespmem:s9+$0x10600];
	v7 =	vadd.f32 v9, v7  }
0x2f8: {  	v5 =	vadd.f32 v13, v5;
	v9 =	vld [tilespmem:s24+$0xFFFFF380]  }
0x2f9: {  	v13 =	vld [tilespmem:s9+$0x10880];
	v10 =	vadd.f32 v11, v10  }
0x2fa: {  	v5 =	vadd.f32 v14, v5;
	v11 =	vld [tilespmem:s24+$0xFFFFF390]  }
0x2fb: {  	v14 =	vld [tilespmem:s9+$0x10B00];
	v6 =	vadd.f32 v8, v6  }
0x2fc: {  	v5 =	vadd.f32 v12, v5;
	v8 =	vld [tilespmem:s24+$0xFFFFF3A0]  }
0x2fd: {  	v12 =	vld [tilespmem:s9+$0x10D80];
	v7 =	vadd.f32 v9, v7  }
0x2fe: {  	v5 =	vadd.f32 v13, v5;
	v9 =	vld [tilespmem:s24+$0xFFFFF600]  }
0x2ff: {  	v13 =	vld [tilespmem:s9+$0x11000];
	v10 =	vadd.f32 v11, v10  }
0x300: {  	v5 =	vadd.f32 v14, v5;
	v11 =	vld [tilespmem:s24+$0xFFFFF610]  }
0x301: {  	v14 =	vld [tilespmem:s9+$0x11280];
	v6 =	vadd.f32 v8, v6  }
0x302: {  	s6 =	sadd.s32 $0x40, s6;
	v5 =	vadd.f32 v12, v5;
	v8 =	vld [tilespmem:s24+$0xFFFFF620]  }
0x303: {  	v12 =	vld [tilespmem:s6+$0xFFFFFFE0];
	v7 =	vadd.f32 v9, v7  }
0x304: {  	s8 =	sadd.s32 $0x40, s8;
	v5 =	vadd.f32 v13, v5;
	v9 =	vld [tilespmem:s24+$0xFFFFF880]  }
0x305: {  	v13 =	vld [tilespmem:s8+$0xFFFFFFE0];
	v10 =	vadd.f32 v11, v10  }
0x306: {  	v5 =	vadd.f32 v14, v5;
	v11 =	vld [tilespmem:s24+$0xFFFFF890]  }
0x307: {  	v6 =	vadd.f32 v8, v6;
	v8 =	vld [tilespmem:s24+$0xFFFFF8A0]  }
0x308: {  	v5 =	vadd.f32 v12, v5;
	v12 =	vld [tilespmem:s24+$0xFFFFFB00]  }
0x309: {  	v7 =	vadd.f32 v9, v7;
	v9 =	vld [tilespmem:s24+$0xFFFFFB10]  }
0x30a: {  	v5 =	vmul.f32 v5, v13;
	v13 =	vld [tilespmem:s24+$0xFFFFFB20]  }
0x30b: {  	v14 =	vld [tilespmem:s24+$0xFFFFFD80];
	v10 =	vadd.f32 v11, v10  }
0x30c: {  	v11 =	vadd.f32 $0.0e+00, v5;
	v15 =	vld [tilespmem:s24+$0xFFFFFD90];
	v6 =	vadd.f32 v8, v6  }
0x30d: {  	s23 =	sadd.s32 $0x40, s23;
	v7 =	vadd.f32 v12, v7;
	v8 =	vld [tilespmem:s24+$0xFFFFFDA0]  }
0x30e: {  	[tilespmem:s23+$0xFFFFFFE0] =	vst v11;
	v11 =	vld [tilespmem:s24+$0x0];
	v9 =	vadd.f32 v9, v10  }
0x30f: {  	v10 =	vld [tilespmem:s8+$0xFFFFFFE0];
	v6 =	vadd.f32 v13, v6  }
0x310: {  	v7 =	vadd.f32 v14, v7;
	v12 =	vld [tilespmem:s24+$0x10]  }
0x311: {  	v9 =	vadd.f32 v15, v9;
	v13 =	vld [tilespmem:s24+$0x20]  }
0x312: {  	v14 =	vld [tilespmem:s24+$0x280];
	v6 =	vadd.f32 v8, v6  }
0x313: {  	v7 =	vadd.f32 v11, v7;
	v8 =	vld [tilespmem:s24+$0x290]  }
0x314: {  	v5 =	vmul.f32 v5, v10;
	v10 =	vld [tilespmem:s24+$0x2A0]  }
0x315: {  	v11 =	vld [tilespmem:s24+$0x500];
	v9 =	vadd.f32 v12, v9  }
0x316: {  	[tilespmem:s6+$0xFFFFFFE0] =	vst v5;
	v5 =	vld [tilespmem:s24+$0x510];
	v6 =	vadd.f32 v13, v6  }
0x317: {  	v7 =	vadd.f32 v14, v7;
	v12 =	vld [tilespmem:s24+$0x520]  }
0x318: {  	v13 =	vld [tilespmem:s24+$0x780];
	v8 =	vadd.f32 v8, v9  }
0x319: {  	v9 =	vld [tilespmem:s24+$0x790];
	v6 =	vadd.f32 v10, v6  }
0x31a: {  	v7 =	vadd.f32 v11, v7;
	v10 =	vld [tilespmem:s24+$0x7A0]  }
0x31b: {  	v11 =	vld [tilespmem:s24+$0xA00];
	v5 =	vadd.f32 v5, v8  }
0x31c: {  	v8 =	vld [tilespmem:s24+$0xA10];
	v6 =	vadd.f32 v12, v6  }
0x31d: {  	v7 =	vadd.f32 v13, v7;
	v12 =	vld [tilespmem:s24+$0xA20]  }
0x31e: {  	v13 =	vld [tilespmem:s24+$0xC80];
	v5 =	vadd.f32 v9, v5  }
0x31f: {  	v9 =	vld [tilespmem:s24+$0xC90];
	v6 =	vadd.f32 v10, v6  }
0x320: {  	v7 =	vadd.f32 v11, v7;
	v10 =	vld [tilespmem:s24+$0xCA0]  }
0x321: {  	v11 =	vld [tilespmem:s24+$0xF00];
	v5 =	vadd.f32 v8, v5  }
0x322: {  	v8 =	vld [tilespmem:s24+$0xF10];
	v6 =	vadd.f32 v12, v6  }
0x323: {  	v7 =	vadd.f32 v13, v7;
	v12 =	vld [tilespmem:s24+$0xF20]  }
0x324: {  	v13 =	vld [tilespmem:s24+$0x1180];
	v5 =	vadd.f32 v9, v5  }
0x325: {  	v9 =	vld [tilespmem:s24+$0x1190];
	v6 =	vadd.f32 v10, v6  }
0x326: {  	v7 =	vadd.f32 v11, v7;
	v10 =	vld [tilespmem:s24+$0x11A0]  }
0x327: {  	v11 =	vld [tilespmem:s6+$0xFFFFFFF0];
	v5 =	vadd.f32 v8, v5  }
0x328: {  	v14 =	vld [tilespmem:s6+$0x0];
	v6 =	vadd.f32 v12, v6  }
0x329: {  	v8 =	vadd.f32 v13, v7;
	v13 =	vld [tilespmem:s6+$0x10]  }
0x32a: {  	v15 =	vld [tilespmem:s8+$0xFFFFFFF0];
	v5 =	vadd.f32 v9, v5  }
.Ltmp7:
0x32b: {  	v7 =	vld [tilespmem:s8+$0x0];
	v9 =	vadd.f32 v10, v6;
	(pc) =	sbr.rel @p1 .LBB2_16-.Ltmp7, $4  }
0x32c: {  	v10 =	vadd.f32 v11, v8;
	v8 =	vld [tilespmem:s8+$0x10]  }
0x32d: {  	v12 =	vadd.f32 v14, v5;
	v6 =	vld [tilespmem:s4+$0xFFFFFFF0]  }
0x32e: {  	v11 =	vadd.f32 v13, v9;
	v5 =	vld [tilespmem:s4+$0x0]  }
0x32f: {  	s25 =	sadd.s32 $0x40, s25;
	s24 =	sadd.s32 $0x40, s24;
	v10 =	vmul.f32 v10, v15;
	v9 =	vld [tilespmem:s4+$0x10];
	s4 =	smov.u32 s8  }
0x330: {  	v7 =	vmul.f32 v12, v7  }
0x331: {  	v57 =	vadd.f32 $0.0e+00, v10;
	v8 =	vmul.f32 v11, v8  }
0x332: {  	v58 =	vadd.f32 $0.0e+00, v7  }
0x333: {  	[tilespmem:s23+$0xFFFFFFF0] =	vst v57;
	v59 =	vadd.f32 $0.0e+00, v8  }
0x334: {  	[tilespmem:s23+$0x0] =	vst v58;
	v60 =	vld [tilespmem:s4+$0xFFFFFFF0]  }
0x335: {  	[tilespmem:s23+$0x10] =	vst v59;
	v61 =	vld [tilespmem:s4+$0x0]  }
0x336: {  	v2 =	vmul.f32 v2, v6;
	v62 =	vld [tilespmem:s4+$0x10]  }
0x337: {  	v3 =	vmul.f32 v3, v5  }
0x338: {  	v4 =	vmul.f32 v4, v9;
	[tilespmem:s5+$0xFFFFFFF0] =	vst v2  }
0x339: {  	[tilespmem:s5+$0x0] =	vst v3;
	v2 =	vmul.f32 v10, v60  }
0x33a: {  	[tilespmem:s5+$0x10] =	vst v4;
	v3 =	vmul.f32 v7, v61  }
0x33b: {  	v63 =	vmul.f32 v8, v62;
	[tilespmem:s6+$0xFFFFFFF0] =	vst v2  }
0x33c: {  	[tilespmem:s6+$0x0] =	vst v3  }
0x33d: {  	[tilespmem:s6+$0x10] =	vst v63  }
0x33e: {  	s24 =	simm.s32 $0x11780;
	s23 =	rddreg [dreg:$0xa]  }
0x33f: {  	[spmem:s23] =	stream.linear.scatter [tilespmem:s24], [sflag:$0x1], $0x280, $0x38;
	[tilespmem:$0x14A00] =	vst v63  }
0x340: {  	_ =	swait.ge [sflag:s30], $0x280  }
0x341: {  	[sflag:s30] =	ssyncset.done $0x0  }
0x342: {  	[sflag:s30] =	ssyncadd.s32 $0xFFFFFD80  }
0x343: {  	[bflag:$0x0] =	sbarrier.arrive $0xFFFF  }
0x344: {  	s25 =	rddreg [dreg:$0x4]  }
0x345: {  	[tilespmem:s3], [sflag:$0x1] =	stream.linear.gather [spmem:s25], $0x2800, $0x38;
	[tilespmem:$0x14A00] =	vst v63  }
0x346: {  	_ =	swait.ge [sflag:s30], $0x2800  }
0x347: {  	[sflag:s30] =	ssyncset.done $0x0  }
0x348: {  	s5 =	simm.s32 $0xC540;
	[sflag:s30] =	ssyncadd.s32 $0xFFFFD800  }
0x349: {  	[tilespmem:s5+$0xFFFFFFC0] =	vst v0  }
0x34a: {  	[tilespmem:s5+$0x30] =	vst v0  }
0x34b: {  	[tilespmem:s5+$0x20] =	vst v0  }
0x34c: {  	[tilespmem:s5+$0x10] =	vst v0  }
0x34d: {  	[tilespmem:s5+$0x0] =	vst v0  }
0x34e: {  	[tilespmem:s5+$0xFFFFFFF0] =	vst v0  }
0x34f: {  	s6 =	simm.s32 $0x0;
	[tilespmem:s5+$0xFFFFFFE0] =	vst v0  }
.LBB2_18:
0x350: {  	s6 =	sadd.s32 $0x80, s6;
	[tilespmem:s5+$0xFFFFFFD0] =	vst v0;
	s5 =	sadd.s32 $0x80, s5  }
0x351: {  	[tilespmem:s5+$0xFFFFFFC0] =	vst v0;
	p1 =	slt.u32 s6, $0x2780  }
0x352: {  	[tilespmem:s5+$0x30] =	vst v0  }
.Ltmp8:
0x353: {  	[tilespmem:s5+$0x20] =	vst v0;
	(pc) =	sbr.rel @p1 .LBB2_18-.Ltmp8, $4  }
0x354: {  	[tilespmem:s5+$0x10] =	vst v0  }
0x355: {  	[tilespmem:s5+$0x0] =	vst v0  }
0x356: {  	[tilespmem:s5+$0xFFFFFFF0] =	vst v0  }
0x357: {  	s4 =	simm.s32 $0x4EC0;
	[tilespmem:s5+$0xFFFFFFE0] =	vst v0  }
0x358: {  	[tilespmem:s5+$0xFFFFFFD0] =	vst v0;
	s25 =	simm.s32 $0x40  }
0x359: {  	v2 =	vld [tilespmem:s25+$0x30]  }
0x35a: {  	v3 =	vld [tilespmem:s25+$0xFFFFFFD0]  }
0x35b: {  	v4 =	vld [tilespmem:s25+$0xFFFFFFE0]  }
0x35c: {  	v5 =	vld [tilespmem:s25+$0xFFFFFFF0]  }
0x35d: {  	v6 =	vld [tilespmem:s25+$0x0]  }
0x35e: {  	v7 =	vld [tilespmem:s25+$0x10]  }
0x35f: {  	v8 =	vld [tilespmem:s4+$0x30]  }
0x360: {  	v9 =	vld [tilespmem:s25+$0x20]  }
0x361: {  	v10 =	vld [tilespmem:s25+$0xFFFFFFC0]  }
0x362: {  	v63 =	vld [tilespmem:s4+$0xFFFFFFC0]  }
0x363: {  	v12 =	vld [tilespmem:s4+$0xFFFFFFD0]  }
0x364: {  	v13 =	vld [tilespmem:s4+$0xFFFFFFE0]  }
0x365: {  	v14 =	vld [tilespmem:s4+$0xFFFFFFF0]  }
0x366: {  	v15 =	vld [tilespmem:s4+$0x0]  }
0x367: {  	v16 =	vld [tilespmem:s4+$0x10]  }
0x368: {  	v2 =	vld.idx.msk [tilespmem:v2+s3+$0x0], $0xffff  }
0x369: {  	v11 =	vld.idx.msk [tilespmem:v3+s3+$0x0], $0xffff  }
0x36a: {  	v4 =	vld.idx.msk [tilespmem:v4+s3+$0x0], $0xffff  }
0x36b: {  	v5 =	vld.idx.msk [tilespmem:v5+s3+$0x0], $0xffff  }
0x36c: {  	v6 =	vld.idx.msk [tilespmem:v6+s3+$0x0], $0xffff  }
0x36d: {  	v62 =	vld.idx.msk [tilespmem:v10+s3+$0x0], $0xffff  }
0x36e: {  	v7 =	vld.idx.msk [tilespmem:v7+s3+$0x0], $0xffff  }
0x36f: {  	v3 =	vld [tilespmem:s4+$0x20]  }
0x370: {  	[tilespmem:v8+s1+$0x0] =	vst.idx.add.f32.msk $0xffff, v2  }
0x371: {  	v2 =	vld.idx.msk [tilespmem:v9+s3+$0x0], $0xffff  }
0x372: {  	[tilespmem:v63+s1+$0x0] =	vst.idx.add.f32.msk $0xffff, v62  }
0x373: {  	[tilespmem:v12+s1+$0x0] =	vst.idx.add.f32.msk $0xffff, v11  }
0x374: {  	[tilespmem:v13+s1+$0x0] =	vst.idx.add.f32.msk $0xffff, v4  }
0x375: {  	[tilespmem:v14+s1+$0x0] =	vst.idx.add.f32.msk $0xffff, v5  }
0x376: {  	[tilespmem:v15+s1+$0x0] =	vst.idx.add.f32.msk $0xffff, v6  }
0x377: {  	s5 =	simm.s32 $0x0;
	s6 =	simm.s32 $0xC0;
	[tilespmem:v16+s1+$0x0] =	vst.idx.add.f32.msk $0xffff, v7  }
.LBB2_20:
0x378: {  	v4 =	vld [tilespmem:s6+$0x30];
	s5 =	sadd.s32 $0x80, s5  }
0x379: {  	v5 =	vld [tilespmem:s6+$0xFFFFFFD0];
	p1 =	slt.u32 s5, $0x4D80  }
0x37a: {  	v6 =	vld [tilespmem:s6+$0xFFFFFFE0]  }
0x37b: {  	v7 =	vld [tilespmem:s6+$0xFFFFFFF0]  }
0x37c: {  	v8 =	vld [tilespmem:s6+$0x0]  }
0x37d: {  	s4 =	sadd.s32 $0x80, s4;
	v9 =	vld [tilespmem:s6+$0x10]  }
0x37e: {  	v10 =	vld [tilespmem:s4+$0x30]  }
0x37f: {  	v11 =	vld [tilespmem:s6+$0x20]  }
0x380: {  	v4 =	vld.idx.msk [tilespmem:v4+s3+$0x0], $0xffff  }
0x381: {  	v12 =	vld [tilespmem:s6+$0xFFFFFFC0]  }
0x382: {  	v5 =	vld.idx.msk [tilespmem:v5+s3+$0x0], $0xffff  }
0x383: {  	v6 =	vld.idx.msk [tilespmem:v6+s3+$0x0], $0xffff  }
0x384: {  	v7 =	vld.idx.msk [tilespmem:v7+s3+$0x0], $0xffff  }
0x385: {  	v8 =	vld.idx.msk [tilespmem:v8+s3+$0x0], $0xffff  }
0x386: {  	s8 =	simm.s32 $0x4DF0;
	s9 =	simm.s32 $0x9C80;
	s22 =	simm.s32 $0x4E00;
	[tilespmem:v10+s1+$0x0] =	vst.idx.add.f32.msk $0xffff, v4  }
0x387: {  	v4 =	vld.idx.msk [tilespmem:v9+s3+$0x0], $0xffff  }
0x388: {  	v9 =	vld.idx.msk [tilespmem:v11+s3+$0x0], $0xffff  }
0x389: {  	v10 =	vld.idx.msk [tilespmem:v12+s3+$0x0], $0xffff  }
0x38a: {  	v11 =	vld [tilespmem:s4+$0xFFFFFFC0]  }
0x38b: {  	v12 =	vld [tilespmem:s4+$0xFFFFFFD0]  }
0x38c: {  	v13 =	vld [tilespmem:s4+$0xFFFFFFE0]  }
0x38d: {  	v14 =	vld [tilespmem:s4+$0xFFFFFFF0]  }
0x38e: {  	v15 =	vld [tilespmem:s4+$0x0]  }
0x38f: {  	v16 =	vld [tilespmem:s4+$0x10]  }
0x390: {  	v17 =	vld [tilespmem:s4+$0x20]  }
0x391: {  	[tilespmem:v3+s1+$0x0] =	vst.idx.add.f32.msk $0xffff, v2;
	v2 =	vmov v9  }
0x392: {  	[tilespmem:v11+s1+$0x0] =	vst.idx.add.f32.msk $0xffff, v10  }
.Ltmp9:
0x393: {  	[tilespmem:v12+s1+$0x0] =	vst.idx.add.f32.msk $0xffff, v5;
	(pc) =	sbr.rel @p1 .LBB2_20-.Ltmp9, $4  }
0x394: {  	[tilespmem:v13+s1+$0x0] =	vst.idx.add.f32.msk $0xffff, v6  }
0x395: {  	[tilespmem:v14+s1+$0x0] =	vst.idx.add.f32.msk $0xffff, v7;
	v3 =	vmov v17  }
0x396: {  	[tilespmem:v15+s1+$0x0] =	vst.idx.add.f32.msk $0xffff, v8  }
0x397: {  	s6 =	sadd.s32 $0x80, s6;
	[tilespmem:v16+s1+$0x0] =	vst.idx.add.f32.msk $0xffff, v4  }
0x398: {  	_ =	sdelay $0x3  }
0x399: {  	[tilespmem:v3+s1+$0x0] =	vst.idx.add.f32.msk $0xffff, v2  }
.LBB2_22:
0x39a: {  	v2 =	vld [tilespmem:s22+$0x0];
	_ =	sdelay $0x4  }
0x39b: {  	v3 =	vld [tilespmem:s9+$0x0];
	_ =	sdelay $0x1  }
0x39c: {  	s8 =	sadd.s32 $0x10, s8  }
0x39d: {  	p1 =	slt.u32 s8, $0x4E10;
	v2 =	vld.idx.msk [tilespmem:v2+s3+$0x0], $0xffff  }
.Ltmp10:
0x39e: {  	_ = 	snop;
	(pc) =	sbr.rel @p1 .LBB2_22-.Ltmp10, $2  }
0x39f: {  	_ =	sdelay $0x2  }
0x3a0: {  	s9 =	sadd.s32 $0x10, s9;
	s22 =	sadd.s32 $0x10, s22;
	[tilespmem:v3+s1+$0x0] =	vst.idx.add.f32.msk $0xffff, v2  }
0x3a1: {  	s4 =	rddreg [dreg:$0x9]  }
0x3a2: {  	[spmem:s4] =	stream.strided.scatter [tilespmem:s1], [sflag:$0x1], $0x2800, s0, s31, $0x38;
	[tilespmem:$0x14A00] =	vst v63  }
0x3a3: {  	_ =	swait.ge [sflag:s30], $0x2800  }
0x3a4: {  	[sflag:s30] =	ssyncset.done $0x0  }
0x3a5: {  	[sflag:s30] =	ssyncadd.s32 $0xFFFFD800  }
0x3a6: {  	s6 =	simm.s32 $0xED00;
	[bflag:$0x0] =	sbarrier.arrive $0xFFFF  }
0x3a7: {  	[tilespmem:s6], [sflag:$0x1] =	stream.strided.gather [spmem:s7], $0x280, s0, s31, $0x38;
	[tilespmem:$0x14A00] =	vst v63  }
0x3a8: {  	_ =	swait.ge [sflag:s30], $0x280  }
0x3a9: {  	[sflag:s30] =	ssyncset.done $0x0  }
0x3aa: {  	s8 =	simm.s32 $0xEF80;
	[sflag:s30] =	ssyncadd.s32 $0xFFFFFD80  }
0x3ab: {  	[tilespmem:s8], [sflag:$0x1] =	stream.strided.gather [spmem:s10], $0x280, s0, s31, $0x38;
	[tilespmem:$0x14A00] =	vst v63  }
0x3ac: {  	_ =	swait.ge [sflag:s30], $0x280  }
0x3ad: {  	[sflag:s30] =	ssyncset.done $0x0  }
0x3ae: {  	s9 =	simm.s32 $0xF200;
	[sflag:s30] =	ssyncadd.s32 $0xFFFFFD80  }
0x3af: {  	[tilespmem:s9], [sflag:$0x1] =	stream.strided.gather [spmem:s11], $0x280, s0, s31, $0x38;
	[tilespmem:$0x14A00] =	vst v63  }
0x3b0: {  	_ =	swait.ge [sflag:s30], $0x280  }
0x3b1: {  	[sflag:s30] =	ssyncset.done $0x0  }
0x3b2: {  	s22 =	simm.s32 $0xF480;
	[sflag:s30] =	ssyncadd.s32 $0xFFFFFD80  }
0x3b3: {  	[tilespmem:s22], [sflag:$0x1] =	stream.strided.gather [spmem:s12], $0x280, s0, s31, $0x38;
	[tilespmem:$0x14A00] =	vst v63  }
0x3b4: {  	_ =	swait.ge [sflag:s30], $0x280  }
0x3b5: {  	[sflag:s30] =	ssyncset.done $0x0  }
0x3b6: {  	s23 =	simm.s32 $0xF700;
	[sflag:s30] =	ssyncadd.s32 $0xFFFFFD80  }
0x3b7: {  	[tilespmem:s23], [sflag:$0x1] =	stream.strided.gather [spmem:s13], $0x280, s0, s31, $0x38;
	[tilespmem:$0x14A00] =	vst v63  }
0x3b8: {  	_ =	swait.ge [sflag:s30], $0x280  }
0x3b9: {  	[sflag:s30] =	ssyncset.done $0x0  }
0x3ba: {  	s24 =	simm.s32 $0xF980;
	[sflag:s30] =	ssyncadd.s32 $0xFFFFFD80  }
0x3bb: {  	[tilespmem:s24], [sflag:$0x1] =	stream.strided.gather [spmem:s14], $0x280, s0, s31, $0x38;
	[tilespmem:$0x14A00] =	vst v63  }
0x3bc: {  	_ =	swait.ge [sflag:s30], $0x280  }
0x3bd: {  	[sflag:s30] =	ssyncset.done $0x0  }
0x3be: {  	s25 =	simm.s32 $0xFC00;
	[sflag:s30] =	ssyncadd.s32 $0xFFFFFD80  }
0x3bf: {  	[tilespmem:s25], [sflag:$0x1] =	stream.strided.gather [spmem:s15], $0x280, s0, s31, $0x38;
	[tilespmem:$0x14A00] =	vst v63  }
0x3c0: {  	_ =	swait.ge [sflag:s30], $0x280  }
0x3c1: {  	[sflag:s30] =	ssyncset.done $0x0  }
0x3c2: {  	s5 =	simm.s32 $0xFE80;
	[sflag:s30] =	ssyncadd.s32 $0xFFFFFD80  }
0x3c3: {  	[tilespmem:s5], [sflag:$0x1] =	stream.strided.gather [spmem:s16], $0x280, s0, s31, $0x38;
	[tilespmem:$0x14A00] =	vst v63  }
0x3c4: {  	_ =	swait.ge [sflag:s30], $0x280  }
0x3c5: {  	[sflag:s30] =	ssyncset.done $0x0  }
0x3c6: {  	s6 =	simm.s32 $0x10100;
	[sflag:s30] =	ssyncadd.s32 $0xFFFFFD80  }
0x3c7: {  	[tilespmem:s6], [sflag:$0x1] =	stream.strided.gather [spmem:s17], $0x280, s0, s31, $0x38;
	[tilespmem:$0x14A00] =	vst v63  }
0x3c8: {  	_ =	swait.ge [sflag:s30], $0x280  }
0x3c9: {  	[sflag:s30] =	ssyncset.done $0x0  }
0x3ca: {  	s8 =	simm.s32 $0x10380;
	[sflag:s30] =	ssyncadd.s32 $0xFFFFFD80  }
0x3cb: {  	[tilespmem:s8], [sflag:$0x1] =	stream.strided.gather [spmem:s18], $0x280, s0, s31, $0x38;
	[tilespmem:$0x14A00] =	vst v63  }
0x3cc: {  	_ =	swait.ge [sflag:s30], $0x280  }
0x3cd: {  	[sflag:s30] =	ssyncset.done $0x0  }
0x3ce: {  	s9 =	simm.s32 $0x10600;
	[sflag:s30] =	ssyncadd.s32 $0xFFFFFD80  }
0x3cf: {  	[tilespmem:s9], [sflag:$0x1] =	stream.strided.gather [spmem:s19], $0x280, s0, s31, $0x38;
	[tilespmem:$0x14A00] =	vst v63  }
0x3d0: {  	_ =	swait.ge [sflag:s30], $0x280  }
0x3d1: {  	[sflag:s30] =	ssyncset.done $0x0  }
0x3d2: {  	s22 =	simm.s32 $0x10880;
	[sflag:s30] =	ssyncadd.s32 $0xFFFFFD80  }
0x3d3: {  	[tilespmem:s22], [sflag:$0x1] =	stream.strided.gather [spmem:s20], $0x280, s0, s31, $0x38;
	[tilespmem:$0x14A00] =	vst v63  }
0x3d4: {  	_ =	swait.ge [sflag:s30], $0x280  }
0x3d5: {  	[sflag:s30] =	ssyncset.done $0x0  }
0x3d6: {  	s23 =	simm.s32 $0x10B00;
	[sflag:s30] =	ssyncadd.s32 $0xFFFFFD80  }
0x3d7: {  	[tilespmem:s23], [sflag:$0x1] =	stream.strided.gather [spmem:s21], $0x280, s0, s31, $0x38;
	[tilespmem:$0x14A00] =	vst v63  }
0x3d8: {  	_ =	swait.ge [sflag:s30], $0x280  }
0x3d9: {  	[sflag:s30] =	ssyncset.done $0x0  }
0x3da: {  	s24 =	simm.s32 $0x10D80;
	[sflag:s30] =	ssyncadd.s32 $0xFFFFFD80  }
0x3db: {  	[tilespmem:s24], [sflag:$0x1] =	stream.strided.gather [spmem:s26], $0x280, s0, s31, $0x38;
	[tilespmem:$0x14A00] =	vst v63  }
0x3dc: {  	_ =	swait.ge [sflag:s30], $0x280  }
0x3dd: {  	[sflag:s30] =	ssyncset.done $0x0  }
0x3de: {  	s25 =	simm.s32 $0x11000;
	[sflag:s30] =	ssyncadd.s32 $0xFFFFFD80  }
0x3df: {  	[tilespmem:s25], [sflag:$0x1] =	stream.strided.gather [spmem:s28], $0x280, s0, s31, $0x38;
	[tilespmem:$0x14A00] =	vst v63  }
0x3e0: {  	_ =	swait.ge [sflag:s30], $0x280  }
0x3e1: {  	[sflag:s30] =	ssyncset.done $0x0  }
0x3e2: {  	s5 =	simm.s32 $0x11280;
	[sflag:s30] =	ssyncadd.s32 $0xFFFFFD80  }
0x3e3: {  	[tilespmem:s5], [sflag:$0x1] =	stream.strided.gather [spmem:s29], $0x280, s0, s31, $0x38;
	[tilespmem:$0x14A00] =	vst v63  }
0x3e4: {  	_ =	swait.ge [sflag:s30], $0x280  }
0x3e5: {  	[sflag:s30] =	ssyncset.done $0x0  }
0x3e6: {  	s6 =	simm.s32 $0x11F00;
	s8 =	simm.s32 $0x0;
	[sflag:s30] =	ssyncadd.s32 $0xFFFFFD80  }
0x3e7: {  	s4 =	sand.u32 $0x3C0, s8;
	v2 =	vld.msk [tilespmem:s6+$0x0], $0xffff  }
0x3e8: {  	s6 =	simm.s32 $0x10110;
	v4 =	vld [tilespmem:s4+$0xEF80]  }
0x3e9: {  	v3 =	vld [tilespmem:s6+$0xFFFFEBF0];
	_ =	sdelay $0x1  }
0x3ea: {  	v5 =	vld [tilespmem:s4+$0xF200];
	_ =	sdelay $0x1  }
0x3eb: {  	v6 =	vld [tilespmem:s4+$0xF480]  }
0x3ec: {  	v3 =	vadd.f32 v4, v3  }
0x3ed: {  	v4 =	vld [tilespmem:s4+$0xF700]  }
0x3ee: {  	v3 =	vadd.f32 v5, v3  }
0x3ef: {  	v5 =	vld [tilespmem:s4+$0xF980]  }
0x3f0: {  	v3 =	vadd.f32 v6, v3  }
0x3f1: {  	v6 =	vld [tilespmem:s4+$0xFC00]  }
0x3f2: {  	v19 =	vld [tilespmem:s6+$0xFFFFEC00];
	v3 =	vadd.f32 v4, v3  }
0x3f3: {  	v4 =	vld [tilespmem:s4+$0xFE80]  }
0x3f4: {  	v20 =	vld [tilespmem:s6+$0xFFFFEE80];
	v3 =	vadd.f32 v5, v3  }
0x3f5: {  	v5 =	vld [tilespmem:s4+$0x10100]  }
0x3f6: {  	v21 =	vld [tilespmem:s6+$0xFFFFEC10];
	v3 =	vadd.f32 v6, v3  }
0x3f7: {  	v6 =	vld [tilespmem:s4+$0x10380]  }
0x3f8: {  	v22 =	vld [tilespmem:s6+$0xFFFFEE90];
	v3 =	vadd.f32 v4, v3  }
0x3f9: {  	v4 =	vld [tilespmem:s4+$0x10600]  }
0x3fa: {  	v23 =	vld [tilespmem:s6+$0xFFFFEC20];
	v3 =	vadd.f32 v5, v3  }
0x3fb: {  	v5 =	vld [tilespmem:s4+$0x10880]  }
0x3fc: {  	v24 =	vld [tilespmem:s6+$0xFFFFEEA0];
	v3 =	vadd.f32 v6, v3  }
0x3fd: {  	v6 =	vld [tilespmem:s4+$0x10B00]  }
0x3fe: {  	v25 =	vld [tilespmem:s6+$0xFFFFF100];
	v3 =	vadd.f32 v4, v3  }
0x3ff: {  	v4 =	vld [tilespmem:s4+$0x10D80]  }
0x400: {  	v26 =	vld [tilespmem:s6+$0xFFFFF110];
	v3 =	vadd.f32 v5, v3  }
0x401: {  	v5 =	vld [tilespmem:s4+$0x11000]  }
0x402: {  	v27 =	vld [tilespmem:s6+$0xFFFFF120];
	v3 =	vadd.f32 v6, v3  }
0x403: {  	v6 =	vld [tilespmem:s4+$0x11280]  }
0x404: {  	s5 =	simm.s32 $0x117A0;
	v28 =	vld [tilespmem:s6+$0xFFFFF380];
	v3 =	vadd.f32 v4, v3  }
0x405: {  	v4 =	vld [tilespmem:s5+$0xFFFFFFE0]  }
0x406: {  	s9 =	simm.s32 $0x11A20;
	v29 =	vld [tilespmem:s6+$0xFFFFF390];
	v3 =	vadd.f32 v5, v3  }
0x407: {  	v5 =	vld [tilespmem:s9+$0xFFFFFFE0]  }
0x408: {  	v30 =	vld [tilespmem:s6+$0xFFFFF3A0];
	v3 =	vadd.f32 v6, v3  }
0x409: {  	v31 =	vld [tilespmem:s6+$0xFFFFF600]  }
0x40a: {  	v32 =	vld [tilespmem:s6+$0xFFFFF610];
	v3 =	vadd.f32 v4, v3  }
0x40b: {  	v33 =	vld [tilespmem:s6+$0xFFFFF620]  }
0x40c: {  	v34 =	vld [tilespmem:s6+$0xFFFFF880];
	v10 =	vmul.f32 v3, v5  }
0x40d: {  	v35 =	vld [tilespmem:s6+$0xFFFFF890]  }
0x40e: {  	v36 =	vld [tilespmem:s6+$0xFFFFF8A0];
	v4 =	vadd.f32 v10, v2  }
0x40f: {  	s24 =	simm.s32 $0x11CA0;
	v37 =	vld [tilespmem:s6+$0xFFFFFB00]  }
0x410: {  	v38 =	vld [tilespmem:s6+$0xFFFFFB10];
	[tilespmem:s24+$0xFFFFFFE0] =	vst v4  }
0x411: {  	v3 =	vld [tilespmem:s9+$0xFFFFFFE0]  }
0x412: {  	v39 =	vld [tilespmem:s6+$0xFFFFFB20]  }
0x413: {  	v40 =	vld [tilespmem:s6+$0xFFFFFD80]  }
0x414: {  	v41 =	vld [tilespmem:s6+$0xFFFFFD90]  }
0x415: {  	v42 =	vld [tilespmem:s6+$0xFFFFFDA0]  }
0x416: {  	v43 =	vld [tilespmem:s6+$0x0];
	[tilespmem:$0x1FF50] =	vst v3  }
0x417: {  	v44 =	vld [tilespmem:s6+$0x10]  }
0x418: {  	v45 =	vld [tilespmem:s6+$0x20]  }
0x419: {  	v46 =	vld [tilespmem:s6+$0x280]  }
0x41a: {  	v47 =	vld [tilespmem:s6+$0x290]  }
0x41b: {  	v48 =	vld [tilespmem:s6+$0x2A0]  }
0x41c: {  	v49 =	vld [tilespmem:s6+$0x500]  }
0x41d: {  	v50 =	vld [tilespmem:s6+$0x510]  }
0x41e: {  	v51 =	vld [tilespmem:s6+$0x520]  }
0x41f: {  	v52 =	vld [tilespmem:s6+$0x780]  }
0x420: {  	v53 =	vld [tilespmem:s6+$0x790]  }
0x421: {  	v54 =	vld [tilespmem:s6+$0x7A0]  }
0x422: {  	v55 =	vld [tilespmem:s6+$0xA00]  }
0x423: {  	v56 =	vld [tilespmem:s6+$0xA10]  }
0x424: {  	v57 =	vld [tilespmem:s6+$0xA20]  }
0x425: {  	v58 =	vld [tilespmem:s6+$0xC80]  }
0x426: {  	v18 =	vld [tilespmem:s6+$0xC90]  }
0x427: {  	v17 =	vld [tilespmem:s6+$0xCA0]  }
0x428: {  	v16 =	vld [tilespmem:s6+$0xF00]  }
0x429: {  	v3 =	vld [tilespmem:s5+$0xFFFFFFF0]  }
0x42a: {  	v15 =	vld [tilespmem:s6+$0xF10]  }
0x42b: {  	v14 =	vld [tilespmem:s6+$0xF20]  }
0x42c: {  	v13 =	vld [tilespmem:s6+$0x1180]  }
0x42d: {  	v12 =	vld [tilespmem:s6+$0x1190]  }
0x42e: {  	v11 =	vld [tilespmem:s6+$0x11A0];
	[tilespmem:$0x1FF30] =	vst v3  }
0x42f: {  	v3 =	vld [tilespmem:s5+$0x0];
	_ =	sdelay $0x4  }
0x430: {  	[tilespmem:$0x1FF40] =	vst v3  }
0x431: {  	v3 =	vld [tilespmem:s5+$0x10];
	_ =	sdelay $0x4  }
0x432: {  	[tilespmem:$0x1FF60] =	vst v3  }
0x433: {  	v3 =	vld [tilespmem:s9+$0xFFFFFFF0];
	_ =	sdelay $0x4  }
0x434: {  	[tilespmem:$0x1FF70] =	vst v3  }
0x435: {  	v3 =	vld [tilespmem:s9+$0x0];
	_ =	sdelay $0x4  }
0x436: {  	[tilespmem:$0x1FF80] =	vst v3  }
0x437: {  	v3 =	vld [tilespmem:s9+$0x10];
	_ =	sdelay $0x4  }
0x438: {  	s22 =	simm.s32 $0x10150;
	s25 =	simm.s32 $0x40;
	[tilespmem:$0x1FF90] =	vst v3  }
0x439: {  	s6 =	sand.u32 $0x3C0, s25;
	v59 =	vld [tilespmem:s22+$0xFFFFEBF0]  }
0x43a: {  	v60 =	vld [tilespmem:s6+$0xEF80];
	_ =	sdelay $0x1  }
0x43b: {  	v62 =	vld [tilespmem:s6+$0xF200];
	_ =	sdelay $0x1  }
0x43c: {  	v3 =	vld [tilespmem:s6+$0xF480]  }
0x43d: {  	v59 =	vadd.f32 v60, v59  }
0x43e: {  	v4 =	vld [tilespmem:s6+$0xF700]  }
0x43f: {  	v59 =	vadd.f32 v62, v59  }
0x440: {  	v5 =	vld [tilespmem:s6+$0xF980]  }
0x441: {  	v3 =	vadd.f32 v3, v59  }
0x442: {  	v6 =	vld [tilespmem:s6+$0xFC00]  }
0x443: {  	v61 =	vld [tilespmem:s22+$0xFFFFEC00];
	v3 =	vadd.f32 v4, v3  }
0x444: {  	v4 =	vld [tilespmem:s6+$0xFE80]  }
0x445: {  	v24 =	vadd.f32 v24, v23;
	v63 =	vld [tilespmem:s22+$0xFFFFEE80];
	v3 =	vadd.f32 v5, v3  }
0x446: {  	v19 =	vadd.f32 v20, v19;
	v21 =	vadd.f32 v22, v21;
	v5 =	vld [tilespmem:s6+$0x10100]  }
0x447: {  	v22 =	vadd.f32 v27, v24;
	v9 =	vld [tilespmem:s22+$0xFFFFEEA0];
	v3 =	vadd.f32 v6, v3  }
0x448: {  	v19 =	vadd.f32 v25, v19;
	v6 =	vld [tilespmem:s6+$0x10380]  }
0x449: {  	v22 =	vadd.f32 v30, v22;
	v8 =	vld [tilespmem:s22+$0xFFFFF100];
	v3 =	vadd.f32 v4, v3  }
0x44a: {  	v19 =	vadd.f32 v28, v19;
	v20 =	vld [tilespmem:s6+$0x10600]  }
0x44b: {  	v22 =	vadd.f32 v33, v22;
	v7 =	vld [tilespmem:s22+$0xFFFFF110];
	v3 =	vadd.f32 v5, v3  }
0x44c: {  	v19 =	vadd.f32 v31, v19;
	v23 =	vld [tilespmem:s6+$0x10880]  }
0x44d: {  	v22 =	vadd.f32 v36, v22;
	v28 =	vld [tilespmem:s6+$0x10B00];
	v3 =	vadd.f32 v6, v3  }
0x44e: {  	v19 =	vadd.f32 v34, v19;
	v31 =	vld [tilespmem:s6+$0x10D80]  }
0x44f: {  	v22 =	vadd.f32 v39, v22;
	v34 =	vld [tilespmem:s6+$0x11000];
	v3 =	vadd.f32 v20, v3  }
0x450: {  	v19 =	vadd.f32 v37, v19;
	v24 =	vld [tilespmem:s22+$0xFFFFF610]  }
0x451: {  	v22 =	vadd.f32 v42, v22;
	v37 =	vld [tilespmem:s6+$0x11280];
	v3 =	vadd.f32 v23, v3  }
0x452: {  	v21 =	vadd.f32 v26, v21;
	v19 =	vadd.f32 v40, v19;
	v25 =	vld [tilespmem:s22+$0xFFFFF620]  }
0x453: {  	s8 =	simm.s32 $0x11A60;
	v22 =	vadd.f32 v45, v22;
	v26 =	vld [tilespmem:s22+$0xFFFFF880];
	v3 =	vadd.f32 v28, v3  }
0x454: {  	v21 =	vadd.f32 v29, v21;
	v19 =	vadd.f32 v43, v19;
	v43 =	vld [tilespmem:s8+$0xFFFFFFE0]  }
0x455: {  	v22 =	vadd.f32 v48, v22;
	v27 =	vld [tilespmem:s22+$0xFFFFF890];
	s6 =	simm.s32 $0x117E0;
	v3 =	vadd.f32 v31, v3  }
0x456: {  	v21 =	vadd.f32 v32, v21;
	v40 =	vld [tilespmem:s6+$0xFFFFFFE0]  }
0x457: {  	v22 =	vadd.f32 v51, v22;
	v30 =	vld [tilespmem:s22+$0xFFFFF8A0];
	v3 =	vadd.f32 v34, v3  }
0x458: {  	v21 =	vadd.f32 v35, v21;
	v32 =	vld [tilespmem:s22+$0xFFFFFD80]  }
0x459: {  	v22 =	vadd.f32 v54, v22;
	v54 =	vld [tilespmem:s22+$0xFFFFFDA0];
	v3 =	vadd.f32 v37, v3  }
0x45a: {  	v21 =	vadd.f32 v38, v21;
	v59 =	vld [tilespmem:s22+$0xFFFFEC20]  }
0x45b: {  	v4 =	vld [tilespmem:s22+$0xFFFFF120];
	v3 =	vadd.f32 v40, v3  }
0x45c: {  	v21 =	vadd.f32 v41, v21;
	v5 =	vld [tilespmem:s22+$0xFFFFF380]  }
0x45d: {  	v20 =	vld [tilespmem:s22+$0xFFFFF3A0];
	v29 =	vmul.f32 v3, v43;
	v43 =	vadd.f32 v63, v61  }
0x45e: {  	v21 =	vadd.f32 v44, v21;
	v23 =	vld [tilespmem:s22+$0xFFFFF600]  }
0x45f: {  	v42 =	vld [tilespmem:s22+$0x0];
	v9 =	vadd.f32 v9, v59;
	v8 =	vadd.f32 v8, v43  }
0x460: {  	v19 =	vadd.f32 v46, v19;
	v21 =	vadd.f32 v47, v21;
	v46 =	vld [tilespmem:s22+$0x10]  }
0x461: {  	v60 =	vld [tilespmem:s22+$0xFFFFEC10];
	v4 =	vadd.f32 v4, v9;
	v5 =	vadd.f32 v5, v8  }
0x462: {  	v19 =	vadd.f32 v49, v19;
	v21 =	vadd.f32 v50, v21;
	v28 =	vld [tilespmem:s22+$0xFFFFFB00]  }
0x463: {  	v62 =	vld [tilespmem:s22+$0xFFFFEE90];
	v4 =	vadd.f32 v20, v4;
	v5 =	vadd.f32 v23, v5  }
0x464: {  	v19 =	vadd.f32 v52, v19;
	v21 =	vadd.f32 v53, v21;
	v3 =	vld [tilespmem:s22+$0xFFFFFB20]  }
0x465: {  	v47 =	vld [tilespmem:s22+$0x20];
	v4 =	vadd.f32 v25, v4;
	v5 =	vadd.f32 v26, v5  }
0x466: {  	v19 =	vadd.f32 v55, v19;
	v21 =	vadd.f32 v56, v21;
	v48 =	vld [tilespmem:s22+$0x2A0]  }
0x467: {  	v6 =	vld [tilespmem:s22+$0xFFFFF390];
	v4 =	vadd.f32 v30, v4;
	v5 =	vadd.f32 v28, v5  }
0x468: {  	v22 =	vadd.f32 v57, v22;
	v44 =	vadd.f32 v62, v60;
	v9 =	vld [tilespmem:s22+$0x280]  }
0x469: {  	v49 =	vld [tilespmem:s22+$0x500];
	v3 =	vadd.f32 v3, v4;
	v5 =	vadd.f32 v32, v5  }
0x46a: {  	v17 =	vadd.f32 v17, v22;
	v51 =	vld [tilespmem:s22+$0x520];
	v7 =	vadd.f32 v7, v44  }
0x46b: {  	v52 =	vld [tilespmem:s22+$0x780];
	v3 =	vadd.f32 v54, v3;
	v5 =	vadd.f32 v42, v5  }
0x46c: {  	v6 =	vadd.f32 v6, v7;
	v31 =	vld [tilespmem:s22+$0xFFFFFB10];
	v8 =	vadd.f32 v18, v21  }
0x46d: {  	v4 =	vld [tilespmem:s22+$0x7A0];
	v3 =	vadd.f32 v47, v3;
	v5 =	vadd.f32 v9, v5  }
0x46e: {  	v6 =	vadd.f32 v24, v6;
	v8 =	vadd.f32 v15, v8;
	v15 =	vld [tilespmem:s22+$0xA00]  }
0x46f: {  	v50 =	vld [tilespmem:s22+$0x510];
	v3 =	vadd.f32 v48, v3;
	v5 =	vadd.f32 v49, v5  }
0x470: {  	v6 =	vadd.f32 v27, v6;
	v34 =	vld [tilespmem:s22+$0xFFFFFD90];
	v53 =	vadd.f32 v29, v2  }
0x471: {  	s23 =	simm.s32 $0x11CE0;
	v55 =	vld [tilespmem:s22+$0xA20];
	v3 =	vadd.f32 v51, v3;
	v5 =	vadd.f32 v52, v5  }
0x472: {  	v14 =	vadd.f32 v14, v17;
	v56 =	vld [tilespmem:s22+$0xC80];
	v6 =	vadd.f32 v31, v6;
	[tilespmem:s23+$0xFFFFFFE0] =	vst v53  }
0x473: {  	v3 =	vadd.f32 v4, v3;
	v4 =	vadd.f32 v15, v5;
	v15 =	vld [tilespmem:$0x1FF40]  }
0x474: {  	v11 =	vadd.f32 v11, v14;
	v14 =	vld [tilespmem:s22+$0xF10]  }
0x475: {  	v7 =	vld [tilespmem:s22+$0x290];
	v6 =	vadd.f32 v34, v6  }
0x476: {  	v57 =	vld [tilespmem:s22+$0xF20];
	v8 =	vadd.f32 v12, v8  }
0x477: {  	v60 =	vld [tilespmem:s22+$0x11A0];
	v6 =	vadd.f32 v46, v6  }
0x478: {  	v8 =	vadd.f32 v15, v8;
	v15 =	vadd.f32 v55, v3;
	v3 =	vld [tilespmem:$0x1FF50]  }
0x479: {  	v53 =	vld [tilespmem:s22+$0x790]  }
0x47a: {  	v59 =	vld [tilespmem:s22+$0x1180];
	v6 =	vadd.f32 v7, v6  }
0x47b: {  	v19 =	vadd.f32 v58, v19;
	v54 =	vld [tilespmem:s22+$0xA10]  }
0x47c: {  	v7 =	vld [tilespmem:s22+$0xC90];
	v6 =	vadd.f32 v50, v6  }
0x47d: {  	v16 =	vadd.f32 v16, v19;
	v10 =	vmul.f32 v10, v3;
	v3 =	vld [tilespmem:$0x1FF60]  }
0x47e: {  	v12 =	vld [tilespmem:s22+$0xF00];
	v6 =	vadd.f32 v53, v6  }
0x47f: {  	v13 =	vadd.f32 v13, v16;
	v16 =	vadd.f32 v56, v4;
	v4 =	vld [tilespmem:$0x1FF80]  }
0x480: {  	v58 =	vld [tilespmem:$0x1FF30];
	v5 =	vadd.f32 v54, v6  }
0x481: {  	v9 =	vld [tilespmem:s22+$0xCA0]  }
0x482: {  	v5 =	vadd.f32 v7, v5;
	v11 =	vadd.f32 v3, v11;
	v3 =	vld [tilespmem:$0x1FF70]  }
0x483: {  	v61 =	vld [tilespmem:s8+$0xFFFFFFF0]  }
0x484: {  	v4 =	vmul.f32 v8, v4;
	v8 =	vadd.f32 v12, v16;
	v12 =	vadd.f32 v14, v5;
	v5 =	vld [tilespmem:$0x1FF90]  }
0x485: {  	v45 =	vld [tilespmem:s8+$0xFFFFFFE0];
	v13 =	vadd.f32 v58, v13  }
0x486: {  	v6 =	vld [tilespmem:s22+$0x1190]  }
0x487: {  	v7 =	vld [tilespmem:s6+$0xFFFFFFF0];
	v9 =	vadd.f32 v9, v15;
	v3 =	vmul.f32 v13, v3  }
0x488: {  	v13 =	vld [tilespmem:s6+$0x0]  }
0x489: {  	v14 =	vld [tilespmem:s6+$0x10];
	v15 =	vadd.f32 v57, v9;
	v5 =	vmul.f32 v11, v5;
	v11 =	vadd.f32 v3, v2  }
0x48a: {  	v62 =	vadd.f32 v59, v8;
	v8 =	vld [tilespmem:s8+$0x0];
	[tilespmem:s5+$0xFFFFFFE0] =	vst v10;
	v10 =	vadd.f32 v4, v2  }
0x48b: {  	v12 =	vadd.f32 v6, v12;
	v9 =	vld [tilespmem:s8+$0x10];
	[tilespmem:s24+$0xFFFFFFF0] =	vst v11;
	v11 =	vadd.f32 v5, v2  }
0x48c: {  	v15 =	vadd.f32 v60, v15;
	v63 =	vadd.f32 v7, v62;
	[tilespmem:s24+$0x0] =	vst v10;
	v10 =	vmul.f32 v29, v45;
	v7 =	vld [tilespmem:s9+$0xFFFFFFF0]  }
0x48d: {  	s4 =	simm.s32 $0x11A60;
	v6 =	vld [tilespmem:s9+$0x0];
	v13 =	vadd.f32 v13, v12;
	[tilespmem:s24+$0x10] =	vst v11  }
0x48e: {  	s25 =	simm.s32 $0x80;
	s22 =	simm.s32 $0x4;
	[tilespmem:s6+$0xFFFFFFE0] =	vst v10;
	v12 =	vadd.f32 v14, v15;
	v11 =	vmul.f32 v63, v61;
	s24 =	simm.s32 $0x10190;
	v10 =	vld [tilespmem:s9+$0x10]  }
.LBB2_24:
0x48f: {  	v14 =	vld [tilespmem:s24+$0xFFFFEBF0];
	s9 =	sand.u32 $0x3C0, s25;
	s22 =	sadd.s32 $0x4, s22;
	v8 =	vmul.f32 v13, v8  }
0x490: {  	v13 =	vld [tilespmem:s9+$0xEF80];
	p1 =	slt.u32 s22, $0x24;
	v15 =	vadd.f32 v11, v2;
	v9 =	vmul.f32 v12, v9  }
0x491: {  	v12 =	vld [tilespmem:s24+$0xFFFFEC00];
	v16 =	vadd.f32 v8, v2;
	v7 =	vmul.f32 v3, v7;
	v3 =	vmov v11  }
0x492: {  	v11 =	vld [tilespmem:s9+$0xF200];
	[tilespmem:s23+$0xFFFFFFF0] =	vst v15;
	v15 =	vadd.f32 v9, v2;
	v6 =	vmul.f32 v4, v6;
	v4 =	vmov v8  }
0x493: {  	v8 =	vld [tilespmem:s24+$0xFFFFEE80];
	[tilespmem:s23+$0x0] =	vst v16;
	v10 =	vmul.f32 v5, v10;
	v5 =	vmov v9  }
0x494: {  	v9 =	vld [tilespmem:s9+$0xF480];
	[tilespmem:s23+$0x10] =	vst v15  }
0x495: {  	v13 =	vadd.f32 v13, v14;
	v14 =	vld [tilespmem:s24+$0xFFFFEC10];
	[tilespmem:s5+$0xFFFFFFF0] =	vst v7  }
0x496: {  	v7 =	vld [tilespmem:s9+$0xF700];
	[tilespmem:s5+$0x0] =	vst v6  }
0x497: {  	v6 =	vadd.f32 v11, v13;
	v11 =	vld [tilespmem:s24+$0xFFFFEE90];
	[tilespmem:s5+$0x10] =	vst v10;
	s5 =	smov.u32 s6  }
0x498: {  	v10 =	vld [tilespmem:s9+$0xF980];
	v8 =	vadd.f32 v8, v12  }
0x499: {  	v6 =	vadd.f32 v9, v6;
	v9 =	vld [tilespmem:s24+$0xFFFFEC20]  }
0x49a: {  	v12 =	vld [tilespmem:s9+$0xFC00]  }
0x49b: {  	v6 =	vadd.f32 v7, v6;
	v7 =	vld [tilespmem:s24+$0xFFFFEEA0]  }
0x49c: {  	v13 =	vld [tilespmem:s9+$0xFE80];
	v11 =	vadd.f32 v11, v14  }
0x49d: {  	v6 =	vadd.f32 v10, v6;
	v10 =	vld [tilespmem:s24+$0xFFFFF100]  }
0x49e: {  	v14 =	vld [tilespmem:s9+$0x10100]  }
0x49f: {  	v6 =	vadd.f32 v12, v6;
	v12 =	vld [tilespmem:s24+$0xFFFFF110]  }
0x4a0: {  	v15 =	vld [tilespmem:s9+$0x10380];
	v7 =	vadd.f32 v7, v9  }
0x4a1: {  	v6 =	vadd.f32 v13, v6;
	v9 =	vld [tilespmem:s24+$0xFFFFF120]  }
0x4a2: {  	v13 =	vld [tilespmem:s9+$0x10600];
	v8 =	vadd.f32 v10, v8  }
0x4a3: {  	v6 =	vadd.f32 v14, v6;
	v10 =	vld [tilespmem:s24+$0xFFFFF380]  }
0x4a4: {  	v14 =	vld [tilespmem:s9+$0x10880];
	v11 =	vadd.f32 v12, v11  }
0x4a5: {  	v6 =	vadd.f32 v15, v6;
	v12 =	vld [tilespmem:s24+$0xFFFFF390]  }
0x4a6: {  	v15 =	vld [tilespmem:s9+$0x10B00];
	v7 =	vadd.f32 v9, v7  }
0x4a7: {  	v6 =	vadd.f32 v13, v6;
	v9 =	vld [tilespmem:s24+$0xFFFFF3A0]  }
0x4a8: {  	v13 =	vld [tilespmem:s9+$0x10D80];
	v8 =	vadd.f32 v10, v8  }
0x4a9: {  	v6 =	vadd.f32 v14, v6;
	v10 =	vld [tilespmem:s24+$0xFFFFF600]  }
0x4aa: {  	v14 =	vld [tilespmem:s9+$0x11000];
	v11 =	vadd.f32 v12, v11  }
0x4ab: {  	v6 =	vadd.f32 v15, v6;
	v12 =	vld [tilespmem:s24+$0xFFFFF610]  }
0x4ac: {  	v15 =	vld [tilespmem:s9+$0x11280];
	v7 =	vadd.f32 v9, v7  }
0x4ad: {  	s6 =	sadd.s32 $0x40, s6;
	v6 =	vadd.f32 v13, v6;
	v9 =	vld [tilespmem:s24+$0xFFFFF620]  }
0x4ae: {  	v13 =	vld [tilespmem:s6+$0xFFFFFFE0];
	v8 =	vadd.f32 v10, v8  }
0x4af: {  	s8 =	sadd.s32 $0x40, s8;
	v6 =	vadd.f32 v14, v6;
	v10 =	vld [tilespmem:s24+$0xFFFFF880]  }
0x4b0: {  	v14 =	vld [tilespmem:s8+$0xFFFFFFE0];
	v11 =	vadd.f32 v12, v11  }
0x4b1: {  	v6 =	vadd.f32 v15, v6;
	v12 =	vld [tilespmem:s24+$0xFFFFF890]  }
0x4b2: {  	v7 =	vadd.f32 v9, v7;
	v9 =	vld [tilespmem:s24+$0xFFFFF8A0]  }
0x4b3: {  	v6 =	vadd.f32 v13, v6;
	v13 =	vld [tilespmem:s24+$0xFFFFFB00]  }
0x4b4: {  	v8 =	vadd.f32 v10, v8;
	v10 =	vld [tilespmem:s24+$0xFFFFFB10]  }
0x4b5: {  	v6 =	vmul.f32 v6, v14;
	v14 =	vld [tilespmem:s24+$0xFFFFFB20]  }
0x4b6: {  	v15 =	vld [tilespmem:s24+$0xFFFFFD80];
	v11 =	vadd.f32 v12, v11  }
0x4b7: {  	v12 =	vadd.f32 v6, v2;
	v16 =	vld [tilespmem:s24+$0xFFFFFD90];
	v7 =	vadd.f32 v9, v7  }
0x4b8: {  	s23 =	sadd.s32 $0x40, s23;
	v8 =	vadd.f32 v13, v8;
	v9 =	vld [tilespmem:s24+$0xFFFFFDA0]  }
0x4b9: {  	[tilespmem:s23+$0xFFFFFFE0] =	vst v12;
	v12 =	vld [tilespmem:s24+$0x0];
	v10 =	vadd.f32 v10, v11  }
0x4ba: {  	v11 =	vld [tilespmem:s8+$0xFFFFFFE0];
	v7 =	vadd.f32 v14, v7  }
0x4bb: {  	v8 =	vadd.f32 v15, v8;
	v13 =	vld [tilespmem:s24+$0x10]  }
0x4bc: {  	v10 =	vadd.f32 v16, v10;
	v14 =	vld [tilespmem:s24+$0x20]  }
0x4bd: {  	v15 =	vld [tilespmem:s24+$0x280];
	v7 =	vadd.f32 v9, v7  }
0x4be: {  	v8 =	vadd.f32 v12, v8;
	v9 =	vld [tilespmem:s24+$0x290]  }
0x4bf: {  	v6 =	vmul.f32 v6, v11;
	v11 =	vld [tilespmem:s24+$0x2A0]  }
0x4c0: {  	v12 =	vld [tilespmem:s24+$0x500];
	v10 =	vadd.f32 v13, v10  }
0x4c1: {  	[tilespmem:s6+$0xFFFFFFE0] =	vst v6;
	v6 =	vld [tilespmem:s24+$0x510];
	v7 =	vadd.f32 v14, v7  }
0x4c2: {  	v8 =	vadd.f32 v15, v8;
	v13 =	vld [tilespmem:s24+$0x520]  }
0x4c3: {  	v14 =	vld [tilespmem:s24+$0x780];
	v9 =	vadd.f32 v9, v10  }
0x4c4: {  	v10 =	vld [tilespmem:s24+$0x790];
	v7 =	vadd.f32 v11, v7  }
0x4c5: {  	v8 =	vadd.f32 v12, v8;
	v11 =	vld [tilespmem:s24+$0x7A0]  }
0x4c6: {  	v12 =	vld [tilespmem:s24+$0xA00];
	v6 =	vadd.f32 v6, v9  }
0x4c7: {  	v9 =	vld [tilespmem:s24+$0xA10];
	v7 =	vadd.f32 v13, v7  }
0x4c8: {  	v8 =	vadd.f32 v14, v8;
	v13 =	vld [tilespmem:s24+$0xA20]  }
0x4c9: {  	v14 =	vld [tilespmem:s24+$0xC80];
	v6 =	vadd.f32 v10, v6  }
0x4ca: {  	v10 =	vld [tilespmem:s24+$0xC90];
	v7 =	vadd.f32 v11, v7  }
0x4cb: {  	v8 =	vadd.f32 v12, v8;
	v11 =	vld [tilespmem:s24+$0xCA0]  }
0x4cc: {  	v12 =	vld [tilespmem:s24+$0xF00];
	v6 =	vadd.f32 v9, v6  }
0x4cd: {  	v9 =	vld [tilespmem:s24+$0xF10];
	v7 =	vadd.f32 v13, v7  }
0x4ce: {  	v8 =	vadd.f32 v14, v8;
	v13 =	vld [tilespmem:s24+$0xF20]  }
0x4cf: {  	v14 =	vld [tilespmem:s24+$0x1180];
	v6 =	vadd.f32 v10, v6  }
0x4d0: {  	v10 =	vld [tilespmem:s24+$0x1190];
	v7 =	vadd.f32 v11, v7  }
0x4d1: {  	v8 =	vadd.f32 v12, v8;
	v11 =	vld [tilespmem:s24+$0x11A0]  }
0x4d2: {  	v12 =	vld [tilespmem:s6+$0xFFFFFFF0];
	v6 =	vadd.f32 v9, v6  }
0x4d3: {  	v15 =	vld [tilespmem:s6+$0x0];
	v7 =	vadd.f32 v13, v7  }
0x4d4: {  	v9 =	vadd.f32 v14, v8;
	v14 =	vld [tilespmem:s6+$0x10]  }
0x4d5: {  	v16 =	vld [tilespmem:s8+$0xFFFFFFF0];
	v6 =	vadd.f32 v10, v6  }
.Ltmp11:
0x4d6: {  	v8 =	vld [tilespmem:s8+$0x0];
	v10 =	vadd.f32 v11, v7;
	(pc) =	sbr.rel @p1 .LBB2_24-.Ltmp11, $4  }
0x4d7: {  	v11 =	vadd.f32 v12, v9;
	v9 =	vld [tilespmem:s8+$0x10]  }
0x4d8: {  	v13 =	vadd.f32 v15, v6;
	v7 =	vld [tilespmem:s4+$0xFFFFFFF0]  }
0x4d9: {  	v12 =	vadd.f32 v14, v10;
	v6 =	vld [tilespmem:s4+$0x0]  }
0x4da: {  	s25 =	sadd.s32 $0x40, s25;
	s24 =	sadd.s32 $0x40, s24;
	v11 =	vmul.f32 v11, v16;
	v10 =	vld [tilespmem:s4+$0x10];
	s4 =	smov.u32 s8  }
0x4db: {  	v8 =	vmul.f32 v13, v8  }
0x4dc: {  	v59 =	vadd.f32 v11, v2;
	v9 =	vmul.f32 v12, v9  }
0x4dd: {  	v60 =	vadd.f32 v8, v2  }
0x4de: {  	[tilespmem:s23+$0xFFFFFFF0] =	vst v59;
	v2 =	vadd.f32 v9, v2  }
0x4df: {  	[tilespmem:s23+$0x0] =	vst v60;
	v61 =	vld [tilespmem:s4+$0xFFFFFFF0]  }
0x4e0: {  	[tilespmem:s23+$0x10] =	vst v2;
	v2 =	vld [tilespmem:s4+$0x0]  }
0x4e1: {  	v3 =	vmul.f32 v3, v7;
	v62 =	vld [tilespmem:s4+$0x10]  }
0x4e2: {  	v4 =	vmul.f32 v4, v6  }
0x4e3: {  	v5 =	vmul.f32 v5, v10;
	[tilespmem:s5+$0xFFFFFFF0] =	vst v3  }
0x4e4: {  	[tilespmem:s5+$0x0] =	vst v4;
	v3 =	vmul.f32 v11, v61  }
0x4e5: {  	[tilespmem:s5+$0x10] =	vst v5;
	v2 =	vmul.f32 v8, v2  }
0x4e6: {  	v63 =	vmul.f32 v9, v62;
	[tilespmem:s6+$0xFFFFFFF0] =	vst v3  }
0x4e7: {  	[tilespmem:s6+$0x0] =	vst v2  }
0x4e8: {  	[tilespmem:s6+$0x10] =	vst v63  }
0x4e9: {  	s4 =	simm.s32 @p0 $0x0;
	s5 =	simm.s32 @p0 $0x11C80;
	s6 =	rddreg [dreg:$0xc]  }
0x4ea: {  	[hbm4b:s6+s4] =	stream.linear.scatter @p0 [tilespmem:s5], [sflag:$0x1], $0x190, $0x38;
	[tilespmem:$0x14A00] =	vst v63  }
0x4eb: {  	s4 =	simm.s32 @p0 $0x1  }
0x4ec: {  	_ =	swait.ge @p0 [sflag:s4], $0x190  }
0x4ed: {  	s5 =	simm.s32 @!p0 $0x11C80;
	[sflag:s4] =	ssyncset.done @p0 $0x0  }
0x4ee: {  	s6 =	rddreg [dreg:$0xb];
	[sflag:s4] =	ssyncadd.s32 @p0 $0xFFFFFE70;
	s4 =	simm.s32 @!p0 $0x0  }
0x4ef: {  	[hbm4b:s6+s4] =	stream.linear.scatter @!p0 [tilespmem:s5], [sflag:$0x1], $0x280, $0x38;
	[tilespmem:$0x14A00] =	vst v63  }
0x4f0: {  	s4 =	simm.s32 @!p0 $0x1  }
0x4f1: {  	_ =	swait.ge @!p0 [sflag:s4], $0x280  }
0x4f2: {  	s2 =	sadd.s32 $0x1, s2;
	s25 =	rddreg [dreg:$0xd]  }
0x4f3: {  	p1 =	sne.s32 s2, s25  }
.Ltmp12:
0x4f4: {  	_ = 	snop;
	(pc) =	sbr.rel @p1 .LBB2_1-.Ltmp12, $3  }
0x4f5: {  	_ =	sdelay $0x1  }
0x4f6: {  	[sflag:s4] =	ssyncset.done @!p0 $0x0  }
0x4f7: {  	[sflag:s4] =	ssyncadd.s32 @!p0 $0xFFFFFD80  }
0x4f8: {  	_ =	sfence.sel $0x180000  }
0x4f9: {  	[bflag:$0x0] =	sbarrier.arrive $0xFFFF  }
0x4fa: {  	_ =	strace $0x90000047  }
0x4fb: {  	s0 =	stileid.u32;
	[bflag:$0x2] =	sbarrier.arrive $0xFFFF  }
0x4fc: {  	p0 =	sne.s32 s0, $0x0;
	s0 =	rddreg [dreg:$0x5]  }
0x4fd: {  	s0 =	sadd.s32 @!p0 $0x100000, s0  }
0x4fe: {  	[sflag:s0] =	ssyncadd.tile.s32 @!p0 $0x1;
	_ =	shalt  }
.Lfunc_end2:
_tile_overlayer_lowered:
.L_overlay_start_2:
0x4ff: {  	(tag) =	ssettag $0x2  }
0x500: {  	s0 =	rddreg [dreg:$0x0];
	s2 =	stileid.u32  }
0x501: {  	s1 =	rddreg [dreg:$0x1];
	p0 =	sne.s32 s2, $0x0  }
0x502: {  	s3 =	rddreg [dreg:$0x2];
	[bflag:$0x3] =	sbarrier.arrive $0xFFFF;
	s2 =	simm.s32 @!p0 $0x1C01  }
0x503: {  	[timem:s3], [sflag:s2] =	dma.local @!p0 [hbm:s0], s1  }
0x504: {  	s0 =	simm.s32 @!p0 $0x1  }
0x505: {  	_ =	swait.ge @!p0 [sflag:s0], s1  }
0x506: {  	s1 =	ssub.s32 @!p0 $0x0, s1;
	[sflag:s0] =	ssyncset.done @!p0 $0x0  }
0x507: {  	[sflag:s0] =	ssyncadd.s32 @!p0 s1  }
0x508: {  	[bflag:$0x3] =	sbarrier.arrive $0xFFFF  }
0x509: {  	_ =	shalt  }

</sc_bundles>
